<compile_context>
chip_gen: v7x
topology: tpu7x:2x2x1
jax: 0.10.2.dev20260603
libtpu: 0.0.44.dev20260713+nightly
codegen_flags: <defaults>
</compile_context>

<pallas_src>
import functools

import jax
import jax.numpy as jnp
from jax import lax
from jax.experimental import pallas as pl
from jax.experimental.pallas import tpu as pltpu
from jax.experimental.pallas import tpu_sc as plsc

N = 10000
D_IN = 128
NHID = 16
HEADS = 8
D = NHID * HEADS

NPAD = 10240
ROWS_PER_TILE = NPAD // 16

E = 320000
NE = E + N
NW = 32
B = 64
NBLK = 162
NE_PAD = NW * NBLK * B
NBLK_ALLOC = NBLK + 2

_f32 = jnp.float32


_BLKA = 1280


def _prep_body(x_ref, w_ref, asrc_ref, adst_ref, hs_ref, d16_ref):
    h = jnp.dot(x_ref[...], w_ref[...], preferred_element_type=_f32)
    row = lax.broadcasted_iota(jnp.int32, (D, 16), 0)
    col = lax.broadcasted_iota(jnp.int32, (D, 16), 1)
    sel = jnp.where((row // NHID) == col, 1.0, 0.0).astype(_f32)
    s16 = jnp.dot(h * asrc_ref[...], sel, preferred_element_type=_f32)
    hs_ref[...] = jnp.concatenate([h, s16], axis=1)
    d16_ref[...] = jnp.dot(h * adst_ref[...], sel, preferred_element_type=_f32)


_prep_call = pl.pallas_call(
    _prep_body,
    grid=(NPAD // _BLKA,),
    in_specs=[
        pl.BlockSpec((_BLKA, D_IN), lambda i: (i, 0)),
        pl.BlockSpec((D_IN, D), lambda i: (0, 0)),
        pl.BlockSpec((1, D), lambda i: (0, 0)),
        pl.BlockSpec((1, D), lambda i: (0, 0)),
    ],
    out_specs=[
        pl.BlockSpec((_BLKA, D + 16), lambda i: (i, 0)),
        pl.BlockSpec((_BLKA, 16), lambda i: (i, 0)),
    ],
    out_shape=[
        jax.ShapeDtypeStruct((NPAD, D + 16), _f32),
        jax.ShapeDtypeStruct((NPAD, 16), _f32),
    ],
)


_sc_mesh = plsc.VectorSubcoreMesh(
    core_axis_name="c", subcore_axis_name="s", num_cores=2, num_subcores=16
)


DW = D + 16


@functools.partial(
    pl.kernel,
    out_type=jax.ShapeDtypeStruct((2, NPAD, DW), _f32),
    mesh=_sc_mesh,
    compiler_params=pltpu.CompilerParams(use_tc_tiling_on_sc=False),
    scratch_types=(
        [pltpu.VMEM((B,), jnp.int32)] * 6
        + [pltpu.VMEM((B,), jnp.int32)] * 6
        + [pltpu.VMEM((B, 16), _f32)] * 3
        + [pltpu.VMEM((B, DW), _f32)] * 3
        + [pltpu.VMEM_SHARED((NPAD, DW), _f32)]
        + [pltpu.SemaphoreType.DMA] * 12
    ),
)
def _edge_call(src_hbm, dst_hbm, hs_hbm, d16_hbm, acc_out, *scr):
    sidx = scr[0:6]
    didx = scr[6:12]
    adv = scr[12:15]
    hr = scr[15:18]
    acc_sh = scr[18]
    semg = scr[19:22]
    sems = scr[22:25]
    semi = scr[25:31]

    cid = lax.axis_index("c")
    sid = lax.axis_index("s")
    wid = cid * 16 + sid
    base = sid * ROWS_PER_TILE

    def fire_idx(q, a):
        pltpu.async_copy(src_hbm.at[wid, a], sidx[q], semi[q])
        pltpu.async_copy(dst_hbm.at[wid, a], didx[q], semi[q])

    def drain_idx(q):
        pltpu.make_async_copy(src_hbm.at[wid, 0], sidx[q], semi[q]).wait()
        pltpu.make_async_copy(src_hbm.at[wid, 0], didx[q], semi[q]).wait()

    def fire_gathers(b, q):
        pltpu.async_copy(hs_hbm.at[sidx[q]], hr[b], semg[b])
        pltpu.async_copy(d16_hbm.at[didx[q]], adv[b], semg[b])

    def drain_gathers(b):
        pltpu.make_async_copy(hs_hbm.at[pl.ds(0, B)], hr[b], semg[b]).wait()
        pltpu.make_async_copy(d16_hbm.at[pl.ds(0, B)], adv[b], semg[b]).wait()

    def fire_scatters(b, q):
        pltpu.async_copy(hr[b], acc_sh.at[didx[q]], sems[b], add=True)

    def drain_scatters(b):
        pltpu.make_async_copy(hs_hbm.at[pl.ds(0, B)], hr[b], sems[b]).wait()

    def compute(b):
        @plsc.parallel_loop(0, B, unroll=4)
        def _wbody(i):
            e = hr[b][i, pl.ds(D, 16)] + adv[b][i, :]
            e = jnp.maximum(e, 0.2 * e)
            hr[b][i, pl.ds(D, 16)] = jnp.exp(e)

        @plsc.parallel_loop(0, B, unroll=2)
        def _sbody(i):
            w16 = hr[b][i, pl.ds(D, 16)]
            for hh in range(HEADS):
                hr[b][i, pl.ds(hh * NHID, NHID)] = (
                    hr[b][i, pl.ds(hh * NHID, NHID)] * w16[hh]
                )

    def _zero(i, carry):
        for bb in range(3):
            for c in range(DW // 16):
                hr[bb][i, pl.ds(c * 16, 16)] = jnp.zeros((16,), _f32)
        return carry

    lax.fori_loop(0, B, _zero, 0)
    for r in range(ROWS_PER_TILE // B):
        pltpu.sync_copy(hr[0], acc_sh.at[pl.ds(base + r * B, B)])
    plsc.subcore_barrier()

    fire_idx(0, 0)
    fire_idx(1, 1)
    drain_idx(0)
    fire_scatters(1, 0)
    fire_scatters(2, 0)
    fire_gathers(0, 0)

    def outer(t, carry):
        a0 = 6 * t
        for k in range(6):
            b = k % 3
            drain_gathers(b)
            drain_scatters((b + 1) % 3)
            drain_idx((k + 1) % 6)
            fire_gathers((b + 1) % 3, (k + 1) % 6)
            compute(b)
            fire_scatters(b, k)
            fire_idx((k + 2) % 6, a0 + k + 2)
        return carry

    lax.fori_loop(0, NBLK // 6, outer, 0)
    drain_scatters(1)
    drain_scatters(2)
    drain_gathers(0)
    drain_idx(1)
    plsc.subcore_barrier()

    pltpu.sync_copy(
        acc_sh.at[pl.ds(base, ROWS_PER_TILE)],
        acc_out.at[cid, pl.ds(base, ROWS_PER_TILE)],
    )


_BLKB = 1000


def _b1_body(acc0_ref, acc1_ref, b_ref, wp_ref, wqt_ref, wkt_ref,
             bq_ref, bk_ref, hp_ref, a_ref, q_sc, k_sc):
    i = pl.program_id(0)
    a2 = acc0_ref[0] + acc1_ref[0]
    acc = a2[:, :D]
    den16 = a2[:, D:]
    col = lax.broadcasted_iota(jnp.int32, (16, D), 0)
    row = lax.broadcasted_iota(jnp.int32, (16, D), 1)
    selT = jnp.where((row // NHID) == col, 1.0, 0.0).astype(_f32)
    dexp = jnp.dot(den16, selT, preferred_element_type=_f32)
    gat = acc / (dexp + 1e-16) + b_ref[...]
    hp = lax.dot_general(gat, wp_ref[...], (((1,), (1,)), ((), ())),
                         preferred_element_type=_f32)
    hp_ref[...] = hp
    q = lax.dot_general(hp, wqt_ref[...], (((0,), (0,)), ((), ())),
                        preferred_element_type=_f32)
    k = lax.dot_general(hp, wkt_ref[...], (((0,), (0,)), ((), ())),
                        preferred_element_type=_f32)

    @pl.when(i == 0)
    def _init():
        q_sc[...] = jnp.zeros((D, D), _f32)
        k_sc[...] = jnp.zeros((D, D), _f32)

    q_sc[...] += q
    k_sc[...] += k

    @pl.when(i == N // _BLKB - 1)
    def _asum():
        q_all = q_sc[...] + bq_ref[...]
        k_all = k_sc[...] + bk_ref[...]
        asum = jnp.zeros((D, D), _f32)
        for hh in range(HEADS):
            qh = q_all[:, hh * NHID:(hh + 1) * NHID]
            kh = k_all[:, hh * NHID:(hh + 1) * NHID]
            s = lax.dot_general(qh, kh, (((1,), (1,)), ((), ())),
                                preferred_element_type=_f32) * 0.25
            s = s - jnp.max(s, axis=-1, keepdims=True)
            ex = jnp.exp(s)
            asum = asum + ex / jnp.sum(ex, axis=-1, keepdims=True)
        a_ref[...] = asum


_b1_call = pl.pallas_call(
    _b1_body,
    grid=(N // _BLKB,),
    in_specs=[
        pl.BlockSpec((1, _BLKB, D + 16), lambda i: (0, i, 0)),
        pl.BlockSpec((1, _BLKB, D + 16), lambda i: (1, i, 0)),
        pl.BlockSpec((1, D), lambda i: (0, 0)),
        pl.BlockSpec((D, D), lambda i: (0, 0)),
        pl.BlockSpec((_BLKB, D), lambda i: (i, 0)),
        pl.BlockSpec((_BLKB, D), lambda i: (i, 0)),
        pl.BlockSpec((1, D), lambda i: (0, 0)),
        pl.BlockSpec((1, D), lambda i: (0, 0)),
    ],
    out_specs=[
        pl.BlockSpec((_BLKB, D), lambda i: (i, 0)),
        pl.BlockSpec((D, D), lambda i: (0, 0)),
    ],
    out_shape=[
        jax.ShapeDtypeStruct((N, D), _f32),
        jax.ShapeDtypeStruct((D, D), _f32),
    ],
    scratch_shapes=[
        pltpu.VMEM((D, D), _f32),
        pltpu.VMEM((D, D), _f32),
    ],
)


def _b3_body(hp_ref, a_ref, g_ref, b_ref, o_ref):
    hp = hp_ref[...]
    t = lax.dot_general(hp, a_ref[...], (((1,), (1,)), ((), ())),
                        preferred_element_type=_f32)
    hh = t + hp
    mu = jnp.mean(hh, axis=-1, keepdims=True)
    xc = hh - mu
    var = jnp.mean(xc * xc, axis=-1, keepdims=True)
    o_ref[...] = xc / jnp.sqrt(var + 1e-5) * g_ref[...] + b_ref[...]


_b3_call = pl.pallas_call(
    _b3_body,
    grid=(N // _BLKB,),
    in_specs=[
        pl.BlockSpec((_BLKB, D), lambda i: (i, 0)),
        pl.BlockSpec((D, D), lambda i: (0, 0)),
        pl.BlockSpec((1, D), lambda i: (0, 0)),
        pl.BlockSpec((1, D), lambda i: (0, 0)),
    ],
    out_specs=pl.BlockSpec((_BLKB, D), lambda i: (i, 0)),
    out_shape=jax.ShapeDtypeStruct((N, D), _f32),
)


def kernel(x, edge_index, W, att_src, att_dst, b_gat, Wp, Wq, Wk, bq, bk,
           gamma, beta):
    xpad = jnp.pad(x, ((0, NPAD - N), (0, 0)))
    src = edge_index[0].astype(jnp.int32)
    dst = edge_index[1].astype(jnp.int32)
    loop = jnp.arange(N, dtype=jnp.int32)
    pad = jnp.full((NE_PAD - NE,), N, jnp.int32)
    dummy = jnp.full((NW, NBLK_ALLOC - NBLK, B), N, jnp.int32)
    src3 = jnp.concatenate(
        [jnp.concatenate([src, loop, pad]).reshape(NW, NBLK, B), dummy], axis=1)
    dst3 = jnp.concatenate(
        [jnp.concatenate([dst, loop, pad]).reshape(NW, NBLK, B), dummy], axis=1)

    hs, d16 = _prep_call(xpad, W, att_src.reshape(1, D),
                         att_dst.reshape(1, D))
    acc2 = _edge_call(src3, dst3, hs, d16)

    wqt = Wq.transpose(1, 0, 2).reshape(N, D)
    wkt = Wk.transpose(1, 0, 2).reshape(N, D)
    hp, a_sum = _b1_call(acc2, acc2, b_gat.reshape(1, D), Wp, wqt, wkt,
                         bq.reshape(1, D), bk.reshape(1, D))
    return _b3_call(hp, a_sum, gamma.reshape(1, D), beta.reshape(1, D))

# --- scband reference (transcript-rebuilt; emitter-appended) ---
"""Pipeline reference for scband-gatblock-83476984365499 (READ-ONLY COPY).

The authoritative reference and input builder live on the scoring server;
editing this copy changes nothing except your own understanding.
"""

import jax, jax.numpy as jnp
import numpy as np

N = 10000
E = 320000
D_IN = 128
NHID = 16
HEADS = 8
D = NHID * HEADS


def setup_inputs(seed: int = 0) -> dict:
    key = jax.random.key(seed)
    ks = jax.random.split(key, 12)
    scale = 0.1
    inp = {}
    inp["x"] = jax.random.normal(ks[0], (N, D_IN), dtype=jnp.float32)
    inp["edge_index"] = jax.random.randint(ks[1], (2, E), 0, N)
    inp["W"] = jax.random.normal(ks[2], (D_IN, D), dtype=jnp.float32) * scale
    inp["att_src"] = jax.random.normal(ks[3], (HEADS, NHID), dtype=jnp.float32) * scale
    inp["att_dst"] = jax.random.normal(ks[4], (HEADS, NHID), dtype=jnp.float32) * scale
    inp["b_gat"] = jnp.zeros((D,), dtype=jnp.float32)
    inp["Wp"] = jax.random.normal(ks[5], (D, D), dtype=jnp.float32) * scale
    inp["Wq"] = jax.random.normal(ks[6], (HEADS, N, NHID), dtype=jnp.float32) * (1.0 / np.sqrt(N))
    inp["Wk"] = jax.random.normal(ks[7], (HEADS, N, NHID), dtype=jnp.float32) * (1.0 / np.sqrt(N))
    inp["bq"] = jnp.zeros((HEADS, NHID), dtype=jnp.float32)
    inp["bk"] = jnp.zeros((HEADS, NHID), dtype=jnp.float32)
    inp["gamma"] = jnp.ones((D,), dtype=jnp.float32)
    inp["beta"] = jnp.zeros((D,), dtype=jnp.float32)
    return inp


def _gat_conv(x, edge_index, W, att_src, att_dst, b):
    # PyG GATConv with concat=True, default negative_slope=0.2, add_self_loops=True
    src = edge_index[0]
    dst = edge_index[1]
    loop = jnp.arange(N, dtype=src.dtype)
    src = jnp.concatenate([src, loop])
    dst = jnp.concatenate([dst, loop])
    h = (x @ W).reshape(N, HEADS, NHID)
    a_s = (h * att_src[None, :, :]).sum(-1)  # [N, H]
    a_d = (h * att_dst[None, :, :]).sum(-1)  # [N, H]
    e = jax.nn.leaky_relu(a_s[src] + a_d[dst], negative_slope=0.2)  # [E+N, H]
    m = jax.lax.stop_gradient(jax.ops.segment_max(e, dst, num_segments=N))
    ex = jnp.exp(e - m[dst])
    den = jax.ops.segment_sum(ex, dst, num_segments=N)
    alpha = ex / (den[dst] + 1e-16)  # softmax over incoming edges per dst, per head
    msg = h[src] * alpha[:, :, None]  # [E+N, H, NHID]
    out = jax.ops.segment_sum(msg, dst, num_segments=N)  # [N, H, NHID]
    return out.reshape(N, D) + b


def _self_attention(h, Wq, Wk, bq, bk):
    # selfattention(num_nodes, nhid, num_nodes): attention over channels; linear
    # layers act on the node axis (in_dim = num_nodes, hidden = nhid).
    xt = h.T  # [D, N]
    Q = jnp.einsum("dn,hnk->hdk", xt, Wq) + bq[:, None, :]  # [H, D, NHID]
    K = jnp.einsum("dn,hnk->hdk", xt, Wk) + bk[:, None, :]  # [H, D, NHID]
    A = jax.nn.softmax(jnp.einsum("hdk,hek->hde", Q, K) / jnp.sqrt(float(NHID)), axis=-1)
    outs = jnp.einsum("hde,en->hdn", A, xt)  # [H, D, N]
    return outs.sum(0).T  # sum over the nheads self-attention modules -> [N, D]


def reference(x, edge_index, W, att_src, att_dst, b_gat, Wp, Wq, Wk, bq, bk, gamma, beta):
    h_cat = _gat_conv(x, edge_index, W, att_src, att_dst, b_gat)
    h_cat = h_cat @ Wp.T  # prolayer, bias=False
    temp = _self_attention(h_cat, Wq, Wk, bq, bk)
    h = temp + h_cat  # residual
    mu = h.mean(-1, keepdims=True)
    var = h.var(-1, keepdims=True)
    return (h - mu) / jnp.sqrt(var + 1e-5) * gamma + beta

if __name__ == "__main__":
    import jax
    _d = setup_inputs()
    print(jax.jit(kernel)(*tuple(_d.values())))

</pallas_src>

<mosaic_0001>
#map = affine_map<(d0, d1) -> (0, 0, 0)>
#map1 = affine_map<(d0, d1) -> (0, 0)>
module attributes {stable_mosaic.version = 14 : i64} {
  func.func @_edge_call(%arg0: i32, %arg1: i32, %arg2: memref<32x164x64xi32, #tpu.memory_space<hbm>>, %arg3: memref<32x164x64xi32, #tpu.memory_space<hbm>>, %arg4: memref<10240x144xf32, #tpu.memory_space<hbm>>, %arg5: memref<10240x16xf32, #tpu.memory_space<hbm>>, %arg6: memref<2x10240x144xf32, #tpu.memory_space<hbm>>, %arg7: memref<64xi32, #tpu.memory_space<vmem>>, %arg8: memref<64xi32, #tpu.memory_space<vmem>>, %arg9: memref<64xi32, #tpu.memory_space<vmem>>, %arg10: memref<64xi32, #tpu.memory_space<vmem>>, %arg11: memref<64xi32, #tpu.memory_space<vmem>>, %arg12: memref<64xi32, #tpu.memory_space<vmem>>, %arg13: memref<64xi32, #tpu.memory_space<vmem>>, %arg14: memref<64xi32, #tpu.memory_space<vmem>>, %arg15: memref<64xi32, #tpu.memory_space<vmem>>, %arg16: memref<64xi32, #tpu.memory_space<vmem>>, %arg17: memref<64xi32, #tpu.memory_space<vmem>>, %arg18: memref<64xi32, #tpu.memory_space<vmem>>, %arg19: memref<64x16xf32, #tpu.memory_space<vmem>>, %arg20: memref<64x16xf32, #tpu.memory_space<vmem>>, %arg21: memref<64x16xf32, #tpu.memory_space<vmem>>, %arg22: memref<64x144xf32, #tpu.memory_space<vmem>>, %arg23: memref<64x144xf32, #tpu.memory_space<vmem>>, %arg24: memref<64x144xf32, #tpu.memory_space<vmem>>, %arg25: memref<10240x144xf32, #tpu.memory_space<vmem_shared>>, %arg26: memref<!tpu.dma_semaphore, #tpu.memory_space<semaphore_mem>>, %arg27: memref<!tpu.dma_semaphore, #tpu.memory_space<semaphore_mem>>, %arg28: memref<!tpu.dma_semaphore, #tpu.memory_space<semaphore_mem>>, %arg29: memref<!tpu.dma_semaphore, #tpu.memory_space<semaphore_mem>>, %arg30: memref<!tpu.dma_semaphore, #tpu.memory_space<semaphore_mem>>, %arg31: memref<!tpu.dma_semaphore, #tpu.memory_space<semaphore_mem>>, %arg32: memref<!tpu.dma_semaphore, #tpu.memory_space<semaphore_mem>>, %arg33: memref<!tpu.dma_semaphore, #tpu.memory_space<semaphore_mem>>, %arg34: memref<!tpu.dma_semaphore, #tpu.memory_space<semaphore_mem>>, %arg35: memref<!tpu.dma_semaphore, #tpu.memory_space<semaphore_mem>>, %arg36: memref<!tpu.dma_semaphore, #tpu.memory_space<semaphore_mem>>, %arg37: memref<!tpu.dma_semaphore, #tpu.memory_space<semaphore_mem>>) attributes {dimension_semantics = [#tpu.dimension_semantics<core_parallel>, #tpu.dimension_semantics<subcore_parallel>], iteration_bounds = array<i64: 2, 16>, scalar_prefetch = 0 : i64, scratch_operands = 31 : i64, tpu.core_type = #tpu.core_type<sc_vector_subcore>, window_params = [{transform_indices = #map}, {transform_indices = #map}, {transform_indices = #map1}, {transform_indices = #map1}, {transform_indices = #map}]} {
    %mul3A = arith.constant 16 : i32
    %mul3A_0 = arith.muli %arg0, %mul3A : i32
    %add3A = arith.addi %mul3A_0, %arg1 : i32
    %mul3A_1 = arith.constant 640 : i32
    %mul3A_2 = arith.muli %arg1, %mul3A_1 : i32
    %scan3A = arith.constant 0 : i32
    %scan3A_3 = arith.constant 0 : i32
    %scan3A_4 = arith.constant 64 : i32
    %scan3A_5 = arith.addi %scan3A_3, %scan3A_4 : i32
    %scan3A_6 = arith.constant 1 : i32
    scf.for %scan3A_125 = %scan3A_3 to %scan3A_5 step %scan3A_6  : i32 {
      %broadcast_in_dim3A = arith.constant 0.000000e+00 : f32
      %broadcast_in_dim3A_126 = vector.broadcast %broadcast_in_dim3A : f32 to vector<16xf32>
      %swap3A = arith.index_cast %scan3A_125 : i32 to index
      %swap3A_127 = arith.constant 0 : index
      %swap3A_128 = tpu.vector_load %arg22[%swap3A, %swap3A_127] {strides = array<i32>} : memref<64x144xf32, #tpu.memory_space<vmem>>, vector<1x16xf32>,
      %swap3A_129 = vector.shape_cast %swap3A_128 : vector<1x16xf32> to vector<16xf32>
      %swap3A_130 = vector.shape_cast %broadcast_in_dim3A_126 : vector<16xf32> to vector<1x16xf32>
      tpu.vector_store %arg22[%swap3A, %swap3A_127], %swap3A_130 {strides = array<i32>} : memref<64x144xf32, #tpu.memory_space<vmem>>, vector<1x16xf32>,
      %broadcast_in_dim3A_131 = arith.constant 0.000000e+00 : f32
      %broadcast_in_dim3A_132 = vector.broadcast %broadcast_in_dim3A_131 : f32 to vector<16xf32>
      %swap3A_133 = arith.index_cast %scan3A_125 : i32 to index
      %swap3A_134 = arith.constant 16 : index
      %swap3A_135 = tpu.vector_load %arg22[%swap3A_133, %swap3A_134] {strides = array<i32>} : memref<64x144xf32, #tpu.memory_space<vmem>>, vector<1x16xf32>,
      %swap3A_136 = vector.shape_cast %swap3A_135 : vector<1x16xf32> to vector<16xf32>
      %swap3A_137 = vector.shape_cast %broadcast_in_dim3A_132 : vector<16xf32> to vector<1x16xf32>
      tpu.vector_store %arg22[%swap3A_133, %swap3A_134], %swap3A_137 {strides = array<i32>} : memref<64x144xf32, #tpu.memory_space<vmem>>, vector<1x16xf32>,
      %broadcast_in_dim3A_138 = arith.constant 0.000000e+00 : f32
      %broadcast_in_dim3A_139 = vector.broadcast %broadcast_in_dim3A_138 : f32 to vector<16xf32>
      %swap3A_140 = arith.index_cast %scan3A_125 : i32 to index
      %swap3A_141 = arith.constant 32 : index
      %swap3A_142 = tpu.vector_load %arg22[%swap3A_140, %swap3A_141] {strides = array<i32>} : memref<64x144xf32, #tpu.memory_space<vmem>>, vector<1x16xf32>,
      %swap3A_143 = vector.shape_cast %swap3A_142 : vector<1x16xf32> to vector<16xf32>
      %swap3A_144 = vector.shape_cast %broadcast_in_dim3A_139 : vector<16xf32> to vector<1x16xf32>
      tpu.vector_store %arg22[%swap3A_140, %swap3A_141], %swap3A_144 {strides = array<i32>} : memref<64x144xf32, #tpu.memory_space<vmem>>, vector<1x16xf32>,
      %broadcast_in_dim3A_145 = arith.constant 0.000000e+00 : f32
      %broadcast_in_dim3A_146 = vector.broadcast %broadcast_in_dim3A_145 : f32 to vector<16xf32>
      %swap3A_147 = arith.index_cast %scan3A_125 : i32 to index
      %swap3A_148 = arith.constant 48 : index
      %swap3A_149 = tpu.vector_load %arg22[%swap3A_147, %swap3A_148] {strides = array<i32>} : memref<64x144xf32, #tpu.memory_space<vmem>>, vector<1x16xf32>,
      %swap3A_150 = vector.shape_cast %swap3A_149 : vector<1x16xf32> to vector<16xf32>
      %swap3A_151 = vector.shape_cast %broadcast_in_dim3A_146 : vector<16xf32> to vector<1x16xf32>
      tpu.vector_store %arg22[%swap3A_147, %swap3A_148], %swap3A_151 {strides = array<i32>} : memref<64x144xf32, #tpu.memory_space<vmem>>, vector<1x16xf32>,
      %broadcast_in_dim3A_152 = arith.constant 0.000000e+00 : f32
      %broadcast_in_dim3A_153 = vector.broadcast %broadcast_in_dim3A_152 : f32 to vector<16xf32>
      %swap3A_154 = arith.index_cast %scan3A_125 : i32 to index
      %swap3A_155 = arith.constant 64 : index
      %swap3A_156 = tpu.vector_load %arg22[%swap3A_154, %swap3A_155] {strides = array<i32>} : memref<64x144xf32, #tpu.memory_space<vmem>>, vector<1x16xf32>,
      %swap3A_157 = vector.shape_cast %swap3A_156 : vector<1x16xf32> to vector<16xf32>
      %swap3A_158 = vector.shape_cast %broadcast_in_dim3A_153 : vector<16xf32> to vector<1x16xf32>
      tpu.vector_store %arg22[%swap3A_154, %swap3A_155], %swap3A_158 {strides = array<i32>} : memref<64x144xf32, #tpu.memory_space<vmem>>, vector<1x16xf32>,
      %broadcast_in_dim3A_159 = arith.constant 0.000000e+00 : f32
      %broadcast_in_dim3A_160 = vector.broadcast %broadcast_in_dim3A_159 : f32 to vector<16xf32>
      %swap3A_161 = arith.index_cast %scan3A_125 : i32 to index
      %swap3A_162 = arith.constant 80 : index
      %swap3A_163 = tpu.vector_load %arg22[%swap3A_161, %swap3A_162] {strides = array<i32>} : memref<64x144xf32, #tpu.memory_space<vmem>>, vector<1x16xf32>,
      %swap3A_164 = vector.shape_cast %swap3A_163 : vector<1x16xf32> to vector<16xf32>
      %swap3A_165 = vector.shape_cast %broadcast_in_dim3A_160 : vector<16xf32> to vector<1x16xf32>
      tpu.vector_store %arg22[%swap3A_161, %swap3A_162], %swap3A_165 {strides = array<i32>} : memref<64x144xf32, #tpu.memory_space<vmem>>, vector<1x16xf32>,
      %broadcast_in_dim3A_166 = arith.constant 0.000000e+00 : f32
      %broadcast_in_dim3A_167 = vector.broadcast %broadcast_in_dim3A_166 : f32 to vector<16xf32>
      %swap3A_168 = arith.index_cast %scan3A_125 : i32 to index
      %swap3A_169 = arith.constant 96 : index
      %swap3A_170 = tpu.vector_load %arg22[%swap3A_168, %swap3A_169] {strides = array<i32>} : memref<64x144xf32, #tpu.memory_space<vmem>>, vector<1x16xf32>,
      %swap3A_171 = vector.shape_cast %swap3A_170 : vector<1x16xf32> to vector<16xf32>
      %swap3A_172 = vector.shape_cast %broadcast_in_dim3A_167 : vector<16xf32> to vector<1x16xf32>
      tpu.vector_store %arg22[%swap3A_168, %swap3A_169], %swap3A_172 {strides = array<i32>} : memref<64x144xf32, #tpu.memory_space<vmem>>, vector<1x16xf32>,
      %broadcast_in_dim3A_173 = arith.constant 0.000000e+00 : f32
      %broadcast_in_dim3A_174 = vector.broadcast %broadcast_in_dim3A_173 : f32 to vector<16xf32>
      %swap3A_175 = arith.index_cast %scan3A_125 : i32 to index
      %swap3A_176 = arith.constant 112 : index
      %swap3A_177 = tpu.vector_load %arg22[%swap3A_175, %swap3A_176] {strides = array<i32>} : memref<64x144xf32, #tpu.memory_space<vmem>>, vector<1x16xf32>,
      %swap3A_178 = vector.shape_cast %swap3A_177 : vector<1x16xf32> to vector<16xf32>
      %swap3A_179 = vector.shape_cast %broadcast_in_dim3A_174 : vector<16xf32> to vector<1x16xf32>
      tpu.vector_store %arg22[%swap3A_175, %swap3A_176], %swap3A_179 {strides = array<i32>} : memref<64x144xf32, #tpu.memory_space<vmem>>, vector<1x16xf32>,
      %broadcast_in_dim3A_180 = arith.constant 0.000000e+00 : f32
      %broadcast_in_dim3A_181 = vector.broadcast %broadcast_in_dim3A_180 : f32 to vector<16xf32>
      %swap3A_182 = arith.index_cast %scan3A_125 : i32 to index
      %swap3A_183 = arith.constant 128 : index
      %swap3A_184 = tpu.vector_load %arg22[%swap3A_182, %swap3A_183] {strides = array<i32>} : memref<64x144xf32, #tpu.memory_space<vmem>>, vector<1x16xf32>,
      %swap3A_185 = vector.shape_cast %swap3A_184 : vector<1x16xf32> to vector<16xf32>
      %swap3A_186 = vector.shape_cast %broadcast_in_dim3A_181 : vector<16xf32> to vector<1x16xf32>
      tpu.vector_store %arg22[%swap3A_182, %swap3A_183], %swap3A_186 {strides = array<i32>} : memref<64x144xf32, #tpu.memory_space<vmem>>, vector<1x16xf32>,
      %broadcast_in_dim3A_187 = arith.constant 0.000000e+00 : f32
      %broadcast_in_dim3A_188 = vector.broadcast %broadcast_in_dim3A_187 : f32 to vector<16xf32>
      %swap3A_189 = arith.index_cast %scan3A_125 : i32 to index
      %swap3A_190 = arith.constant 0 : index
      %swap3A_191 = tpu.vector_load %arg23[%swap3A_189, %swap3A_190] {strides = array<i32>} : memref<64x144xf32, #tpu.memory_space<vmem>>, vector<1x16xf32>,
      %swap3A_192 = vector.shape_cast %swap3A_191 : vector<1x16xf32> to vector<16xf32>
      %swap3A_193 = vector.shape_cast %broadcast_in_dim3A_188 : vector<16xf32> to vector<1x16xf32>
      tpu.vector_store %arg23[%swap3A_189, %swap3A_190], %swap3A_193 {strides = array<i32>} : memref<64x144xf32, #tpu.memory_space<vmem>>, vector<1x16xf32>,
      %broadcast_in_dim3A_194 = arith.constant 0.000000e+00 : f32
      %broadcast_in_dim3A_195 = vector.broadcast %broadcast_in_dim3A_194 : f32 to vector<16xf32>
      %swap3A_196 = arith.index_cast %scan3A_125 : i32 to index
      %swap3A_197 = arith.constant 16 : index
      %swap3A_198 = tpu.vector_load %arg23[%swap3A_196, %swap3A_197] {strides = array<i32>} : memref<64x144xf32, #tpu.memory_space<vmem>>, vector<1x16xf32>,
      %swap3A_199 = vector.shape_cast %swap3A_198 : vector<1x16xf32> to vector<16xf32>
      %swap3A_200 = vector.shape_cast %broadcast_in_dim3A_195 : vector<16xf32> to vector<1x16xf32>
      tpu.vector_store %arg23[%swap3A_196, %swap3A_197], %swap3A_200 {strides = array<i32>} : memref<64x144xf32, #tpu.memory_space<vmem>>, vector<1x16xf32>,
      %broadcast_in_dim3A_201 = arith.constant 0.000000e+00 : f32
      %broadcast_in_dim3A_202 = vector.broadcast %broadcast_in_dim3A_201 : f32 to vector<16xf32>
      %swap3A_203 = arith.index_cast %scan3A_125 : i32 to index
      %swap3A_204 = arith.constant 32 : index
      %swap3A_205 = tpu.vector_load %arg23[%swap3A_203, %swap3A_204] {strides = array<i32>} : memref<64x144xf32, #tpu.memory_space<vmem>>, vector<1x16xf32>,
      %swap3A_206 = vector.shape_cast %swap3A_205 : vector<1x16xf32> to vector<16xf32>
      %swap3A_207 = vector.shape_cast %broadcast_in_dim3A_202 : vector<16xf32> to vector<1x16xf32>
      tpu.vector_store %arg23[%swap3A_203, %swap3A_204], %swap3A_207 {strides = array<i32>} : memref<64x144xf32, #tpu.memory_space<vmem>>, vector<1x16xf32>,
      %broadcast_in_dim3A_208 = arith.constant 0.000000e+00 : f32
      %broadcast_in_dim3A_209 = vector.broadcast %broadcast_in_dim3A_208 : f32 to vector<16xf32>
      %swap3A_210 = arith.index_cast %scan3A_125 : i32 to index
      %swap3A_211 = arith.constant 48 : index
      %swap3A_212 = tpu.vector_load %arg23[%swap3A_210, %swap3A_211] {strides = array<i32>} : memref<64x144xf32, #tpu.memory_space<vmem>>, vector<1x16xf32>,
      %swap3A_213 = vector.shape_cast %swap3A_212 : vector<1x16xf32> to vector<16xf32>
      %swap3A_214 = vector.shape_cast %broadcast_in_dim3A_209 : vector<16xf32> to vector<1x16xf32>
      tpu.vector_store %arg23[%swap3A_210, %swap3A_211], %swap3A_214 {strides = array<i32>} : memref<64x144xf32, #tpu.memory_space<vmem>>, vector<1x16xf32>,
      %broadcast_in_dim3A_215 = arith.constant 0.000000e+00 : f32
      %broadcast_in_dim3A_216 = vector.broadcast %broadcast_in_dim3A_215 : f32 to vector<16xf32>
      %swap3A_217 = arith.index_cast %scan3A_125 : i32 to index
      %swap3A_218 = arith.constant 64 : index
      %swap3A_219 = tpu.vector_load %arg23[%swap3A_217, %swap3A_218] {strides = array<i32>} : memref<64x144xf32, #tpu.memory_space<vmem>>, vector<1x16xf32>,
      %swap3A_220 = vector.shape_cast %swap3A_219 : vector<1x16xf32> to vector<16xf32>
      %swap3A_221 = vector.shape_cast %broadcast_in_dim3A_216 : vector<16xf32> to vector<1x16xf32>
      tpu.vector_store %arg23[%swap3A_217, %swap3A_218], %swap3A_221 {strides = array<i32>} : memref<64x144xf32, #tpu.memory_space<vmem>>, vector<1x16xf32>,
      %broadcast_in_dim3A_222 = arith.constant 0.000000e+00 : f32
      %broadcast_in_dim3A_223 = vector.broadcast %broadcast_in_dim3A_222 : f32 to vector<16xf32>
      %swap3A_224 = arith.index_cast %scan3A_125 : i32 to index
      %swap3A_225 = arith.constant 80 : index
      %swap3A_226 = tpu.vector_load %arg23[%swap3A_224, %swap3A_225] {strides = array<i32>} : memref<64x144xf32, #tpu.memory_space<vmem>>, vector<1x16xf32>,
      %swap3A_227 = vector.shape_cast %swap3A_226 : vector<1x16xf32> to vector<16xf32>
      %swap3A_228 = vector.shape_cast %broadcast_in_dim3A_223 : vector<16xf32> to vector<1x16xf32>
      tpu.vector_store %arg23[%swap3A_224, %swap3A_225], %swap3A_228 {strides = array<i32>} : memref<64x144xf32, #tpu.memory_space<vmem>>, vector<1x16xf32>,
      %broadcast_in_dim3A_229 = arith.constant 0.000000e+00 : f32
      %broadcast_in_dim3A_230 = vector.broadcast %broadcast_in_dim3A_229 : f32 to vector<16xf32>
      %swap3A_231 = arith.index_cast %scan3A_125 : i32 to index
      %swap3A_232 = arith.constant 96 : index
      %swap3A_233 = tpu.vector_load %arg23[%swap3A_231, %swap3A_232] {strides = array<i32>} : memref<64x144xf32, #tpu.memory_space<vmem>>, vector<1x16xf32>,
      %swap3A_234 = vector.shape_cast %swap3A_233 : vector<1x16xf32> to vector<16xf32>
      %swap3A_235 = vector.shape_cast %broadcast_in_dim3A_230 : vector<16xf32> to vector<1x16xf32>
      tpu.vector_store %arg23[%swap3A_231, %swap3A_232], %swap3A_235 {strides = array<i32>} : memref<64x144xf32, #tpu.memory_space<vmem>>, vector<1x16xf32>,
      %broadcast_in_dim3A_236 = arith.constant 0.000000e+00 : f32
      %broadcast_in_dim3A_237 = vector.broadcast %broadcast_in_dim3A_236 : f32 to vector<16xf32>
      %swap3A_238 = arith.index_cast %scan3A_125 : i32 to index
      %swap3A_239 = arith.constant 112 : index
      %swap3A_240 = tpu.vector_load %arg23[%swap3A_238, %swap3A_239] {strides = array<i32>} : memref<64x144xf32, #tpu.memory_space<vmem>>, vector<1x16xf32>,
      %swap3A_241 = vector.shape_cast %swap3A_240 : vector<1x16xf32> to vector<16xf32>
      %swap3A_242 = vector.shape_cast %broadcast_in_dim3A_237 : vector<16xf32> to vector<1x16xf32>
      tpu.vector_store %arg23[%swap3A_238, %swap3A_239], %swap3A_242 {strides = array<i32>} : memref<64x144xf32, #tpu.memory_space<vmem>>, vector<1x16xf32>,
      %broadcast_in_dim3A_243 = arith.constant 0.000000e+00 : f32
      %broadcast_in_dim3A_244 = vector.broadcast %broadcast_in_dim3A_243 : f32 to vector<16xf32>
      %swap3A_245 = arith.index_cast %scan3A_125 : i32 to index
      %swap3A_246 = arith.constant 128 : index
      %swap3A_247 = tpu.vector_load %arg23[%swap3A_245, %swap3A_246] {strides = array<i32>} : memref<64x144xf32, #tpu.memory_space<vmem>>, vector<1x16xf32>,
      %swap3A_248 = vector.shape_cast %swap3A_247 : vector<1x16xf32> to vector<16xf32>
      %swap3A_249 = vector.shape_cast %broadcast_in_dim3A_244 : vector<16xf32> to vector<1x16xf32>
      tpu.vector_store %arg23[%swap3A_245, %swap3A_246], %swap3A_249 {strides = array<i32>} : memref<64x144xf32, #tpu.memory_space<vmem>>, vector<1x16xf32>,
      %broadcast_in_dim3A_250 = arith.constant 0.000000e+00 : f32
      %broadcast_in_dim3A_251 = vector.broadcast %broadcast_in_dim3A_250 : f32 to vector<16xf32>
      %swap3A_252 = arith.index_cast %scan3A_125 : i32 to index
      %swap3A_253 = arith.constant 0 : index
      %swap3A_254 = tpu.vector_load %arg24[%swap3A_252, %swap3A_253] {strides = array<i32>} : memref<64x144xf32, #tpu.memory_space<vmem>>, vector<1x16xf32>,
      %swap3A_255 = vector.shape_cast %swap3A_254 : vector<1x16xf32> to vector<16xf32>
      %swap3A_256 = vector.shape_cast %broadcast_in_dim3A_251 : vector<16xf32> to vector<1x16xf32>
      tpu.vector_store %arg24[%swap3A_252, %swap3A_253], %swap3A_256 {strides = array<i32>} : memref<64x144xf32, #tpu.memory_space<vmem>>, vector<1x16xf32>,
      %broadcast_in_dim3A_257 = arith.constant 0.000000e+00 : f32
      %broadcast_in_dim3A_258 = vector.broadcast %broadcast_in_dim3A_257 : f32 to vector<16xf32>
      %swap3A_259 = arith.index_cast %scan3A_125 : i32 to index
      %swap3A_260 = arith.constant 16 : index
      %swap3A_261 = tpu.vector_load %arg24[%swap3A_259, %swap3A_260] {strides = array<i32>} : memref<64x144xf32, #tpu.memory_space<vmem>>, vector<1x16xf32>,
      %swap3A_262 = vector.shape_cast %swap3A_261 : vector<1x16xf32> to vector<16xf32>
      %swap3A_263 = vector.shape_cast %broadcast_in_dim3A_258 : vector<16xf32> to vector<1x16xf32>
      tpu.vector_store %arg24[%swap3A_259, %swap3A_260], %swap3A_263 {strides = array<i32>} : memref<64x144xf32, #tpu.memory_space<vmem>>, vector<1x16xf32>,
      %broadcast_in_dim3A_264 = arith.constant 0.000000e+00 : f32
      %broadcast_in_dim3A_265 = vector.broadcast %broadcast_in_dim3A_264 : f32 to vector<16xf32>
      %swap3A_266 = arith.index_cast %scan3A_125 : i32 to index
      %swap3A_267 = arith.constant 32 : index
      %swap3A_268 = tpu.vector_load %arg24[%swap3A_266, %swap3A_267] {strides = array<i32>} : memref<64x144xf32, #tpu.memory_space<vmem>>, vector<1x16xf32>,
      %swap3A_269 = vector.shape_cast %swap3A_268 : vector<1x16xf32> to vector<16xf32>
      %swap3A_270 = vector.shape_cast %broadcast_in_dim3A_265 : vector<16xf32> to vector<1x16xf32>
      tpu.vector_store %arg24[%swap3A_266, %swap3A_267], %swap3A_270 {strides = array<i32>} : memref<64x144xf32, #tpu.memory_space<vmem>>, vector<1x16xf32>,
      %broadcast_in_dim3A_271 = arith.constant 0.000000e+00 : f32
      %broadcast_in_dim3A_272 = vector.broadcast %broadcast_in_dim3A_271 : f32 to vector<16xf32>
      %swap3A_273 = arith.index_cast %scan3A_125 : i32 to index
      %swap3A_274 = arith.constant 48 : index
      %swap3A_275 = tpu.vector_load %arg24[%swap3A_273, %swap3A_274] {strides = array<i32>} : memref<64x144xf32, #tpu.memory_space<vmem>>, vector<1x16xf32>,
      %swap3A_276 = vector.shape_cast %swap3A_275 : vector<1x16xf32> to vector<16xf32>
      %swap3A_277 = vector.shape_cast %broadcast_in_dim3A_272 : vector<16xf32> to vector<1x16xf32>
      tpu.vector_store %arg24[%swap3A_273, %swap3A_274], %swap3A_277 {strides = array<i32>} : memref<64x144xf32, #tpu.memory_space<vmem>>, vector<1x16xf32>,
      %broadcast_in_dim3A_278 = arith.constant 0.000000e+00 : f32
      %broadcast_in_dim3A_279 = vector.broadcast %broadcast_in_dim3A_278 : f32 to vector<16xf32>
      %swap3A_280 = arith.index_cast %scan3A_125 : i32 to index
      %swap3A_281 = arith.constant 64 : index
      %swap3A_282 = tpu.vector_load %arg24[%swap3A_280, %swap3A_281] {strides = array<i32>} : memref<64x144xf32, #tpu.memory_space<vmem>>, vector<1x16xf32>,
      %swap3A_283 = vector.shape_cast %swap3A_282 : vector<1x16xf32> to vector<16xf32>
      %swap3A_284 = vector.shape_cast %broadcast_in_dim3A_279 : vector<16xf32> to vector<1x16xf32>
      tpu.vector_store %arg24[%swap3A_280, %swap3A_281], %swap3A_284 {strides = array<i32>} : memref<64x144xf32, #tpu.memory_space<vmem>>, vector<1x16xf32>,
      %broadcast_in_dim3A_285 = arith.constant 0.000000e+00 : f32
      %broadcast_in_dim3A_286 = vector.broadcast %broadcast_in_dim3A_285 : f32 to vector<16xf32>
      %swap3A_287 = arith.index_cast %scan3A_125 : i32 to index
      %swap3A_288 = arith.constant 80 : index
      %swap3A_289 = tpu.vector_load %arg24[%swap3A_287, %swap3A_288] {strides = array<i32>} : memref<64x144xf32, #tpu.memory_space<vmem>>, vector<1x16xf32>,
      %swap3A_290 = vector.shape_cast %swap3A_289 : vector<1x16xf32> to vector<16xf32>
      %swap3A_291 = vector.shape_cast %broadcast_in_dim3A_286 : vector<16xf32> to vector<1x16xf32>
      tpu.vector_store %arg24[%swap3A_287, %swap3A_288], %swap3A_291 {strides = array<i32>} : memref<64x144xf32, #tpu.memory_space<vmem>>, vector<1x16xf32>,
      %broadcast_in_dim3A_292 = arith.constant 0.000000e+00 : f32
      %broadcast_in_dim3A_293 = vector.broadcast %broadcast_in_dim3A_292 : f32 to vector<16xf32>
      %swap3A_294 = arith.index_cast %scan3A_125 : i32 to index
      %swap3A_295 = arith.constant 96 : index
      %swap3A_296 = tpu.vector_load %arg24[%swap3A_294, %swap3A_295] {strides = array<i32>} : memref<64x144xf32, #tpu.memory_space<vmem>>, vector<1x16xf32>,
      %swap3A_297 = vector.shape_cast %swap3A_296 : vector<1x16xf32> to vector<16xf32>
      %swap3A_298 = vector.shape_cast %broadcast_in_dim3A_293 : vector<16xf32> to vector<1x16xf32>
      tpu.vector_store %arg24[%swap3A_294, %swap3A_295], %swap3A_298 {strides = array<i32>} : memref<64x144xf32, #tpu.memory_space<vmem>>, vector<1x16xf32>,
      %broadcast_in_dim3A_299 = arith.constant 0.000000e+00 : f32
      %broadcast_in_dim3A_300 = vector.broadcast %broadcast_in_dim3A_299 : f32 to vector<16xf32>
      %swap3A_301 = arith.index_cast %scan3A_125 : i32 to index
      %swap3A_302 = arith.constant 112 : index
      %swap3A_303 = tpu.vector_load %arg24[%swap3A_301, %swap3A_302] {strides = array<i32>} : memref<64x144xf32, #tpu.memory_space<vmem>>, vector<1x16xf32>,
      %swap3A_304 = vector.shape_cast %swap3A_303 : vector<1x16xf32> to vector<16xf32>
      %swap3A_305 = vector.shape_cast %broadcast_in_dim3A_300 : vector<16xf32> to vector<1x16xf32>
      tpu.vector_store %arg24[%swap3A_301, %swap3A_302], %swap3A_305 {strides = array<i32>} : memref<64x144xf32, #tpu.memory_space<vmem>>, vector<1x16xf32>,
      %broadcast_in_dim3A_306 = arith.constant 0.000000e+00 : f32
      %broadcast_in_dim3A_307 = vector.broadcast %broadcast_in_dim3A_306 : f32 to vector<16xf32>
      %swap3A_308 = arith.index_cast %scan3A_125 : i32 to index
      %swap3A_309 = arith.constant 128 : index
      %swap3A_310 = tpu.vector_load %arg24[%swap3A_308, %swap3A_309] {strides = array<i32>} : memref<64x144xf32, #tpu.memory_space<vmem>>, vector<1x16xf32>,
      %swap3A_311 = vector.shape_cast %swap3A_310 : vector<1x16xf32> to vector<16xf32>
      %swap3A_312 = vector.shape_cast %broadcast_in_dim3A_307 : vector<16xf32> to vector<1x16xf32>
      tpu.vector_store %arg24[%swap3A_308, %swap3A_309], %swap3A_312 {strides = array<i32>} : memref<64x144xf32, #tpu.memory_space<vmem>>, vector<1x16xf32>,
    }
    %scan3A_7 = arith.constant 64 : i32
    %add3A_8 = arith.constant 0 : i32
    %add3A_9 = arith.addi %mul3A_2, %add3A_8 : i32
    "tpu.region"() ({
      %run_scoped3A = tpu.sem_alloc : memref<!tpu.dma_semaphore, #tpu.memory_space<semaphore_mem>>
      %dma_start3A_125 = arith.constant 0 : i32
      %dma_start3A_126 = tpu.memref_slice %arg25[%add3A_9, %dma_start3A_125] : memref<10240x144xf32, #tpu.memory_space<vmem_shared>> -> memref<64x144xf32, #tpu.memory_space<vmem_shared>>
      %dma_start3A_127 = arith.constant 0 : i32
      %dma_start3A_128 = tpu.memref_slice %arg25[%add3A_9, %dma_start3A_127] : memref<10240x144xf32, #tpu.memory_space<vmem_shared>> -> memref<64x144xf32, #tpu.memory_space<vmem_shared>>
      tpu.enqueue_dma source(%arg22 : memref<64x144xf32, #tpu.memory_space<vmem>>) target(%dma_start3A_128 : memref<64x144xf32, #tpu.memory_space<vmem_shared>>) target_semaphore(%run_scoped3A : memref<!tpu.dma_semaphore, #tpu.memory_space<semaphore_mem>>)
      %dma_wait3A_129 = arith.constant 0 : i32
      %dma_wait3A_130 = tpu.memref_slice %arg25[%add3A_9, %dma_wait3A_129] : memref<10240x144xf32, #tpu.memory_space<vmem_shared>> -> memref<64x144xf32, #tpu.memory_space<vmem_shared>>
      %dma_wait3A_131 = arith.constant 0 : i32
      %dma_wait3A_132 = tpu.memref_slice %arg25[%add3A_9, %dma_wait3A_131] : memref<10240x144xf32, #tpu.memory_space<vmem_shared>> -> memref<64x144xf32, #tpu.memory_space<vmem_shared>>
      tpu.wait_dma2 semaphore(%run_scoped3A : memref<!tpu.dma_semaphore, #tpu.memory_space<semaphore_mem>>) src(%arg22 : memref<64x144xf32, #tpu.memory_space<vmem>>) dst(%dma_wait3A_132 : memref<64x144xf32, #tpu.memory_space<vmem_shared>>)
      tpu.yield
    }) : () -> ()
    %add3A_10 = arith.constant 64 : i32
    %add3A_11 = arith.addi %mul3A_2, %add3A_10 : i32
    "tpu.region"() ({
      %run_scoped3A = tpu.sem_alloc : memref<!tpu.dma_semaphore, #tpu.memory_space<semaphore_mem>>
      %dma_start3A_125 = arith.constant 0 : i32
      %dma_start3A_126 = tpu.memref_slice %arg25[%add3A_11, %dma_start3A_125] : memref<10240x144xf32, #tpu.memory_space<vmem_shared>> -> memref<64x144xf32, #tpu.memory_space<vmem_shared>>
      %dma_start3A_127 = arith.constant 0 : i32
      %dma_start3A_128 = tpu.memref_slice %arg25[%add3A_11, %dma_start3A_127] : memref<10240x144xf32, #tpu.memory_space<vmem_shared>> -> memref<64x144xf32, #tpu.memory_space<vmem_shared>>
      tpu.enqueue_dma source(%arg22 : memref<64x144xf32, #tpu.memory_space<vmem>>) target(%dma_start3A_128 : memref<64x144xf32, #tpu.memory_space<vmem_shared>>) target_semaphore(%run_scoped3A : memref<!tpu.dma_semaphore, #tpu.memory_space<semaphore_mem>>)
      %dma_wait3A_129 = arith.constant 0 : i32
      %dma_wait3A_130 = tpu.memref_slice %arg25[%add3A_11, %dma_wait3A_129] : memref<10240x144xf32, #tpu.memory_space<vmem_shared>> -> memref<64x144xf32, #tpu.memory_space<vmem_shared>>
      %dma_wait3A_131 = arith.constant 0 : i32
      %dma_wait3A_132 = tpu.memref_slice %arg25[%add3A_11, %dma_wait3A_131] : memref<10240x144xf32, #tpu.memory_space<vmem_shared>> -> memref<64x144xf32, #tpu.memory_space<vmem_shared>>
      tpu.wait_dma2 semaphore(%run_scoped3A : memref<!tpu.dma_semaphore, #tpu.memory_space<semaphore_mem>>) src(%arg22 : memref<64x144xf32, #tpu.memory_space<vmem>>) dst(%dma_wait3A_132 : memref<64x144xf32, #tpu.memory_space<vmem_shared>>)
      tpu.yield
    }) : () -> ()
    %add3A_12 = arith.constant 128 : i32
    %add3A_13 = arith.addi %mul3A_2, %add3A_12 : i32
    "tpu.region"() ({
      %run_scoped3A = tpu.sem_alloc : memref<!tpu.dma_semaphore, #tpu.memory_space<semaphore_mem>>
      %dma_start3A_125 = arith.constant 0 : i32
      %dma_start3A_126 = tpu.memref_slice %arg25[%add3A_13, %dma_start3A_125] : memref<10240x144xf32, #tpu.memory_space<vmem_shared>> -> memref<64x144xf32, #tpu.memory_space<vmem_shared>>
      %dma_start3A_127 = arith.constant 0 : i32
      %dma_start3A_128 = tpu.memref_slice %arg25[%add3A_13, %dma_start3A_127] : memref<10240x144xf32, #tpu.memory_space<vmem_shared>> -> memref<64x144xf32, #tpu.memory_space<vmem_shared>>
      tpu.enqueue_dma source(%arg22 : memref<64x144xf32, #tpu.memory_space<vmem>>) target(%dma_start3A_128 : memref<64x144xf32, #tpu.memory_space<vmem_shared>>) target_semaphore(%run_scoped3A : memref<!tpu.dma_semaphore, #tpu.memory_space<semaphore_mem>>)
      %dma_wait3A_129 = arith.constant 0 : i32
      %dma_wait3A_130 = tpu.memref_slice %arg25[%add3A_13, %dma_wait3A_129] : memref<10240x144xf32, #tpu.memory_space<vmem_shared>> -> memref<64x144xf32, #tpu.memory_space<vmem_shared>>
      %dma_wait3A_131 = arith.constant 0 : i32
      %dma_wait3A_132 = tpu.memref_slice %arg25[%add3A_13, %dma_wait3A_131] : memref<10240x144xf32, #tpu.memory_space<vmem_shared>> -> memref<64x144xf32, #tpu.memory_space<vmem_shared>>
      tpu.wait_dma2 semaphore(%run_scoped3A : memref<!tpu.dma_semaphore, #tpu.memory_space<semaphore_mem>>) src(%arg22 : memref<64x144xf32, #tpu.memory_space<vmem>>) dst(%dma_wait3A_132 : memref<64x144xf32, #tpu.memory_space<vmem_shared>>)
      tpu.yield
    }) : () -> ()
    %add3A_14 = arith.constant 192 : i32
    %add3A_15 = arith.addi %mul3A_2, %add3A_14 : i32
    "tpu.region"() ({
      %run_scoped3A = tpu.sem_alloc : memref<!tpu.dma_semaphore, #tpu.memory_space<semaphore_mem>>
      %dma_start3A_125 = arith.constant 0 : i32
      %dma_start3A_126 = tpu.memref_slice %arg25[%add3A_15, %dma_start3A_125] : memref<10240x144xf32, #tpu.memory_space<vmem_shared>> -> memref<64x144xf32, #tpu.memory_space<vmem_shared>>
      %dma_start3A_127 = arith.constant 0 : i32
      %dma_start3A_128 = tpu.memref_slice %arg25[%add3A_15, %dma_start3A_127] : memref<10240x144xf32, #tpu.memory_space<vmem_shared>> -> memref<64x144xf32, #tpu.memory_space<vmem_shared>>
      tpu.enqueue_dma source(%arg22 : memref<64x144xf32, #tpu.memory_space<vmem>>) target(%dma_start3A_128 : memref<64x144xf32, #tpu.memory_space<vmem_shared>>) target_semaphore(%run_scoped3A : memref<!tpu.dma_semaphore, #tpu.memory_space<semaphore_mem>>)
      %dma_wait3A_129 = arith.constant 0 : i32
      %dma_wait3A_130 = tpu.memref_slice %arg25[%add3A_15, %dma_wait3A_129] : memref<10240x144xf32, #tpu.memory_space<vmem_shared>> -> memref<64x144xf32, #tpu.memory_space<vmem_shared>>
      %dma_wait3A_131 = arith.constant 0 : i32
      %dma_wait3A_132 = tpu.memref_slice %arg25[%add3A_15, %dma_wait3A_131] : memref<10240x144xf32, #tpu.memory_space<vmem_shared>> -> memref<64x144xf32, #tpu.memory_space<vmem_shared>>
      tpu.wait_dma2 semaphore(%run_scoped3A : memref<!tpu.dma_semaphore, #tpu.memory_space<semaphore_mem>>) src(%arg22 : memref<64x144xf32, #tpu.memory_space<vmem>>) dst(%dma_wait3A_132 : memref<64x144xf32, #tpu.memory_space<vmem_shared>>)
      tpu.yield
    }) : () -> ()
    %add3A_16 = arith.constant 256 : i32
    %add3A_17 = arith.addi %mul3A_2, %add3A_16 : i32
    "tpu.region"() ({
      %run_scoped3A = tpu.sem_alloc : memref<!tpu.dma_semaphore, #tpu.memory_space<semaphore_mem>>
      %dma_start3A_125 = arith.constant 0 : i32
      %dma_start3A_126 = tpu.memref_slice %arg25[%add3A_17, %dma_start3A_125] : memref<10240x144xf32, #tpu.memory_space<vmem_shared>> -> memref<64x144xf32, #tpu.memory_space<vmem_shared>>
      %dma_start3A_127 = arith.constant 0 : i32
      %dma_start3A_128 = tpu.memref_slice %arg25[%add3A_17, %dma_start3A_127] : memref<10240x144xf32, #tpu.memory_space<vmem_shared>> -> memref<64x144xf32, #tpu.memory_space<vmem_shared>>
      tpu.enqueue_dma source(%arg22 : memref<64x144xf32, #tpu.memory_space<vmem>>) target(%dma_start3A_128 : memref<64x144xf32, #tpu.memory_space<vmem_shared>>) target_semaphore(%run_scoped3A : memref<!tpu.dma_semaphore, #tpu.memory_space<semaphore_mem>>)
      %dma_wait3A_129 = arith.constant 0 : i32
      %dma_wait3A_130 = tpu.memref_slice %arg25[%add3A_17, %dma_wait3A_129] : memref<10240x144xf32, #tpu.memory_space<vmem_shared>> -> memref<64x144xf32, #tpu.memory_space<vmem_shared>>
      %dma_wait3A_131 = arith.constant 0 : i32
      %dma_wait3A_132 = tpu.memref_slice %arg25[%add3A_17, %dma_wait3A_131] : memref<10240x144xf32, #tpu.memory_space<vmem_shared>> -> memref<64x144xf32, #tpu.memory_space<vmem_shared>>
      tpu.wait_dma2 semaphore(%run_scoped3A : memref<!tpu.dma_semaphore, #tpu.memory_space<semaphore_mem>>) src(%arg22 : memref<64x144xf32, #tpu.memory_space<vmem>>) dst(%dma_wait3A_132 : memref<64x144xf32, #tpu.memory_space<vmem_shared>>)
      tpu.yield
    }) : () -> ()
    %add3A_18 = arith.constant 320 : i32
    %add3A_19 = arith.addi %mul3A_2, %add3A_18 : i32
    "tpu.region"() ({
      %run_scoped3A = tpu.sem_alloc : memref<!tpu.dma_semaphore, #tpu.memory_space<semaphore_mem>>
      %dma_start3A_125 = arith.constant 0 : i32
      %dma_start3A_126 = tpu.memref_slice %arg25[%add3A_19, %dma_start3A_125] : memref<10240x144xf32, #tpu.memory_space<vmem_shared>> -> memref<64x144xf32, #tpu.memory_space<vmem_shared>>
      %dma_start3A_127 = arith.constant 0 : i32
      %dma_start3A_128 = tpu.memref_slice %arg25[%add3A_19, %dma_start3A_127] : memref<10240x144xf32, #tpu.memory_space<vmem_shared>> -> memref<64x144xf32, #tpu.memory_space<vmem_shared>>
      tpu.enqueue_dma source(%arg22 : memref<64x144xf32, #tpu.memory_space<vmem>>) target(%dma_start3A_128 : memref<64x144xf32, #tpu.memory_space<vmem_shared>>) target_semaphore(%run_scoped3A : memref<!tpu.dma_semaphore, #tpu.memory_space<semaphore_mem>>)
      %dma_wait3A_129 = arith.constant 0 : i32
      %dma_wait3A_130 = tpu.memref_slice %arg25[%add3A_19, %dma_wait3A_129] : memref<10240x144xf32, #tpu.memory_space<vmem_shared>> -> memref<64x144xf32, #tpu.memory_space<vmem_shared>>
      %dma_wait3A_131 = arith.constant 0 : i32
      %dma_wait3A_132 = tpu.memref_slice %arg25[%add3A_19, %dma_wait3A_131] : memref<10240x144xf32, #tpu.memory_space<vmem_shared>> -> memref<64x144xf32, #tpu.memory_space<vmem_shared>>
      tpu.wait_dma2 semaphore(%run_scoped3A : memref<!tpu.dma_semaphore, #tpu.memory_space<semaphore_mem>>) src(%arg22 : memref<64x144xf32, #tpu.memory_space<vmem>>) dst(%dma_wait3A_132 : memref<64x144xf32, #tpu.memory_space<vmem_shared>>)
      tpu.yield
    }) : () -> ()
    %add3A_20 = arith.constant 384 : i32
    %add3A_21 = arith.addi %mul3A_2, %add3A_20 : i32
    "tpu.region"() ({
      %run_scoped3A = tpu.sem_alloc : memref<!tpu.dma_semaphore, #tpu.memory_space<semaphore_mem>>
      %dma_start3A_125 = arith.constant 0 : i32
      %dma_start3A_126 = tpu.memref_slice %arg25[%add3A_21, %dma_start3A_125] : memref<10240x144xf32, #tpu.memory_space<vmem_shared>> -> memref<64x144xf32, #tpu.memory_space<vmem_shared>>
      %dma_start3A_127 = arith.constant 0 : i32
      %dma_start3A_128 = tpu.memref_slice %arg25[%add3A_21, %dma_start3A_127] : memref<10240x144xf32, #tpu.memory_space<vmem_shared>> -> memref<64x144xf32, #tpu.memory_space<vmem_shared>>
      tpu.enqueue_dma source(%arg22 : memref<64x144xf32, #tpu.memory_space<vmem>>) target(%dma_start3A_128 : memref<64x144xf32, #tpu.memory_space<vmem_shared>>) target_semaphore(%run_scoped3A : memref<!tpu.dma_semaphore, #tpu.memory_space<semaphore_mem>>)
      %dma_wait3A_129 = arith.constant 0 : i32
      %dma_wait3A_130 = tpu.memref_slice %arg25[%add3A_21, %dma_wait3A_129] : memref<10240x144xf32, #tpu.memory_space<vmem_shared>> -> memref<64x144xf32, #tpu.memory_space<vmem_shared>>
      %dma_wait3A_131 = arith.constant 0 : i32
      %dma_wait3A_132 = tpu.memref_slice %arg25[%add3A_21, %dma_wait3A_131] : memref<10240x144xf32, #tpu.memory_space<vmem_shared>> -> memref<64x144xf32, #tpu.memory_space<vmem_shared>>
      tpu.wait_dma2 semaphore(%run_scoped3A : memref<!tpu.dma_semaphore, #tpu.memory_space<semaphore_mem>>) src(%arg22 : memref<64x144xf32, #tpu.memory_space<vmem>>) dst(%dma_wait3A_132 : memref<64x144xf32, #tpu.memory_space<vmem_shared>>)
      tpu.yield
    }) : () -> ()
    %add3A_22 = arith.constant 448 : i32
    %add3A_23 = arith.addi %mul3A_2, %add3A_22 : i32
    "tpu.region"() ({
      %run_scoped3A = tpu.sem_alloc : memref<!tpu.dma_semaphore, #tpu.memory_space<semaphore_mem>>
      %dma_start3A_125 = arith.constant 0 : i32
      %dma_start3A_126 = tpu.memref_slice %arg25[%add3A_23, %dma_start3A_125] : memref<10240x144xf32, #tpu.memory_space<vmem_shared>> -> memref<64x144xf32, #tpu.memory_space<vmem_shared>>
      %dma_start3A_127 = arith.constant 0 : i32
      %dma_start3A_128 = tpu.memref_slice %arg25[%add3A_23, %dma_start3A_127] : memref<10240x144xf32, #tpu.memory_space<vmem_shared>> -> memref<64x144xf32, #tpu.memory_space<vmem_shared>>
      tpu.enqueue_dma source(%arg22 : memref<64x144xf32, #tpu.memory_space<vmem>>) target(%dma_start3A_128 : memref<64x144xf32, #tpu.memory_space<vmem_shared>>) target_semaphore(%run_scoped3A : memref<!tpu.dma_semaphore, #tpu.memory_space<semaphore_mem>>)
      %dma_wait3A_129 = arith.constant 0 : i32
      %dma_wait3A_130 = tpu.memref_slice %arg25[%add3A_23, %dma_wait3A_129] : memref<10240x144xf32, #tpu.memory_space<vmem_shared>> -> memref<64x144xf32, #tpu.memory_space<vmem_shared>>
      %dma_wait3A_131 = arith.constant 0 : i32
      %dma_wait3A_132 = tpu.memref_slice %arg25[%add3A_23, %dma_wait3A_131] : memref<10240x144xf32, #tpu.memory_space<vmem_shared>> -> memref<64x144xf32, #tpu.memory_space<vmem_shared>>
      tpu.wait_dma2 semaphore(%run_scoped3A : memref<!tpu.dma_semaphore, #tpu.memory_space<semaphore_mem>>) src(%arg22 : memref<64x144xf32, #tpu.memory_space<vmem>>) dst(%dma_wait3A_132 : memref<64x144xf32, #tpu.memory_space<vmem_shared>>)
      tpu.yield
    }) : () -> ()
    %add3A_24 = arith.constant 512 : i32
    %add3A_25 = arith.addi %mul3A_2, %add3A_24 : i32
    "tpu.region"() ({
      %run_scoped3A = tpu.sem_alloc : memref<!tpu.dma_semaphore, #tpu.memory_space<semaphore_mem>>
      %dma_start3A_125 = arith.constant 0 : i32
      %dma_start3A_126 = tpu.memref_slice %arg25[%add3A_25, %dma_start3A_125] : memref<10240x144xf32, #tpu.memory_space<vmem_shared>> -> memref<64x144xf32, #tpu.memory_space<vmem_shared>>
      %dma_start3A_127 = arith.constant 0 : i32
      %dma_start3A_128 = tpu.memref_slice %arg25[%add3A_25, %dma_start3A_127] : memref<10240x144xf32, #tpu.memory_space<vmem_shared>> -> memref<64x144xf32, #tpu.memory_space<vmem_shared>>
      tpu.enqueue_dma source(%arg22 : memref<64x144xf32, #tpu.memory_space<vmem>>) target(%dma_start3A_128 : memref<64x144xf32, #tpu.memory_space<vmem_shared>>) target_semaphore(%run_scoped3A : memref<!tpu.dma_semaphore, #tpu.memory_space<semaphore_mem>>)
      %dma_wait3A_129 = arith.constant 0 : i32
      %dma_wait3A_130 = tpu.memref_slice %arg25[%add3A_25, %dma_wait3A_129] : memref<10240x144xf32, #tpu.memory_space<vmem_shared>> -> memref<64x144xf32, #tpu.memory_space<vmem_shared>>
      %dma_wait3A_131 = arith.constant 0 : i32
      %dma_wait3A_132 = tpu.memref_slice %arg25[%add3A_25, %dma_wait3A_131] : memref<10240x144xf32, #tpu.memory_space<vmem_shared>> -> memref<64x144xf32, #tpu.memory_space<vmem_shared>>
      tpu.wait_dma2 semaphore(%run_scoped3A : memref<!tpu.dma_semaphore, #tpu.memory_space<semaphore_mem>>) src(%arg22 : memref<64x144xf32, #tpu.memory_space<vmem>>) dst(%dma_wait3A_132 : memref<64x144xf32, #tpu.memory_space<vmem_shared>>)
      tpu.yield
    }) : () -> ()
    %add3A_26 = arith.constant 576 : i32
    %add3A_27 = arith.addi %mul3A_2, %add3A_26 : i32
    "tpu.region"() ({
      %run_scoped3A = tpu.sem_alloc : memref<!tpu.dma_semaphore, #tpu.memory_space<semaphore_mem>>
      %dma_start3A_125 = arith.constant 0 : i32
      %dma_start3A_126 = tpu.memref_slice %arg25[%add3A_27, %dma_start3A_125] : memref<10240x144xf32, #tpu.memory_space<vmem_shared>> -> memref<64x144xf32, #tpu.memory_space<vmem_shared>>
      %dma_start3A_127 = arith.constant 0 : i32
      %dma_start3A_128 = tpu.memref_slice %arg25[%add3A_27, %dma_start3A_127] : memref<10240x144xf32, #tpu.memory_space<vmem_shared>> -> memref<64x144xf32, #tpu.memory_space<vmem_shared>>
      tpu.enqueue_dma source(%arg22 : memref<64x144xf32, #tpu.memory_space<vmem>>) target(%dma_start3A_128 : memref<64x144xf32, #tpu.memory_space<vmem_shared>>) target_semaphore(%run_scoped3A : memref<!tpu.dma_semaphore, #tpu.memory_space<semaphore_mem>>)
      %dma_wait3A_129 = arith.constant 0 : i32
      %dma_wait3A_130 = tpu.memref_slice %arg25[%add3A_27, %dma_wait3A_129] : memref<10240x144xf32, #tpu.memory_space<vmem_shared>> -> memref<64x144xf32, #tpu.memory_space<vmem_shared>>
      %dma_wait3A_131 = arith.constant 0 : i32
      %dma_wait3A_132 = tpu.memref_slice %arg25[%add3A_27, %dma_wait3A_131] : memref<10240x144xf32, #tpu.memory_space<vmem_shared>> -> memref<64x144xf32, #tpu.memory_space<vmem_shared>>
      tpu.wait_dma2 semaphore(%run_scoped3A : memref<!tpu.dma_semaphore, #tpu.memory_space<semaphore_mem>>) src(%arg22 : memref<64x144xf32, #tpu.memory_space<vmem>>) dst(%dma_wait3A_132 : memref<64x144xf32, #tpu.memory_space<vmem_shared>>)
      tpu.yield
    }) : () -> ()
    %barrier3A = arith.constant 0 : index
    tpu.barrier barrier_id(%barrier3A)
    %dma_start3A = arith.constant 0 : i32
    %dma_start3A_28 = arith.constant 0 : i32
    %dma_start3A_29 = tpu.memref_slice %arg2[%add3A, %dma_start3A, %dma_start3A_28] : memref<32x164x64xi32, #tpu.memory_space<hbm>> -> memref<1x1x64xi32, #tpu.memory_space<hbm>>
    %dma_start3A_30 = tpu.memref_squeeze %dma_start3A_29 : memref<1x1x64xi32, #tpu.memory_space<hbm>> -> memref<64xi32, #tpu.memory_space<hbm>>
    %dma_start3A_31 = arith.constant 0 : i32
    %dma_start3A_32 = tpu.memref_slice %arg2[%add3A, %dma_start3A, %dma_start3A_31] : memref<32x164x64xi32, #tpu.memory_space<hbm>> -> memref<1x1x64xi32, #tpu.memory_space<hbm>>
    %dma_start3A_33 = tpu.memref_squeeze %dma_start3A_32 : memref<1x1x64xi32, #tpu.memory_space<hbm>> -> memref<64xi32, #tpu.memory_space<hbm>>
    tpu.enqueue_dma source(%dma_start3A_33 : memref<64xi32, #tpu.memory_space<hbm>>) target(%arg7 : memref<64xi32, #tpu.memory_space<vmem>>) target_semaphore(%arg32 : memref<!tpu.dma_semaphore, #tpu.memory_space<semaphore_mem>>)
    %dma_start3A_34 = arith.constant 0 : i32
    %dma_start3A_35 = arith.constant 0 : i32
    %dma_start3A_36 = tpu.memref_slice %arg3[%add3A, %dma_start3A_34, %dma_start3A_35] : memref<32x164x64xi32, #tpu.memory_space<hbm>> -> memref<1x1x64xi32, #tpu.memory_space<hbm>>
    %dma_start3A_37 = tpu.memref_squeeze %dma_start3A_36 : memref<1x1x64xi32, #tpu.memory_space<hbm>> -> memref<64xi32, #tpu.memory_space<hbm>>
    %dma_start3A_38 = arith.constant 0 : i32
    %dma_start3A_39 = tpu.memref_slice %arg3[%add3A, %dma_start3A_34, %dma_start3A_38] : memref<32x164x64xi32, #tpu.memory_space<hbm>> -> memref<1x1x64xi32, #tpu.memory_space<hbm>>
    %dma_start3A_40 = tpu.memref_squeeze %dma_start3A_39 : memref<1x1x64xi32, #tpu.memory_space<hbm>> -> memref<64xi32, #tpu.memory_space<hbm>>
    tpu.enqueue_dma source(%dma_start3A_40 : memref<64xi32, #tpu.memory_space<hbm>>) target(%arg13 : memref<64xi32, #tpu.memory_space<vmem>>) target_semaphore(%arg32 : memref<!tpu.dma_semaphore, #tpu.memory_space<semaphore_mem>>)
    %dma_start3A_41 = arith.constant 1 : i32
    %dma_start3A_42 = arith.constant 0 : i32
    %dma_start3A_43 = tpu.memref_slice %arg2[%add3A, %dma_start3A_41, %dma_start3A_42] : memref<32x164x64xi32, #tpu.memory_space<hbm>> -> memref<1x1x64xi32, #tpu.memory_space<hbm>>
    %dma_start3A_44 = tpu.memref_squeeze %dma_start3A_43 : memref<1x1x64xi32, #tpu.memory_space<hbm>> -> memref<64xi32, #tpu.memory_space<hbm>>
    %dma_start3A_45 = arith.constant 0 : i32
    %dma_start3A_46 = tpu.memref_slice %arg2[%add3A, %dma_start3A_41, %dma_start3A_45] : memref<32x164x64xi32, #tpu.memory_space<hbm>> -> memref<1x1x64xi32, #tpu.memory_space<hbm>>
    %dma_start3A_47 = tpu.memref_squeeze %dma_start3A_46 : memref<1x1x64xi32, #tpu.memory_space<hbm>> -> memref<64xi32, #tpu.memory_space<hbm>>
    tpu.enqueue_dma source(%dma_start3A_47 : memref<64xi32, #tpu.memory_space<hbm>>) target(%arg8 : memref<64xi32, #tpu.memory_space<vmem>>) target_semaphore(%arg33 : memref<!tpu.dma_semaphore, #tpu.memory_space<semaphore_mem>>)
    %dma_start3A_48 = arith.constant 1 : i32
    %dma_start3A_49 = arith.constant 0 : i32
    %dma_start3A_50 = tpu.memref_slice %arg3[%add3A, %dma_start3A_48, %dma_start3A_49] : memref<32x164x64xi32, #tpu.memory_space<hbm>> -> memref<1x1x64xi32, #tpu.memory_space<hbm>>
    %dma_start3A_51 = tpu.memref_squeeze %dma_start3A_50 : memref<1x1x64xi32, #tpu.memory_space<hbm>> -> memref<64xi32, #tpu.memory_space<hbm>>
    %dma_start3A_52 = arith.constant 0 : i32
    %dma_start3A_53 = tpu.memref_slice %arg3[%add3A, %dma_start3A_48, %dma_start3A_52] : memref<32x164x64xi32, #tpu.memory_space<hbm>> -> memref<1x1x64xi32, #tpu.memory_space<hbm>>
    %dma_start3A_54 = tpu.memref_squeeze %dma_start3A_53 : memref<1x1x64xi32, #tpu.memory_space<hbm>> -> memref<64xi32, #tpu.memory_space<hbm>>
    tpu.enqueue_dma source(%dma_start3A_54 : memref<64xi32, #tpu.memory_space<hbm>>) target(%arg14 : memref<64xi32, #tpu.memory_space<vmem>>) target_semaphore(%arg33 : memref<!tpu.dma_semaphore, #tpu.memory_space<semaphore_mem>>)
    %dma_wait3A = arith.constant 0 : i32
    %dma_wait3A_55 = arith.constant 0 : i32
    %dma_wait3A_56 = tpu.memref_slice %arg2[%add3A, %dma_wait3A, %dma_wait3A_55] : memref<32x164x64xi32, #tpu.memory_space<hbm>> -> memref<1x1x64xi32, #tpu.memory_space<hbm>>
    %dma_wait3A_57 = tpu.memref_squeeze %dma_wait3A_56 : memref<1x1x64xi32, #tpu.memory_space<hbm>> -> memref<64xi32, #tpu.memory_space<hbm>>
    %dma_wait3A_58 = arith.constant 0 : i32
    %dma_wait3A_59 = tpu.memref_slice %arg2[%add3A, %dma_wait3A, %dma_wait3A_58] : memref<32x164x64xi32, #tpu.memory_space<hbm>> -> memref<1x1x64xi32, #tpu.memory_space<hbm>>
    %dma_wait3A_60 = tpu.memref_squeeze %dma_wait3A_59 : memref<1x1x64xi32, #tpu.memory_space<hbm>> -> memref<64xi32, #tpu.memory_space<hbm>>
    tpu.wait_dma2 semaphore(%arg32 : memref<!tpu.dma_semaphore, #tpu.memory_space<semaphore_mem>>) src(%dma_wait3A_60 : memref<64xi32, #tpu.memory_space<hbm>>) dst(%arg7 : memref<64xi32, #tpu.memory_space<vmem>>)
    %dma_wait3A_61 = arith.constant 0 : i32
    %dma_wait3A_62 = arith.constant 0 : i32
    %dma_wait3A_63 = tpu.memref_slice %arg2[%add3A, %dma_wait3A_61, %dma_wait3A_62] : memref<32x164x64xi32, #tpu.memory_space<hbm>> -> memref<1x1x64xi32, #tpu.memory_space<hbm>>
    %dma_wait3A_64 = tpu.memref_squeeze %dma_wait3A_63 : memref<1x1x64xi32, #tpu.memory_space<hbm>> -> memref<64xi32, #tpu.memory_space<hbm>>
    %dma_wait3A_65 = arith.constant 0 : i32
    %dma_wait3A_66 = tpu.memref_slice %arg2[%add3A, %dma_wait3A_61, %dma_wait3A_65] : memref<32x164x64xi32, #tpu.memory_space<hbm>> -> memref<1x1x64xi32, #tpu.memory_space<hbm>>
    %dma_wait3A_67 = tpu.memref_squeeze %dma_wait3A_66 : memref<1x1x64xi32, #tpu.memory_space<hbm>> -> memref<64xi32, #tpu.memory_space<hbm>>
    tpu.wait_dma2 semaphore(%arg32 : memref<!tpu.dma_semaphore, #tpu.memory_space<semaphore_mem>>) src(%dma_wait3A_67 : memref<64xi32, #tpu.memory_space<hbm>>) dst(%arg13 : memref<64xi32, #tpu.memory_space<vmem>>)
    %dma_start3A_68 = arith.constant 0 : i32
    %dma_start3A_69 = arith.constant 0 : i32
    %dma_start3A_70 = tpu.memref_slice %arg25[%dma_start3A_68, %dma_start3A_69] : memref<10240x144xf32, #tpu.memory_space<vmem_shared>> -> memref<10240x144xf32, #tpu.memory_space<vmem_shared>>
    tpu.enqueue_indirect_dma source(%arg23 : memref<64x144xf32, #tpu.memory_space<vmem>>) target(%dma_start3A_70 : memref<10240x144xf32, #tpu.memory_space<vmem_shared>>) offsets(%arg13 : memref<64xi32, #tpu.memory_space<vmem>>) semaphore(%arg30 : memref<!tpu.dma_semaphore, #tpu.memory_space<semaphore_mem>>) {add = true}
    %dma_start3A_71 = arith.constant 0 : i32
    %dma_start3A_72 = arith.constant 0 : i32
    %dma_start3A_73 = tpu.memref_slice %arg25[%dma_start3A_71, %dma_start3A_72] : memref<10240x144xf32, #tpu.memory_space<vmem_shared>> -> memref<10240x144xf32, #tpu.memory_space<vmem_shared>>
    tpu.enqueue_indirect_dma source(%arg24 : memref<64x144xf32, #tpu.memory_space<vmem>>) target(%dma_start3A_73 : memref<10240x144xf32, #tpu.memory_space<vmem_shared>>) offsets(%arg13 : memref<64xi32, #tpu.memory_space<vmem>>) semaphore(%arg31 : memref<!tpu.dma_semaphore, #tpu.memory_space<semaphore_mem>>) {add = true}
    %dma_start3A_74 = arith.constant 0 : i32
    %dma_start3A_75 = arith.constant 0 : i32
    %dma_start3A_76 = tpu.memref_slice %arg4[%dma_start3A_74, %dma_start3A_75] : memref<10240x144xf32, #tpu.memory_space<hbm>> -> memref<10240x144xf32, #tpu.memory_space<hbm>>
    tpu.enqueue_indirect_dma source(%dma_start3A_76 : memref<10240x144xf32, #tpu.memory_space<hbm>>) target(%arg22 : memref<64x144xf32, #tpu.memory_space<vmem>>) offsets(%arg7 : memref<64xi32, #tpu.memory_space<vmem>>) semaphore(%arg26 : memref<!tpu.dma_semaphore, #tpu.memory_space<semaphore_mem>>)
    %dma_start3A_77 = arith.constant 0 : i32
    %dma_start3A_78 = arith.constant 0 : i32
    %dma_start3A_79 = tpu.memref_slice %arg5[%dma_start3A_77, %dma_start3A_78] : memref<10240x16xf32, #tpu.memory_space<hbm>> -> memref<10240x16xf32, #tpu.memory_space<hbm>>
    tpu.enqueue_indirect_dma source(%dma_start3A_79 : memref<10240x16xf32, #tpu.memory_space<hbm>>) target(%arg19 : memref<64x16xf32, #tpu.memory_space<vmem>>) offsets(%arg13 : memref<64xi32, #tpu.memory_space<vmem>>) semaphore(%arg26 : memref<!tpu.dma_semaphore, #tpu.memory_space<semaphore_mem>>)
    %scan3A_80 = arith.constant 0 : i32
    %scan3A_81 = arith.constant 0 : i32
    %scan3A_82 = arith.constant 27 : i32
    %scan3A_83 = arith.addi %scan3A_81, %scan3A_82 : i32
    %scan3A_84 = arith.constant 1 : i32
    scf.for %scan3A_125 = %scan3A_81 to %scan3A_83 step %scan3A_84  : i32 {
      %mul3A_126 = arith.constant 6 : i32
      %mul3A_127 = arith.muli %mul3A_126, %scan3A_125 : i32
      %dma_wait3A_128 = arith.constant 0 : i32
      %dma_wait3A_129 = arith.constant 0 : i32
      %dma_wait3A_130 = tpu.memref_slice %arg4[%dma_wait3A_128, %dma_wait3A_129] : memref<10240x144xf32, #tpu.memory_space<hbm>> -> memref<64x144xf32, #tpu.memory_space<hbm>>
      %dma_wait3A_131 = arith.constant 0 : i32
      %dma_wait3A_132 = arith.constant 0 : i32
      %dma_wait3A_133 = tpu.memref_slice %arg4[%dma_wait3A_131, %dma_wait3A_132] : memref<10240x144xf32, #tpu.memory_space<hbm>> -> memref<64x144xf32, #tpu.memory_space<hbm>>
      tpu.wait_dma2 semaphore(%arg26 : memref<!tpu.dma_semaphore, #tpu.memory_space<semaphore_mem>>) src(%dma_wait3A_133 : memref<64x144xf32, #tpu.memory_space<hbm>>) dst(%arg22 : memref<64x144xf32, #tpu.memory_space<vmem>>)
      %dma_wait3A_134 = arith.constant 0 : i32
      %dma_wait3A_135 = arith.constant 0 : i32
      %dma_wait3A_136 = tpu.memref_slice %arg5[%dma_wait3A_134, %dma_wait3A_135] : memref<10240x16xf32, #tpu.memory_space<hbm>> -> memref<64x16xf32, #tpu.memory_space<hbm>>
      %dma_wait3A_137 = arith.constant 0 : i32
      %dma_wait3A_138 = arith.constant 0 : i32
      %dma_wait3A_139 = tpu.memref_slice %arg5[%dma_wait3A_137, %dma_wait3A_138] : memref<10240x16xf32, #tpu.memory_space<hbm>> -> memref<64x16xf32, #tpu.memory_space<hbm>>
      tpu.wait_dma2 semaphore(%arg26 : memref<!tpu.dma_semaphore, #tpu.memory_space<semaphore_mem>>) src(%dma_wait3A_139 : memref<64x16xf32, #tpu.memory_space<hbm>>) dst(%arg19 : memref<64x16xf32, #tpu.memory_space<vmem>>)
      %dma_wait3A_140 = arith.constant 0 : i32
      %dma_wait3A_141 = arith.constant 0 : i32
      %dma_wait3A_142 = tpu.memref_slice %arg4[%dma_wait3A_140, %dma_wait3A_141] : memref<10240x144xf32, #tpu.memory_space<hbm>> -> memref<64x144xf32, #tpu.memory_space<hbm>>
      %dma_wait3A_143 = arith.constant 0 : i32
      %dma_wait3A_144 = arith.constant 0 : i32
      %dma_wait3A_145 = tpu.memref_slice %arg4[%dma_wait3A_143, %dma_wait3A_144] : memref<10240x144xf32, #tpu.memory_space<hbm>> -> memref<64x144xf32, #tpu.memory_space<hbm>>
      tpu.wait_dma2 semaphore(%arg30 : memref<!tpu.dma_semaphore, #tpu.memory_space<semaphore_mem>>) src(%dma_wait3A_145 : memref<64x144xf32, #tpu.memory_space<hbm>>) dst(%arg23 : memref<64x144xf32, #tpu.memory_space<vmem>>)
      %dma_wait3A_146 = arith.constant 0 : i32
      %dma_wait3A_147 = arith.constant 0 : i32
      %dma_wait3A_148 = tpu.memref_slice %arg2[%add3A, %dma_wait3A_146, %dma_wait3A_147] : memref<32x164x64xi32, #tpu.memory_space<hbm>> -> memref<1x1x64xi32, #tpu.memory_space<hbm>>
      %dma_wait3A_149 = tpu.memref_squeeze %dma_wait3A_148 : memref<1x1x64xi32, #tpu.memory_space<hbm>> -> memref<64xi32, #tpu.memory_space<hbm>>
      %dma_wait3A_150 = arith.constant 0 : i32
      %dma_wait3A_151 = tpu.memref_slice %arg2[%add3A, %dma_wait3A_146, %dma_wait3A_150] : memref<32x164x64xi32, #tpu.memory_space<hbm>> -> memref<1x1x64xi32, #tpu.memory_space<hbm>>
      %dma_wait3A_152 = tpu.memref_squeeze %dma_wait3A_151 : memref<1x1x64xi32, #tpu.memory_space<hbm>> -> memref<64xi32, #tpu.memory_space<hbm>>
      tpu.wait_dma2 semaphore(%arg33 : memref<!tpu.dma_semaphore, #tpu.memory_space<semaphore_mem>>) src(%dma_wait3A_152 : memref<64xi32, #tpu.memory_space<hbm>>) dst(%arg8 : memref<64xi32, #tpu.memory_space<vmem>>)
      %dma_wait3A_153 = arith.constant 0 : i32
      %dma_wait3A_154 = arith.constant 0 : i32
      %dma_wait3A_155 = tpu.memref_slice %arg2[%add3A, %dma_wait3A_153, %dma_wait3A_154] : memref<32x164x64xi32, #tpu.memory_space<hbm>> -> memref<1x1x64xi32, #tpu.memory_space<hbm>>
      %dma_wait3A_156 = tpu.memref_squeeze %dma_wait3A_155 : memref<1x1x64xi32, #tpu.memory_space<hbm>> -> memref<64xi32, #tpu.memory_space<hbm>>
      %dma_wait3A_157 = arith.constant 0 : i32
      %dma_wait3A_158 = tpu.memref_slice %arg2[%add3A, %dma_wait3A_153, %dma_wait3A_157] : memref<32x164x64xi32, #tpu.memory_space<hbm>> -> memref<1x1x64xi32, #tpu.memory_space<hbm>>
      %dma_wait3A_159 = tpu.memref_squeeze %dma_wait3A_158 : memref<1x1x64xi32, #tpu.memory_space<hbm>> -> memref<64xi32, #tpu.memory_space<hbm>>
      tpu.wait_dma2 semaphore(%arg33 : memref<!tpu.dma_semaphore, #tpu.memory_space<semaphore_mem>>) src(%dma_wait3A_159 : memref<64xi32, #tpu.memory_space<hbm>>) dst(%arg14 : memref<64xi32, #tpu.memory_space<vmem>>)
      %dma_start3A_160 = arith.constant 0 : i32
      %dma_start3A_161 = arith.constant 0 : i32
      %dma_start3A_162 = tpu.memref_slice %arg4[%dma_start3A_160, %dma_start3A_161] : memref<10240x144xf32, #tpu.memory_space<hbm>> -> memref<10240x144xf32, #tpu.memory_space<hbm>>
      tpu.enqueue_indirect_dma source(%dma_start3A_162 : memref<10240x144xf32, #tpu.memory_space<hbm>>) target(%arg23 : memref<64x144xf32, #tpu.memory_space<vmem>>) offsets(%arg8 : memref<64xi32, #tpu.memory_space<vmem>>) semaphore(%arg27 : memref<!tpu.dma_semaphore, #tpu.memory_space<semaphore_mem>>)
      %dma_start3A_163 = arith.constant 0 : i32
      %dma_start3A_164 = arith.constant 0 : i32
      %dma_start3A_165 = tpu.memref_slice %arg5[%dma_start3A_163, %dma_start3A_164] : memref<10240x16xf32, #tpu.memory_space<hbm>> -> memref<10240x16xf32, #tpu.memory_space<hbm>>
      tpu.enqueue_indirect_dma source(%dma_start3A_165 : memref<10240x16xf32, #tpu.memory_space<hbm>>) target(%arg20 : memref<64x16xf32, #tpu.memory_space<vmem>>) offsets(%arg14 : memref<64xi32, #tpu.memory_space<vmem>>) semaphore(%arg27 : memref<!tpu.dma_semaphore, #tpu.memory_space<semaphore_mem>>)
      %parallel_loop3A = arith.constant 0 : i32
      %parallel_loop3A_166 = arith.constant 64 : i32
      %parallel_loop3A_167 = arith.constant 1 : i32
      scf.for %parallel_loop3A_505 = %parallel_loop3A to %parallel_loop3A_166 step %parallel_loop3A_167  : i32 {
        %parallel_loop3A_506 = arith.index_cast %parallel_loop3A_505 : i32 to index
        %parallel_loop3A_507 = arith.constant 128 : index
        %parallel_loop3A_508 = tpu.vector_load %arg22[%parallel_loop3A_506, %parallel_loop3A_507] {strides = array<i32>} : memref<64x144xf32, #tpu.memory_space<vmem>>, vector<1x16xf32>,
        %parallel_loop3A_509 = vector.shape_cast %parallel_loop3A_508 : vector<1x16xf32> to vector<16xf32>
        %parallel_loop3A_510 = arith.index_cast %parallel_loop3A_505 : i32 to index
        %parallel_loop3A_511 = arith.constant 0 : index
        %parallel_loop3A_512 = tpu.vector_load %arg19[%parallel_loop3A_510, %parallel_loop3A_511] {strides = array<i32>} : memref<64x16xf32, #tpu.memory_space<vmem>>, vector<1x16xf32>,
        %parallel_loop3A_513 = vector.shape_cast %parallel_loop3A_512 : vector<1x16xf32> to vector<16xf32>
        %parallel_loop3A_514 = arith.addf %parallel_loop3A_509, %parallel_loop3A_513 : vector<16xf32>
        %parallel_loop3A_515 = arith.constant 2.000000e-01 : f32
        %parallel_loop3A_516 = vector.broadcast %parallel_loop3A_515 : f32 to vector<16xf32>
        %parallel_loop3A_517 = arith.mulf %parallel_loop3A_516, %parallel_loop3A_514 : vector<16xf32>
        %parallel_loop3A_518 = arith.maximumf %parallel_loop3A_514, %parallel_loop3A_517 : vector<16xf32>
        %parallel_loop3A_519 = math.exp %parallel_loop3A_518 : vector<16xf32>
        %parallel_loop3A_520 = arith.index_cast %parallel_loop3A_505 : i32 to index
        %parallel_loop3A_521 = arith.constant 128 : index
        %parallel_loop3A_522 = tpu.vector_load %arg22[%parallel_loop3A_520, %parallel_loop3A_521] {strides = array<i32>} : memref<64x144xf32, #tpu.memory_space<vmem>>, vector<1x16xf32>,
        %parallel_loop3A_523 = vector.shape_cast %parallel_loop3A_522 : vector<1x16xf32> to vector<16xf32>
        %parallel_loop3A_524 = vector.shape_cast %parallel_loop3A_519 : vector<16xf32> to vector<1x16xf32>
        tpu.vector_store %arg22[%parallel_loop3A_520, %parallel_loop3A_521], %parallel_loop3A_524 {strides = array<i32>} : memref<64x144xf32, #tpu.memory_space<vmem>>, vector<1x16xf32>,
      } {sc.loop_unroll_factor = 4 : i64, sc.parallel_access}
      %parallel_loop3A_168 = arith.constant 0 : i32
      %parallel_loop3A_169 = arith.constant 64 : i32
      %parallel_loop3A_170 = arith.constant 1 : i32
      scf.for %parallel_loop3A_505 = %parallel_loop3A_168 to %parallel_loop3A_169 step %parallel_loop3A_170  : i32 {
        %parallel_loop3A_506 = arith.index_cast %parallel_loop3A_505 : i32 to index
        %parallel_loop3A_507 = arith.constant 128 : index
        %parallel_loop3A_508 = tpu.vector_load %arg22[%parallel_loop3A_506, %parallel_loop3A_507] {strides = array<i32>} : memref<64x144xf32, #tpu.memory_space<vmem>>, vector<1x16xf32>,
        %parallel_loop3A_509 = vector.shape_cast %parallel_loop3A_508 : vector<1x16xf32> to vector<16xf32>
        %parallel_loop3A_510 = arith.index_cast %parallel_loop3A_505 : i32 to index
        %parallel_loop3A_511 = arith.constant 0 : index
        %parallel_loop3A_512 = tpu.vector_load %arg22[%parallel_loop3A_510, %parallel_loop3A_511] {strides = array<i32>} : memref<64x144xf32, #tpu.memory_space<vmem>>, vector<1x16xf32>,
        %parallel_loop3A_513 = vector.shape_cast %parallel_loop3A_512 : vector<1x16xf32> to vector<16xf32>
        %parallel_loop3A_514 = vector.extract_strided_slice %parallel_loop3A_509 {offsets = [0], sizes = [1], strides = [1]} : vector<16xf32> to vector<1xf32>
        %parallel_loop3A_515 = vector.extract %parallel_loop3A_514[0] : f32 from vector<1xf32>
        %parallel_loop3A_516 = vector.broadcast %parallel_loop3A_515 : f32 to vector<16xf32>
        %parallel_loop3A_517 = arith.mulf %parallel_loop3A_513, %parallel_loop3A_516 : vector<16xf32>
        %parallel_loop3A_518 = arith.index_cast %parallel_loop3A_505 : i32 to index
        %parallel_loop3A_519 = arith.constant 0 : index
        %parallel_loop3A_520 = tpu.vector_load %arg22[%parallel_loop3A_518, %parallel_loop3A_519] {strides = array<i32>} : memref<64x144xf32, #tpu.memory_space<vmem>>, vector<1x16xf32>,
        %parallel_loop3A_521 = vector.shape_cast %parallel_loop3A_520 : vector<1x16xf32> to vector<16xf32>
        %parallel_loop3A_522 = vector.shape_cast %parallel_loop3A_517 : vector<16xf32> to vector<1x16xf32>
        tpu.vector_store %arg22[%parallel_loop3A_518, %parallel_loop3A_519], %parallel_loop3A_522 {strides = array<i32>} : memref<64x144xf32, #tpu.memory_space<vmem>>, vector<1x16xf32>,
        %parallel_loop3A_523 = arith.index_cast %parallel_loop3A_505 : i32 to index
        %parallel_loop3A_524 = arith.constant 16 : index
        %parallel_loop3A_525 = tpu.vector_load %arg22[%parallel_loop3A_523, %parallel_loop3A_524] {strides = array<i32>} : memref<64x144xf32, #tpu.memory_space<vmem>>, vector<1x16xf32>,
        %parallel_loop3A_526 = vector.shape_cast %parallel_loop3A_525 : vector<1x16xf32> to vector<16xf32>
        %parallel_loop3A_527 = vector.extract_strided_slice %parallel_loop3A_509 {offsets = [1], sizes = [1], strides = [1]} : vector<16xf32> to vector<1xf32>
        %parallel_loop3A_528 = vector.extract %parallel_loop3A_527[0] : f32 from vector<1xf32>
        %parallel_loop3A_529 = vector.broadcast %parallel_loop3A_528 : f32 to vector<16xf32>
        %parallel_loop3A_530 = arith.mulf %parallel_loop3A_526, %parallel_loop3A_529 : vector<16xf32>
        %parallel_loop3A_531 = arith.index_cast %parallel_loop3A_505 : i32 to index
        %parallel_loop3A_532 = arith.constant 16 : index
        %parallel_loop3A_533 = tpu.vector_load %arg22[%parallel_loop3A_531, %parallel_loop3A_532] {strides = array<i32>} : memref<64x144xf32, #tpu.memory_space<vmem>>, vector<1x16xf32>,
        %parallel_loop3A_534 = vector.shape_cast %parallel_loop3A_533 : vector<1x16xf32> to vector<16xf32>
        %parallel_loop3A_535 = vector.shape_cast %parallel_loop3A_530 : vector<16xf32> to vector<1x16xf32>
        tpu.vector_store %arg22[%parallel_loop3A_531, %parallel_loop3A_532], %parallel_loop3A_535 {strides = array<i32>} : memref<64x144xf32, #tpu.memory_space<vmem>>, vector<1x16xf32>,
        %parallel_loop3A_536 = arith.index_cast %parallel_loop3A_505 : i32 to index
        %parallel_loop3A_537 = arith.constant 32 : index
        %parallel_loop3A_538 = tpu.vector_load %arg22[%parallel_loop3A_536, %parallel_loop3A_537] {strides = array<i32>} : memref<64x144xf32, #tpu.memory_space<vmem>>, vector<1x16xf32>,
        %parallel_loop3A_539 = vector.shape_cast %parallel_loop3A_538 : vector<1x16xf32> to vector<16xf32>
        %parallel_loop3A_540 = vector.extract_strided_slice %parallel_loop3A_509 {offsets = [2], sizes = [1], strides = [1]} : vector<16xf32> to vector<1xf32>
        %parallel_loop3A_541 = vector.extract %parallel_loop3A_540[0] : f32 from vector<1xf32>
        %parallel_loop3A_542 = vector.broadcast %parallel_loop3A_541 : f32 to vector<16xf32>
        %parallel_loop3A_543 = arith.mulf %parallel_loop3A_539, %parallel_loop3A_542 : vector<16xf32>
        %parallel_loop3A_544 = arith.index_cast %parallel_loop3A_505 : i32 to index
        %parallel_loop3A_545 = arith.constant 32 : index
        %parallel_loop3A_546 = tpu.vector_load %arg22[%parallel_loop3A_544, %parallel_loop3A_545] {strides = array<i32>} : memref<64x144xf32, #tpu.memory_space<vmem>>, vector<1x16xf32>,
        %parallel_loop3A_547 = vector.shape_cast %parallel_loop3A_546 : vector<1x16xf32> to vector<16xf32>
        %parallel_loop3A_548 = vector.shape_cast %parallel_loop3A_543 : vector<16xf32> to vector<1x16xf32>
        tpu.vector_store %arg22[%parallel_loop3A_544, %parallel_loop3A_545], %parallel_loop3A_548 {strides = array<i32>} : memref<64x144xf32, #tpu.memory_space<vmem>>, vector<1x16xf32>,
        %parallel_loop3A_549 = arith.index_cast %parallel_loop3A_505 : i32 to index
        %parallel_loop3A_550 = arith.constant 48 : index
        %parallel_loop3A_551 = tpu.vector_load %arg22[%parallel_loop3A_549, %parallel_loop3A_550] {strides = array<i32>} : memref<64x144xf32, #tpu.memory_space<vmem>>, vector<1x16xf32>,
        %parallel_loop3A_552 = vector.shape_cast %parallel_loop3A_551 : vector<1x16xf32> to vector<16xf32>
        %parallel_loop3A_553 = vector.extract_strided_slice %parallel_loop3A_509 {offsets = [3], sizes = [1], strides = [1]} : vector<16xf32> to vector<1xf32>
        %parallel_loop3A_554 = vector.extract %parallel_loop3A_553[0] : f32 from vector<1xf32>
        %parallel_loop3A_555 = vector.broadcast %parallel_loop3A_554 : f32 to vector<16xf32>
        %parallel_loop3A_556 = arith.mulf %parallel_loop3A_552, %parallel_loop3A_555 : vector<16xf32>
        %parallel_loop3A_557 = arith.index_cast %parallel_loop3A_505 : i32 to index
        %parallel_loop3A_558 = arith.constant 48 : index
        %parallel_loop3A_559 = tpu.vector_load %arg22[%parallel_loop3A_557, %parallel_loop3A_558] {strides = array<i32>} : memref<64x144xf32, #tpu.memory_space<vmem>>, vector<1x16xf32>,
        %parallel_loop3A_560 = vector.shape_cast %parallel_loop3A_559 : vector<1x16xf32> to vector<16xf32>
        %parallel_loop3A_561 = vector.shape_cast %parallel_loop3A_556 : vector<16xf32> to vector<1x16xf32>
        tpu.vector_store %arg22[%parallel_loop3A_557, %parallel_loop3A_558], %parallel_loop3A_561 {strides = array<i32>} : memref<64x144xf32, #tpu.memory_space<vmem>>, vector<1x16xf32>,
        %parallel_loop3A_562 = arith.index_cast %parallel_loop3A_505 : i32 to index
        %parallel_loop3A_563 = arith.constant 64 : index
        %parallel_loop3A_564 = tpu.vector_load %arg22[%parallel_loop3A_562, %parallel_loop3A_563] {strides = array<i32>} : memref<64x144xf32, #tpu.memory_space<vmem>>, vector<1x16xf32>,
        %parallel_loop3A_565 = vector.shape_cast %parallel_loop3A_564 : vector<1x16xf32> to vector<16xf32>
        %parallel_loop3A_566 = vector.extract_strided_slice %parallel_loop3A_509 {offsets = [4], sizes = [1], strides = [1]} : vector<16xf32> to vector<1xf32>
        %parallel_loop3A_567 = vector.extract %parallel_loop3A_566[0] : f32 from vector<1xf32>
        %parallel_loop3A_568 = vector.broadcast %parallel_loop3A_567 : f32 to vector<16xf32>
        %parallel_loop3A_569 = arith.mulf %parallel_loop3A_565, %parallel_loop3A_568 : vector<16xf32>
        %parallel_loop3A_570 = arith.index_cast %parallel_loop3A_505 : i32 to index
        %parallel_loop3A_571 = arith.constant 64 : index
        %parallel_loop3A_572 = tpu.vector_load %arg22[%parallel_loop3A_570, %parallel_loop3A_571] {strides = array<i32>} : memref<64x144xf32, #tpu.memory_space<vmem>>, vector<1x16xf32>,
        %parallel_loop3A_573 = vector.shape_cast %parallel_loop3A_572 : vector<1x16xf32> to vector<16xf32>
        %parallel_loop3A_574 = vector.shape_cast %parallel_loop3A_569 : vector<16xf32> to vector<1x16xf32>
        tpu.vector_store %arg22[%parallel_loop3A_570, %parallel_loop3A_571], %parallel_loop3A_574 {strides = array<i32>} : memref<64x144xf32, #tpu.memory_space<vmem>>, vector<1x16xf32>,
        %parallel_loop3A_575 = arith.index_cast %parallel_loop3A_505 : i32 to index
        %parallel_loop3A_576 = arith.constant 80 : index
        %parallel_loop3A_577 = tpu.vector_load %arg22[%parallel_loop3A_575, %parallel_loop3A_576] {strides = array<i32>} : memref<64x144xf32, #tpu.memory_space<vmem>>, vector<1x16xf32>,
        %parallel_loop3A_578 = vector.shape_cast %parallel_loop3A_577 : vector<1x16xf32> to vector<16xf32>
        %parallel_loop3A_579 = vector.extract_strided_slice %parallel_loop3A_509 {offsets = [5], sizes = [1], strides = [1]} : vector<16xf32> to vector<1xf32>
        %parallel_loop3A_580 = vector.extract %parallel_loop3A_579[0] : f32 from vector<1xf32>
        %parallel_loop3A_581 = vector.broadcast %parallel_loop3A_580 : f32 to vector<16xf32>
        %parallel_loop3A_582 = arith.mulf %parallel_loop3A_578, %parallel_loop3A_581 : vector<16xf32>
        %parallel_loop3A_583 = arith.index_cast %parallel_loop3A_505 : i32 to index
        %parallel_loop3A_584 = arith.constant 80 : index
        %parallel_loop3A_585 = tpu.vector_load %arg22[%parallel_loop3A_583, %parallel_loop3A_584] {strides = array<i32>} : memref<64x144xf32, #tpu.memory_space<vmem>>, vector<1x16xf32>,
        %parallel_loop3A_586 = vector.shape_cast %parallel_loop3A_585 : vector<1x16xf32> to vector<16xf32>
        %parallel_loop3A_587 = vector.shape_cast %parallel_loop3A_582 : vector<16xf32> to vector<1x16xf32>
        tpu.vector_store %arg22[%parallel_loop3A_583, %parallel_loop3A_584], %parallel_loop3A_587 {strides = array<i32>} : memref<64x144xf32, #tpu.memory_space<vmem>>, vector<1x16xf32>,
        %parallel_loop3A_588 = arith.index_cast %parallel_loop3A_505 : i32 to index
        %parallel_loop3A_589 = arith.constant 96 : index
        %parallel_loop3A_590 = tpu.vector_load %arg22[%parallel_loop3A_588, %parallel_loop3A_589] {strides = array<i32>} : memref<64x144xf32, #tpu.memory_space<vmem>>, vector<1x16xf32>,
        %parallel_loop3A_591 = vector.shape_cast %parallel_loop3A_590 : vector<1x16xf32> to vector<16xf32>
        %parallel_loop3A_592 = vector.extract_strided_slice %parallel_loop3A_509 {offsets = [6], sizes = [1], strides = [1]} : vector<16xf32> to vector<1xf32>
        %parallel_loop3A_593 = vector.extract %parallel_loop3A_592[0] : f32 from vector<1xf32>
        %parallel_loop3A_594 = vector.broadcast %parallel_loop3A_593 : f32 to vector<16xf32>
        %parallel_loop3A_595 = arith.mulf %parallel_loop3A_591, %parallel_loop3A_594 : vector<16xf32>
        %parallel_loop3A_596 = arith.index_cast %parallel_loop3A_505 : i32 to index
        %parallel_loop3A_597 = arith.constant 96 : index
        %parallel_loop3A_598 = tpu.vector_load %arg22[%parallel_loop3A_596, %parallel_loop3A_597] {strides = array<i32>} : memref<64x144xf32, #tpu.memory_space<vmem>>, vector<1x16xf32>,
        %parallel_loop3A_599 = vector.shape_cast %parallel_loop3A_598 : vector<1x16xf32> to vector<16xf32>
        %parallel_loop3A_600 = vector.shape_cast %parallel_loop3A_595 : vector<16xf32> to vector<1x16xf32>
        tpu.vector_store %arg22[%parallel_loop3A_596, %parallel_loop3A_597], %parallel_loop3A_600 {strides = array<i32>} : memref<64x144xf32, #tpu.memory_space<vmem>>, vector<1x16xf32>,
        %parallel_loop3A_601 = arith.index_cast %parallel_loop3A_505 : i32 to index
        %parallel_loop3A_602 = arith.constant 112 : index
        %parallel_loop3A_603 = tpu.vector_load %arg22[%parallel_loop3A_601, %parallel_loop3A_602] {strides = array<i32>} : memref<64x144xf32, #tpu.memory_space<vmem>>, vector<1x16xf32>,
        %parallel_loop3A_604 = vector.shape_cast %parallel_loop3A_603 : vector<1x16xf32> to vector<16xf32>
        %parallel_loop3A_605 = vector.extract_strided_slice %parallel_loop3A_509 {offsets = [7], sizes = [1], strides = [1]} : vector<16xf32> to vector<1xf32>
        %parallel_loop3A_606 = vector.extract %parallel_loop3A_605[0] : f32 from vector<1xf32>
        %parallel_loop3A_607 = vector.broadcast %parallel_loop3A_606 : f32 to vector<16xf32>
        %parallel_loop3A_608 = arith.mulf %parallel_loop3A_604, %parallel_loop3A_607 : vector<16xf32>
        %parallel_loop3A_609 = arith.index_cast %parallel_loop3A_505 : i32 to index
        %parallel_loop3A_610 = arith.constant 112 : index
        %parallel_loop3A_611 = tpu.vector_load %arg22[%parallel_loop3A_609, %parallel_loop3A_610] {strides = array<i32>} : memref<64x144xf32, #tpu.memory_space<vmem>>, vector<1x16xf32>,
        %parallel_loop3A_612 = vector.shape_cast %parallel_loop3A_611 : vector<1x16xf32> to vector<16xf32>
        %parallel_loop3A_613 = vector.shape_cast %parallel_loop3A_608 : vector<16xf32> to vector<1x16xf32>
        tpu.vector_store %arg22[%parallel_loop3A_609, %parallel_loop3A_610], %parallel_loop3A_613 {strides = array<i32>} : memref<64x144xf32, #tpu.memory_space<vmem>>, vector<1x16xf32>,
      } {sc.loop_unroll_factor = 2 : i64, sc.parallel_access}
      %dma_start3A_171 = arith.constant 0 : i32
      %dma_start3A_172 = arith.constant 0 : i32
      %dma_start3A_173 = tpu.memref_slice %arg25[%dma_start3A_171, %dma_start3A_172] : memref<10240x144xf32, #tpu.memory_space<vmem_shared>> -> memref<10240x144xf32, #tpu.memory_space<vmem_shared>>
      tpu.enqueue_indirect_dma source(%arg22 : memref<64x144xf32, #tpu.memory_space<vmem>>) target(%dma_start3A_173 : memref<10240x144xf32, #tpu.memory_space<vmem_shared>>) offsets(%arg13 : memref<64xi32, #tpu.memory_space<vmem>>) semaphore(%arg29 : memref<!tpu.dma_semaphore, #tpu.memory_space<semaphore_mem>>) {add = true}
      %add3A_174 = arith.constant 0 : i32
      %add3A_175 = arith.addi %mul3A_127, %add3A_174 : i32
      %add3A_176 = arith.constant 2 : i32
      %add3A_177 = arith.addi %add3A_175, %add3A_176 : i32
      %dma_start3A_178 = arith.constant 0 : i32
      %dma_start3A_179 = tpu.memref_slice %arg2[%add3A, %add3A_177, %dma_start3A_178] : memref<32x164x64xi32, #tpu.memory_space<hbm>> -> memref<1x1x64xi32, #tpu.memory_space<hbm>>
      %dma_start3A_180 = tpu.memref_squeeze %dma_start3A_179 : memref<1x1x64xi32, #tpu.memory_space<hbm>> -> memref<64xi32, #tpu.memory_space<hbm>>
      %dma_start3A_181 = arith.constant 0 : i32
      %dma_start3A_182 = tpu.memref_slice %arg2[%add3A, %add3A_177, %dma_start3A_181] : memref<32x164x64xi32, #tpu.memory_space<hbm>> -> memref<1x1x64xi32, #tpu.memory_space<hbm>>
      %dma_start3A_183 = tpu.memref_squeeze %dma_start3A_182 : memref<1x1x64xi32, #tpu.memory_space<hbm>> -> memref<64xi32, #tpu.memory_space<hbm>>
      tpu.enqueue_dma source(%dma_start3A_183 : memref<64xi32, #tpu.memory_space<hbm>>) target(%arg9 : memref<64xi32, #tpu.memory_space<vmem>>) target_semaphore(%arg34 : memref<!tpu.dma_semaphore, #tpu.memory_space<semaphore_mem>>)
      %dma_start3A_184 = arith.constant 0 : i32
      %dma_start3A_185 = tpu.memref_slice %arg3[%add3A, %add3A_177, %dma_start3A_184] : memref<32x164x64xi32, #tpu.memory_space<hbm>> -> memref<1x1x64xi32, #tpu.memory_space<hbm>>
      %dma_start3A_186 = tpu.memref_squeeze %dma_start3A_185 : memref<1x1x64xi32, #tpu.memory_space<hbm>> -> memref<64xi32, #tpu.memory_space<hbm>>
      %dma_start3A_187 = arith.constant 0 : i32
      %dma_start3A_188 = tpu.memref_slice %arg3[%add3A, %add3A_177, %dma_start3A_187] : memref<32x164x64xi32, #tpu.memory_space<hbm>> -> memref<1x1x64xi32, #tpu.memory_space<hbm>>
      %dma_start3A_189 = tpu.memref_squeeze %dma_start3A_188 : memref<1x1x64xi32, #tpu.memory_space<hbm>> -> memref<64xi32, #tpu.memory_space<hbm>>
      tpu.enqueue_dma source(%dma_start3A_189 : memref<64xi32, #tpu.memory_space<hbm>>) target(%arg15 : memref<64xi32, #tpu.memory_space<vmem>>) target_semaphore(%arg34 : memref<!tpu.dma_semaphore, #tpu.memory_space<semaphore_mem>>)
      %dma_wait3A_190 = arith.constant 0 : i32
      %dma_wait3A_191 = arith.constant 0 : i32
      %dma_wait3A_192 = tpu.memref_slice %arg4[%dma_wait3A_190, %dma_wait3A_191] : memref<10240x144xf32, #tpu.memory_space<hbm>> -> memref<64x144xf32, #tpu.memory_space<hbm>>
      %dma_wait3A_193 = arith.constant 0 : i32
      %dma_wait3A_194 = arith.constant 0 : i32
      %dma_wait3A_195 = tpu.memref_slice %arg4[%dma_wait3A_193, %dma_wait3A_194] : memref<10240x144xf32, #tpu.memory_space<hbm>> -> memref<64x144xf32, #tpu.memory_space<hbm>>
      tpu.wait_dma2 semaphore(%arg27 : memref<!tpu.dma_semaphore, #tpu.memory_space<semaphore_mem>>) src(%dma_wait3A_195 : memref<64x144xf32, #tpu.memory_space<hbm>>) dst(%arg23 : memref<64x144xf32, #tpu.memory_space<vmem>>)
      %dma_wait3A_196 = arith.constant 0 : i32
      %dma_wait3A_197 = arith.constant 0 : i32
      %dma_wait3A_198 = tpu.memref_slice %arg5[%dma_wait3A_196, %dma_wait3A_197] : memref<10240x16xf32, #tpu.memory_space<hbm>> -> memref<64x16xf32, #tpu.memory_space<hbm>>
      %dma_wait3A_199 = arith.constant 0 : i32
      %dma_wait3A_200 = arith.constant 0 : i32
      %dma_wait3A_201 = tpu.memref_slice %arg5[%dma_wait3A_199, %dma_wait3A_200] : memref<10240x16xf32, #tpu.memory_space<hbm>> -> memref<64x16xf32, #tpu.memory_space<hbm>>
      tpu.wait_dma2 semaphore(%arg27 : memref<!tpu.dma_semaphore, #tpu.memory_space<semaphore_mem>>) src(%dma_wait3A_201 : memref<64x16xf32, #tpu.memory_space<hbm>>) dst(%arg20 : memref<64x16xf32, #tpu.memory_space<vmem>>)
      %dma_wait3A_202 = arith.constant 0 : i32
      %dma_wait3A_203 = arith.constant 0 : i32
      %dma_wait3A_204 = tpu.memref_slice %arg4[%dma_wait3A_202, %dma_wait3A_203] : memref<10240x144xf32, #tpu.memory_space<hbm>> -> memref<64x144xf32, #tpu.memory_space<hbm>>
      %dma_wait3A_205 = arith.constant 0 : i32
      %dma_wait3A_206 = arith.constant 0 : i32
      %dma_wait3A_207 = tpu.memref_slice %arg4[%dma_wait3A_205, %dma_wait3A_206] : memref<10240x144xf32, #tpu.memory_space<hbm>> -> memref<64x144xf32, #tpu.memory_space<hbm>>
      tpu.wait_dma2 semaphore(%arg31 : memref<!tpu.dma_semaphore, #tpu.memory_space<semaphore_mem>>) src(%dma_wait3A_207 : memref<64x144xf32, #tpu.memory_space<hbm>>) dst(%arg24 : memref<64x144xf32, #tpu.memory_space<vmem>>)
      %dma_wait3A_208 = arith.constant 0 : i32
      %dma_wait3A_209 = arith.constant 0 : i32
      %dma_wait3A_210 = tpu.memref_slice %arg2[%add3A, %dma_wait3A_208, %dma_wait3A_209] : memref<32x164x64xi32, #tpu.memory_space<hbm>> -> memref<1x1x64xi32, #tpu.memory_space<hbm>>
      %dma_wait3A_211 = tpu.memref_squeeze %dma_wait3A_210 : memref<1x1x64xi32, #tpu.memory_space<hbm>> -> memref<64xi32, #tpu.memory_space<hbm>>
      %dma_wait3A_212 = arith.constant 0 : i32
      %dma_wait3A_213 = tpu.memref_slice %arg2[%add3A, %dma_wait3A_208, %dma_wait3A_212] : memref<32x164x64xi32, #tpu.memory_space<hbm>> -> memref<1x1x64xi32, #tpu.memory_space<hbm>>
      %dma_wait3A_214 = tpu.memref_squeeze %dma_wait3A_213 : memref<1x1x64xi32, #tpu.memory_space<hbm>> -> memref<64xi32, #tpu.memory_space<hbm>>
      tpu.wait_dma2 semaphore(%arg34 : memref<!tpu.dma_semaphore, #tpu.memory_space<semaphore_mem>>) src(%dma_wait3A_214 : memref<64xi32, #tpu.memory_space<hbm>>) dst(%arg9 : memref<64xi32, #tpu.memory_space<vmem>>)
      %dma_wait3A_215 = arith.constant 0 : i32
      %dma_wait3A_216 = arith.constant 0 : i32
      %dma_wait3A_217 = tpu.memref_slice %arg2[%add3A, %dma_wait3A_215, %dma_wait3A_216] : memref<32x164x64xi32, #tpu.memory_space<hbm>> -> memref<1x1x64xi32, #tpu.memory_space<hbm>>
      %dma_wait3A_218 = tpu.memref_squeeze %dma_wait3A_217 : memref<1x1x64xi32, #tpu.memory_space<hbm>> -> memref<64xi32, #tpu.memory_space<hbm>>
      %dma_wait3A_219 = arith.constant 0 : i32
      %dma_wait3A_220 = tpu.memref_slice %arg2[%add3A, %dma_wait3A_215, %dma_wait3A_219] : memref<32x164x64xi32, #tpu.memory_space<hbm>> -> memref<1x1x64xi32, #tpu.memory_space<hbm>>
      %dma_wait3A_221 = tpu.memref_squeeze %dma_wait3A_220 : memref<1x1x64xi32, #tpu.memory_space<hbm>> -> memref<64xi32, #tpu.memory_space<hbm>>
      tpu.wait_dma2 semaphore(%arg34 : memref<!tpu.dma_semaphore, #tpu.memory_space<semaphore_mem>>) src(%dma_wait3A_221 : memref<64xi32, #tpu.memory_space<hbm>>) dst(%arg15 : memref<64xi32, #tpu.memory_space<vmem>>)
      %dma_start3A_222 = arith.constant 0 : i32
      %dma_start3A_223 = arith.constant 0 : i32
      %dma_start3A_224 = tpu.memref_slice %arg4[%dma_start3A_222, %dma_start3A_223] : memref<10240x144xf32, #tpu.memory_space<hbm>> -> memref<10240x144xf32, #tpu.memory_space<hbm>>
      tpu.enqueue_indirect_dma source(%dma_start3A_224 : memref<10240x144xf32, #tpu.memory_space<hbm>>) target(%arg24 : memref<64x144xf32, #tpu.memory_space<vmem>>) offsets(%arg9 : memref<64xi32, #tpu.memory_space<vmem>>) semaphore(%arg28 : memref<!tpu.dma_semaphore, #tpu.memory_space<semaphore_mem>>)
      %dma_start3A_225 = arith.constant 0 : i32
      %dma_start3A_226 = arith.constant 0 : i32
      %dma_start3A_227 = tpu.memref_slice %arg5[%dma_start3A_225, %dma_start3A_226] : memref<10240x16xf32, #tpu.memory_space<hbm>> -> memref<10240x16xf32, #tpu.memory_space<hbm>>
      tpu.enqueue_indirect_dma source(%dma_start3A_227 : memref<10240x16xf32, #tpu.memory_space<hbm>>) target(%arg21 : memref<64x16xf32, #tpu.memory_space<vmem>>) offsets(%arg15 : memref<64xi32, #tpu.memory_space<vmem>>) semaphore(%arg28 : memref<!tpu.dma_semaphore, #tpu.memory_space<semaphore_mem>>)
      %parallel_loop3A_228 = arith.constant 0 : i32
      %parallel_loop3A_229 = arith.constant 64 : i32
      %parallel_loop3A_230 = arith.constant 1 : i32
      scf.for %parallel_loop3A_505 = %parallel_loop3A_228 to %parallel_loop3A_229 step %parallel_loop3A_230  : i32 {
        %parallel_loop3A_506 = arith.index_cast %parallel_loop3A_505 : i32 to index
        %parallel_loop3A_507 = arith.constant 128 : index
        %parallel_loop3A_508 = tpu.vector_load %arg23[%parallel_loop3A_506, %parallel_loop3A_507] {strides = array<i32>} : memref<64x144xf32, #tpu.memory_space<vmem>>, vector<1x16xf32>,
        %parallel_loop3A_509 = vector.shape_cast %parallel_loop3A_508 : vector<1x16xf32> to vector<16xf32>
        %parallel_loop3A_510 = arith.index_cast %parallel_loop3A_505 : i32 to index
        %parallel_loop3A_511 = arith.constant 0 : index
        %parallel_loop3A_512 = tpu.vector_load %arg20[%parallel_loop3A_510, %parallel_loop3A_511] {strides = array<i32>} : memref<64x16xf32, #tpu.memory_space<vmem>>, vector<1x16xf32>,
        %parallel_loop3A_513 = vector.shape_cast %parallel_loop3A_512 : vector<1x16xf32> to vector<16xf32>
        %parallel_loop3A_514 = arith.addf %parallel_loop3A_509, %parallel_loop3A_513 : vector<16xf32>
        %parallel_loop3A_515 = arith.constant 2.000000e-01 : f32
        %parallel_loop3A_516 = vector.broadcast %parallel_loop3A_515 : f32 to vector<16xf32>
        %parallel_loop3A_517 = arith.mulf %parallel_loop3A_516, %parallel_loop3A_514 : vector<16xf32>
        %parallel_loop3A_518 = arith.maximumf %parallel_loop3A_514, %parallel_loop3A_517 : vector<16xf32>
        %parallel_loop3A_519 = math.exp %parallel_loop3A_518 : vector<16xf32>
        %parallel_loop3A_520 = arith.index_cast %parallel_loop3A_505 : i32 to index
        %parallel_loop3A_521 = arith.constant 128 : index
        %parallel_loop3A_522 = tpu.vector_load %arg23[%parallel_loop3A_520, %parallel_loop3A_521] {strides = array<i32>} : memref<64x144xf32, #tpu.memory_space<vmem>>, vector<1x16xf32>,
        %parallel_loop3A_523 = vector.shape_cast %parallel_loop3A_522 : vector<1x16xf32> to vector<16xf32>
        %parallel_loop3A_524 = vector.shape_cast %parallel_loop3A_519 : vector<16xf32> to vector<1x16xf32>
        tpu.vector_store %arg23[%parallel_loop3A_520, %parallel_loop3A_521], %parallel_loop3A_524 {strides = array<i32>} : memref<64x144xf32, #tpu.memory_space<vmem>>, vector<1x16xf32>,
      } {sc.loop_unroll_factor = 4 : i64, sc.parallel_access}
      %parallel_loop3A_231 = arith.constant 0 : i32
      %parallel_loop3A_232 = arith.constant 64 : i32
      %parallel_loop3A_233 = arith.constant 1 : i32
      scf.for %parallel_loop3A_505 = %parallel_loop3A_231 to %parallel_loop3A_232 step %parallel_loop3A_233  : i32 {
        %parallel_loop3A_506 = arith.index_cast %parallel_loop3A_505 : i32 to index
        %parallel_loop3A_507 = arith.constant 128 : index
        %parallel_loop3A_508 = tpu.vector_load %arg23[%parallel_loop3A_506, %parallel_loop3A_507] {strides = array<i32>} : memref<64x144xf32, #tpu.memory_space<vmem>>, vector<1x16xf32>,
        %parallel_loop3A_509 = vector.shape_cast %parallel_loop3A_508 : vector<1x16xf32> to vector<16xf32>
        %parallel_loop3A_510 = arith.index_cast %parallel_loop3A_505 : i32 to index
        %parallel_loop3A_511 = arith.constant 0 : index
        %parallel_loop3A_512 = tpu.vector_load %arg23[%parallel_loop3A_510, %parallel_loop3A_511] {strides = array<i32>} : memref<64x144xf32, #tpu.memory_space<vmem>>, vector<1x16xf32>,
        %parallel_loop3A_513 = vector.shape_cast %parallel_loop3A_512 : vector<1x16xf32> to vector<16xf32>
        %parallel_loop3A_514 = vector.extract_strided_slice %parallel_loop3A_509 {offsets = [0], sizes = [1], strides = [1]} : vector<16xf32> to vector<1xf32>
        %parallel_loop3A_515 = vector.extract %parallel_loop3A_514[0] : f32 from vector<1xf32>
        %parallel_loop3A_516 = vector.broadcast %parallel_loop3A_515 : f32 to vector<16xf32>
        %parallel_loop3A_517 = arith.mulf %parallel_loop3A_513, %parallel_loop3A_516 : vector<16xf32>
        %parallel_loop3A_518 = arith.index_cast %parallel_loop3A_505 : i32 to index
        %parallel_loop3A_519 = arith.constant 0 : index
        %parallel_loop3A_520 = tpu.vector_load %arg23[%parallel_loop3A_518, %parallel_loop3A_519] {strides = array<i32>} : memref<64x144xf32, #tpu.memory_space<vmem>>, vector<1x16xf32>,
        %parallel_loop3A_521 = vector.shape_cast %parallel_loop3A_520 : vector<1x16xf32> to vector<16xf32>
        %parallel_loop3A_522 = vector.shape_cast %parallel_loop3A_517 : vector<16xf32> to vector<1x16xf32>
        tpu.vector_store %arg23[%parallel_loop3A_518, %parallel_loop3A_519], %parallel_loop3A_522 {strides = array<i32>} : memref<64x144xf32, #tpu.memory_space<vmem>>, vector<1x16xf32>,
        %parallel_loop3A_523 = arith.index_cast %parallel_loop3A_505 : i32 to index
        %parallel_loop3A_524 = arith.constant 16 : index
        %parallel_loop3A_525 = tpu.vector_load %arg23[%parallel_loop3A_523, %parallel_loop3A_524] {strides = array<i32>} : memref<64x144xf32, #tpu.memory_space<vmem>>, vector<1x16xf32>,
        %parallel_loop3A_526 = vector.shape_cast %parallel_loop3A_525 : vector<1x16xf32> to vector<16xf32>
        %parallel_loop3A_527 = vector.extract_strided_slice %parallel_loop3A_509 {offsets = [1], sizes = [1], strides = [1]} : vector<16xf32> to vector<1xf32>
        %parallel_loop3A_528 = vector.extract %parallel_loop3A_527[0] : f32 from vector<1xf32>
        %parallel_loop3A_529 = vector.broadcast %parallel_loop3A_528 : f32 to vector<16xf32>
        %parallel_loop3A_530 = arith.mulf %parallel_loop3A_526, %parallel_loop3A_529 : vector<16xf32>
        %parallel_loop3A_531 = arith.index_cast %parallel_loop3A_505 : i32 to index
        %parallel_loop3A_532 = arith.constant 16 : index
        %parallel_loop3A_533 = tpu.vector_load %arg23[%parallel_loop3A_531, %parallel_loop3A_532] {strides = array<i32>} : memref<64x144xf32, #tpu.memory_space<vmem>>, vector<1x16xf32>,
        %parallel_loop3A_534 = vector.shape_cast %parallel_loop3A_533 : vector<1x16xf32> to vector<16xf32>
        %parallel_loop3A_535 = vector.shape_cast %parallel_loop3A_530 : vector<16xf32> to vector<1x16xf32>
        tpu.vector_store %arg23[%parallel_loop3A_531, %parallel_loop3A_532], %parallel_loop3A_535 {strides = array<i32>} : memref<64x144xf32, #tpu.memory_space<vmem>>, vector<1x16xf32>,
        %parallel_loop3A_536 = arith.index_cast %parallel_loop3A_505 : i32 to index
        %parallel_loop3A_537 = arith.constant 32 : index
        %parallel_loop3A_538 = tpu.vector_load %arg23[%parallel_loop3A_536, %parallel_loop3A_537] {strides = array<i32>} : memref<64x144xf32, #tpu.memory_space<vmem>>, vector<1x16xf32>,
        %parallel_loop3A_539 = vector.shape_cast %parallel_loop3A_538 : vector<1x16xf32> to vector<16xf32>
        %parallel_loop3A_540 = vector.extract_strided_slice %parallel_loop3A_509 {offsets = [2], sizes = [1], strides = [1]} : vector<16xf32> to vector<1xf32>
        %parallel_loop3A_541 = vector.extract %parallel_loop3A_540[0] : f32 from vector<1xf32>
        %parallel_loop3A_542 = vector.broadcast %parallel_loop3A_541 : f32 to vector<16xf32>
        %parallel_loop3A_543 = arith.mulf %parallel_loop3A_539, %parallel_loop3A_542 : vector<16xf32>
        %parallel_loop3A_544 = arith.index_cast %parallel_loop3A_505 : i32 to index
        %parallel_loop3A_545 = arith.constant 32 : index
        %parallel_loop3A_546 = tpu.vector_load %arg23[%parallel_loop3A_544, %parallel_loop3A_545] {strides = array<i32>} : memref<64x144xf32, #tpu.memory_space<vmem>>, vector<1x16xf32>,
        %parallel_loop3A_547 = vector.shape_cast %parallel_loop3A_546 : vector<1x16xf32> to vector<16xf32>
        %parallel_loop3A_548 = vector.shape_cast %parallel_loop3A_543 : vector<16xf32> to vector<1x16xf32>
        tpu.vector_store %arg23[%parallel_loop3A_544, %parallel_loop3A_545], %parallel_loop3A_548 {strides = array<i32>} : memref<64x144xf32, #tpu.memory_space<vmem>>, vector<1x16xf32>,
        %parallel_loop3A_549 = arith.index_cast %parallel_loop3A_505 : i32 to index
        %parallel_loop3A_550 = arith.constant 48 : index
        %parallel_loop3A_551 = tpu.vector_load %arg23[%parallel_loop3A_549, %parallel_loop3A_550] {strides = array<i32>} : memref<64x144xf32, #tpu.memory_space<vmem>>, vector<1x16xf32>,
        %parallel_loop3A_552 = vector.shape_cast %parallel_loop3A_551 : vector<1x16xf32> to vector<16xf32>
        %parallel_loop3A_553 = vector.extract_strided_slice %parallel_loop3A_509 {offsets = [3], sizes = [1], strides = [1]} : vector<16xf32> to vector<1xf32>
        %parallel_loop3A_554 = vector.extract %parallel_loop3A_553[0] : f32 from vector<1xf32>
        %parallel_loop3A_555 = vector.broadcast %parallel_loop3A_554 : f32 to vector<16xf32>
        %parallel_loop3A_556 = arith.mulf %parallel_loop3A_552, %parallel_loop3A_555 : vector<16xf32>
        %parallel_loop3A_557 = arith.index_cast %parallel_loop3A_505 : i32 to index
        %parallel_loop3A_558 = arith.constant 48 : index
        %parallel_loop3A_559 = tpu.vector_load %arg23[%parallel_loop3A_557, %parallel_loop3A_558] {strides = array<i32>} : memref<64x144xf32, #tpu.memory_space<vmem>>, vector<1x16xf32>,
        %parallel_loop3A_560 = vector.shape_cast %parallel_loop3A_559 : vector<1x16xf32> to vector<16xf32>
        %parallel_loop3A_561 = vector.shape_cast %parallel_loop3A_556 : vector<16xf32> to vector<1x16xf32>
        tpu.vector_store %arg23[%parallel_loop3A_557, %parallel_loop3A_558], %parallel_loop3A_561 {strides = array<i32>} : memref<64x144xf32, #tpu.memory_space<vmem>>, vector<1x16xf32>,
        %parallel_loop3A_562 = arith.index_cast %parallel_loop3A_505 : i32 to index
        %parallel_loop3A_563 = arith.constant 64 : index
        %parallel_loop3A_564 = tpu.vector_load %arg23[%parallel_loop3A_562, %parallel_loop3A_563] {strides = array<i32>} : memref<64x144xf32, #tpu.memory_space<vmem>>, vector<1x16xf32>,
        %parallel_loop3A_565 = vector.shape_cast %parallel_loop3A_564 : vector<1x16xf32> to vector<16xf32>
        %parallel_loop3A_566 = vector.extract_strided_slice %parallel_loop3A_509 {offsets = [4], sizes = [1], strides = [1]} : vector<16xf32> to vector<1xf32>
        %parallel_loop3A_567 = vector.extract %parallel_loop3A_566[0] : f32 from vector<1xf32>
        %parallel_loop3A_568 = vector.broadcast %parallel_loop3A_567 : f32 to vector<16xf32>
        %parallel_loop3A_569 = arith.mulf %parallel_loop3A_565, %parallel_loop3A_568 : vector<16xf32>
        %parallel_loop3A_570 = arith.index_cast %parallel_loop3A_505 : i32 to index
        %parallel_loop3A_571 = arith.constant 64 : index
        %parallel_loop3A_572 = tpu.vector_load %arg23[%parallel_loop3A_570, %parallel_loop3A_571] {strides = array<i32>} : memref<64x144xf32, #tpu.memory_space<vmem>>, vector<1x16xf32>,
        %parallel_loop3A_573 = vector.shape_cast %parallel_loop3A_572 : vector<1x16xf32> to vector<16xf32>
        %parallel_loop3A_574 = vector.shape_cast %parallel_loop3A_569 : vector<16xf32> to vector<1x16xf32>
        tpu.vector_store %arg23[%parallel_loop3A_570, %parallel_loop3A_571], %parallel_loop3A_574 {strides = array<i32>} : memref<64x144xf32, #tpu.memory_space<vmem>>, vector<1x16xf32>,
        %parallel_loop3A_575 = arith.index_cast %parallel_loop3A_505 : i32 to index
        %parallel_loop3A_576 = arith.constant 80 : index
        %parallel_loop3A_577 = tpu.vector_load %arg23[%parallel_loop3A_575, %parallel_loop3A_576] {strides = array<i32>} : memref<64x144xf32, #tpu.memory_space<vmem>>, vector<1x16xf32>,
        %parallel_loop3A_578 = vector.shape_cast %parallel_loop3A_577 : vector<1x16xf32> to vector<16xf32>
        %parallel_loop3A_579 = vector.extract_strided_slice %parallel_loop3A_509 {offsets = [5], sizes = [1], strides = [1]} : vector<16xf32> to vector<1xf32>
        %parallel_loop3A_580 = vector.extract %parallel_loop3A_579[0] : f32 from vector<1xf32>
        %parallel_loop3A_581 = vector.broadcast %parallel_loop3A_580 : f32 to vector<16xf32>
        %parallel_loop3A_582 = arith.mulf %parallel_loop3A_578, %parallel_loop3A_581 : vector<16xf32>
        %parallel_loop3A_583 = arith.index_cast %parallel_loop3A_505 : i32 to index
        %parallel_loop3A_584 = arith.constant 80 : index
        %parallel_loop3A_585 = tpu.vector_load %arg23[%parallel_loop3A_583, %parallel_loop3A_584] {strides = array<i32>} : memref<64x144xf32, #tpu.memory_space<vmem>>, vector<1x16xf32>,
        %parallel_loop3A_586 = vector.shape_cast %parallel_loop3A_585 : vector<1x16xf32> to vector<16xf32>
        %parallel_loop3A_587 = vector.shape_cast %parallel_loop3A_582 : vector<16xf32> to vector<1x16xf32>
        tpu.vector_store %arg23[%parallel_loop3A_583, %parallel_loop3A_584], %parallel_loop3A_587 {strides = array<i32>} : memref<64x144xf32, #tpu.memory_space<vmem>>, vector<1x16xf32>,
        %parallel_loop3A_588 = arith.index_cast %parallel_loop3A_505 : i32 to index
        %parallel_loop3A_589 = arith.constant 96 : index
        %parallel_loop3A_590 = tpu.vector_load %arg23[%parallel_loop3A_588, %parallel_loop3A_589] {strides = array<i32>} : memref<64x144xf32, #tpu.memory_space<vmem>>, vector<1x16xf32>,
        %parallel_loop3A_591 = vector.shape_cast %parallel_loop3A_590 : vector<1x16xf32> to vector<16xf32>
        %parallel_loop3A_592 = vector.extract_strided_slice %parallel_loop3A_509 {offsets = [6], sizes = [1], strides = [1]} : vector<16xf32> to vector<1xf32>
        %parallel_loop3A_593 = vector.extract %parallel_loop3A_592[0] : f32 from vector<1xf32>
        %parallel_loop3A_594 = vector.broadcast %parallel_loop3A_593 : f32 to vector<16xf32>
        %parallel_loop3A_595 = arith.mulf %parallel_loop3A_591, %parallel_loop3A_594 : vector<16xf32>
        %parallel_loop3A_596 = arith.index_cast %parallel_loop3A_505 : i32 to index
        %parallel_loop3A_597 = arith.constant 96 : index
        %parallel_loop3A_598 = tpu.vector_load %arg23[%parallel_loop3A_596, %parallel_loop3A_597] {strides = array<i32>} : memref<64x144xf32, #tpu.memory_space<vmem>>, vector<1x16xf32>,
        %parallel_loop3A_599 = vector.shape_cast %parallel_loop3A_598 : vector<1x16xf32> to vector<16xf32>
        %parallel_loop3A_600 = vector.shape_cast %parallel_loop3A_595 : vector<16xf32> to vector<1x16xf32>
        tpu.vector_store %arg23[%parallel_loop3A_596, %parallel_loop3A_597], %parallel_loop3A_600 {strides = array<i32>} : memref<64x144xf32, #tpu.memory_space<vmem>>, vector<1x16xf32>,
        %parallel_loop3A_601 = arith.index_cast %parallel_loop3A_505 : i32 to index
        %parallel_loop3A_602 = arith.constant 112 : index
        %parallel_loop3A_603 = tpu.vector_load %arg23[%parallel_loop3A_601, %parallel_loop3A_602] {strides = array<i32>} : memref<64x144xf32, #tpu.memory_space<vmem>>, vector<1x16xf32>,
        %parallel_loop3A_604 = vector.shape_cast %parallel_loop3A_603 : vector<1x16xf32> to vector<16xf32>
        %parallel_loop3A_605 = vector.extract_strided_slice %parallel_loop3A_509 {offsets = [7], sizes = [1], strides = [1]} : vector<16xf32> to vector<1xf32>
        %parallel_loop3A_606 = vector.extract %parallel_loop3A_605[0] : f32 from vector<1xf32>
        %parallel_loop3A_607 = vector.broadcast %parallel_loop3A_606 : f32 to vector<16xf32>
        %parallel_loop3A_608 = arith.mulf %parallel_loop3A_604, %parallel_loop3A_607 : vector<16xf32>
        %parallel_loop3A_609 = arith.index_cast %parallel_loop3A_505 : i32 to index
        %parallel_loop3A_610 = arith.constant 112 : index
        %parallel_loop3A_611 = tpu.vector_load %arg23[%parallel_loop3A_609, %parallel_loop3A_610] {strides = array<i32>} : memref<64x144xf32, #tpu.memory_space<vmem>>, vector<1x16xf32>,
        %parallel_loop3A_612 = vector.shape_cast %parallel_loop3A_611 : vector<1x16xf32> to vector<16xf32>
        %parallel_loop3A_613 = vector.shape_cast %parallel_loop3A_608 : vector<16xf32> to vector<1x16xf32>
        tpu.vector_store %arg23[%parallel_loop3A_609, %parallel_loop3A_610], %parallel_loop3A_613 {strides = array<i32>} : memref<64x144xf32, #tpu.memory_space<vmem>>, vector<1x16xf32>,
      } {sc.loop_unroll_factor = 2 : i64, sc.parallel_access}
      %dma_start3A_234 = arith.constant 0 : i32
      %dma_start3A_235 = arith.constant 0 : i32
      %dma_start3A_236 = tpu.memref_slice %arg25[%dma_start3A_234, %dma_start3A_235] : memref<10240x144xf32, #tpu.memory_space<vmem_shared>> -> memref<10240x144xf32, #tpu.memory_space<vmem_shared>>
      tpu.enqueue_indirect_dma source(%arg23 : memref<64x144xf32, #tpu.memory_space<vmem>>) target(%dma_start3A_236 : memref<10240x144xf32, #tpu.memory_space<vmem_shared>>) offsets(%arg14 : memref<64xi32, #tpu.memory_space<vmem>>) semaphore(%arg30 : memref<!tpu.dma_semaphore, #tpu.memory_space<semaphore_mem>>) {add = true}
      %add3A_237 = arith.constant 1 : i32
      %add3A_238 = arith.addi %mul3A_127, %add3A_237 : i32
      %add3A_239 = arith.constant 2 : i32
      %add3A_240 = arith.addi %add3A_238, %add3A_239 : i32
      %dma_start3A_241 = arith.constant 0 : i32
      %dma_start3A_242 = tpu.memref_slice %arg2[%add3A, %add3A_240, %dma_start3A_241] : memref<32x164x64xi32, #tpu.memory_space<hbm>> -> memref<1x1x64xi32, #tpu.memory_space<hbm>>
      %dma_start3A_243 = tpu.memref_squeeze %dma_start3A_242 : memref<1x1x64xi32, #tpu.memory_space<hbm>> -> memref<64xi32, #tpu.memory_space<hbm>>
      %dma_start3A_244 = arith.constant 0 : i32
      %dma_start3A_245 = tpu.memref_slice %arg2[%add3A, %add3A_240, %dma_start3A_244] : memref<32x164x64xi32, #tpu.memory_space<hbm>> -> memref<1x1x64xi32, #tpu.memory_space<hbm>>
      %dma_start3A_246 = tpu.memref_squeeze %dma_start3A_245 : memref<1x1x64xi32, #tpu.memory_space<hbm>> -> memref<64xi32, #tpu.memory_space<hbm>>
      tpu.enqueue_dma source(%dma_start3A_246 : memref<64xi32, #tpu.memory_space<hbm>>) target(%arg10 : memref<64xi32, #tpu.memory_space<vmem>>) target_semaphore(%arg35 : memref<!tpu.dma_semaphore, #tpu.memory_space<semaphore_mem>>)
      %dma_start3A_247 = arith.constant 0 : i32
      %dma_start3A_248 = tpu.memref_slice %arg3[%add3A, %add3A_240, %dma_start3A_247] : memref<32x164x64xi32, #tpu.memory_space<hbm>> -> memref<1x1x64xi32, #tpu.memory_space<hbm>>
      %dma_start3A_249 = tpu.memref_squeeze %dma_start3A_248 : memref<1x1x64xi32, #tpu.memory_space<hbm>> -> memref<64xi32, #tpu.memory_space<hbm>>
      %dma_start3A_250 = arith.constant 0 : i32
      %dma_start3A_251 = tpu.memref_slice %arg3[%add3A, %add3A_240, %dma_start3A_250] : memref<32x164x64xi32, #tpu.memory_space<hbm>> -> memref<1x1x64xi32, #tpu.memory_space<hbm>>
      %dma_start3A_252 = tpu.memref_squeeze %dma_start3A_251 : memref<1x1x64xi32, #tpu.memory_space<hbm>> -> memref<64xi32, #tpu.memory_space<hbm>>
      tpu.enqueue_dma source(%dma_start3A_252 : memref<64xi32, #tpu.memory_space<hbm>>) target(%arg16 : memref<64xi32, #tpu.memory_space<vmem>>) target_semaphore(%arg35 : memref<!tpu.dma_semaphore, #tpu.memory_space<semaphore_mem>>)
      %dma_wait3A_253 = arith.constant 0 : i32
      %dma_wait3A_254 = arith.constant 0 : i32
      %dma_wait3A_255 = tpu.memref_slice %arg4[%dma_wait3A_253, %dma_wait3A_254] : memref<10240x144xf32, #tpu.memory_space<hbm>> -> memref<64x144xf32, #tpu.memory_space<hbm>>
      %dma_wait3A_256 = arith.constant 0 : i32
      %dma_wait3A_257 = arith.constant 0 : i32
      %dma_wait3A_258 = tpu.memref_slice %arg4[%dma_wait3A_256, %dma_wait3A_257] : memref<10240x144xf32, #tpu.memory_space<hbm>> -> memref<64x144xf32, #tpu.memory_space<hbm>>
      tpu.wait_dma2 semaphore(%arg28 : memref<!tpu.dma_semaphore, #tpu.memory_space<semaphore_mem>>) src(%dma_wait3A_258 : memref<64x144xf32, #tpu.memory_space<hbm>>) dst(%arg24 : memref<64x144xf32, #tpu.memory_space<vmem>>)
      %dma_wait3A_259 = arith.constant 0 : i32
      %dma_wait3A_260 = arith.constant 0 : i32
      %dma_wait3A_261 = tpu.memref_slice %arg5[%dma_wait3A_259, %dma_wait3A_260] : memref<10240x16xf32, #tpu.memory_space<hbm>> -> memref<64x16xf32, #tpu.memory_space<hbm>>
      %dma_wait3A_262 = arith.constant 0 : i32
      %dma_wait3A_263 = arith.constant 0 : i32
      %dma_wait3A_264 = tpu.memref_slice %arg5[%dma_wait3A_262, %dma_wait3A_263] : memref<10240x16xf32, #tpu.memory_space<hbm>> -> memref<64x16xf32, #tpu.memory_space<hbm>>
      tpu.wait_dma2 semaphore(%arg28 : memref<!tpu.dma_semaphore, #tpu.memory_space<semaphore_mem>>) src(%dma_wait3A_264 : memref<64x16xf32, #tpu.memory_space<hbm>>) dst(%arg21 : memref<64x16xf32, #tpu.memory_space<vmem>>)
      %dma_wait3A_265 = arith.constant 0 : i32
      %dma_wait3A_266 = arith.constant 0 : i32
      %dma_wait3A_267 = tpu.memref_slice %arg4[%dma_wait3A_265, %dma_wait3A_266] : memref<10240x144xf32, #tpu.memory_space<hbm>> -> memref<64x144xf32, #tpu.memory_space<hbm>>
      %dma_wait3A_268 = arith.constant 0 : i32
      %dma_wait3A_269 = arith.constant 0 : i32
      %dma_wait3A_270 = tpu.memref_slice %arg4[%dma_wait3A_268, %dma_wait3A_269] : memref<10240x144xf32, #tpu.memory_space<hbm>> -> memref<64x144xf32, #tpu.memory_space<hbm>>
      tpu.wait_dma2 semaphore(%arg29 : memref<!tpu.dma_semaphore, #tpu.memory_space<semaphore_mem>>) src(%dma_wait3A_270 : memref<64x144xf32, #tpu.memory_space<hbm>>) dst(%arg22 : memref<64x144xf32, #tpu.memory_space<vmem>>)
      %dma_wait3A_271 = arith.constant 0 : i32
      %dma_wait3A_272 = arith.constant 0 : i32
      %dma_wait3A_273 = tpu.memref_slice %arg2[%add3A, %dma_wait3A_271, %dma_wait3A_272] : memref<32x164x64xi32, #tpu.memory_space<hbm>> -> memref<1x1x64xi32, #tpu.memory_space<hbm>>
      %dma_wait3A_274 = tpu.memref_squeeze %dma_wait3A_273 : memref<1x1x64xi32, #tpu.memory_space<hbm>> -> memref<64xi32, #tpu.memory_space<hbm>>
      %dma_wait3A_275 = arith.constant 0 : i32
      %dma_wait3A_276 = tpu.memref_slice %arg2[%add3A, %dma_wait3A_271, %dma_wait3A_275] : memref<32x164x64xi32, #tpu.memory_space<hbm>> -> memref<1x1x64xi32, #tpu.memory_space<hbm>>
      %dma_wait3A_277 = tpu.memref_squeeze %dma_wait3A_276 : memref<1x1x64xi32, #tpu.memory_space<hbm>> -> memref<64xi32, #tpu.memory_space<hbm>>
      tpu.wait_dma2 semaphore(%arg35 : memref<!tpu.dma_semaphore, #tpu.memory_space<semaphore_mem>>) src(%dma_wait3A_277 : memref<64xi32, #tpu.memory_space<hbm>>) dst(%arg10 : memref<64xi32, #tpu.memory_space<vmem>>)
      %dma_wait3A_278 = arith.constant 0 : i32
      %dma_wait3A_279 = arith.constant 0 : i32
      %dma_wait3A_280 = tpu.memref_slice %arg2[%add3A, %dma_wait3A_278, %dma_wait3A_279] : memref<32x164x64xi32, #tpu.memory_space<hbm>> -> memref<1x1x64xi32, #tpu.memory_space<hbm>>
      %dma_wait3A_281 = tpu.memref_squeeze %dma_wait3A_280 : memref<1x1x64xi32, #tpu.memory_space<hbm>> -> memref<64xi32, #tpu.memory_space<hbm>>
      %dma_wait3A_282 = arith.constant 0 : i32
      %dma_wait3A_283 = tpu.memref_slice %arg2[%add3A, %dma_wait3A_278, %dma_wait3A_282] : memref<32x164x64xi32, #tpu.memory_space<hbm>> -> memref<1x1x64xi32, #tpu.memory_space<hbm>>
      %dma_wait3A_284 = tpu.memref_squeeze %dma_wait3A_283 : memref<1x1x64xi32, #tpu.memory_space<hbm>> -> memref<64xi32, #tpu.memory_space<hbm>>
      tpu.wait_dma2 semaphore(%arg35 : memref<!tpu.dma_semaphore, #tpu.memory_space<semaphore_mem>>) src(%dma_wait3A_284 : memref<64xi32, #tpu.memory_space<hbm>>) dst(%arg16 : memref<64xi32, #tpu.memory_space<vmem>>)
      %dma_start3A_285 = arith.constant 0 : i32
      %dma_start3A_286 = arith.constant 0 : i32
      %dma_start3A_287 = tpu.memref_slice %arg4[%dma_start3A_285, %dma_start3A_286] : memref<10240x144xf32, #tpu.memory_space<hbm>> -> memref<10240x144xf32, #tpu.memory_space<hbm>>
      tpu.enqueue_indirect_dma source(%dma_start3A_287 : memref<10240x144xf32, #tpu.memory_space<hbm>>) target(%arg22 : memref<64x144xf32, #tpu.memory_space<vmem>>) offsets(%arg10 : memref<64xi32, #tpu.memory_space<vmem>>) semaphore(%arg26 : memref<!tpu.dma_semaphore, #tpu.memory_space<semaphore_mem>>)
      %dma_start3A_288 = arith.constant 0 : i32
      %dma_start3A_289 = arith.constant 0 : i32
      %dma_start3A_290 = tpu.memref_slice %arg5[%dma_start3A_288, %dma_start3A_289] : memref<10240x16xf32, #tpu.memory_space<hbm>> -> memref<10240x16xf32, #tpu.memory_space<hbm>>
      tpu.enqueue_indirect_dma source(%dma_start3A_290 : memref<10240x16xf32, #tpu.memory_space<hbm>>) target(%arg19 : memref<64x16xf32, #tpu.memory_space<vmem>>) offsets(%arg16 : memref<64xi32, #tpu.memory_space<vmem>>) semaphore(%arg26 : memref<!tpu.dma_semaphore, #tpu.memory_space<semaphore_mem>>)
      %parallel_loop3A_291 = arith.constant 0 : i32
      %parallel_loop3A_292 = arith.constant 64 : i32
      %parallel_loop3A_293 = arith.constant 1 : i32
      scf.for %parallel_loop3A_505 = %parallel_loop3A_291 to %parallel_loop3A_292 step %parallel_loop3A_293  : i32 {
        %parallel_loop3A_506 = arith.index_cast %parallel_loop3A_505 : i32 to index
        %parallel_loop3A_507 = arith.constant 128 : index
        %parallel_loop3A_508 = tpu.vector_load %arg24[%parallel_loop3A_506, %parallel_loop3A_507] {strides = array<i32>} : memref<64x144xf32, #tpu.memory_space<vmem>>, vector<1x16xf32>,
        %parallel_loop3A_509 = vector.shape_cast %parallel_loop3A_508 : vector<1x16xf32> to vector<16xf32>
        %parallel_loop3A_510 = arith.index_cast %parallel_loop3A_505 : i32 to index
        %parallel_loop3A_511 = arith.constant 0 : index
        %parallel_loop3A_512 = tpu.vector_load %arg21[%parallel_loop3A_510, %parallel_loop3A_511] {strides = array<i32>} : memref<64x16xf32, #tpu.memory_space<vmem>>, vector<1x16xf32>,
        %parallel_loop3A_513 = vector.shape_cast %parallel_loop3A_512 : vector<1x16xf32> to vector<16xf32>
        %parallel_loop3A_514 = arith.addf %parallel_loop3A_509, %parallel_loop3A_513 : vector<16xf32>
        %parallel_loop3A_515 = arith.constant 2.000000e-01 : f32
        %parallel_loop3A_516 = vector.broadcast %parallel_loop3A_515 : f32 to vector<16xf32>
        %parallel_loop3A_517 = arith.mulf %parallel_loop3A_516, %parallel_loop3A_514 : vector<16xf32>
        %parallel_loop3A_518 = arith.maximumf %parallel_loop3A_514, %parallel_loop3A_517 : vector<16xf32>
        %parallel_loop3A_519 = math.exp %parallel_loop3A_518 : vector<16xf32>
        %parallel_loop3A_520 = arith.index_cast %parallel_loop3A_505 : i32 to index
        %parallel_loop3A_521 = arith.constant 128 : index
        %parallel_loop3A_522 = tpu.vector_load %arg24[%parallel_loop3A_520, %parallel_loop3A_521] {strides = array<i32>} : memref<64x144xf32, #tpu.memory_space<vmem>>, vector<1x16xf32>,
        %parallel_loop3A_523 = vector.shape_cast %parallel_loop3A_522 : vector<1x16xf32> to vector<16xf32>
        %parallel_loop3A_524 = vector.shape_cast %parallel_loop3A_519 : vector<16xf32> to vector<1x16xf32>
        tpu.vector_store %arg24[%parallel_loop3A_520, %parallel_loop3A_521], %parallel_loop3A_524 {strides = array<i32>} : memref<64x144xf32, #tpu.memory_space<vmem>>, vector<1x16xf32>,
      } {sc.loop_unroll_factor = 4 : i64, sc.parallel_access}
      %parallel_loop3A_294 = arith.constant 0 : i32
      %parallel_loop3A_295 = arith.constant 64 : i32
      %parallel_loop3A_296 = arith.constant 1 : i32
      scf.for %parallel_loop3A_505 = %parallel_loop3A_294 to %parallel_loop3A_295 step %parallel_loop3A_296  : i32 {
        %parallel_loop3A_506 = arith.index_cast %parallel_loop3A_505 : i32 to index
        %parallel_loop3A_507 = arith.constant 128 : index
        %parallel_loop3A_508 = tpu.vector_load %arg24[%parallel_loop3A_506, %parallel_loop3A_507] {strides = array<i32>} : memref<64x144xf32, #tpu.memory_space<vmem>>, vector<1x16xf32>,
        %parallel_loop3A_509 = vector.shape_cast %parallel_loop3A_508 : vector<1x16xf32> to vector<16xf32>
        %parallel_loop3A_510 = arith.index_cast %parallel_loop3A_505 : i32 to index
        %parallel_loop3A_511 = arith.constant 0 : index
        %parallel_loop3A_512 = tpu.vector_load %arg24[%parallel_loop3A_510, %parallel_loop3A_511] {strides = array<i32>} : memref<64x144xf32, #tpu.memory_space<vmem>>, vector<1x16xf32>,
        %parallel_loop3A_513 = vector.shape_cast %parallel_loop3A_512 : vector<1x16xf32> to vector<16xf32>
        %parallel_loop3A_514 = vector.extract_strided_slice %parallel_loop3A_509 {offsets = [0], sizes = [1], strides = [1]} : vector<16xf32> to vector<1xf32>
        %parallel_loop3A_515 = vector.extract %parallel_loop3A_514[0] : f32 from vector<1xf32>
        %parallel_loop3A_516 = vector.broadcast %parallel_loop3A_515 : f32 to vector<16xf32>
        %parallel_loop3A_517 = arith.mulf %parallel_loop3A_513, %parallel_loop3A_516 : vector<16xf32>
        %parallel_loop3A_518 = arith.index_cast %parallel_loop3A_505 : i32 to index
        %parallel_loop3A_519 = arith.constant 0 : index
        %parallel_loop3A_520 = tpu.vector_load %arg24[%parallel_loop3A_518, %parallel_loop3A_519] {strides = array<i32>} : memref<64x144xf32, #tpu.memory_space<vmem>>, vector<1x16xf32>,
        %parallel_loop3A_521 = vector.shape_cast %parallel_loop3A_520 : vector<1x16xf32> to vector<16xf32>
        %parallel_loop3A_522 = vector.shape_cast %parallel_loop3A_517 : vector<16xf32> to vector<1x16xf32>
        tpu.vector_store %arg24[%parallel_loop3A_518, %parallel_loop3A_519], %parallel_loop3A_522 {strides = array<i32>} : memref<64x144xf32, #tpu.memory_space<vmem>>, vector<1x16xf32>,
        %parallel_loop3A_523 = arith.index_cast %parallel_loop3A_505 : i32 to index
        %parallel_loop3A_524 = arith.constant 16 : index
        %parallel_loop3A_525 = tpu.vector_load %arg24[%parallel_loop3A_523, %parallel_loop3A_524] {strides = array<i32>} : memref<64x144xf32, #tpu.memory_space<vmem>>, vector<1x16xf32>,
        %parallel_loop3A_526 = vector.shape_cast %parallel_loop3A_525 : vector<1x16xf32> to vector<16xf32>
        %parallel_loop3A_527 = vector.extract_strided_slice %parallel_loop3A_509 {offsets = [1], sizes = [1], strides = [1]} : vector<16xf32> to vector<1xf32>
        %parallel_loop3A_528 = vector.extract %parallel_loop3A_527[0] : f32 from vector<1xf32>
        %parallel_loop3A_529 = vector.broadcast %parallel_loop3A_528 : f32 to vector<16xf32>
        %parallel_loop3A_530 = arith.mulf %parallel_loop3A_526, %parallel_loop3A_529 : vector<16xf32>
        %parallel_loop3A_531 = arith.index_cast %parallel_loop3A_505 : i32 to index
        %parallel_loop3A_532 = arith.constant 16 : index
        %parallel_loop3A_533 = tpu.vector_load %arg24[%parallel_loop3A_531, %parallel_loop3A_532] {strides = array<i32>} : memref<64x144xf32, #tpu.memory_space<vmem>>, vector<1x16xf32>,
        %parallel_loop3A_534 = vector.shape_cast %parallel_loop3A_533 : vector<1x16xf32> to vector<16xf32>
        %parallel_loop3A_535 = vector.shape_cast %parallel_loop3A_530 : vector<16xf32> to vector<1x16xf32>
        tpu.vector_store %arg24[%parallel_loop3A_531, %parallel_loop3A_532], %parallel_loop3A_535 {strides = array<i32>} : memref<64x144xf32, #tpu.memory_space<vmem>>, vector<1x16xf32>,
        %parallel_loop3A_536 = arith.index_cast %parallel_loop3A_505 : i32 to index
        %parallel_loop3A_537 = arith.constant 32 : index
        %parallel_loop3A_538 = tpu.vector_load %arg24[%parallel_loop3A_536, %parallel_loop3A_537] {strides = array<i32>} : memref<64x144xf32, #tpu.memory_space<vmem>>, vector<1x16xf32>,
        %parallel_loop3A_539 = vector.shape_cast %parallel_loop3A_538 : vector<1x16xf32> to vector<16xf32>
        %parallel_loop3A_540 = vector.extract_strided_slice %parallel_loop3A_509 {offsets = [2], sizes = [1], strides = [1]} : vector<16xf32> to vector<1xf32>
        %parallel_loop3A_541 = vector.extract %parallel_loop3A_540[0] : f32 from vector<1xf32>
        %parallel_loop3A_542 = vector.broadcast %parallel_loop3A_541 : f32 to vector<16xf32>
        %parallel_loop3A_543 = arith.mulf %parallel_loop3A_539, %parallel_loop3A_542 : vector<16xf32>
        %parallel_loop3A_544 = arith.index_cast %parallel_loop3A_505 : i32 to index
        %parallel_loop3A_545 = arith.constant 32 : index
        %parallel_loop3A_546 = tpu.vector_load %arg24[%parallel_loop3A_544, %parallel_loop3A_545] {strides = array<i32>} : memref<64x144xf32, #tpu.memory_space<vmem>>, vector<1x16xf32>,
        %parallel_loop3A_547 = vector.shape_cast %parallel_loop3A_546 : vector<1x16xf32> to vector<16xf32>
        %parallel_loop3A_548 = vector.shape_cast %parallel_loop3A_543 : vector<16xf32> to vector<1x16xf32>
        tpu.vector_store %arg24[%parallel_loop3A_544, %parallel_loop3A_545], %parallel_loop3A_548 {strides = array<i32>} : memref<64x144xf32, #tpu.memory_space<vmem>>, vector<1x16xf32>,
        %parallel_loop3A_549 = arith.index_cast %parallel_loop3A_505 : i32 to index
        %parallel_loop3A_550 = arith.constant 48 : index
        %parallel_loop3A_551 = tpu.vector_load %arg24[%parallel_loop3A_549, %parallel_loop3A_550] {strides = array<i32>} : memref<64x144xf32, #tpu.memory_space<vmem>>, vector<1x16xf32>,
        %parallel_loop3A_552 = vector.shape_cast %parallel_loop3A_551 : vector<1x16xf32> to vector<16xf32>
        %parallel_loop3A_553 = vector.extract_strided_slice %parallel_loop3A_509 {offsets = [3], sizes = [1], strides = [1]} : vector<16xf32> to vector<1xf32>
        %parallel_loop3A_554 = vector.extract %parallel_loop3A_553[0] : f32 from vector<1xf32>
        %parallel_loop3A_555 = vector.broadcast %parallel_loop3A_554 : f32 to vector<16xf32>
        %parallel_loop3A_556 = arith.mulf %parallel_loop3A_552, %parallel_loop3A_555 : vector<16xf32>
        %parallel_loop3A_557 = arith.index_cast %parallel_loop3A_505 : i32 to index
        %parallel_loop3A_558 = arith.constant 48 : index
        %parallel_loop3A_559 = tpu.vector_load %arg24[%parallel_loop3A_557, %parallel_loop3A_558] {strides = array<i32>} : memref<64x144xf32, #tpu.memory_space<vmem>>, vector<1x16xf32>,
        %parallel_loop3A_560 = vector.shape_cast %parallel_loop3A_559 : vector<1x16xf32> to vector<16xf32>
        %parallel_loop3A_561 = vector.shape_cast %parallel_loop3A_556 : vector<16xf32> to vector<1x16xf32>
        tpu.vector_store %arg24[%parallel_loop3A_557, %parallel_loop3A_558], %parallel_loop3A_561 {strides = array<i32>} : memref<64x144xf32, #tpu.memory_space<vmem>>, vector<1x16xf32>,
        %parallel_loop3A_562 = arith.index_cast %parallel_loop3A_505 : i32 to index
        %parallel_loop3A_563 = arith.constant 64 : index
        %parallel_loop3A_564 = tpu.vector_load %arg24[%parallel_loop3A_562, %parallel_loop3A_563] {strides = array<i32>} : memref<64x144xf32, #tpu.memory_space<vmem>>, vector<1x16xf32>,
        %parallel_loop3A_565 = vector.shape_cast %parallel_loop3A_564 : vector<1x16xf32> to vector<16xf32>
        %parallel_loop3A_566 = vector.extract_strided_slice %parallel_loop3A_509 {offsets = [4], sizes = [1], strides = [1]} : vector<16xf32> to vector<1xf32>
        %parallel_loop3A_567 = vector.extract %parallel_loop3A_566[0] : f32 from vector<1xf32>
        %parallel_loop3A_568 = vector.broadcast %parallel_loop3A_567 : f32 to vector<16xf32>
        %parallel_loop3A_569 = arith.mulf %parallel_loop3A_565, %parallel_loop3A_568 : vector<16xf32>
        %parallel_loop3A_570 = arith.index_cast %parallel_loop3A_505 : i32 to index
        %parallel_loop3A_571 = arith.constant 64 : index
        %parallel_loop3A_572 = tpu.vector_load %arg24[%parallel_loop3A_570, %parallel_loop3A_571] {strides = array<i32>} : memref<64x144xf32, #tpu.memory_space<vmem>>, vector<1x16xf32>,
        %parallel_loop3A_573 = vector.shape_cast %parallel_loop3A_572 : vector<1x16xf32> to vector<16xf32>
        %parallel_loop3A_574 = vector.shape_cast %parallel_loop3A_569 : vector<16xf32> to vector<1x16xf32>
        tpu.vector_store %arg24[%parallel_loop3A_570, %parallel_loop3A_571], %parallel_loop3A_574 {strides = array<i32>} : memref<64x144xf32, #tpu.memory_space<vmem>>, vector<1x16xf32>,
        %parallel_loop3A_575 = arith.index_cast %parallel_loop3A_505 : i32 to index
        %parallel_loop3A_576 = arith.constant 80 : index
        %parallel_loop3A_577 = tpu.vector_load %arg24[%parallel_loop3A_575, %parallel_loop3A_576] {strides = array<i32>} : memref<64x144xf32, #tpu.memory_space<vmem>>, vector<1x16xf32>,
        %parallel_loop3A_578 = vector.shape_cast %parallel_loop3A_577 : vector<1x16xf32> to vector<16xf32>
        %parallel_loop3A_579 = vector.extract_strided_slice %parallel_loop3A_509 {offsets = [5], sizes = [1], strides = [1]} : vector<16xf32> to vector<1xf32>
        %parallel_loop3A_580 = vector.extract %parallel_loop3A_579[0] : f32 from vector<1xf32>
        %parallel_loop3A_581 = vector.broadcast %parallel_loop3A_580 : f32 to vector<16xf32>
        %parallel_loop3A_582 = arith.mulf %parallel_loop3A_578, %parallel_loop3A_581 : vector<16xf32>
        %parallel_loop3A_583 = arith.index_cast %parallel_loop3A_505 : i32 to index
        %parallel_loop3A_584 = arith.constant 80 : index
        %parallel_loop3A_585 = tpu.vector_load %arg24[%parallel_loop3A_583, %parallel_loop3A_584] {strides = array<i32>} : memref<64x144xf32, #tpu.memory_space<vmem>>, vector<1x16xf32>,
        %parallel_loop3A_586 = vector.shape_cast %parallel_loop3A_585 : vector<1x16xf32> to vector<16xf32>
        %parallel_loop3A_587 = vector.shape_cast %parallel_loop3A_582 : vector<16xf32> to vector<1x16xf32>
        tpu.vector_store %arg24[%parallel_loop3A_583, %parallel_loop3A_584], %parallel_loop3A_587 {strides = array<i32>} : memref<64x144xf32, #tpu.memory_space<vmem>>, vector<1x16xf32>,
        %parallel_loop3A_588 = arith.index_cast %parallel_loop3A_505 : i32 to index
        %parallel_loop3A_589 = arith.constant 96 : index
        %parallel_loop3A_590 = tpu.vector_load %arg24[%parallel_loop3A_588, %parallel_loop3A_589] {strides = array<i32>} : memref<64x144xf32, #tpu.memory_space<vmem>>, vector<1x16xf32>,
        %parallel_loop3A_591 = vector.shape_cast %parallel_loop3A_590 : vector<1x16xf32> to vector<16xf32>
        %parallel_loop3A_592 = vector.extract_strided_slice %parallel_loop3A_509 {offsets = [6], sizes = [1], strides = [1]} : vector<16xf32> to vector<1xf32>
        %parallel_loop3A_593 = vector.extract %parallel_loop3A_592[0] : f32 from vector<1xf32>
        %parallel_loop3A_594 = vector.broadcast %parallel_loop3A_593 : f32 to vector<16xf32>
        %parallel_loop3A_595 = arith.mulf %parallel_loop3A_591, %parallel_loop3A_594 : vector<16xf32>
        %parallel_loop3A_596 = arith.index_cast %parallel_loop3A_505 : i32 to index
        %parallel_loop3A_597 = arith.constant 96 : index
        %parallel_loop3A_598 = tpu.vector_load %arg24[%parallel_loop3A_596, %parallel_loop3A_597] {strides = array<i32>} : memref<64x144xf32, #tpu.memory_space<vmem>>, vector<1x16xf32>,
        %parallel_loop3A_599 = vector.shape_cast %parallel_loop3A_598 : vector<1x16xf32> to vector<16xf32>
        %parallel_loop3A_600 = vector.shape_cast %parallel_loop3A_595 : vector<16xf32> to vector<1x16xf32>
        tpu.vector_store %arg24[%parallel_loop3A_596, %parallel_loop3A_597], %parallel_loop3A_600 {strides = array<i32>} : memref<64x144xf32, #tpu.memory_space<vmem>>, vector<1x16xf32>,
        %parallel_loop3A_601 = arith.index_cast %parallel_loop3A_505 : i32 to index
        %parallel_loop3A_602 = arith.constant 112 : index
        %parallel_loop3A_603 = tpu.vector_load %arg24[%parallel_loop3A_601, %parallel_loop3A_602] {strides = array<i32>} : memref<64x144xf32, #tpu.memory_space<vmem>>, vector<1x16xf32>,
        %parallel_loop3A_604 = vector.shape_cast %parallel_loop3A_603 : vector<1x16xf32> to vector<16xf32>
        %parallel_loop3A_605 = vector.extract_strided_slice %parallel_loop3A_509 {offsets = [7], sizes = [1], strides = [1]} : vector<16xf32> to vector<1xf32>
        %parallel_loop3A_606 = vector.extract %parallel_loop3A_605[0] : f32 from vector<1xf32>
        %parallel_loop3A_607 = vector.broadcast %parallel_loop3A_606 : f32 to vector<16xf32>
        %parallel_loop3A_608 = arith.mulf %parallel_loop3A_604, %parallel_loop3A_607 : vector<16xf32>
        %parallel_loop3A_609 = arith.index_cast %parallel_loop3A_505 : i32 to index
        %parallel_loop3A_610 = arith.constant 112 : index
        %parallel_loop3A_611 = tpu.vector_load %arg24[%parallel_loop3A_609, %parallel_loop3A_610] {strides = array<i32>} : memref<64x144xf32, #tpu.memory_space<vmem>>, vector<1x16xf32>,
        %parallel_loop3A_612 = vector.shape_cast %parallel_loop3A_611 : vector<1x16xf32> to vector<16xf32>
        %parallel_loop3A_613 = vector.shape_cast %parallel_loop3A_608 : vector<16xf32> to vector<1x16xf32>
        tpu.vector_store %arg24[%parallel_loop3A_609, %parallel_loop3A_610], %parallel_loop3A_613 {strides = array<i32>} : memref<64x144xf32, #tpu.memory_space<vmem>>, vector<1x16xf32>,
      } {sc.loop_unroll_factor = 2 : i64, sc.parallel_access}
      %dma_start3A_297 = arith.constant 0 : i32
      %dma_start3A_298 = arith.constant 0 : i32
      %dma_start3A_299 = tpu.memref_slice %arg25[%dma_start3A_297, %dma_start3A_298] : memref<10240x144xf32, #tpu.memory_space<vmem_shared>> -> memref<10240x144xf32, #tpu.memory_space<vmem_shared>>
      tpu.enqueue_indirect_dma source(%arg24 : memref<64x144xf32, #tpu.memory_space<vmem>>) target(%dma_start3A_299 : memref<10240x144xf32, #tpu.memory_space<vmem_shared>>) offsets(%arg15 : memref<64xi32, #tpu.memory_space<vmem>>) semaphore(%arg31 : memref<!tpu.dma_semaphore, #tpu.memory_space<semaphore_mem>>) {add = true}
      %add3A_300 = arith.constant 2 : i32
      %add3A_301 = arith.addi %mul3A_127, %add3A_300 : i32
      %add3A_302 = arith.constant 2 : i32
      %add3A_303 = arith.addi %add3A_301, %add3A_302 : i32
      %dma_start3A_304 = arith.constant 0 : i32
      %dma_start3A_305 = tpu.memref_slice %arg2[%add3A, %add3A_303, %dma_start3A_304] : memref<32x164x64xi32, #tpu.memory_space<hbm>> -> memref<1x1x64xi32, #tpu.memory_space<hbm>>
      %dma_start3A_306 = tpu.memref_squeeze %dma_start3A_305 : memref<1x1x64xi32, #tpu.memory_space<hbm>> -> memref<64xi32, #tpu.memory_space<hbm>>
      %dma_start3A_307 = arith.constant 0 : i32
      %dma_start3A_308 = tpu.memref_slice %arg2[%add3A, %add3A_303, %dma_start3A_307] : memref<32x164x64xi32, #tpu.memory_space<hbm>> -> memref<1x1x64xi32, #tpu.memory_space<hbm>>
      %dma_start3A_309 = tpu.memref_squeeze %dma_start3A_308 : memref<1x1x64xi32, #tpu.memory_space<hbm>> -> memref<64xi32, #tpu.memory_space<hbm>>
      tpu.enqueue_dma source(%dma_start3A_309 : memref<64xi32, #tpu.memory_space<hbm>>) target(%arg11 : memref<64xi32, #tpu.memory_space<vmem>>) target_semaphore(%arg36 : memref<!tpu.dma_semaphore, #tpu.memory_space<semaphore_mem>>)
      %dma_start3A_310 = arith.constant 0 : i32
      %dma_start3A_311 = tpu.memref_slice %arg3[%add3A, %add3A_303, %dma_start3A_310] : memref<32x164x64xi32, #tpu.memory_space<hbm>> -> memref<1x1x64xi32, #tpu.memory_space<hbm>>
      %dma_start3A_312 = tpu.memref_squeeze %dma_start3A_311 : memref<1x1x64xi32, #tpu.memory_space<hbm>> -> memref<64xi32, #tpu.memory_space<hbm>>
      %dma_start3A_313 = arith.constant 0 : i32
      %dma_start3A_314 = tpu.memref_slice %arg3[%add3A, %add3A_303, %dma_start3A_313] : memref<32x164x64xi32, #tpu.memory_space<hbm>> -> memref<1x1x64xi32, #tpu.memory_space<hbm>>
      %dma_start3A_315 = tpu.memref_squeeze %dma_start3A_314 : memref<1x1x64xi32, #tpu.memory_space<hbm>> -> memref<64xi32, #tpu.memory_space<hbm>>
      tpu.enqueue_dma source(%dma_start3A_315 : memref<64xi32, #tpu.memory_space<hbm>>) target(%arg17 : memref<64xi32, #tpu.memory_space<vmem>>) target_semaphore(%arg36 : memref<!tpu.dma_semaphore, #tpu.memory_space<semaphore_mem>>)
      %dma_wait3A_316 = arith.constant 0 : i32
      %dma_wait3A_317 = arith.constant 0 : i32
      %dma_wait3A_318 = tpu.memref_slice %arg4[%dma_wait3A_316, %dma_wait3A_317] : memref<10240x144xf32, #tpu.memory_space<hbm>> -> memref<64x144xf32, #tpu.memory_space<hbm>>
      %dma_wait3A_319 = arith.constant 0 : i32
      %dma_wait3A_320 = arith.constant 0 : i32
      %dma_wait3A_321 = tpu.memref_slice %arg4[%dma_wait3A_319, %dma_wait3A_320] : memref<10240x144xf32, #tpu.memory_space<hbm>> -> memref<64x144xf32, #tpu.memory_space<hbm>>
      tpu.wait_dma2 semaphore(%arg26 : memref<!tpu.dma_semaphore, #tpu.memory_space<semaphore_mem>>) src(%dma_wait3A_321 : memref<64x144xf32, #tpu.memory_space<hbm>>) dst(%arg22 : memref<64x144xf32, #tpu.memory_space<vmem>>)
      %dma_wait3A_322 = arith.constant 0 : i32
      %dma_wait3A_323 = arith.constant 0 : i32
      %dma_wait3A_324 = tpu.memref_slice %arg5[%dma_wait3A_322, %dma_wait3A_323] : memref<10240x16xf32, #tpu.memory_space<hbm>> -> memref<64x16xf32, #tpu.memory_space<hbm>>
      %dma_wait3A_325 = arith.constant 0 : i32
      %dma_wait3A_326 = arith.constant 0 : i32
      %dma_wait3A_327 = tpu.memref_slice %arg5[%dma_wait3A_325, %dma_wait3A_326] : memref<10240x16xf32, #tpu.memory_space<hbm>> -> memref<64x16xf32, #tpu.memory_space<hbm>>
      tpu.wait_dma2 semaphore(%arg26 : memref<!tpu.dma_semaphore, #tpu.memory_space<semaphore_mem>>) src(%dma_wait3A_327 : memref<64x16xf32, #tpu.memory_space<hbm>>) dst(%arg19 : memref<64x16xf32, #tpu.memory_space<vmem>>)
      %dma_wait3A_328 = arith.constant 0 : i32
      %dma_wait3A_329 = arith.constant 0 : i32
      %dma_wait3A_330 = tpu.memref_slice %arg4[%dma_wait3A_328, %dma_wait3A_329] : memref<10240x144xf32, #tpu.memory_space<hbm>> -> memref<64x144xf32, #tpu.memory_space<hbm>>
      %dma_wait3A_331 = arith.constant 0 : i32
      %dma_wait3A_332 = arith.constant 0 : i32
      %dma_wait3A_333 = tpu.memref_slice %arg4[%dma_wait3A_331, %dma_wait3A_332] : memref<10240x144xf32, #tpu.memory_space<hbm>> -> memref<64x144xf32, #tpu.memory_space<hbm>>
      tpu.wait_dma2 semaphore(%arg30 : memref<!tpu.dma_semaphore, #tpu.memory_space<semaphore_mem>>) src(%dma_wait3A_333 : memref<64x144xf32, #tpu.memory_space<hbm>>) dst(%arg23 : memref<64x144xf32, #tpu.memory_space<vmem>>)
      %dma_wait3A_334 = arith.constant 0 : i32
      %dma_wait3A_335 = arith.constant 0 : i32
      %dma_wait3A_336 = tpu.memref_slice %arg2[%add3A, %dma_wait3A_334, %dma_wait3A_335] : memref<32x164x64xi32, #tpu.memory_space<hbm>> -> memref<1x1x64xi32, #tpu.memory_space<hbm>>
      %dma_wait3A_337 = tpu.memref_squeeze %dma_wait3A_336 : memref<1x1x64xi32, #tpu.memory_space<hbm>> -> memref<64xi32, #tpu.memory_space<hbm>>
      %dma_wait3A_338 = arith.constant 0 : i32
      %dma_wait3A_339 = tpu.memref_slice %arg2[%add3A, %dma_wait3A_334, %dma_wait3A_338] : memref<32x164x64xi32, #tpu.memory_space<hbm>> -> memref<1x1x64xi32, #tpu.memory_space<hbm>>
      %dma_wait3A_340 = tpu.memref_squeeze %dma_wait3A_339 : memref<1x1x64xi32, #tpu.memory_space<hbm>> -> memref<64xi32, #tpu.memory_space<hbm>>
      tpu.wait_dma2 semaphore(%arg36 : memref<!tpu.dma_semaphore, #tpu.memory_space<semaphore_mem>>) src(%dma_wait3A_340 : memref<64xi32, #tpu.memory_space<hbm>>) dst(%arg11 : memref<64xi32, #tpu.memory_space<vmem>>)
      %dma_wait3A_341 = arith.constant 0 : i32
      %dma_wait3A_342 = arith.constant 0 : i32
      %dma_wait3A_343 = tpu.memref_slice %arg2[%add3A, %dma_wait3A_341, %dma_wait3A_342] : memref<32x164x64xi32, #tpu.memory_space<hbm>> -> memref<1x1x64xi32, #tpu.memory_space<hbm>>
      %dma_wait3A_344 = tpu.memref_squeeze %dma_wait3A_343 : memref<1x1x64xi32, #tpu.memory_space<hbm>> -> memref<64xi32, #tpu.memory_space<hbm>>
      %dma_wait3A_345 = arith.constant 0 : i32
      %dma_wait3A_346 = tpu.memref_slice %arg2[%add3A, %dma_wait3A_341, %dma_wait3A_345] : memref<32x164x64xi32, #tpu.memory_space<hbm>> -> memref<1x1x64xi32, #tpu.memory_space<hbm>>
      %dma_wait3A_347 = tpu.memref_squeeze %dma_wait3A_346 : memref<1x1x64xi32, #tpu.memory_space<hbm>> -> memref<64xi32, #tpu.memory_space<hbm>>
      tpu.wait_dma2 semaphore(%arg36 : memref<!tpu.dma_semaphore, #tpu.memory_space<semaphore_mem>>) src(%dma_wait3A_347 : memref<64xi32, #tpu.memory_space<hbm>>) dst(%arg17 : memref<64xi32, #tpu.memory_space<vmem>>)
      %dma_start3A_348 = arith.constant 0 : i32
      %dma_start3A_349 = arith.constant 0 : i32
      %dma_start3A_350 = tpu.memref_slice %arg4[%dma_start3A_348, %dma_start3A_349] : memref<10240x144xf32, #tpu.memory_space<hbm>> -> memref<10240x144xf32, #tpu.memory_space<hbm>>
      tpu.enqueue_indirect_dma source(%dma_start3A_350 : memref<10240x144xf32, #tpu.memory_space<hbm>>) target(%arg23 : memref<64x144xf32, #tpu.memory_space<vmem>>) offsets(%arg11 : memref<64xi32, #tpu.memory_space<vmem>>) semaphore(%arg27 : memref<!tpu.dma_semaphore, #tpu.memory_space<semaphore_mem>>)
      %dma_start3A_351 = arith.constant 0 : i32
      %dma_start3A_352 = arith.constant 0 : i32
      %dma_start3A_353 = tpu.memref_slice %arg5[%dma_start3A_351, %dma_start3A_352] : memref<10240x16xf32, #tpu.memory_space<hbm>> -> memref<10240x16xf32, #tpu.memory_space<hbm>>
      tpu.enqueue_indirect_dma source(%dma_start3A_353 : memref<10240x16xf32, #tpu.memory_space<hbm>>) target(%arg20 : memref<64x16xf32, #tpu.memory_space<vmem>>) offsets(%arg17 : memref<64xi32, #tpu.memory_space<vmem>>) semaphore(%arg27 : memref<!tpu.dma_semaphore, #tpu.memory_space<semaphore_mem>>)
      %parallel_loop3A_354 = arith.constant 0 : i32
      %parallel_loop3A_355 = arith.constant 64 : i32
      %parallel_loop3A_356 = arith.constant 1 : i32
      scf.for %parallel_loop3A_505 = %parallel_loop3A_354 to %parallel_loop3A_355 step %parallel_loop3A_356  : i32 {
        %parallel_loop3A_506 = arith.index_cast %parallel_loop3A_505 : i32 to index
        %parallel_loop3A_507 = arith.constant 128 : index
        %parallel_loop3A_508 = tpu.vector_load %arg22[%parallel_loop3A_506, %parallel_loop3A_507] {strides = array<i32>} : memref<64x144xf32, #tpu.memory_space<vmem>>, vector<1x16xf32>,
        %parallel_loop3A_509 = vector.shape_cast %parallel_loop3A_508 : vector<1x16xf32> to vector<16xf32>
        %parallel_loop3A_510 = arith.index_cast %parallel_loop3A_505 : i32 to index
        %parallel_loop3A_511 = arith.constant 0 : index
        %parallel_loop3A_512 = tpu.vector_load %arg19[%parallel_loop3A_510, %parallel_loop3A_511] {strides = array<i32>} : memref<64x16xf32, #tpu.memory_space<vmem>>, vector<1x16xf32>,
        %parallel_loop3A_513 = vector.shape_cast %parallel_loop3A_512 : vector<1x16xf32> to vector<16xf32>
        %parallel_loop3A_514 = arith.addf %parallel_loop3A_509, %parallel_loop3A_513 : vector<16xf32>
        %parallel_loop3A_515 = arith.constant 2.000000e-01 : f32
        %parallel_loop3A_516 = vector.broadcast %parallel_loop3A_515 : f32 to vector<16xf32>
        %parallel_loop3A_517 = arith.mulf %parallel_loop3A_516, %parallel_loop3A_514 : vector<16xf32>
        %parallel_loop3A_518 = arith.maximumf %parallel_loop3A_514, %parallel_loop3A_517 : vector<16xf32>
        %parallel_loop3A_519 = math.exp %parallel_loop3A_518 : vector<16xf32>
        %parallel_loop3A_520 = arith.index_cast %parallel_loop3A_505 : i32 to index
        %parallel_loop3A_521 = arith.constant 128 : index
        %parallel_loop3A_522 = tpu.vector_load %arg22[%parallel_loop3A_520, %parallel_loop3A_521] {strides = array<i32>} : memref<64x144xf32, #tpu.memory_space<vmem>>, vector<1x16xf32>,
        %parallel_loop3A_523 = vector.shape_cast %parallel_loop3A_522 : vector<1x16xf32> to vector<16xf32>
        %parallel_loop3A_524 = vector.shape_cast %parallel_loop3A_519 : vector<16xf32> to vector<1x16xf32>
        tpu.vector_store %arg22[%parallel_loop3A_520, %parallel_loop3A_521], %parallel_loop3A_524 {strides = array<i32>} : memref<64x144xf32, #tpu.memory_space<vmem>>, vector<1x16xf32>,
      } {sc.loop_unroll_factor = 4 : i64, sc.parallel_access}
      %parallel_loop3A_357 = arith.constant 0 : i32
      %parallel_loop3A_358 = arith.constant 64 : i32
      %parallel_loop3A_359 = arith.constant 1 : i32
      scf.for %parallel_loop3A_505 = %parallel_loop3A_357 to %parallel_loop3A_358 step %parallel_loop3A_359  : i32 {
        %parallel_loop3A_506 = arith.index_cast %parallel_loop3A_505 : i32 to index
        %parallel_loop3A_507 = arith.constant 128 : index
        %parallel_loop3A_508 = tpu.vector_load %arg22[%parallel_loop3A_506, %parallel_loop3A_507] {strides = array<i32>} : memref<64x144xf32, #tpu.memory_space<vmem>>, vector<1x16xf32>,
        %parallel_loop3A_509 = vector.shape_cast %parallel_loop3A_508 : vector<1x16xf32> to vector<16xf32>
        %parallel_loop3A_510 = arith.index_cast %parallel_loop3A_505 : i32 to index
        %parallel_loop3A_511 = arith.constant 0 : index
        %parallel_loop3A_512 = tpu.vector_load %arg22[%parallel_loop3A_510, %parallel_loop3A_511] {strides = array<i32>} : memref<64x144xf32, #tpu.memory_space<vmem>>, vector<1x16xf32>,
        %parallel_loop3A_513 = vector.shape_cast %parallel_loop3A_512 : vector<1x16xf32> to vector<16xf32>
        %parallel_loop3A_514 = vector.extract_strided_slice %parallel_loop3A_509 {offsets = [0], sizes = [1], strides = [1]} : vector<16xf32> to vector<1xf32>
        %parallel_loop3A_515 = vector.extract %parallel_loop3A_514[0] : f32 from vector<1xf32>
        %parallel_loop3A_516 = vector.broadcast %parallel_loop3A_515 : f32 to vector<16xf32>
        %parallel_loop3A_517 = arith.mulf %parallel_loop3A_513, %parallel_loop3A_516 : vector<16xf32>
        %parallel_loop3A_518 = arith.index_cast %parallel_loop3A_505 : i32 to index
        %parallel_loop3A_519 = arith.constant 0 : index
        %parallel_loop3A_520 = tpu.vector_load %arg22[%parallel_loop3A_518, %parallel_loop3A_519] {strides = array<i32>} : memref<64x144xf32, #tpu.memory_space<vmem>>, vector<1x16xf32>,
        %parallel_loop3A_521 = vector.shape_cast %parallel_loop3A_520 : vector<1x16xf32> to vector<16xf32>
        %parallel_loop3A_522 = vector.shape_cast %parallel_loop3A_517 : vector<16xf32> to vector<1x16xf32>
        tpu.vector_store %arg22[%parallel_loop3A_518, %parallel_loop3A_519], %parallel_loop3A_522 {strides = array<i32>} : memref<64x144xf32, #tpu.memory_space<vmem>>, vector<1x16xf32>,
        %parallel_loop3A_523 = arith.index_cast %parallel_loop3A_505 : i32 to index
        %parallel_loop3A_524 = arith.constant 16 : index
        %parallel_loop3A_525 = tpu.vector_load %arg22[%parallel_loop3A_523, %parallel_loop3A_524] {strides = array<i32>} : memref<64x144xf32, #tpu.memory_space<vmem>>, vector<1x16xf32>,
        %parallel_loop3A_526 = vector.shape_cast %parallel_loop3A_525 : vector<1x16xf32> to vector<16xf32>
        %parallel_loop3A_527 = vector.extract_strided_slice %parallel_loop3A_509 {offsets = [1], sizes = [1], strides = [1]} : vector<16xf32> to vector<1xf32>
        %parallel_loop3A_528 = vector.extract %parallel_loop3A_527[0] : f32 from vector<1xf32>
        %parallel_loop3A_529 = vector.broadcast %parallel_loop3A_528 : f32 to vector<16xf32>
        %parallel_loop3A_530 = arith.mulf %parallel_loop3A_526, %parallel_loop3A_529 : vector<16xf32>
        %parallel_loop3A_531 = arith.index_cast %parallel_loop3A_505 : i32 to index
        %parallel_loop3A_532 = arith.constant 16 : index
        %parallel_loop3A_533 = tpu.vector_load %arg22[%parallel_loop3A_531, %parallel_loop3A_532] {strides = array<i32>} : memref<64x144xf32, #tpu.memory_space<vmem>>, vector<1x16xf32>,
        %parallel_loop3A_534 = vector.shape_cast %parallel_loop3A_533 : vector<1x16xf32> to vector<16xf32>
        %parallel_loop3A_535 = vector.shape_cast %parallel_loop3A_530 : vector<16xf32> to vector<1x16xf32>
        tpu.vector_store %arg22[%parallel_loop3A_531, %parallel_loop3A_532], %parallel_loop3A_535 {strides = array<i32>} : memref<64x144xf32, #tpu.memory_space<vmem>>, vector<1x16xf32>,
        %parallel_loop3A_536 = arith.index_cast %parallel_loop3A_505 : i32 to index
        %parallel_loop3A_537 = arith.constant 32 : index
        %parallel_loop3A_538 = tpu.vector_load %arg22[%parallel_loop3A_536, %parallel_loop3A_537] {strides = array<i32>} : memref<64x144xf32, #tpu.memory_space<vmem>>, vector<1x16xf32>,
        %parallel_loop3A_539 = vector.shape_cast %parallel_loop3A_538 : vector<1x16xf32> to vector<16xf32>
        %parallel_loop3A_540 = vector.extract_strided_slice %parallel_loop3A_509 {offsets = [2], sizes = [1], strides = [1]} : vector<16xf32> to vector<1xf32>
        %parallel_loop3A_541 = vector.extract %parallel_loop3A_540[0] : f32 from vector<1xf32>
        %parallel_loop3A_542 = vector.broadcast %parallel_loop3A_541 : f32 to vector<16xf32>
        %parallel_loop3A_543 = arith.mulf %parallel_loop3A_539, %parallel_loop3A_542 : vector<16xf32>
        %parallel_loop3A_544 = arith.index_cast %parallel_loop3A_505 : i32 to index
        %parallel_loop3A_545 = arith.constant 32 : index
        %parallel_loop3A_546 = tpu.vector_load %arg22[%parallel_loop3A_544, %parallel_loop3A_545] {strides = array<i32>} : memref<64x144xf32, #tpu.memory_space<vmem>>, vector<1x16xf32>,
        %parallel_loop3A_547 = vector.shape_cast %parallel_loop3A_546 : vector<1x16xf32> to vector<16xf32>
        %parallel_loop3A_548 = vector.shape_cast %parallel_loop3A_543 : vector<16xf32> to vector<1x16xf32>
        tpu.vector_store %arg22[%parallel_loop3A_544, %parallel_loop3A_545], %parallel_loop3A_548 {strides = array<i32>} : memref<64x144xf32, #tpu.memory_space<vmem>>, vector<1x16xf32>,
        %parallel_loop3A_549 = arith.index_cast %parallel_loop3A_505 : i32 to index
        %parallel_loop3A_550 = arith.constant 48 : index
        %parallel_loop3A_551 = tpu.vector_load %arg22[%parallel_loop3A_549, %parallel_loop3A_550] {strides = array<i32>} : memref<64x144xf32, #tpu.memory_space<vmem>>, vector<1x16xf32>,
        %parallel_loop3A_552 = vector.shape_cast %parallel_loop3A_551 : vector<1x16xf32> to vector<16xf32>
        %parallel_loop3A_553 = vector.extract_strided_slice %parallel_loop3A_509 {offsets = [3], sizes = [1], strides = [1]} : vector<16xf32> to vector<1xf32>
        %parallel_loop3A_554 = vector.extract %parallel_loop3A_553[0] : f32 from vector<1xf32>
        %parallel_loop3A_555 = vector.broadcast %parallel_loop3A_554 : f32 to vector<16xf32>
        %parallel_loop3A_556 = arith.mulf %parallel_loop3A_552, %parallel_loop3A_555 : vector<16xf32>
        %parallel_loop3A_557 = arith.index_cast %parallel_loop3A_505 : i32 to index
        %parallel_loop3A_558 = arith.constant 48 : index
        %parallel_loop3A_559 = tpu.vector_load %arg22[%parallel_loop3A_557, %parallel_loop3A_558] {strides = array<i32>} : memref<64x144xf32, #tpu.memory_space<vmem>>, vector<1x16xf32>,
        %parallel_loop3A_560 = vector.shape_cast %parallel_loop3A_559 : vector<1x16xf32> to vector<16xf32>
        %parallel_loop3A_561 = vector.shape_cast %parallel_loop3A_556 : vector<16xf32> to vector<1x16xf32>
        tpu.vector_store %arg22[%parallel_loop3A_557, %parallel_loop3A_558], %parallel_loop3A_561 {strides = array<i32>} : memref<64x144xf32, #tpu.memory_space<vmem>>, vector<1x16xf32>,
        %parallel_loop3A_562 = arith.index_cast %parallel_loop3A_505 : i32 to index
        %parallel_loop3A_563 = arith.constant 64 : index
        %parallel_loop3A_564 = tpu.vector_load %arg22[%parallel_loop3A_562, %parallel_loop3A_563] {strides = array<i32>} : memref<64x144xf32, #tpu.memory_space<vmem>>, vector<1x16xf32>,
        %parallel_loop3A_565 = vector.shape_cast %parallel_loop3A_564 : vector<1x16xf32> to vector<16xf32>
        %parallel_loop3A_566 = vector.extract_strided_slice %parallel_loop3A_509 {offsets = [4], sizes = [1], strides = [1]} : vector<16xf32> to vector<1xf32>
        %parallel_loop3A_567 = vector.extract %parallel_loop3A_566[0] : f32 from vector<1xf32>
        %parallel_loop3A_568 = vector.broadcast %parallel_loop3A_567 : f32 to vector<16xf32>
        %parallel_loop3A_569 = arith.mulf %parallel_loop3A_565, %parallel_loop3A_568 : vector<16xf32>
        %parallel_loop3A_570 = arith.index_cast %parallel_loop3A_505 : i32 to index
        %parallel_loop3A_571 = arith.constant 64 : index
        %parallel_loop3A_572 = tpu.vector_load %arg22[%parallel_loop3A_570, %parallel_loop3A_571] {strides = array<i32>} : memref<64x144xf32, #tpu.memory_space<vmem>>, vector<1x16xf32>,
        %parallel_loop3A_573 = vector.shape_cast %parallel_loop3A_572 : vector<1x16xf32> to vector<16xf32>
        %parallel_loop3A_574 = vector.shape_cast %parallel_loop3A_569 : vector<16xf32> to vector<1x16xf32>
        tpu.vector_store %arg22[%parallel_loop3A_570, %parallel_loop3A_571], %parallel_loop3A_574 {strides = array<i32>} : memref<64x144xf32, #tpu.memory_space<vmem>>, vector<1x16xf32>,
        %parallel_loop3A_575 = arith.index_cast %parallel_loop3A_505 : i32 to index
        %parallel_loop3A_576 = arith.constant 80 : index
        %parallel_loop3A_577 = tpu.vector_load %arg22[%parallel_loop3A_575, %parallel_loop3A_576] {strides = array<i32>} : memref<64x144xf32, #tpu.memory_space<vmem>>, vector<1x16xf32>,
        %parallel_loop3A_578 = vector.shape_cast %parallel_loop3A_577 : vector<1x16xf32> to vector<16xf32>
        %parallel_loop3A_579 = vector.extract_strided_slice %parallel_loop3A_509 {offsets = [5], sizes = [1], strides = [1]} : vector<16xf32> to vector<1xf32>
        %parallel_loop3A_580 = vector.extract %parallel_loop3A_579[0] : f32 from vector<1xf32>
        %parallel_loop3A_581 = vector.broadcast %parallel_loop3A_580 : f32 to vector<16xf32>
        %parallel_loop3A_582 = arith.mulf %parallel_loop3A_578, %parallel_loop3A_581 : vector<16xf32>
        %parallel_loop3A_583 = arith.index_cast %parallel_loop3A_505 : i32 to index
        %parallel_loop3A_584 = arith.constant 80 : index
        %parallel_loop3A_585 = tpu.vector_load %arg22[%parallel_loop3A_583, %parallel_loop3A_584] {strides = array<i32>} : memref<64x144xf32, #tpu.memory_space<vmem>>, vector<1x16xf32>,
        %parallel_loop3A_586 = vector.shape_cast %parallel_loop3A_585 : vector<1x16xf32> to vector<16xf32>
        %parallel_loop3A_587 = vector.shape_cast %parallel_loop3A_582 : vector<16xf32> to vector<1x16xf32>
        tpu.vector_store %arg22[%parallel_loop3A_583, %parallel_loop3A_584], %parallel_loop3A_587 {strides = array<i32>} : memref<64x144xf32, #tpu.memory_space<vmem>>, vector<1x16xf32>,
        %parallel_loop3A_588 = arith.index_cast %parallel_loop3A_505 : i32 to index
        %parallel_loop3A_589 = arith.constant 96 : index
        %parallel_loop3A_590 = tpu.vector_load %arg22[%parallel_loop3A_588, %parallel_loop3A_589] {strides = array<i32>} : memref<64x144xf32, #tpu.memory_space<vmem>>, vector<1x16xf32>,
        %parallel_loop3A_591 = vector.shape_cast %parallel_loop3A_590 : vector<1x16xf32> to vector<16xf32>
        %parallel_loop3A_592 = vector.extract_strided_slice %parallel_loop3A_509 {offsets = [6], sizes = [1], strides = [1]} : vector<16xf32> to vector<1xf32>
        %parallel_loop3A_593 = vector.extract %parallel_loop3A_592[0] : f32 from vector<1xf32>
        %parallel_loop3A_594 = vector.broadcast %parallel_loop3A_593 : f32 to vector<16xf32>
        %parallel_loop3A_595 = arith.mulf %parallel_loop3A_591, %parallel_loop3A_594 : vector<16xf32>
        %parallel_loop3A_596 = arith.index_cast %parallel_loop3A_505 : i32 to index
        %parallel_loop3A_597 = arith.constant 96 : index
        %parallel_loop3A_598 = tpu.vector_load %arg22[%parallel_loop3A_596, %parallel_loop3A_597] {strides = array<i32>} : memref<64x144xf32, #tpu.memory_space<vmem>>, vector<1x16xf32>,
        %parallel_loop3A_599 = vector.shape_cast %parallel_loop3A_598 : vector<1x16xf32> to vector<16xf32>
        %parallel_loop3A_600 = vector.shape_cast %parallel_loop3A_595 : vector<16xf32> to vector<1x16xf32>
        tpu.vector_store %arg22[%parallel_loop3A_596, %parallel_loop3A_597], %parallel_loop3A_600 {strides = array<i32>} : memref<64x144xf32, #tpu.memory_space<vmem>>, vector<1x16xf32>,
        %parallel_loop3A_601 = arith.index_cast %parallel_loop3A_505 : i32 to index
        %parallel_loop3A_602 = arith.constant 112 : index
        %parallel_loop3A_603 = tpu.vector_load %arg22[%parallel_loop3A_601, %parallel_loop3A_602] {strides = array<i32>} : memref<64x144xf32, #tpu.memory_space<vmem>>, vector<1x16xf32>,
        %parallel_loop3A_604 = vector.shape_cast %parallel_loop3A_603 : vector<1x16xf32> to vector<16xf32>
        %parallel_loop3A_605 = vector.extract_strided_slice %parallel_loop3A_509 {offsets = [7], sizes = [1], strides = [1]} : vector<16xf32> to vector<1xf32>
        %parallel_loop3A_606 = vector.extract %parallel_loop3A_605[0] : f32 from vector<1xf32>
        %parallel_loop3A_607 = vector.broadcast %parallel_loop3A_606 : f32 to vector<16xf32>
        %parallel_loop3A_608 = arith.mulf %parallel_loop3A_604, %parallel_loop3A_607 : vector<16xf32>
        %parallel_loop3A_609 = arith.index_cast %parallel_loop3A_505 : i32 to index
        %parallel_loop3A_610 = arith.constant 112 : index
        %parallel_loop3A_611 = tpu.vector_load %arg22[%parallel_loop3A_609, %parallel_loop3A_610] {strides = array<i32>} : memref<64x144xf32, #tpu.memory_space<vmem>>, vector<1x16xf32>,
        %parallel_loop3A_612 = vector.shape_cast %parallel_loop3A_611 : vector<1x16xf32> to vector<16xf32>
        %parallel_loop3A_613 = vector.shape_cast %parallel_loop3A_608 : vector<16xf32> to vector<1x16xf32>
        tpu.vector_store %arg22[%parallel_loop3A_609, %parallel_loop3A_610], %parallel_loop3A_613 {strides = array<i32>} : memref<64x144xf32, #tpu.memory_space<vmem>>, vector<1x16xf32>,
      } {sc.loop_unroll_factor = 2 : i64, sc.parallel_access}
      %dma_start3A_360 = arith.constant 0 : i32
      %dma_start3A_361 = arith.constant 0 : i32
      %dma_start3A_362 = tpu.memref_slice %arg25[%dma_start3A_360, %dma_start3A_361] : memref<10240x144xf32, #tpu.memory_space<vmem_shared>> -> memref<10240x144xf32, #tpu.memory_space<vmem_shared>>
      tpu.enqueue_indirect_dma source(%arg22 : memref<64x144xf32, #tpu.memory_space<vmem>>) target(%dma_start3A_362 : memref<10240x144xf32, #tpu.memory_space<vmem_shared>>) offsets(%arg16 : memref<64xi32, #tpu.memory_space<vmem>>) semaphore(%arg29 : memref<!tpu.dma_semaphore, #tpu.memory_space<semaphore_mem>>) {add = true}
      %add3A_363 = arith.constant 3 : i32
      %add3A_364 = arith.addi %mul3A_127, %add3A_363 : i32
      %add3A_365 = arith.constant 2 : i32
      %add3A_366 = arith.addi %add3A_364, %add3A_365 : i32
      %dma_start3A_367 = arith.constant 0 : i32
      %dma_start3A_368 = tpu.memref_slice %arg2[%add3A, %add3A_366, %dma_start3A_367] : memref<32x164x64xi32, #tpu.memory_space<hbm>> -> memref<1x1x64xi32, #tpu.memory_space<hbm>>
      %dma_start3A_369 = tpu.memref_squeeze %dma_start3A_368 : memref<1x1x64xi32, #tpu.memory_space<hbm>> -> memref<64xi32, #tpu.memory_space<hbm>>
      %dma_start3A_370 = arith.constant 0 : i32
      %dma_start3A_371 = tpu.memref_slice %arg2[%add3A, %add3A_366, %dma_start3A_370] : memref<32x164x64xi32, #tpu.memory_space<hbm>> -> memref<1x1x64xi32, #tpu.memory_space<hbm>>
      %dma_start3A_372 = tpu.memref_squeeze %dma_start3A_371 : memref<1x1x64xi32, #tpu.memory_space<hbm>> -> memref<64xi32, #tpu.memory_space<hbm>>
      tpu.enqueue_dma source(%dma_start3A_372 : memref<64xi32, #tpu.memory_space<hbm>>) target(%arg12 : memref<64xi32, #tpu.memory_space<vmem>>) target_semaphore(%arg37 : memref<!tpu.dma_semaphore, #tpu.memory_space<semaphore_mem>>)
      %dma_start3A_373 = arith.constant 0 : i32
      %dma_start3A_374 = tpu.memref_slice %arg3[%add3A, %add3A_366, %dma_start3A_373] : memref<32x164x64xi32, #tpu.memory_space<hbm>> -> memref<1x1x64xi32, #tpu.memory_space<hbm>>
      %dma_start3A_375 = tpu.memref_squeeze %dma_start3A_374 : memref<1x1x64xi32, #tpu.memory_space<hbm>> -> memref<64xi32, #tpu.memory_space<hbm>>
      %dma_start3A_376 = arith.constant 0 : i32
      %dma_start3A_377 = tpu.memref_slice %arg3[%add3A, %add3A_366, %dma_start3A_376] : memref<32x164x64xi32, #tpu.memory_space<hbm>> -> memref<1x1x64xi32, #tpu.memory_space<hbm>>
      %dma_start3A_378 = tpu.memref_squeeze %dma_start3A_377 : memref<1x1x64xi32, #tpu.memory_space<hbm>> -> memref<64xi32, #tpu.memory_space<hbm>>
      tpu.enqueue_dma source(%dma_start3A_378 : memref<64xi32, #tpu.memory_space<hbm>>) target(%arg18 : memref<64xi32, #tpu.memory_space<vmem>>) target_semaphore(%arg37 : memref<!tpu.dma_semaphore, #tpu.memory_space<semaphore_mem>>)
      %dma_wait3A_379 = arith.constant 0 : i32
      %dma_wait3A_380 = arith.constant 0 : i32
      %dma_wait3A_381 = tpu.memref_slice %arg4[%dma_wait3A_379, %dma_wait3A_380] : memref<10240x144xf32, #tpu.memory_space<hbm>> -> memref<64x144xf32, #tpu.memory_space<hbm>>
      %dma_wait3A_382 = arith.constant 0 : i32
      %dma_wait3A_383 = arith.constant 0 : i32
      %dma_wait3A_384 = tpu.memref_slice %arg4[%dma_wait3A_382, %dma_wait3A_383] : memref<10240x144xf32, #tpu.memory_space<hbm>> -> memref<64x144xf32, #tpu.memory_space<hbm>>
      tpu.wait_dma2 semaphore(%arg27 : memref<!tpu.dma_semaphore, #tpu.memory_space<semaphore_mem>>) src(%dma_wait3A_384 : memref<64x144xf32, #tpu.memory_space<hbm>>) dst(%arg23 : memref<64x144xf32, #tpu.memory_space<vmem>>)
      %dma_wait3A_385 = arith.constant 0 : i32
      %dma_wait3A_386 = arith.constant 0 : i32
      %dma_wait3A_387 = tpu.memref_slice %arg5[%dma_wait3A_385, %dma_wait3A_386] : memref<10240x16xf32, #tpu.memory_space<hbm>> -> memref<64x16xf32, #tpu.memory_space<hbm>>
      %dma_wait3A_388 = arith.constant 0 : i32
      %dma_wait3A_389 = arith.constant 0 : i32
      %dma_wait3A_390 = tpu.memref_slice %arg5[%dma_wait3A_388, %dma_wait3A_389] : memref<10240x16xf32, #tpu.memory_space<hbm>> -> memref<64x16xf32, #tpu.memory_space<hbm>>
      tpu.wait_dma2 semaphore(%arg27 : memref<!tpu.dma_semaphore, #tpu.memory_space<semaphore_mem>>) src(%dma_wait3A_390 : memref<64x16xf32, #tpu.memory_space<hbm>>) dst(%arg20 : memref<64x16xf32, #tpu.memory_space<vmem>>)
      %dma_wait3A_391 = arith.constant 0 : i32
      %dma_wait3A_392 = arith.constant 0 : i32
      %dma_wait3A_393 = tpu.memref_slice %arg4[%dma_wait3A_391, %dma_wait3A_392] : memref<10240x144xf32, #tpu.memory_space<hbm>> -> memref<64x144xf32, #tpu.memory_space<hbm>>
      %dma_wait3A_394 = arith.constant 0 : i32
      %dma_wait3A_395 = arith.constant 0 : i32
      %dma_wait3A_396 = tpu.memref_slice %arg4[%dma_wait3A_394, %dma_wait3A_395] : memref<10240x144xf32, #tpu.memory_space<hbm>> -> memref<64x144xf32, #tpu.memory_space<hbm>>
      tpu.wait_dma2 semaphore(%arg31 : memref<!tpu.dma_semaphore, #tpu.memory_space<semaphore_mem>>) src(%dma_wait3A_396 : memref<64x144xf32, #tpu.memory_space<hbm>>) dst(%arg24 : memref<64x144xf32, #tpu.memory_space<vmem>>)
      %dma_wait3A_397 = arith.constant 0 : i32
      %dma_wait3A_398 = arith.constant 0 : i32
      %dma_wait3A_399 = tpu.memref_slice %arg2[%add3A, %dma_wait3A_397, %dma_wait3A_398] : memref<32x164x64xi32, #tpu.memory_space<hbm>> -> memref<1x1x64xi32, #tpu.memory_space<hbm>>
      %dma_wait3A_400 = tpu.memref_squeeze %dma_wait3A_399 : memref<1x1x64xi32, #tpu.memory_space<hbm>> -> memref<64xi32, #tpu.memory_space<hbm>>
      %dma_wait3A_401 = arith.constant 0 : i32
      %dma_wait3A_402 = tpu.memref_slice %arg2[%add3A, %dma_wait3A_397, %dma_wait3A_401] : memref<32x164x64xi32, #tpu.memory_space<hbm>> -> memref<1x1x64xi32, #tpu.memory_space<hbm>>
      %dma_wait3A_403 = tpu.memref_squeeze %dma_wait3A_402 : memref<1x1x64xi32, #tpu.memory_space<hbm>> -> memref<64xi32, #tpu.memory_space<hbm>>
      tpu.wait_dma2 semaphore(%arg37 : memref<!tpu.dma_semaphore, #tpu.memory_space<semaphore_mem>>) src(%dma_wait3A_403 : memref<64xi32, #tpu.memory_space<hbm>>) dst(%arg12 : memref<64xi32, #tpu.memory_space<vmem>>)
      %dma_wait3A_404 = arith.constant 0 : i32
      %dma_wait3A_405 = arith.constant 0 : i32
      %dma_wait3A_406 = tpu.memref_slice %arg2[%add3A, %dma_wait3A_404, %dma_wait3A_405] : memref<32x164x64xi32, #tpu.memory_space<hbm>> -> memref<1x1x64xi32, #tpu.memory_space<hbm>>
      %dma_wait3A_407 = tpu.memref_squeeze %dma_wait3A_406 : memref<1x1x64xi32, #tpu.memory_space<hbm>> -> memref<64xi32, #tpu.memory_space<hbm>>
      %dma_wait3A_408 = arith.constant 0 : i32
      %dma_wait3A_409 = tpu.memref_slice %arg2[%add3A, %dma_wait3A_404, %dma_wait3A_408] : memref<32x164x64xi32, #tpu.memory_space<hbm>> -> memref<1x1x64xi32, #tpu.memory_space<hbm>>
      %dma_wait3A_410 = tpu.memref_squeeze %dma_wait3A_409 : memref<1x1x64xi32, #tpu.memory_space<hbm>> -> memref<64xi32, #tpu.memory_space<hbm>>
      tpu.wait_dma2 semaphore(%arg37 : memref<!tpu.dma_semaphore, #tpu.memory_space<semaphore_mem>>) src(%dma_wait3A_410 : memref<64xi32, #tpu.memory_space<hbm>>) dst(%arg18 : memref<64xi32, #tpu.memory_space<vmem>>)
      %dma_start3A_411 = arith.constant 0 : i32
      %dma_start3A_412 = arith.constant 0 : i32
      %dma_start3A_413 = tpu.memref_slice %arg4[%dma_start3A_411, %dma_start3A_412] : memref<10240x144xf32, #tpu.memory_space<hbm>> -> memref<10240x144xf32, #tpu.memory_space<hbm>>
      tpu.enqueue_indirect_dma source(%dma_start3A_413 : memref<10240x144xf32, #tpu.memory_space<hbm>>) target(%arg24 : memref<64x144xf32, #tpu.memory_space<vmem>>) offsets(%arg12 : memref<64xi32, #tpu.memory_space<vmem>>) semaphore(%arg28 : memref<!tpu.dma_semaphore, #tpu.memory_space<semaphore_mem>>)
      %dma_start3A_414 = arith.constant 0 : i32
      %dma_start3A_415 = arith.constant 0 : i32
      %dma_start3A_416 = tpu.memref_slice %arg5[%dma_start3A_414, %dma_start3A_415] : memref<10240x16xf32, #tpu.memory_space<hbm>> -> memref<10240x16xf32, #tpu.memory_space<hbm>>
      tpu.enqueue_indirect_dma source(%dma_start3A_416 : memref<10240x16xf32, #tpu.memory_space<hbm>>) target(%arg21 : memref<64x16xf32, #tpu.memory_space<vmem>>) offsets(%arg18 : memref<64xi32, #tpu.memory_space<vmem>>) semaphore(%arg28 : memref<!tpu.dma_semaphore, #tpu.memory_space<semaphore_mem>>)
      %parallel_loop3A_417 = arith.constant 0 : i32
      %parallel_loop3A_418 = arith.constant 64 : i32
      %parallel_loop3A_419 = arith.constant 1 : i32
      scf.for %parallel_loop3A_505 = %parallel_loop3A_417 to %parallel_loop3A_418 step %parallel_loop3A_419  : i32 {
        %parallel_loop3A_506 = arith.index_cast %parallel_loop3A_505 : i32 to index
        %parallel_loop3A_507 = arith.constant 128 : index
        %parallel_loop3A_508 = tpu.vector_load %arg23[%parallel_loop3A_506, %parallel_loop3A_507] {strides = array<i32>} : memref<64x144xf32, #tpu.memory_space<vmem>>, vector<1x16xf32>,
        %parallel_loop3A_509 = vector.shape_cast %parallel_loop3A_508 : vector<1x16xf32> to vector<16xf32>
        %parallel_loop3A_510 = arith.index_cast %parallel_loop3A_505 : i32 to index
        %parallel_loop3A_511 = arith.constant 0 : index
        %parallel_loop3A_512 = tpu.vector_load %arg20[%parallel_loop3A_510, %parallel_loop3A_511] {strides = array<i32>} : memref<64x16xf32, #tpu.memory_space<vmem>>, vector<1x16xf32>,
        %parallel_loop3A_513 = vector.shape_cast %parallel_loop3A_512 : vector<1x16xf32> to vector<16xf32>
        %parallel_loop3A_514 = arith.addf %parallel_loop3A_509, %parallel_loop3A_513 : vector<16xf32>
        %parallel_loop3A_515 = arith.constant 2.000000e-01 : f32
        %parallel_loop3A_516 = vector.broadcast %parallel_loop3A_515 : f32 to vector<16xf32>
        %parallel_loop3A_517 = arith.mulf %parallel_loop3A_516, %parallel_loop3A_514 : vector<16xf32>
        %parallel_loop3A_518 = arith.maximumf %parallel_loop3A_514, %parallel_loop3A_517 : vector<16xf32>
        %parallel_loop3A_519 = math.exp %parallel_loop3A_518 : vector<16xf32>
        %parallel_loop3A_520 = arith.index_cast %parallel_loop3A_505 : i32 to index
        %parallel_loop3A_521 = arith.constant 128 : index
        %parallel_loop3A_522 = tpu.vector_load %arg23[%parallel_loop3A_520, %parallel_loop3A_521] {strides = array<i32>} : memref<64x144xf32, #tpu.memory_space<vmem>>, vector<1x16xf32>,
        %parallel_loop3A_523 = vector.shape_cast %parallel_loop3A_522 : vector<1x16xf32> to vector<16xf32>
        %parallel_loop3A_524 = vector.shape_cast %parallel_loop3A_519 : vector<16xf32> to vector<1x16xf32>
        tpu.vector_store %arg23[%parallel_loop3A_520, %parallel_loop3A_521], %parallel_loop3A_524 {strides = array<i32>} : memref<64x144xf32, #tpu.memory_space<vmem>>, vector<1x16xf32>,
      } {sc.loop_unroll_factor = 4 : i64, sc.parallel_access}
      %parallel_loop3A_420 = arith.constant 0 : i32
      %parallel_loop3A_421 = arith.constant 64 : i32
      %parallel_loop3A_422 = arith.constant 1 : i32
      scf.for %parallel_loop3A_505 = %parallel_loop3A_420 to %parallel_loop3A_421 step %parallel_loop3A_422  : i32 {
        %parallel_loop3A_506 = arith.index_cast %parallel_loop3A_505 : i32 to index
        %parallel_loop3A_507 = arith.constant 128 : index
        %parallel_loop3A_508 = tpu.vector_load %arg23[%parallel_loop3A_506, %parallel_loop3A_507] {strides = array<i32>} : memref<64x144xf32, #tpu.memory_space<vmem>>, vector<1x16xf32>,
        %parallel_loop3A_509 = vector.shape_cast %parallel_loop3A_508 : vector<1x16xf32> to vector<16xf32>
        %parallel_loop3A_510 = arith.index_cast %parallel_loop3A_505 : i32 to index
        %parallel_loop3A_511 = arith.constant 0 : index
        %parallel_loop3A_512 = tpu.vector_load %arg23[%parallel_loop3A_510, %parallel_loop3A_511] {strides = array<i32>} : memref<64x144xf32, #tpu.memory_space<vmem>>, vector<1x16xf32>,
        %parallel_loop3A_513 = vector.shape_cast %parallel_loop3A_512 : vector<1x16xf32> to vector<16xf32>
        %parallel_loop3A_514 = vector.extract_strided_slice %parallel_loop3A_509 {offsets = [0], sizes = [1], strides = [1]} : vector<16xf32> to vector<1xf32>
        %parallel_loop3A_515 = vector.extract %parallel_loop3A_514[0] : f32 from vector<1xf32>
        %parallel_loop3A_516 = vector.broadcast %parallel_loop3A_515 : f32 to vector<16xf32>
        %parallel_loop3A_517 = arith.mulf %parallel_loop3A_513, %parallel_loop3A_516 : vector<16xf32>
        %parallel_loop3A_518 = arith.index_cast %parallel_loop3A_505 : i32 to index
        %parallel_loop3A_519 = arith.constant 0 : index
        %parallel_loop3A_520 = tpu.vector_load %arg23[%parallel_loop3A_518, %parallel_loop3A_519] {strides = array<i32>} : memref<64x144xf32, #tpu.memory_space<vmem>>, vector<1x16xf32>,
        %parallel_loop3A_521 = vector.shape_cast %parallel_loop3A_520 : vector<1x16xf32> to vector<16xf32>
        %parallel_loop3A_522 = vector.shape_cast %parallel_loop3A_517 : vector<16xf32> to vector<1x16xf32>
        tpu.vector_store %arg23[%parallel_loop3A_518, %parallel_loop3A_519], %parallel_loop3A_522 {strides = array<i32>} : memref<64x144xf32, #tpu.memory_space<vmem>>, vector<1x16xf32>,
        %parallel_loop3A_523 = arith.index_cast %parallel_loop3A_505 : i32 to index
        %parallel_loop3A_524 = arith.constant 16 : index
        %parallel_loop3A_525 = tpu.vector_load %arg23[%parallel_loop3A_523, %parallel_loop3A_524] {strides = array<i32>} : memref<64x144xf32, #tpu.memory_space<vmem>>, vector<1x16xf32>,
        %parallel_loop3A_526 = vector.shape_cast %parallel_loop3A_525 : vector<1x16xf32> to vector<16xf32>
        %parallel_loop3A_527 = vector.extract_strided_slice %parallel_loop3A_509 {offsets = [1], sizes = [1], strides = [1]} : vector<16xf32> to vector<1xf32>
        %parallel_loop3A_528 = vector.extract %parallel_loop3A_527[0] : f32 from vector<1xf32>
        %parallel_loop3A_529 = vector.broadcast %parallel_loop3A_528 : f32 to vector<16xf32>
        %parallel_loop3A_530 = arith.mulf %parallel_loop3A_526, %parallel_loop3A_529 : vector<16xf32>
        %parallel_loop3A_531 = arith.index_cast %parallel_loop3A_505 : i32 to index
        %parallel_loop3A_532 = arith.constant 16 : index
        %parallel_loop3A_533 = tpu.vector_load %arg23[%parallel_loop3A_531, %parallel_loop3A_532] {strides = array<i32>} : memref<64x144xf32, #tpu.memory_space<vmem>>, vector<1x16xf32>,
        %parallel_loop3A_534 = vector.shape_cast %parallel_loop3A_533 : vector<1x16xf32> to vector<16xf32>
        %parallel_loop3A_535 = vector.shape_cast %parallel_loop3A_530 : vector<16xf32> to vector<1x16xf32>
        tpu.vector_store %arg23[%parallel_loop3A_531, %parallel_loop3A_532], %parallel_loop3A_535 {strides = array<i32>} : memref<64x144xf32, #tpu.memory_space<vmem>>, vector<1x16xf32>,
        %parallel_loop3A_536 = arith.index_cast %parallel_loop3A_505 : i32 to index
        %parallel_loop3A_537 = arith.constant 32 : index
        %parallel_loop3A_538 = tpu.vector_load %arg23[%parallel_loop3A_536, %parallel_loop3A_537] {strides = array<i32>} : memref<64x144xf32, #tpu.memory_space<vmem>>, vector<1x16xf32>,
        %parallel_loop3A_539 = vector.shape_cast %parallel_loop3A_538 : vector<1x16xf32> to vector<16xf32>
        %parallel_loop3A_540 = vector.extract_strided_slice %parallel_loop3A_509 {offsets = [2], sizes = [1], strides = [1]} : vector<16xf32> to vector<1xf32>
        %parallel_loop3A_541 = vector.extract %parallel_loop3A_540[0] : f32 from vector<1xf32>
        %parallel_loop3A_542 = vector.broadcast %parallel_loop3A_541 : f32 to vector<16xf32>
        %parallel_loop3A_543 = arith.mulf %parallel_loop3A_539, %parallel_loop3A_542 : vector<16xf32>
        %parallel_loop3A_544 = arith.index_cast %parallel_loop3A_505 : i32 to index
        %parallel_loop3A_545 = arith.constant 32 : index
        %parallel_loop3A_546 = tpu.vector_load %arg23[%parallel_loop3A_544, %parallel_loop3A_545] {strides = array<i32>} : memref<64x144xf32, #tpu.memory_space<vmem>>, vector<1x16xf32>,
        %parallel_loop3A_547 = vector.shape_cast %parallel_loop3A_546 : vector<1x16xf32> to vector<16xf32>
        %parallel_loop3A_548 = vector.shape_cast %parallel_loop3A_543 : vector<16xf32> to vector<1x16xf32>
        tpu.vector_store %arg23[%parallel_loop3A_544, %parallel_loop3A_545], %parallel_loop3A_548 {strides = array<i32>} : memref<64x144xf32, #tpu.memory_space<vmem>>, vector<1x16xf32>,
        %parallel_loop3A_549 = arith.index_cast %parallel_loop3A_505 : i32 to index
        %parallel_loop3A_550 = arith.constant 48 : index
        %parallel_loop3A_551 = tpu.vector_load %arg23[%parallel_loop3A_549, %parallel_loop3A_550] {strides = array<i32>} : memref<64x144xf32, #tpu.memory_space<vmem>>, vector<1x16xf32>,
        %parallel_loop3A_552 = vector.shape_cast %parallel_loop3A_551 : vector<1x16xf32> to vector<16xf32>
        %parallel_loop3A_553 = vector.extract_strided_slice %parallel_loop3A_509 {offsets = [3], sizes = [1], strides = [1]} : vector<16xf32> to vector<1xf32>
        %parallel_loop3A_554 = vector.extract %parallel_loop3A_553[0] : f32 from vector<1xf32>
        %parallel_loop3A_555 = vector.broadcast %parallel_loop3A_554 : f32 to vector<16xf32>
        %parallel_loop3A_556 = arith.mulf %parallel_loop3A_552, %parallel_loop3A_555 : vector<16xf32>
        %parallel_loop3A_557 = arith.index_cast %parallel_loop3A_505 : i32 to index
        %parallel_loop3A_558 = arith.constant 48 : index
        %parallel_loop3A_559 = tpu.vector_load %arg23[%parallel_loop3A_557, %parallel_loop3A_558] {strides = array<i32>} : memref<64x144xf32, #tpu.memory_space<vmem>>, vector<1x16xf32>,
        %parallel_loop3A_560 = vector.shape_cast %parallel_loop3A_559 : vector<1x16xf32> to vector<16xf32>
        %parallel_loop3A_561 = vector.shape_cast %parallel_loop3A_556 : vector<16xf32> to vector<1x16xf32>
        tpu.vector_store %arg23[%parallel_loop3A_557, %parallel_loop3A_558], %parallel_loop3A_561 {strides = array<i32>} : memref<64x144xf32, #tpu.memory_space<vmem>>, vector<1x16xf32>,
        %parallel_loop3A_562 = arith.index_cast %parallel_loop3A_505 : i32 to index
        %parallel_loop3A_563 = arith.constant 64 : index
        %parallel_loop3A_564 = tpu.vector_load %arg23[%parallel_loop3A_562, %parallel_loop3A_563] {strides = array<i32>} : memref<64x144xf32, #tpu.memory_space<vmem>>, vector<1x16xf32>,
        %parallel_loop3A_565 = vector.shape_cast %parallel_loop3A_564 : vector<1x16xf32> to vector<16xf32>
        %parallel_loop3A_566 = vector.extract_strided_slice %parallel_loop3A_509 {offsets = [4], sizes = [1], strides = [1]} : vector<16xf32> to vector<1xf32>
        %parallel_loop3A_567 = vector.extract %parallel_loop3A_566[0] : f32 from vector<1xf32>
        %parallel_loop3A_568 = vector.broadcast %parallel_loop3A_567 : f32 to vector<16xf32>
        %parallel_loop3A_569 = arith.mulf %parallel_loop3A_565, %parallel_loop3A_568 : vector<16xf32>
        %parallel_loop3A_570 = arith.index_cast %parallel_loop3A_505 : i32 to index
        %parallel_loop3A_571 = arith.constant 64 : index
        %parallel_loop3A_572 = tpu.vector_load %arg23[%parallel_loop3A_570, %parallel_loop3A_571] {strides = array<i32>} : memref<64x144xf32, #tpu.memory_space<vmem>>, vector<1x16xf32>,
        %parallel_loop3A_573 = vector.shape_cast %parallel_loop3A_572 : vector<1x16xf32> to vector<16xf32>
        %parallel_loop3A_574 = vector.shape_cast %parallel_loop3A_569 : vector<16xf32> to vector<1x16xf32>
        tpu.vector_store %arg23[%parallel_loop3A_570, %parallel_loop3A_571], %parallel_loop3A_574 {strides = array<i32>} : memref<64x144xf32, #tpu.memory_space<vmem>>, vector<1x16xf32>,
        %parallel_loop3A_575 = arith.index_cast %parallel_loop3A_505 : i32 to index
        %parallel_loop3A_576 = arith.constant 80 : index
        %parallel_loop3A_577 = tpu.vector_load %arg23[%parallel_loop3A_575, %parallel_loop3A_576] {strides = array<i32>} : memref<64x144xf32, #tpu.memory_space<vmem>>, vector<1x16xf32>,
        %parallel_loop3A_578 = vector.shape_cast %parallel_loop3A_577 : vector<1x16xf32> to vector<16xf32>
        %parallel_loop3A_579 = vector.extract_strided_slice %parallel_loop3A_509 {offsets = [5], sizes = [1], strides = [1]} : vector<16xf32> to vector<1xf32>
        %parallel_loop3A_580 = vector.extract %parallel_loop3A_579[0] : f32 from vector<1xf32>
        %parallel_loop3A_581 = vector.broadcast %parallel_loop3A_580 : f32 to vector<16xf32>
        %parallel_loop3A_582 = arith.mulf %parallel_loop3A_578, %parallel_loop3A_581 : vector<16xf32>
        %parallel_loop3A_583 = arith.index_cast %parallel_loop3A_505 : i32 to index
        %parallel_loop3A_584 = arith.constant 80 : index
        %parallel_loop3A_585 = tpu.vector_load %arg23[%parallel_loop3A_583, %parallel_loop3A_584] {strides = array<i32>} : memref<64x144xf32, #tpu.memory_space<vmem>>, vector<1x16xf32>,
        %parallel_loop3A_586 = vector.shape_cast %parallel_loop3A_585 : vector<1x16xf32> to vector<16xf32>
        %parallel_loop3A_587 = vector.shape_cast %parallel_loop3A_582 : vector<16xf32> to vector<1x16xf32>
        tpu.vector_store %arg23[%parallel_loop3A_583, %parallel_loop3A_584], %parallel_loop3A_587 {strides = array<i32>} : memref<64x144xf32, #tpu.memory_space<vmem>>, vector<1x16xf32>,
        %parallel_loop3A_588 = arith.index_cast %parallel_loop3A_505 : i32 to index
        %parallel_loop3A_589 = arith.constant 96 : index
        %parallel_loop3A_590 = tpu.vector_load %arg23[%parallel_loop3A_588, %parallel_loop3A_589] {strides = array<i32>} : memref<64x144xf32, #tpu.memory_space<vmem>>, vector<1x16xf32>,
        %parallel_loop3A_591 = vector.shape_cast %parallel_loop3A_590 : vector<1x16xf32> to vector<16xf32>
        %parallel_loop3A_592 = vector.extract_strided_slice %parallel_loop3A_509 {offsets = [6], sizes = [1], strides = [1]} : vector<16xf32> to vector<1xf32>
        %parallel_loop3A_593 = vector.extract %parallel_loop3A_592[0] : f32 from vector<1xf32>
        %parallel_loop3A_594 = vector.broadcast %parallel_loop3A_593 : f32 to vector<16xf32>
        %parallel_loop3A_595 = arith.mulf %parallel_loop3A_591, %parallel_loop3A_594 : vector<16xf32>
        %parallel_loop3A_596 = arith.index_cast %parallel_loop3A_505 : i32 to index
        %parallel_loop3A_597 = arith.constant 96 : index
        %parallel_loop3A_598 = tpu.vector_load %arg23[%parallel_loop3A_596, %parallel_loop3A_597] {strides = array<i32>} : memref<64x144xf32, #tpu.memory_space<vmem>>, vector<1x16xf32>,
        %parallel_loop3A_599 = vector.shape_cast %parallel_loop3A_598 : vector<1x16xf32> to vector<16xf32>
        %parallel_loop3A_600 = vector.shape_cast %parallel_loop3A_595 : vector<16xf32> to vector<1x16xf32>
        tpu.vector_store %arg23[%parallel_loop3A_596, %parallel_loop3A_597], %parallel_loop3A_600 {strides = array<i32>} : memref<64x144xf32, #tpu.memory_space<vmem>>, vector<1x16xf32>,
        %parallel_loop3A_601 = arith.index_cast %parallel_loop3A_505 : i32 to index
        %parallel_loop3A_602 = arith.constant 112 : index
        %parallel_loop3A_603 = tpu.vector_load %arg23[%parallel_loop3A_601, %parallel_loop3A_602] {strides = array<i32>} : memref<64x144xf32, #tpu.memory_space<vmem>>, vector<1x16xf32>,
        %parallel_loop3A_604 = vector.shape_cast %parallel_loop3A_603 : vector<1x16xf32> to vector<16xf32>
        %parallel_loop3A_605 = vector.extract_strided_slice %parallel_loop3A_509 {offsets = [7], sizes = [1], strides = [1]} : vector<16xf32> to vector<1xf32>
        %parallel_loop3A_606 = vector.extract %parallel_loop3A_605[0] : f32 from vector<1xf32>
        %parallel_loop3A_607 = vector.broadcast %parallel_loop3A_606 : f32 to vector<16xf32>
        %parallel_loop3A_608 = arith.mulf %parallel_loop3A_604, %parallel_loop3A_607 : vector<16xf32>
        %parallel_loop3A_609 = arith.index_cast %parallel_loop3A_505 : i32 to index
        %parallel_loop3A_610 = arith.constant 112 : index
        %parallel_loop3A_611 = tpu.vector_load %arg23[%parallel_loop3A_609, %parallel_loop3A_610] {strides = array<i32>} : memref<64x144xf32, #tpu.memory_space<vmem>>, vector<1x16xf32>,
        %parallel_loop3A_612 = vector.shape_cast %parallel_loop3A_611 : vector<1x16xf32> to vector<16xf32>
        %parallel_loop3A_613 = vector.shape_cast %parallel_loop3A_608 : vector<16xf32> to vector<1x16xf32>
        tpu.vector_store %arg23[%parallel_loop3A_609, %parallel_loop3A_610], %parallel_loop3A_613 {strides = array<i32>} : memref<64x144xf32, #tpu.memory_space<vmem>>, vector<1x16xf32>,
      } {sc.loop_unroll_factor = 2 : i64, sc.parallel_access}
      %dma_start3A_423 = arith.constant 0 : i32
      %dma_start3A_424 = arith.constant 0 : i32
      %dma_start3A_425 = tpu.memref_slice %arg25[%dma_start3A_423, %dma_start3A_424] : memref<10240x144xf32, #tpu.memory_space<vmem_shared>> -> memref<10240x144xf32, #tpu.memory_space<vmem_shared>>
      tpu.enqueue_indirect_dma source(%arg23 : memref<64x144xf32, #tpu.memory_space<vmem>>) target(%dma_start3A_425 : memref<10240x144xf32, #tpu.memory_space<vmem_shared>>) offsets(%arg17 : memref<64xi32, #tpu.memory_space<vmem>>) semaphore(%arg30 : memref<!tpu.dma_semaphore, #tpu.memory_space<semaphore_mem>>) {add = true}
      %add3A_426 = arith.constant 4 : i32
      %add3A_427 = arith.addi %mul3A_127, %add3A_426 : i32
      %add3A_428 = arith.constant 2 : i32
      %add3A_429 = arith.addi %add3A_427, %add3A_428 : i32
      %dma_start3A_430 = arith.constant 0 : i32
      %dma_start3A_431 = tpu.memref_slice %arg2[%add3A, %add3A_429, %dma_start3A_430] : memref<32x164x64xi32, #tpu.memory_space<hbm>> -> memref<1x1x64xi32, #tpu.memory_space<hbm>>
      %dma_start3A_432 = tpu.memref_squeeze %dma_start3A_431 : memref<1x1x64xi32, #tpu.memory_space<hbm>> -> memref<64xi32, #tpu.memory_space<hbm>>
      %dma_start3A_433 = arith.constant 0 : i32
      %dma_start3A_434 = tpu.memref_slice %arg2[%add3A, %add3A_429, %dma_start3A_433] : memref<32x164x64xi32, #tpu.memory_space<hbm>> -> memref<1x1x64xi32, #tpu.memory_space<hbm>>
      %dma_start3A_435 = tpu.memref_squeeze %dma_start3A_434 : memref<1x1x64xi32, #tpu.memory_space<hbm>> -> memref<64xi32, #tpu.memory_space<hbm>>
      tpu.enqueue_dma source(%dma_start3A_435 : memref<64xi32, #tpu.memory_space<hbm>>) target(%arg7 : memref<64xi32, #tpu.memory_space<vmem>>) target_semaphore(%arg32 : memref<!tpu.dma_semaphore, #tpu.memory_space<semaphore_mem>>)
      %dma_start3A_436 = arith.constant 0 : i32
      %dma_start3A_437 = tpu.memref_slice %arg3[%add3A, %add3A_429, %dma_start3A_436] : memref<32x164x64xi32, #tpu.memory_space<hbm>> -> memref<1x1x64xi32, #tpu.memory_space<hbm>>
      %dma_start3A_438 = tpu.memref_squeeze %dma_start3A_437 : memref<1x1x64xi32, #tpu.memory_space<hbm>> -> memref<64xi32, #tpu.memory_space<hbm>>
      %dma_start3A_439 = arith.constant 0 : i32
      %dma_start3A_440 = tpu.memref_slice %arg3[%add3A, %add3A_429, %dma_start3A_439] : memref<32x164x64xi32, #tpu.memory_space<hbm>> -> memref<1x1x64xi32, #tpu.memory_space<hbm>>
      %dma_start3A_441 = tpu.memref_squeeze %dma_start3A_440 : memref<1x1x64xi32, #tpu.memory_space<hbm>> -> memref<64xi32, #tpu.memory_space<hbm>>
      tpu.enqueue_dma source(%dma_start3A_441 : memref<64xi32, #tpu.memory_space<hbm>>) target(%arg13 : memref<64xi32, #tpu.memory_space<vmem>>) target_semaphore(%arg32 : memref<!tpu.dma_semaphore, #tpu.memory_space<semaphore_mem>>)
      %dma_wait3A_442 = arith.constant 0 : i32
      %dma_wait3A_443 = arith.constant 0 : i32
      %dma_wait3A_444 = tpu.memref_slice %arg4[%dma_wait3A_442, %dma_wait3A_443] : memref<10240x144xf32, #tpu.memory_space<hbm>> -> memref<64x144xf32, #tpu.memory_space<hbm>>
      %dma_wait3A_445 = arith.constant 0 : i32
      %dma_wait3A_446 = arith.constant 0 : i32
      %dma_wait3A_447 = tpu.memref_slice %arg4[%dma_wait3A_445, %dma_wait3A_446] : memref<10240x144xf32, #tpu.memory_space<hbm>> -> memref<64x144xf32, #tpu.memory_space<hbm>>
      tpu.wait_dma2 semaphore(%arg28 : memref<!tpu.dma_semaphore, #tpu.memory_space<semaphore_mem>>) src(%dma_wait3A_447 : memref<64x144xf32, #tpu.memory_space<hbm>>) dst(%arg24 : memref<64x144xf32, #tpu.memory_space<vmem>>)
      %dma_wait3A_448 = arith.constant 0 : i32
      %dma_wait3A_449 = arith.constant 0 : i32
      %dma_wait3A_450 = tpu.memref_slice %arg5[%dma_wait3A_448, %dma_wait3A_449] : memref<10240x16xf32, #tpu.memory_space<hbm>> -> memref<64x16xf32, #tpu.memory_space<hbm>>
      %dma_wait3A_451 = arith.constant 0 : i32
      %dma_wait3A_452 = arith.constant 0 : i32
      %dma_wait3A_453 = tpu.memref_slice %arg5[%dma_wait3A_451, %dma_wait3A_452] : memref<10240x16xf32, #tpu.memory_space<hbm>> -> memref<64x16xf32, #tpu.memory_space<hbm>>
      tpu.wait_dma2 semaphore(%arg28 : memref<!tpu.dma_semaphore, #tpu.memory_space<semaphore_mem>>) src(%dma_wait3A_453 : memref<64x16xf32, #tpu.memory_space<hbm>>) dst(%arg21 : memref<64x16xf32, #tpu.memory_space<vmem>>)
      %dma_wait3A_454 = arith.constant 0 : i32
      %dma_wait3A_455 = arith.constant 0 : i32
      %dma_wait3A_456 = tpu.memref_slice %arg4[%dma_wait3A_454, %dma_wait3A_455] : memref<10240x144xf32, #tpu.memory_space<hbm>> -> memref<64x144xf32, #tpu.memory_space<hbm>>
      %dma_wait3A_457 = arith.constant 0 : i32
      %dma_wait3A_458 = arith.constant 0 : i32
      %dma_wait3A_459 = tpu.memref_slice %arg4[%dma_wait3A_457, %dma_wait3A_458] : memref<10240x144xf32, #tpu.memory_space<hbm>> -> memref<64x144xf32, #tpu.memory_space<hbm>>
      tpu.wait_dma2 semaphore(%arg29 : memref<!tpu.dma_semaphore, #tpu.memory_space<semaphore_mem>>) src(%dma_wait3A_459 : memref<64x144xf32, #tpu.memory_space<hbm>>) dst(%arg22 : memref<64x144xf32, #tpu.memory_space<vmem>>)
      %dma_wait3A_460 = arith.constant 0 : i32
      %dma_wait3A_461 = arith.constant 0 : i32
      %dma_wait3A_462 = tpu.memref_slice %arg2[%add3A, %dma_wait3A_460, %dma_wait3A_461] : memref<32x164x64xi32, #tpu.memory_space<hbm>> -> memref<1x1x64xi32, #tpu.memory_space<hbm>>
      %dma_wait3A_463 = tpu.memref_squeeze %dma_wait3A_462 : memref<1x1x64xi32, #tpu.memory_space<hbm>> -> memref<64xi32, #tpu.memory_space<hbm>>
      %dma_wait3A_464 = arith.constant 0 : i32
      %dma_wait3A_465 = tpu.memref_slice %arg2[%add3A, %dma_wait3A_460, %dma_wait3A_464] : memref<32x164x64xi32, #tpu.memory_space<hbm>> -> memref<1x1x64xi32, #tpu.memory_space<hbm>>
      %dma_wait3A_466 = tpu.memref_squeeze %dma_wait3A_465 : memref<1x1x64xi32, #tpu.memory_space<hbm>> -> memref<64xi32, #tpu.memory_space<hbm>>
      tpu.wait_dma2 semaphore(%arg32 : memref<!tpu.dma_semaphore, #tpu.memory_space<semaphore_mem>>) src(%dma_wait3A_466 : memref<64xi32, #tpu.memory_space<hbm>>) dst(%arg7 : memref<64xi32, #tpu.memory_space<vmem>>)
      %dma_wait3A_467 = arith.constant 0 : i32
      %dma_wait3A_468 = arith.constant 0 : i32
      %dma_wait3A_469 = tpu.memref_slice %arg2[%add3A, %dma_wait3A_467, %dma_wait3A_468] : memref<32x164x64xi32, #tpu.memory_space<hbm>> -> memref<1x1x64xi32, #tpu.memory_space<hbm>>
      %dma_wait3A_470 = tpu.memref_squeeze %dma_wait3A_469 : memref<1x1x64xi32, #tpu.memory_space<hbm>> -> memref<64xi32, #tpu.memory_space<hbm>>
      %dma_wait3A_471 = arith.constant 0 : i32
      %dma_wait3A_472 = tpu.memref_slice %arg2[%add3A, %dma_wait3A_467, %dma_wait3A_471] : memref<32x164x64xi32, #tpu.memory_space<hbm>> -> memref<1x1x64xi32, #tpu.memory_space<hbm>>
      %dma_wait3A_473 = tpu.memref_squeeze %dma_wait3A_472 : memref<1x1x64xi32, #tpu.memory_space<hbm>> -> memref<64xi32, #tpu.memory_space<hbm>>
      tpu.wait_dma2 semaphore(%arg32 : memref<!tpu.dma_semaphore, #tpu.memory_space<semaphore_mem>>) src(%dma_wait3A_473 : memref<64xi32, #tpu.memory_space<hbm>>) dst(%arg13 : memref<64xi32, #tpu.memory_space<vmem>>)
      %dma_start3A_474 = arith.constant 0 : i32
      %dma_start3A_475 = arith.constant 0 : i32
      %dma_start3A_476 = tpu.memref_slice %arg4[%dma_start3A_474, %dma_start3A_475] : memref<10240x144xf32, #tpu.memory_space<hbm>> -> memref<10240x144xf32, #tpu.memory_space<hbm>>
      tpu.enqueue_indirect_dma source(%dma_start3A_476 : memref<10240x144xf32, #tpu.memory_space<hbm>>) target(%arg22 : memref<64x144xf32, #tpu.memory_space<vmem>>) offsets(%arg7 : memref<64xi32, #tpu.memory_space<vmem>>) semaphore(%arg26 : memref<!tpu.dma_semaphore, #tpu.memory_space<semaphore_mem>>)
      %dma_start3A_477 = arith.constant 0 : i32
      %dma_start3A_478 = arith.constant 0 : i32
      %dma_start3A_479 = tpu.memref_slice %arg5[%dma_start3A_477, %dma_start3A_478] : memref<10240x16xf32, #tpu.memory_space<hbm>> -> memref<10240x16xf32, #tpu.memory_space<hbm>>
      tpu.enqueue_indirect_dma source(%dma_start3A_479 : memref<10240x16xf32, #tpu.memory_space<hbm>>) target(%arg19 : memref<64x16xf32, #tpu.memory_space<vmem>>) offsets(%arg13 : memref<64xi32, #tpu.memory_space<vmem>>) semaphore(%arg26 : memref<!tpu.dma_semaphore, #tpu.memory_space<semaphore_mem>>)
      %parallel_loop3A_480 = arith.constant 0 : i32
      %parallel_loop3A_481 = arith.constant 64 : i32
      %parallel_loop3A_482 = arith.constant 1 : i32
      scf.for %parallel_loop3A_505 = %parallel_loop3A_480 to %parallel_loop3A_481 step %parallel_loop3A_482  : i32 {
        %parallel_loop3A_506 = arith.index_cast %parallel_loop3A_505 : i32 to index
        %parallel_loop3A_507 = arith.constant 128 : index
        %parallel_loop3A_508 = tpu.vector_load %arg24[%parallel_loop3A_506, %parallel_loop3A_507] {strides = array<i32>} : memref<64x144xf32, #tpu.memory_space<vmem>>, vector<1x16xf32>,
        %parallel_loop3A_509 = vector.shape_cast %parallel_loop3A_508 : vector<1x16xf32> to vector<16xf32>
        %parallel_loop3A_510 = arith.index_cast %parallel_loop3A_505 : i32 to index
        %parallel_loop3A_511 = arith.constant 0 : index
        %parallel_loop3A_512 = tpu.vector_load %arg21[%parallel_loop3A_510, %parallel_loop3A_511] {strides = array<i32>} : memref<64x16xf32, #tpu.memory_space<vmem>>, vector<1x16xf32>,
        %parallel_loop3A_513 = vector.shape_cast %parallel_loop3A_512 : vector<1x16xf32> to vector<16xf32>
        %parallel_loop3A_514 = arith.addf %parallel_loop3A_509, %parallel_loop3A_513 : vector<16xf32>
        %parallel_loop3A_515 = arith.constant 2.000000e-01 : f32
        %parallel_loop3A_516 = vector.broadcast %parallel_loop3A_515 : f32 to vector<16xf32>
        %parallel_loop3A_517 = arith.mulf %parallel_loop3A_516, %parallel_loop3A_514 : vector<16xf32>
        %parallel_loop3A_518 = arith.maximumf %parallel_loop3A_514, %parallel_loop3A_517 : vector<16xf32>
        %parallel_loop3A_519 = math.exp %parallel_loop3A_518 : vector<16xf32>
        %parallel_loop3A_520 = arith.index_cast %parallel_loop3A_505 : i32 to index
        %parallel_loop3A_521 = arith.constant 128 : index
        %parallel_loop3A_522 = tpu.vector_load %arg24[%parallel_loop3A_520, %parallel_loop3A_521] {strides = array<i32>} : memref<64x144xf32, #tpu.memory_space<vmem>>, vector<1x16xf32>,
        %parallel_loop3A_523 = vector.shape_cast %parallel_loop3A_522 : vector<1x16xf32> to vector<16xf32>
        %parallel_loop3A_524 = vector.shape_cast %parallel_loop3A_519 : vector<16xf32> to vector<1x16xf32>
        tpu.vector_store %arg24[%parallel_loop3A_520, %parallel_loop3A_521], %parallel_loop3A_524 {strides = array<i32>} : memref<64x144xf32, #tpu.memory_space<vmem>>, vector<1x16xf32>,
      } {sc.loop_unroll_factor = 4 : i64, sc.parallel_access}
      %parallel_loop3A_483 = arith.constant 0 : i32
      %parallel_loop3A_484 = arith.constant 64 : i32
      %parallel_loop3A_485 = arith.constant 1 : i32
      scf.for %parallel_loop3A_505 = %parallel_loop3A_483 to %parallel_loop3A_484 step %parallel_loop3A_485  : i32 {
        %parallel_loop3A_506 = arith.index_cast %parallel_loop3A_505 : i32 to index
        %parallel_loop3A_507 = arith.constant 128 : index
        %parallel_loop3A_508 = tpu.vector_load %arg24[%parallel_loop3A_506, %parallel_loop3A_507] {strides = array<i32>} : memref<64x144xf32, #tpu.memory_space<vmem>>, vector<1x16xf32>,
        %parallel_loop3A_509 = vector.shape_cast %parallel_loop3A_508 : vector<1x16xf32> to vector<16xf32>
        %parallel_loop3A_510 = arith.index_cast %parallel_loop3A_505 : i32 to index
        %parallel_loop3A_511 = arith.constant 0 : index
        %parallel_loop3A_512 = tpu.vector_load %arg24[%parallel_loop3A_510, %parallel_loop3A_511] {strides = array<i32>} : memref<64x144xf32, #tpu.memory_space<vmem>>, vector<1x16xf32>,
        %parallel_loop3A_513 = vector.shape_cast %parallel_loop3A_512 : vector<1x16xf32> to vector<16xf32>
        %parallel_loop3A_514 = vector.extract_strided_slice %parallel_loop3A_509 {offsets = [0], sizes = [1], strides = [1]} : vector<16xf32> to vector<1xf32>
        %parallel_loop3A_515 = vector.extract %parallel_loop3A_514[0] : f32 from vector<1xf32>
        %parallel_loop3A_516 = vector.broadcast %parallel_loop3A_515 : f32 to vector<16xf32>
        %parallel_loop3A_517 = arith.mulf %parallel_loop3A_513, %parallel_loop3A_516 : vector<16xf32>
        %parallel_loop3A_518 = arith.index_cast %parallel_loop3A_505 : i32 to index
        %parallel_loop3A_519 = arith.constant 0 : index
        %parallel_loop3A_520 = tpu.vector_load %arg24[%parallel_loop3A_518, %parallel_loop3A_519] {strides = array<i32>} : memref<64x144xf32, #tpu.memory_space<vmem>>, vector<1x16xf32>,
        %parallel_loop3A_521 = vector.shape_cast %parallel_loop3A_520 : vector<1x16xf32> to vector<16xf32>
        %parallel_loop3A_522 = vector.shape_cast %parallel_loop3A_517 : vector<16xf32> to vector<1x16xf32>
        tpu.vector_store %arg24[%parallel_loop3A_518, %parallel_loop3A_519], %parallel_loop3A_522 {strides = array<i32>} : memref<64x144xf32, #tpu.memory_space<vmem>>, vector<1x16xf32>,
        %parallel_loop3A_523 = arith.index_cast %parallel_loop3A_505 : i32 to index
        %parallel_loop3A_524 = arith.constant 16 : index
        %parallel_loop3A_525 = tpu.vector_load %arg24[%parallel_loop3A_523, %parallel_loop3A_524] {strides = array<i32>} : memref<64x144xf32, #tpu.memory_space<vmem>>, vector<1x16xf32>,
        %parallel_loop3A_526 = vector.shape_cast %parallel_loop3A_525 : vector<1x16xf32> to vector<16xf32>
        %parallel_loop3A_527 = vector.extract_strided_slice %parallel_loop3A_509 {offsets = [1], sizes = [1], strides = [1]} : vector<16xf32> to vector<1xf32>
        %parallel_loop3A_528 = vector.extract %parallel_loop3A_527[0] : f32 from vector<1xf32>
        %parallel_loop3A_529 = vector.broadcast %parallel_loop3A_528 : f32 to vector<16xf32>
        %parallel_loop3A_530 = arith.mulf %parallel_loop3A_526, %parallel_loop3A_529 : vector<16xf32>
        %parallel_loop3A_531 = arith.index_cast %parallel_loop3A_505 : i32 to index
        %parallel_loop3A_532 = arith.constant 16 : index
        %parallel_loop3A_533 = tpu.vector_load %arg24[%parallel_loop3A_531, %parallel_loop3A_532] {strides = array<i32>} : memref<64x144xf32, #tpu.memory_space<vmem>>, vector<1x16xf32>,
        %parallel_loop3A_534 = vector.shape_cast %parallel_loop3A_533 : vector<1x16xf32> to vector<16xf32>
        %parallel_loop3A_535 = vector.shape_cast %parallel_loop3A_530 : vector<16xf32> to vector<1x16xf32>
        tpu.vector_store %arg24[%parallel_loop3A_531, %parallel_loop3A_532], %parallel_loop3A_535 {strides = array<i32>} : memref<64x144xf32, #tpu.memory_space<vmem>>, vector<1x16xf32>,
        %parallel_loop3A_536 = arith.index_cast %parallel_loop3A_505 : i32 to index
        %parallel_loop3A_537 = arith.constant 32 : index
        %parallel_loop3A_538 = tpu.vector_load %arg24[%parallel_loop3A_536, %parallel_loop3A_537] {strides = array<i32>} : memref<64x144xf32, #tpu.memory_space<vmem>>, vector<1x16xf32>,
        %parallel_loop3A_539 = vector.shape_cast %parallel_loop3A_538 : vector<1x16xf32> to vector<16xf32>
        %parallel_loop3A_540 = vector.extract_strided_slice %parallel_loop3A_509 {offsets = [2], sizes = [1], strides = [1]} : vector<16xf32> to vector<1xf32>
        %parallel_loop3A_541 = vector.extract %parallel_loop3A_540[0] : f32 from vector<1xf32>
        %parallel_loop3A_542 = vector.broadcast %parallel_loop3A_541 : f32 to vector<16xf32>
        %parallel_loop3A_543 = arith.mulf %parallel_loop3A_539, %parallel_loop3A_542 : vector<16xf32>
        %parallel_loop3A_544 = arith.index_cast %parallel_loop3A_505 : i32 to index
        %parallel_loop3A_545 = arith.constant 32 : index
        %parallel_loop3A_546 = tpu.vector_load %arg24[%parallel_loop3A_544, %parallel_loop3A_545] {strides = array<i32>} : memref<64x144xf32, #tpu.memory_space<vmem>>, vector<1x16xf32>,
        %parallel_loop3A_547 = vector.shape_cast %parallel_loop3A_546 : vector<1x16xf32> to vector<16xf32>
        %parallel_loop3A_548 = vector.shape_cast %parallel_loop3A_543 : vector<16xf32> to vector<1x16xf32>
        tpu.vector_store %arg24[%parallel_loop3A_544, %parallel_loop3A_545], %parallel_loop3A_548 {strides = array<i32>} : memref<64x144xf32, #tpu.memory_space<vmem>>, vector<1x16xf32>,
        %parallel_loop3A_549 = arith.index_cast %parallel_loop3A_505 : i32 to index
        %parallel_loop3A_550 = arith.constant 48 : index
        %parallel_loop3A_551 = tpu.vector_load %arg24[%parallel_loop3A_549, %parallel_loop3A_550] {strides = array<i32>} : memref<64x144xf32, #tpu.memory_space<vmem>>, vector<1x16xf32>,
        %parallel_loop3A_552 = vector.shape_cast %parallel_loop3A_551 : vector<1x16xf32> to vector<16xf32>
        %parallel_loop3A_553 = vector.extract_strided_slice %parallel_loop3A_509 {offsets = [3], sizes = [1], strides = [1]} : vector<16xf32> to vector<1xf32>
        %parallel_loop3A_554 = vector.extract %parallel_loop3A_553[0] : f32 from vector<1xf32>
        %parallel_loop3A_555 = vector.broadcast %parallel_loop3A_554 : f32 to vector<16xf32>
        %parallel_loop3A_556 = arith.mulf %parallel_loop3A_552, %parallel_loop3A_555 : vector<16xf32>
        %parallel_loop3A_557 = arith.index_cast %parallel_loop3A_505 : i32 to index
        %parallel_loop3A_558 = arith.constant 48 : index
        %parallel_loop3A_559 = tpu.vector_load %arg24[%parallel_loop3A_557, %parallel_loop3A_558] {strides = array<i32>} : memref<64x144xf32, #tpu.memory_space<vmem>>, vector<1x16xf32>,
        %parallel_loop3A_560 = vector.shape_cast %parallel_loop3A_559 : vector<1x16xf32> to vector<16xf32>
        %parallel_loop3A_561 = vector.shape_cast %parallel_loop3A_556 : vector<16xf32> to vector<1x16xf32>
        tpu.vector_store %arg24[%parallel_loop3A_557, %parallel_loop3A_558], %parallel_loop3A_561 {strides = array<i32>} : memref<64x144xf32, #tpu.memory_space<vmem>>, vector<1x16xf32>,
        %parallel_loop3A_562 = arith.index_cast %parallel_loop3A_505 : i32 to index
        %parallel_loop3A_563 = arith.constant 64 : index
        %parallel_loop3A_564 = tpu.vector_load %arg24[%parallel_loop3A_562, %parallel_loop3A_563] {strides = array<i32>} : memref<64x144xf32, #tpu.memory_space<vmem>>, vector<1x16xf32>,
        %parallel_loop3A_565 = vector.shape_cast %parallel_loop3A_564 : vector<1x16xf32> to vector<16xf32>
        %parallel_loop3A_566 = vector.extract_strided_slice %parallel_loop3A_509 {offsets = [4], sizes = [1], strides = [1]} : vector<16xf32> to vector<1xf32>
        %parallel_loop3A_567 = vector.extract %parallel_loop3A_566[0] : f32 from vector<1xf32>
        %parallel_loop3A_568 = vector.broadcast %parallel_loop3A_567 : f32 to vector<16xf32>
        %parallel_loop3A_569 = arith.mulf %parallel_loop3A_565, %parallel_loop3A_568 : vector<16xf32>
        %parallel_loop3A_570 = arith.index_cast %parallel_loop3A_505 : i32 to index
        %parallel_loop3A_571 = arith.constant 64 : index
        %parallel_loop3A_572 = tpu.vector_load %arg24[%parallel_loop3A_570, %parallel_loop3A_571] {strides = array<i32>} : memref<64x144xf32, #tpu.memory_space<vmem>>, vector<1x16xf32>,
        %parallel_loop3A_573 = vector.shape_cast %parallel_loop3A_572 : vector<1x16xf32> to vector<16xf32>
        %parallel_loop3A_574 = vector.shape_cast %parallel_loop3A_569 : vector<16xf32> to vector<1x16xf32>
        tpu.vector_store %arg24[%parallel_loop3A_570, %parallel_loop3A_571], %parallel_loop3A_574 {strides = array<i32>} : memref<64x144xf32, #tpu.memory_space<vmem>>, vector<1x16xf32>,
        %parallel_loop3A_575 = arith.index_cast %parallel_loop3A_505 : i32 to index
        %parallel_loop3A_576 = arith.constant 80 : index
        %parallel_loop3A_577 = tpu.vector_load %arg24[%parallel_loop3A_575, %parallel_loop3A_576] {strides = array<i32>} : memref<64x144xf32, #tpu.memory_space<vmem>>, vector<1x16xf32>,
        %parallel_loop3A_578 = vector.shape_cast %parallel_loop3A_577 : vector<1x16xf32> to vector<16xf32>
        %parallel_loop3A_579 = vector.extract_strided_slice %parallel_loop3A_509 {offsets = [5], sizes = [1], strides = [1]} : vector<16xf32> to vector<1xf32>
        %parallel_loop3A_580 = vector.extract %parallel_loop3A_579[0] : f32 from vector<1xf32>
        %parallel_loop3A_581 = vector.broadcast %parallel_loop3A_580 : f32 to vector<16xf32>
        %parallel_loop3A_582 = arith.mulf %parallel_loop3A_578, %parallel_loop3A_581 : vector<16xf32>
        %parallel_loop3A_583 = arith.index_cast %parallel_loop3A_505 : i32 to index
        %parallel_loop3A_584 = arith.constant 80 : index
        %parallel_loop3A_585 = tpu.vector_load %arg24[%parallel_loop3A_583, %parallel_loop3A_584] {strides = array<i32>} : memref<64x144xf32, #tpu.memory_space<vmem>>, vector<1x16xf32>,
        %parallel_loop3A_586 = vector.shape_cast %parallel_loop3A_585 : vector<1x16xf32> to vector<16xf32>
        %parallel_loop3A_587 = vector.shape_cast %parallel_loop3A_582 : vector<16xf32> to vector<1x16xf32>
        tpu.vector_store %arg24[%parallel_loop3A_583, %parallel_loop3A_584], %parallel_loop3A_587 {strides = array<i32>} : memref<64x144xf32, #tpu.memory_space<vmem>>, vector<1x16xf32>,
        %parallel_loop3A_588 = arith.index_cast %parallel_loop3A_505 : i32 to index
        %parallel_loop3A_589 = arith.constant 96 : index
        %parallel_loop3A_590 = tpu.vector_load %arg24[%parallel_loop3A_588, %parallel_loop3A_589] {strides = array<i32>} : memref<64x144xf32, #tpu.memory_space<vmem>>, vector<1x16xf32>,
        %parallel_loop3A_591 = vector.shape_cast %parallel_loop3A_590 : vector<1x16xf32> to vector<16xf32>
        %parallel_loop3A_592 = vector.extract_strided_slice %parallel_loop3A_509 {offsets = [6], sizes = [1], strides = [1]} : vector<16xf32> to vector<1xf32>
        %parallel_loop3A_593 = vector.extract %parallel_loop3A_592[0] : f32 from vector<1xf32>
        %parallel_loop3A_594 = vector.broadcast %parallel_loop3A_593 : f32 to vector<16xf32>
        %parallel_loop3A_595 = arith.mulf %parallel_loop3A_591, %parallel_loop3A_594 : vector<16xf32>
        %parallel_loop3A_596 = arith.index_cast %parallel_loop3A_505 : i32 to index
        %parallel_loop3A_597 = arith.constant 96 : index
        %parallel_loop3A_598 = tpu.vector_load %arg24[%parallel_loop3A_596, %parallel_loop3A_597] {strides = array<i32>} : memref<64x144xf32, #tpu.memory_space<vmem>>, vector<1x16xf32>,
        %parallel_loop3A_599 = vector.shape_cast %parallel_loop3A_598 : vector<1x16xf32> to vector<16xf32>
        %parallel_loop3A_600 = vector.shape_cast %parallel_loop3A_595 : vector<16xf32> to vector<1x16xf32>
        tpu.vector_store %arg24[%parallel_loop3A_596, %parallel_loop3A_597], %parallel_loop3A_600 {strides = array<i32>} : memref<64x144xf32, #tpu.memory_space<vmem>>, vector<1x16xf32>,
        %parallel_loop3A_601 = arith.index_cast %parallel_loop3A_505 : i32 to index
        %parallel_loop3A_602 = arith.constant 112 : index
        %parallel_loop3A_603 = tpu.vector_load %arg24[%parallel_loop3A_601, %parallel_loop3A_602] {strides = array<i32>} : memref<64x144xf32, #tpu.memory_space<vmem>>, vector<1x16xf32>,
        %parallel_loop3A_604 = vector.shape_cast %parallel_loop3A_603 : vector<1x16xf32> to vector<16xf32>
        %parallel_loop3A_605 = vector.extract_strided_slice %parallel_loop3A_509 {offsets = [7], sizes = [1], strides = [1]} : vector<16xf32> to vector<1xf32>
        %parallel_loop3A_606 = vector.extract %parallel_loop3A_605[0] : f32 from vector<1xf32>
        %parallel_loop3A_607 = vector.broadcast %parallel_loop3A_606 : f32 to vector<16xf32>
        %parallel_loop3A_608 = arith.mulf %parallel_loop3A_604, %parallel_loop3A_607 : vector<16xf32>
        %parallel_loop3A_609 = arith.index_cast %parallel_loop3A_505 : i32 to index
        %parallel_loop3A_610 = arith.constant 112 : index
        %parallel_loop3A_611 = tpu.vector_load %arg24[%parallel_loop3A_609, %parallel_loop3A_610] {strides = array<i32>} : memref<64x144xf32, #tpu.memory_space<vmem>>, vector<1x16xf32>,
        %parallel_loop3A_612 = vector.shape_cast %parallel_loop3A_611 : vector<1x16xf32> to vector<16xf32>
        %parallel_loop3A_613 = vector.shape_cast %parallel_loop3A_608 : vector<16xf32> to vector<1x16xf32>
        tpu.vector_store %arg24[%parallel_loop3A_609, %parallel_loop3A_610], %parallel_loop3A_613 {strides = array<i32>} : memref<64x144xf32, #tpu.memory_space<vmem>>, vector<1x16xf32>,
      } {sc.loop_unroll_factor = 2 : i64, sc.parallel_access}
      %dma_start3A_486 = arith.constant 0 : i32
      %dma_start3A_487 = arith.constant 0 : i32
      %dma_start3A_488 = tpu.memref_slice %arg25[%dma_start3A_486, %dma_start3A_487] : memref<10240x144xf32, #tpu.memory_space<vmem_shared>> -> memref<10240x144xf32, #tpu.memory_space<vmem_shared>>
      tpu.enqueue_indirect_dma source(%arg24 : memref<64x144xf32, #tpu.memory_space<vmem>>) target(%dma_start3A_488 : memref<10240x144xf32, #tpu.memory_space<vmem_shared>>) offsets(%arg18 : memref<64xi32, #tpu.memory_space<vmem>>) semaphore(%arg31 : memref<!tpu.dma_semaphore, #tpu.memory_space<semaphore_mem>>) {add = true}
      %add3A_489 = arith.constant 5 : i32
      %add3A_490 = arith.addi %mul3A_127, %add3A_489 : i32
      %add3A_491 = arith.constant 2 : i32
      %add3A_492 = arith.addi %add3A_490, %add3A_491 : i32
      %dma_start3A_493 = arith.constant 0 : i32
      %dma_start3A_494 = tpu.memref_slice %arg2[%add3A, %add3A_492, %dma_start3A_493] : memref<32x164x64xi32, #tpu.memory_space<hbm>> -> memref<1x1x64xi32, #tpu.memory_space<hbm>>
      %dma_start3A_495 = tpu.memref_squeeze %dma_start3A_494 : memref<1x1x64xi32, #tpu.memory_space<hbm>> -> memref<64xi32, #tpu.memory_space<hbm>>
      %dma_start3A_496 = arith.constant 0 : i32
      %dma_start3A_497 = tpu.memref_slice %arg2[%add3A, %add3A_492, %dma_start3A_496] : memref<32x164x64xi32, #tpu.memory_space<hbm>> -> memref<1x1x64xi32, #tpu.memory_space<hbm>>
      %dma_start3A_498 = tpu.memref_squeeze %dma_start3A_497 : memref<1x1x64xi32, #tpu.memory_space<hbm>> -> memref<64xi32, #tpu.memory_space<hbm>>
      tpu.enqueue_dma source(%dma_start3A_498 : memref<64xi32, #tpu.memory_space<hbm>>) target(%arg8 : memref<64xi32, #tpu.memory_space<vmem>>) target_semaphore(%arg33 : memref<!tpu.dma_semaphore, #tpu.memory_space<semaphore_mem>>)
      %dma_start3A_499 = arith.constant 0 : i32
      %dma_start3A_500 = tpu.memref_slice %arg3[%add3A, %add3A_492, %dma_start3A_499] : memref<32x164x64xi32, #tpu.memory_space<hbm>> -> memref<1x1x64xi32, #tpu.memory_space<hbm>>
      %dma_start3A_501 = tpu.memref_squeeze %dma_start3A_500 : memref<1x1x64xi32, #tpu.memory_space<hbm>> -> memref<64xi32, #tpu.memory_space<hbm>>
      %dma_start3A_502 = arith.constant 0 : i32
      %dma_start3A_503 = tpu.memref_slice %arg3[%add3A, %add3A_492, %dma_start3A_502] : memref<32x164x64xi32, #tpu.memory_space<hbm>> -> memref<1x1x64xi32, #tpu.memory_space<hbm>>
      %dma_start3A_504 = tpu.memref_squeeze %dma_start3A_503 : memref<1x1x64xi32, #tpu.memory_space<hbm>> -> memref<64xi32, #tpu.memory_space<hbm>>
      tpu.enqueue_dma source(%dma_start3A_504 : memref<64xi32, #tpu.memory_space<hbm>>) target(%arg14 : memref<64xi32, #tpu.memory_space<vmem>>) target_semaphore(%arg33 : memref<!tpu.dma_semaphore, #tpu.memory_space<semaphore_mem>>)
    }
    %scan3A_85 = arith.constant 27 : i32
    %dma_wait3A_86 = arith.constant 0 : i32
    %dma_wait3A_87 = arith.constant 0 : i32
    %dma_wait3A_88 = tpu.memref_slice %arg4[%dma_wait3A_86, %dma_wait3A_87] : memref<10240x144xf32, #tpu.memory_space<hbm>> -> memref<64x144xf32, #tpu.memory_space<hbm>>
    %dma_wait3A_89 = arith.constant 0 : i32
    %dma_wait3A_90 = arith.constant 0 : i32
    %dma_wait3A_91 = tpu.memref_slice %arg4[%dma_wait3A_89, %dma_wait3A_90] : memref<10240x144xf32, #tpu.memory_space<hbm>> -> memref<64x144xf32, #tpu.memory_space<hbm>>
    tpu.wait_dma2 semaphore(%arg30 : memref<!tpu.dma_semaphore, #tpu.memory_space<semaphore_mem>>) src(%dma_wait3A_91 : memref<64x144xf32, #tpu.memory_space<hbm>>) dst(%arg23 : memref<64x144xf32, #tpu.memory_space<vmem>>)
    %dma_wait3A_92 = arith.constant 0 : i32
    %dma_wait3A_93 = arith.constant 0 : i32
    %dma_wait3A_94 = tpu.memref_slice %arg4[%dma_wait3A_92, %dma_wait3A_93] : memref<10240x144xf32, #tpu.memory_space<hbm>> -> memref<64x144xf32, #tpu.memory_space<hbm>>
    %dma_wait3A_95 = arith.constant 0 : i32
    %dma_wait3A_96 = arith.constant 0 : i32
    %dma_wait3A_97 = tpu.memref_slice %arg4[%dma_wait3A_95, %dma_wait3A_96] : memref<10240x144xf32, #tpu.memory_space<hbm>> -> memref<64x144xf32, #tpu.memory_space<hbm>>
    tpu.wait_dma2 semaphore(%arg31 : memref<!tpu.dma_semaphore, #tpu.memory_space<semaphore_mem>>) src(%dma_wait3A_97 : memref<64x144xf32, #tpu.memory_space<hbm>>) dst(%arg24 : memref<64x144xf32, #tpu.memory_space<vmem>>)
    %dma_wait3A_98 = arith.constant 0 : i32
    %dma_wait3A_99 = arith.constant 0 : i32
    %dma_wait3A_100 = tpu.memref_slice %arg4[%dma_wait3A_98, %dma_wait3A_99] : memref<10240x144xf32, #tpu.memory_space<hbm>> -> memref<64x144xf32, #tpu.memory_space<hbm>>
    %dma_wait3A_101 = arith.constant 0 : i32
    %dma_wait3A_102 = arith.constant 0 : i32
    %dma_wait3A_103 = tpu.memref_slice %arg4[%dma_wait3A_101, %dma_wait3A_102] : memref<10240x144xf32, #tpu.memory_space<hbm>> -> memref<64x144xf32, #tpu.memory_space<hbm>>
    tpu.wait_dma2 semaphore(%arg26 : memref<!tpu.dma_semaphore, #tpu.memory_space<semaphore_mem>>) src(%dma_wait3A_103 : memref<64x144xf32, #tpu.memory_space<hbm>>) dst(%arg22 : memref<64x144xf32, #tpu.memory_space<vmem>>)
    %dma_wait3A_104 = arith.constant 0 : i32
    %dma_wait3A_105 = arith.constant 0 : i32
    %dma_wait3A_106 = tpu.memref_slice %arg5[%dma_wait3A_104, %dma_wait3A_105] : memref<10240x16xf32, #tpu.memory_space<hbm>> -> memref<64x16xf32, #tpu.memory_space<hbm>>
    %dma_wait3A_107 = arith.constant 0 : i32
    %dma_wait3A_108 = arith.constant 0 : i32
    %dma_wait3A_109 = tpu.memref_slice %arg5[%dma_wait3A_107, %dma_wait3A_108] : memref<10240x16xf32, #tpu.memory_space<hbm>> -> memref<64x16xf32, #tpu.memory_space<hbm>>
    tpu.wait_dma2 semaphore(%arg26 : memref<!tpu.dma_semaphore, #tpu.memory_space<semaphore_mem>>) src(%dma_wait3A_109 : memref<64x16xf32, #tpu.memory_space<hbm>>) dst(%arg19 : memref<64x16xf32, #tpu.memory_space<vmem>>)
    %dma_wait3A_110 = arith.constant 0 : i32
    %dma_wait3A_111 = arith.constant 0 : i32
    %dma_wait3A_112 = tpu.memref_slice %arg2[%add3A, %dma_wait3A_110, %dma_wait3A_111] : memref<32x164x64xi32, #tpu.memory_space<hbm>> -> memref<1x1x64xi32, #tpu.memory_space<hbm>>
    %dma_wait3A_113 = tpu.memref_squeeze %dma_wait3A_112 : memref<1x1x64xi32, #tpu.memory_space<hbm>> -> memref<64xi32, #tpu.memory_space<hbm>>
    %dma_wait3A_114 = arith.constant 0 : i32
    %dma_wait3A_115 = tpu.memref_slice %arg2[%add3A, %dma_wait3A_110, %dma_wait3A_114] : memref<32x164x64xi32, #tpu.memory_space<hbm>> -> memref<1x1x64xi32, #tpu.memory_space<hbm>>
    %dma_wait3A_116 = tpu.memref_squeeze %dma_wait3A_115 : memref<1x1x64xi32, #tpu.memory_space<hbm>> -> memref<64xi32, #tpu.memory_space<hbm>>
    tpu.wait_dma2 semaphore(%arg33 : memref<!tpu.dma_semaphore, #tpu.memory_space<semaphore_mem>>) src(%dma_wait3A_116 : memref<64xi32, #tpu.memory_space<hbm>>) dst(%arg8 : memref<64xi32, #tpu.memory_space<vmem>>)
    %dma_wait3A_117 = arith.constant 0 : i32
    %dma_wait3A_118 = arith.constant 0 : i32
    %dma_wait3A_119 = tpu.memref_slice %arg2[%add3A, %dma_wait3A_117, %dma_wait3A_118] : memref<32x164x64xi32, #tpu.memory_space<hbm>> -> memref<1x1x64xi32, #tpu.memory_space<hbm>>
    %dma_wait3A_120 = tpu.memref_squeeze %dma_wait3A_119 : memref<1x1x64xi32, #tpu.memory_space<hbm>> -> memref<64xi32, #tpu.memory_space<hbm>>
    %dma_wait3A_121 = arith.constant 0 : i32
    %dma_wait3A_122 = tpu.memref_slice %arg2[%add3A, %dma_wait3A_117, %dma_wait3A_121] : memref<32x164x64xi32, #tpu.memory_space<hbm>> -> memref<1x1x64xi32, #tpu.memory_space<hbm>>
    %dma_wait3A_123 = tpu.memref_squeeze %dma_wait3A_122 : memref<1x1x64xi32, #tpu.memory_space<hbm>> -> memref<64xi32, #tpu.memory_space<hbm>>
    tpu.wait_dma2 semaphore(%arg33 : memref<!tpu.dma_semaphore, #tpu.memory_space<semaphore_mem>>) src(%dma_wait3A_123 : memref<64xi32, #tpu.memory_space<hbm>>) dst(%arg14 : memref<64xi32, #tpu.memory_space<vmem>>)
    %barrier3A_124 = arith.constant 0 : index
    tpu.barrier barrier_id(%barrier3A_124)
    "tpu.region"() ({
      %run_scoped3A = tpu.sem_alloc : memref<!tpu.dma_semaphore, #tpu.memory_space<semaphore_mem>>
      %dma_start3A_125 = arith.constant 0 : i32
      %dma_start3A_126 = tpu.memref_slice %arg6[%arg0, %mul3A_2, %dma_start3A_125] : memref<2x10240x144xf32, #tpu.memory_space<hbm>> -> memref<1x640x144xf32, #tpu.memory_space<hbm>>
      %dma_start3A_127 = tpu.memref_squeeze %dma_start3A_126 : memref<1x640x144xf32, #tpu.memory_space<hbm>> -> memref<640x144xf32, #tpu.memory_space<hbm>>
      %dma_start3A_128 = arith.constant 0 : i32
      %dma_start3A_129 = tpu.memref_slice %arg25[%mul3A_2, %dma_start3A_128] : memref<10240x144xf32, #tpu.memory_space<vmem_shared>> -> memref<640x144xf32, #tpu.memory_space<vmem_shared>>
      tpu.enqueue_dma source(%dma_start3A_129 : memref<640x144xf32, #tpu.memory_space<vmem_shared>>) target(%dma_start3A_127 : memref<640x144xf32, #tpu.memory_space<hbm>>) target_semaphore(%run_scoped3A : memref<!tpu.dma_semaphore, #tpu.memory_space<semaphore_mem>>)
      %dma_wait3A_130 = arith.constant 0 : i32
      %dma_wait3A_131 = tpu.memref_slice %arg6[%arg0, %mul3A_2, %dma_wait3A_130] : memref<2x10240x144xf32, #tpu.memory_space<hbm>> -> memref<1x640x144xf32, #tpu.memory_space<hbm>>
      %dma_wait3A_132 = tpu.memref_squeeze %dma_wait3A_131 : memref<1x640x144xf32, #tpu.memory_space<hbm>> -> memref<640x144xf32, #tpu.memory_space<hbm>>
      %dma_wait3A_133 = arith.constant 0 : i32
      %dma_wait3A_134 = tpu.memref_slice %arg25[%mul3A_2, %dma_wait3A_133] : memref<10240x144xf32, #tpu.memory_space<vmem_shared>> -> memref<640x144xf32, #tpu.memory_space<vmem_shared>>
      tpu.wait_dma2 semaphore(%run_scoped3A : memref<!tpu.dma_semaphore, #tpu.memory_space<semaphore_mem>>) src(%dma_wait3A_134 : memref<640x144xf32, #tpu.memory_space<vmem_shared>>) dst(%dma_wait3A_132 : memref<640x144xf32, #tpu.memory_space<hbm>>)
      tpu.yield
    }) : () -> ()
    return
  }
}

module attributes {stable_mosaic.version = 14 : i64} {
  func.func @_prep_body(%arg0: i32, %arg1: memref<1280x128xf32, #tpu.memory_space<vmem>>, %arg2: memref<128x128xf32, #tpu.memory_space<vmem>>, %arg3: memref<1x128xf32, #tpu.memory_space<vmem>>, %arg4: memref<1x128xf32, #tpu.memory_space<vmem>>, %arg5: memref<1280x144xf32, #tpu.memory_space<vmem>>, %arg6: memref<1280x16xf32, #tpu.memory_space<vmem>>) attributes {dimension_semantics = [#tpu.dimension_semantics<arbitrary>], iteration_bounds = array<i64: 8>, scalar_prefetch = 0 : i64, scratch_operands = 0 : i64, tpu.core_type = #tpu.core_type<tc>, window_params = [{transform_indices = @transform_0, window_bounds = array<i64: 1280, 128>}, {pipeline_mode = #tpu.pipeline_mode<synchronous>, transform_indices = @transform_1, window_bounds = array<i64: 128, 128>}, {pipeline_mode = #tpu.pipeline_mode<synchronous>, transform_indices = @transform_2, window_bounds = array<i64: 1, 128>}, {pipeline_mode = #tpu.pipeline_mode<synchronous>, transform_indices = @transform_3, window_bounds = array<i64: 1, 128>}, {transform_indices = @transform_4, window_bounds = array<i64: 1280, 144>}, {transform_indices = @transform_5, window_bounds = array<i64: 1280, 16>}]} {
    %get3A = arith.constant 0 : index
    %get3A_0 = arith.constant 0 : index
    %get3A_1 = vector.load %arg1[%get3A, %get3A_0] : memref<1280x128xf32, #tpu.memory_space<vmem>>, vector<1280x128xf32>
    %get3A_2 = arith.constant 0 : index
    %get3A_3 = arith.constant 0 : index
    %get3A_4 = vector.load %arg2[%get3A_2, %get3A_3] : memref<128x128xf32, #tpu.memory_space<vmem>>, vector<128x128xf32>
    %dot_general3A = arith.constant dense<0.000000e+00> : vector<1280x128xf32>
    %dot_general3A_5 = tpu.matmul %get3A_1, %get3A_4, %dot_general3A {dimension_numbers = #tpu.dot_dimension_numbers<[1], [0], [0], [1], [0, 0, 1, 1], [], []>, transpose_lhs_hint = false} : vector<1280x128xf32>, vector<128x128xf32>, vector<1280x128xf32> -> vector<1280x128xf32>
    %iota3A = tpu.iota {dimensions = array<i32: 0>} : vector<128x16xi32>
    %iota3A_6 = tpu.iota {dimensions = array<i32: 1>} : vector<128x16xi32>
    %jit3A = arith.constant 16 : i32
    %div3A = vector.broadcast %jit3A : i32 to vector<128x16xi32>
    %div3A_7 = arith.divsi %iota3A, %div3A : vector<128x16xi32>
    %sign3A = arith.constant 0 : i32
    %sign3A_8 = vector.broadcast %sign3A : i32 to vector<128x16xi32>
    %sign3A_9 = arith.cmpi sgt, %iota3A, %sign3A_8 : vector<128x16xi32>
    %sign3A_10 = arith.extui %sign3A_9 : vector<128x16xi1> to vector<128x16xi32>
    %sign3A_11 = arith.constant 0 : i32
    %sign3A_12 = vector.broadcast %sign3A_11 : i32 to vector<128x16xi32>
    %sign3A_13 = arith.cmpi slt, %iota3A, %sign3A_12 : vector<128x16xi32>
    %sign3A_14 = arith.extui %sign3A_13 : vector<128x16xi1> to vector<128x16xi32>
    %sign3A_15 = arith.subi %sign3A_10, %sign3A_14 : vector<128x16xi32>
    %sign3A_16 = arith.constant 0 : i32
    %sign3A_17 = arith.cmpi sgt, %jit3A, %sign3A_16 : i32
    %sign3A_18 = arith.extui %sign3A_17 : i1 to i32
    %sign3A_19 = arith.constant 0 : i32
    %sign3A_20 = arith.cmpi slt, %jit3A, %sign3A_19 : i32
    %sign3A_21 = arith.extui %sign3A_20 : i1 to i32
    %sign3A_22 = arith.subi %sign3A_18, %sign3A_21 : i32
    %ne3A = vector.broadcast %sign3A_22 : i32 to vector<128x16xi32>
    %ne3A_23 = arith.cmpi ne, %sign3A_15, %ne3A : vector<128x16xi32>
    %rem3A = vector.broadcast %jit3A : i32 to vector<128x16xi32>
    %rem3A_24 = arith.remsi %iota3A, %rem3A : vector<128x16xi32>
    %ne3A_25 = arith.constant 0 : i32
    %ne3A_26 = vector.broadcast %ne3A_25 : i32 to vector<128x16xi32>
    %ne3A_27 = arith.cmpi ne, %rem3A_24, %ne3A_26 : vector<128x16xi32>
    %and3A = arith.andi %ne3A_23, %ne3A_27 : vector<128x16xi1>
    %sub3A = arith.constant 1 : i32
    %sub3A_28 = vector.broadcast %sub3A : i32 to vector<128x16xi32>
    %sub3A_29 = arith.subi %div3A_7, %sub3A_28 : vector<128x16xi32>
    %select_n3A = arith.select %and3A, %sub3A_29, %div3A_7 : vector<128x16xi1>, vector<128x16xi32>
    %eq3A = arith.cmpi eq, %select_n3A, %iota3A_6 : vector<128x16xi32>
    %jit3A_30 = arith.constant 1.000000e+00 : f32
    %jit3A_31 = arith.constant 0.000000e+00 : f32
    %broadcast_in_dim3A = vector.broadcast %jit3A_30 : f32 to vector<128x16xf32>
    %broadcast_in_dim3A_32 = vector.broadcast %jit3A_31 : f32 to vector<128x16xf32>
    %select_n3A_33 = arith.select %eq3A, %broadcast_in_dim3A, %broadcast_in_dim3A_32 : vector<128x16xi1>, vector<128x16xf32>
    %get3A_34 = arith.constant 0 : index
    %get3A_35 = arith.constant 0 : index
    %get3A_36 = vector.load %arg3[%get3A_34, %get3A_35] : memref<1x128xf32, #tpu.memory_space<vmem>>, vector<1x128xf32>
    %mul3A = vector.broadcast %get3A_36 : vector<1x128xf32> to vector<1280x128xf32>
    %mul3A_37 = arith.mulf %dot_general3A_5, %mul3A : vector<1280x128xf32>
    %dot_general3A_38 = arith.constant dense<0.000000e+00> : vector<1280x16xf32>
    %dot_general3A_39 = tpu.matmul %mul3A_37, %select_n3A_33, %dot_general3A_38 {dimension_numbers = #tpu.dot_dimension_numbers<[1], [0], [0], [1], [0, 0, 1, 1], [], []>, transpose_lhs_hint = false} : vector<1280x128xf32>, vector<128x16xf32>, vector<1280x16xf32> -> vector<1280x16xf32>
    %concatenate3A = tpu.concatenate %dot_general3A_5, %dot_general3A_39 in 1 : vector<1280x128xf32>, vector<1280x16xf32> -> vector<1280x144xf32>
    %swap3A = arith.constant 0 : index
    %swap3A_40 = arith.constant 0 : index
    %swap3A_41 = vector.load %arg5[%swap3A, %swap3A_40] : memref<1280x144xf32, #tpu.memory_space<vmem>>, vector<1280x144xf32>
    tpu.vector_store %arg5[%swap3A, %swap3A_40], %concatenate3A {strides = array<i32>} : memref<1280x144xf32, #tpu.memory_space<vmem>>, vector<1280x144xf32>,
    %get3A_42 = arith.constant 0 : index
    %get3A_43 = arith.constant 0 : index
    %get3A_44 = vector.load %arg4[%get3A_42, %get3A_43] : memref<1x128xf32, #tpu.memory_space<vmem>>, vector<1x128xf32>
    %mul3A_45 = vector.broadcast %get3A_44 : vector<1x128xf32> to vector<1280x128xf32>
    %mul3A_46 = arith.mulf %dot_general3A_5, %mul3A_45 : vector<1280x128xf32>
    %dot_general3A_47 = arith.constant dense<0.000000e+00> : vector<1280x16xf32>
    %dot_general3A_48 = tpu.matmul %mul3A_46, %select_n3A_33, %dot_general3A_47 {dimension_numbers = #tpu.dot_dimension_numbers<[1], [0], [0], [1], [0, 0, 1, 1], [], []>, transpose_lhs_hint = false} : vector<1280x128xf32>, vector<128x16xf32>, vector<1280x16xf32> -> vector<1280x16xf32>
    %swap3A_49 = arith.constant 0 : index
    %swap3A_50 = arith.constant 0 : index
    %swap3A_51 = vector.load %arg6[%swap3A_49, %swap3A_50] : memref<1280x16xf32, #tpu.memory_space<vmem>>, vector<1280x16xf32>
    tpu.vector_store %arg6[%swap3A_49, %swap3A_50], %dot_general3A_48 {strides = array<i32>} : memref<1280x16xf32, #tpu.memory_space<vmem>>, vector<1280x16xf32>,
    return
  }
  func.func @transform_0(%arg0: i32) -> (i32, i32) {
    %c0_i32 = arith.constant 0 : i32
    %c0_i32_0 = arith.constant 0 : i32
    return %arg0, %c0_i32 : i32, i32
  }
  func.func @transform_1(%arg0: i32) -> (i32, i32) {
    %c0_i32 = arith.constant 0 : i32
    %c0_i32_0 = arith.constant 0 : i32
    %c0_i32_1 = arith.constant 0 : i32
    return %c0_i32, %c0_i32_0 : i32, i32
  }
  func.func @transform_2(%arg0: i32) -> (i32, i32) {
    %c0_i32 = arith.constant 0 : i32
    %c0_i32_0 = arith.constant 0 : i32
    %c0_i32_1 = arith.constant 0 : i32
    return %c0_i32, %c0_i32_0 : i32, i32
  }
  func.func @transform_3(%arg0: i32) -> (i32, i32) {
    %c0_i32 = arith.constant 0 : i32
    %c0_i32_0 = arith.constant 0 : i32
    %c0_i32_1 = arith.constant 0 : i32
    return %c0_i32, %c0_i32_0 : i32, i32
  }
  func.func @transform_4(%arg0: i32) -> (i32, i32) {
    %c0_i32 = arith.constant 0 : i32
    %c0_i32_0 = arith.constant 0 : i32
    return %arg0, %c0_i32 : i32, i32
  }
  func.func @transform_5(%arg0: i32) -> (i32, i32) {
    %c0_i32 = arith.constant 0 : i32
    %c0_i32_0 = arith.constant 0 : i32
    return %arg0, %c0_i32 : i32, i32
  }
}

module attributes {stable_mosaic.version = 14 : i64} {
  func.func @_b1_body(%arg0: i32, %arg1: memref<1x1000x144xf32, #tpu.memory_space<vmem>>, %arg2: memref<1x1000x144xf32, #tpu.memory_space<vmem>>, %arg3: memref<1x128xf32, #tpu.memory_space<vmem>>, %arg4: memref<128x128xf32, #tpu.memory_space<vmem>>, %arg5: memref<1000x128xf32, #tpu.memory_space<vmem>>, %arg6: memref<1000x128xf32, #tpu.memory_space<vmem>>, %arg7: memref<1x128xf32, #tpu.memory_space<vmem>>, %arg8: memref<1x128xf32, #tpu.memory_space<vmem>>, %arg9: memref<1000x128xf32, #tpu.memory_space<vmem>>, %arg10: memref<128x128xf32, #tpu.memory_space<vmem>>, %arg11: memref<128x128xf32, #tpu.memory_space<vmem>>, %arg12: memref<128x128xf32, #tpu.memory_space<vmem>>) attributes {dimension_semantics = [#tpu.dimension_semantics<arbitrary>], iteration_bounds = array<i64: 10>, scalar_prefetch = 0 : i64, scratch_operands = 2 : i64, tpu.core_type = #tpu.core_type<tc>, window_params = [{transform_indices = @transform_0, window_bounds = array<i64: 1, 1000, 144>}, {transform_indices = @transform_1, window_bounds = array<i64: 1, 1000, 144>}, {pipeline_mode = #tpu.pipeline_mode<synchronous>, transform_indices = @transform_2, window_bounds = array<i64: 1, 128>}, {pipeline_mode = #tpu.pipeline_mode<synchronous>, transform_indices = @transform_3, window_bounds = array<i64: 128, 128>}, {transform_indices = @transform_4, window_bounds = array<i64: 1000, 128>}, {transform_indices = @transform_5, window_bounds = array<i64: 1000, 128>}, {pipeline_mode = #tpu.pipeline_mode<synchronous>, transform_indices = @transform_6, window_bounds = array<i64: 1, 128>}, {pipeline_mode = #tpu.pipeline_mode<synchronous>, transform_indices = @transform_7, window_bounds = array<i64: 1, 128>}, {transform_indices = @transform_8, window_bounds = array<i64: 1000, 128>}, {pipeline_mode = #tpu.pipeline_mode<synchronous>, transform_indices = @transform_9, window_bounds = array<i64: 128, 128>}]} {
    %get3A = arith.constant 0 : index
    %get3A_0 = arith.constant 0 : index
    %get3A_1 = arith.constant 0 : index
    %get3A_2 = vector.load %arg1[%get3A, %get3A_0, %get3A_1] : memref<1x1000x144xf32, #tpu.memory_space<vmem>>, vector<1x1000x144xf32>
    %get3A_3 = vector.shape_cast %get3A_2 : vector<1x1000x144xf32> to vector<1000x144xf32>
    %get3A_4 = arith.constant 0 : index
    %get3A_5 = arith.constant 0 : index
    %get3A_6 = arith.constant 0 : index
    %get3A_7 = vector.load %arg2[%get3A_4, %get3A_5, %get3A_6] : memref<1x1000x144xf32, #tpu.memory_space<vmem>>, vector<1x1000x144xf32>
    %get3A_8 = vector.shape_cast %get3A_7 : vector<1x1000x144xf32> to vector<1000x144xf32>
    %add3A = arith.addf %get3A_3, %get3A_8 : vector<1000x144xf32>
    %slice3A = vector.extract_strided_slice %add3A {offsets = [0, 0], sizes = [1000, 128], strides = [1, 1]} : vector<1000x144xf32> to vector<1000x128xf32>
    %slice3A_9 = vector.extract_strided_slice %add3A {offsets = [0, 128], sizes = [1000, 16], strides = [1, 1]} : vector<1000x144xf32> to vector<1000x16xf32>
    %iota3A = tpu.iota {dimensions = array<i32: 0>} : vector<16x128xi32>
    %iota3A_10 = tpu.iota {dimensions = array<i32: 1>} : vector<16x128xi32>
    %jit3A = arith.constant 16 : i32
    %div3A = vector.broadcast %jit3A : i32 to vector<16x128xi32>
    %div3A_11 = arith.divsi %iota3A_10, %div3A : vector<16x128xi32>
    %sign3A = arith.constant 0 : i32
    %sign3A_12 = vector.broadcast %sign3A : i32 to vector<16x128xi32>
    %sign3A_13 = arith.cmpi sgt, %iota3A_10, %sign3A_12 : vector<16x128xi32>
    %sign3A_14 = arith.extui %sign3A_13 : vector<16x128xi1> to vector<16x128xi32>
    %sign3A_15 = arith.constant 0 : i32
    %sign3A_16 = vector.broadcast %sign3A_15 : i32 to vector<16x128xi32>
    %sign3A_17 = arith.cmpi slt, %iota3A_10, %sign3A_16 : vector<16x128xi32>
    %sign3A_18 = arith.extui %sign3A_17 : vector<16x128xi1> to vector<16x128xi32>
    %sign3A_19 = arith.subi %sign3A_14, %sign3A_18 : vector<16x128xi32>
    %sign3A_20 = arith.constant 0 : i32
    %sign3A_21 = arith.cmpi sgt, %jit3A, %sign3A_20 : i32
    %sign3A_22 = arith.extui %sign3A_21 : i1 to i32
    %sign3A_23 = arith.constant 0 : i32
    %sign3A_24 = arith.cmpi slt, %jit3A, %sign3A_23 : i32
    %sign3A_25 = arith.extui %sign3A_24 : i1 to i32
    %sign3A_26 = arith.subi %sign3A_22, %sign3A_25 : i32
    %ne3A = vector.broadcast %sign3A_26 : i32 to vector<16x128xi32>
    %ne3A_27 = arith.cmpi ne, %sign3A_19, %ne3A : vector<16x128xi32>
    %rem3A = vector.broadcast %jit3A : i32 to vector<16x128xi32>
    %rem3A_28 = arith.remsi %iota3A_10, %rem3A : vector<16x128xi32>
    %ne3A_29 = arith.constant 0 : i32
    %ne3A_30 = vector.broadcast %ne3A_29 : i32 to vector<16x128xi32>
    %ne3A_31 = arith.cmpi ne, %rem3A_28, %ne3A_30 : vector<16x128xi32>
    %and3A = arith.andi %ne3A_27, %ne3A_31 : vector<16x128xi1>
    %sub3A = arith.constant 1 : i32
    %sub3A_32 = vector.broadcast %sub3A : i32 to vector<16x128xi32>
    %sub3A_33 = arith.subi %div3A_11, %sub3A_32 : vector<16x128xi32>
    %select_n3A = arith.select %and3A, %sub3A_33, %div3A_11 : vector<16x128xi1>, vector<16x128xi32>
    %eq3A = arith.cmpi eq, %select_n3A, %iota3A : vector<16x128xi32>
    %jit3A_34 = arith.constant 1.000000e+00 : f32
    %jit3A_35 = arith.constant 0.000000e+00 : f32
    %broadcast_in_dim3A = vector.broadcast %jit3A_34 : f32 to vector<16x128xf32>
    %broadcast_in_dim3A_36 = vector.broadcast %jit3A_35 : f32 to vector<16x128xf32>
    %select_n3A_37 = arith.select %eq3A, %broadcast_in_dim3A, %broadcast_in_dim3A_36 : vector<16x128xi1>, vector<16x128xf32>
    %dot_general3A = arith.constant dense<0.000000e+00> : vector<1000x128xf32>
    %dot_general3A_38 = tpu.matmul %slice3A_9, %select_n3A_37, %dot_general3A {dimension_numbers = #tpu.dot_dimension_numbers<[1], [0], [0], [1], [0, 0, 1, 1], [], []>, transpose_lhs_hint = false} : vector<1000x16xf32>, vector<16x128xf32>, vector<1000x128xf32> -> vector<1000x128xf32>
    %add3A_39 = arith.constant 1.000000e-16 : f32
    %add3A_40 = vector.broadcast %add3A_39 : f32 to vector<1000x128xf32>
    %add3A_41 = arith.addf %dot_general3A_38, %add3A_40 : vector<1000x128xf32>
    %div3A_42 = arith.divf %slice3A, %add3A_41 : vector<1000x128xf32>
    %get3A_43 = arith.constant 0 : index
    %get3A_44 = arith.constant 0 : index
    %get3A_45 = vector.load %arg3[%get3A_43, %get3A_44] : memref<1x128xf32, #tpu.memory_space<vmem>>, vector<1x128xf32>
    %add3A_46 = vector.broadcast %get3A_45 : vector<1x128xf32> to vector<1000x128xf32>
    %add3A_47 = arith.addf %div3A_42, %add3A_46 : vector<1000x128xf32>
    %get3A_48 = arith.constant 0 : index
    %get3A_49 = arith.constant 0 : index
    %get3A_50 = vector.load %arg4[%get3A_48, %get3A_49] : memref<128x128xf32, #tpu.memory_space<vmem>>, vector<128x128xf32>
    %dot_general3A_51 = arith.constant dense<0.000000e+00> : vector<1000x128xf32>
    %dot_general3A_52 = tpu.matmul %add3A_47, %get3A_50, %dot_general3A_51 {dimension_numbers = #tpu.dot_dimension_numbers<[1], [1], [0], [0], [0, 0, 1, 0], [], []>, transpose_lhs_hint = false} : vector<1000x128xf32>, vector<128x128xf32>, vector<1000x128xf32> -> vector<1000x128xf32>
    %swap3A = arith.constant 0 : index
    %swap3A_53 = arith.constant 0 : index
    %swap3A_54 = vector.load %arg9[%swap3A, %swap3A_53] : memref<1000x128xf32, #tpu.memory_space<vmem>>, vector<1000x128xf32>
    tpu.vector_store %arg9[%swap3A, %swap3A_53], %dot_general3A_52 {strides = array<i32>} : memref<1000x128xf32, #tpu.memory_space<vmem>>, vector<1000x128xf32>,
    %get3A_55 = arith.constant 0 : index
    %get3A_56 = arith.constant 0 : index
    %get3A_57 = vector.load %arg5[%get3A_55, %get3A_56] : memref<1000x128xf32, #tpu.memory_space<vmem>>, vector<1000x128xf32>
    %dot_general3A_58 = arith.constant dense<0.000000e+00> : vector<128x128xf32>
    %dot_general3A_59 = tpu.matmul %dot_general3A_52, %get3A_57, %dot_general3A_58 {dimension_numbers = #tpu.dot_dimension_numbers<[0], [0], [1], [1], [0, 1, 1, 1], [], []>, transpose_lhs_hint = false} : vector<1000x128xf32>, vector<1000x128xf32>, vector<128x128xf32> -> vector<128x128xf32>
    %get3A_60 = arith.constant 0 : index
    %get3A_61 = arith.constant 0 : index
    %get3A_62 = vector.load %arg6[%get3A_60, %get3A_61] : memref<1000x128xf32, #tpu.memory_space<vmem>>, vector<1000x128xf32>
    %dot_general3A_63 = arith.constant dense<0.000000e+00> : vector<128x128xf32>
    %dot_general3A_64 = tpu.matmul %dot_general3A_52, %get3A_62, %dot_general3A_63 {dimension_numbers = #tpu.dot_dimension_numbers<[0], [0], [1], [1], [0, 1, 1, 1], [], []>, transpose_lhs_hint = false} : vector<1000x128xf32>, vector<1000x128xf32>, vector<128x128xf32> -> vector<128x128xf32>
    %eq3A_65 = arith.constant 0 : i32
    %eq3A_66 = arith.cmpi eq, %arg0, %eq3A_65 : i32
    %convert_element_type3A = arith.extui %eq3A_66 : i1 to i32
    %cond3A = arith.constant 0 : i32
    %cond3A_67 = arith.cmpi ne, %convert_element_type3A, %cond3A : i32
    scf.if %cond3A_67 {
      %broadcast_in_dim3A_87 = arith.constant 0.000000e+00 : f32
      %broadcast_in_dim3A_88 = vector.broadcast %broadcast_in_dim3A_87 : f32 to vector<128x128xf32>
      %swap3A_89 = arith.constant 0 : index
      %swap3A_90 = arith.constant 0 : index
      %swap3A_91 = vector.load %arg11[%swap3A_89, %swap3A_90] : memref<128x128xf32, #tpu.memory_space<vmem>>, vector<128x128xf32>
      tpu.vector_store %arg11[%swap3A_89, %swap3A_90], %broadcast_in_dim3A_88 {strides = array<i32>} : memref<128x128xf32, #tpu.memory_space<vmem>>, vector<128x128xf32>,
      %broadcast_in_dim3A_92 = arith.constant 0.000000e+00 : f32
      %broadcast_in_dim3A_93 = vector.broadcast %broadcast_in_dim3A_92 : f32 to vector<128x128xf32>
      %swap3A_94 = arith.constant 0 : index
      %swap3A_95 = arith.constant 0 : index
      %swap3A_96 = vector.load %arg12[%swap3A_94, %swap3A_95] : memref<128x128xf32, #tpu.memory_space<vmem>>, vector<128x128xf32>
      tpu.vector_store %arg12[%swap3A_94, %swap3A_95], %broadcast_in_dim3A_93 {strides = array<i32>} : memref<128x128xf32, #tpu.memory_space<vmem>>, vector<128x128xf32>,
    } else {
    }
    %get3A_68 = arith.constant 0 : index
    %get3A_69 = arith.constant 0 : index
    %get3A_70 = vector.load %arg11[%get3A_68, %get3A_69] : memref<128x128xf32, #tpu.memory_space<vmem>>, vector<128x128xf32>
    %add3A_71 = arith.addf %get3A_70, %dot_general3A_59 : vector<128x128xf32>
    %swap3A_72 = arith.constant 0 : index
    %swap3A_73 = arith.constant 0 : index
    %swap3A_74 = vector.load %arg11[%swap3A_72, %swap3A_73] : memref<128x128xf32, #tpu.memory_space<vmem>>, vector<128x128xf32>
    tpu.vector_store %arg11[%swap3A_72, %swap3A_73], %add3A_71 {strides = array<i32>} : memref<128x128xf32, #tpu.memory_space<vmem>>, vector<128x128xf32>,
    %get3A_75 = arith.constant 0 : index
    %get3A_76 = arith.constant 0 : index
    %get3A_77 = vector.load %arg12[%get3A_75, %get3A_76] : memref<128x128xf32, #tpu.memory_space<vmem>>, vector<128x128xf32>
    %add3A_78 = arith.addf %get3A_77, %dot_general3A_64 : vector<128x128xf32>
    %swap3A_79 = arith.constant 0 : index
    %swap3A_80 = arith.constant 0 : index
    %swap3A_81 = vector.load %arg12[%swap3A_79, %swap3A_80] : memref<128x128xf32, #tpu.memory_space<vmem>>, vector<128x128xf32>
    tpu.vector_store %arg12[%swap3A_79, %swap3A_80], %add3A_78 {strides = array<i32>} : memref<128x128xf32, #tpu.memory_space<vmem>>, vector<128x128xf32>,
    %eq3A_82 = arith.constant 9 : i32
    %eq3A_83 = arith.cmpi eq, %arg0, %eq3A_82 : i32
    %convert_element_type3A_84 = arith.extui %eq3A_83 : i1 to i32
    %cond3A_85 = arith.constant 0 : i32
    %cond3A_86 = arith.cmpi ne, %convert_element_type3A_84, %cond3A_85 : i32
    scf.if %cond3A_86 {
      %get3A_87 = arith.constant 0 : index
      %get3A_88 = arith.constant 0 : index
      %get3A_89 = vector.load %arg11[%get3A_87, %get3A_88] : memref<128x128xf32, #tpu.memory_space<vmem>>, vector<128x128xf32>
      %get3A_90 = arith.constant 0 : index
      %get3A_91 = arith.constant 0 : index
      %get3A_92 = vector.load %arg7[%get3A_90, %get3A_91] : memref<1x128xf32, #tpu.memory_space<vmem>>, vector<1x128xf32>
      %add3A_93 = vector.broadcast %get3A_92 : vector<1x128xf32> to vector<128x128xf32>
      %add3A_94 = arith.addf %get3A_89, %add3A_93 : vector<128x128xf32>
      %get3A_95 = arith.constant 0 : index
      %get3A_96 = arith.constant 0 : index
      %get3A_97 = vector.load %arg12[%get3A_95, %get3A_96] : memref<128x128xf32, #tpu.memory_space<vmem>>, vector<128x128xf32>
      %get3A_98 = arith.constant 0 : index
      %get3A_99 = arith.constant 0 : index
      %get3A_100 = vector.load %arg8[%get3A_98, %get3A_99] : memref<1x128xf32, #tpu.memory_space<vmem>>, vector<1x128xf32>
      %add3A_101 = vector.broadcast %get3A_100 : vector<1x128xf32> to vector<128x128xf32>
      %add3A_102 = arith.addf %get3A_97, %add3A_101 : vector<128x128xf32>
      %broadcast_in_dim3A_103 = arith.constant 0.000000e+00 : f32
      %broadcast_in_dim3A_104 = vector.broadcast %broadcast_in_dim3A_103 : f32 to vector<128x128xf32>
      %slice3A_105 = vector.extract_strided_slice %add3A_94 {offsets = [0, 0], sizes = [128, 16], strides = [1, 1]} : vector<128x128xf32> to vector<128x16xf32>
      %slice3A_106 = vector.extract_strided_slice %add3A_102 {offsets = [0, 0], sizes = [128, 16], strides = [1, 1]} : vector<128x128xf32> to vector<128x16xf32>
      %dot_general3A_107 = arith.constant dense<0.000000e+00> : vector<128x128xf32>
      %dot_general3A_108 = tpu.matmul %slice3A_105, %slice3A_106, %dot_general3A_107 {dimension_numbers = #tpu.dot_dimension_numbers<[1], [1], [0], [0], [0, 0, 1, 0], [], []>, transpose_lhs_hint = false} : vector<128x16xf32>, vector<128x16xf32>, vector<128x128xf32> -> vector<128x128xf32>
      %mul3A = arith.constant 2.500000e-01 : f32
      %mul3A_109 = vector.broadcast %mul3A : f32 to vector<128x128xf32>
      %mul3A_110 = arith.mulf %dot_general3A_108, %mul3A_109 : vector<128x128xf32>
      %reduce_max3A = arith.constant dense<0xFF800000> : vector<128xf32>
      %reduce_max3A_111 = vector.multi_reduction <maximumf>, %mul3A_110, %reduce_max3A [1] : vector<128x128xf32> to vector<128xf32>
      %broadcast_in_dim3A_112 = vector.shape_cast %reduce_max3A_111 : vector<128xf32> to vector<128x1xf32>
      %sub3A_113 = vector.broadcast %broadcast_in_dim3A_112 : vector<128x1xf32> to vector<128x128xf32>
      %sub3A_114 = arith.subf %mul3A_110, %sub3A_113 : vector<128x128xf32>
      %exp3A = math.exp %sub3A_114 : vector<128x128xf32>
      %reduce_sum3A = arith.constant dense<0.000000e+00> : vector<128xf32>
      %reduce_sum3A_115 = vector.multi_reduction <add>, %exp3A, %reduce_sum3A [1] : vector<128x128xf32> to vector<128xf32>
      %broadcast_in_dim3A_116 = vector.shape_cast %reduce_sum3A_115 : vector<128xf32> to vector<128x1xf32>
      %div3A_117 = vector.broadcast %broadcast_in_dim3A_116 : vector<128x1xf32> to vector<128x128xf32>
      %div3A_118 = arith.divf %exp3A, %div3A_117 : vector<128x128xf32>
      %add3A_119 = arith.addf %broadcast_in_dim3A_104, %div3A_118 : vector<128x128xf32>
      %slice3A_120 = vector.extract_strided_slice %add3A_94 {offsets = [0, 16], sizes = [128, 16], strides = [1, 1]} : vector<128x128xf32> to vector<128x16xf32>
      %slice3A_121 = vector.extract_strided_slice %add3A_102 {offsets = [0, 16], sizes = [128, 16], strides = [1, 1]} : vector<128x128xf32> to vector<128x16xf32>
      %dot_general3A_122 = arith.constant dense<0.000000e+00> : vector<128x128xf32>
      %dot_general3A_123 = tpu.matmul %slice3A_120, %slice3A_121, %dot_general3A_122 {dimension_numbers = #tpu.dot_dimension_numbers<[1], [1], [0], [0], [0, 0, 1, 0], [], []>, transpose_lhs_hint = false} : vector<128x16xf32>, vector<128x16xf32>, vector<128x128xf32> -> vector<128x128xf32>
      %mul3A_124 = arith.constant 2.500000e-01 : f32
      %mul3A_125 = vector.broadcast %mul3A_124 : f32 to vector<128x128xf32>
      %mul3A_126 = arith.mulf %dot_general3A_123, %mul3A_125 : vector<128x128xf32>
      %reduce_max3A_127 = arith.constant dense<0xFF800000> : vector<128xf32>
      %reduce_max3A_128 = vector.multi_reduction <maximumf>, %mul3A_126, %reduce_max3A_127 [1] : vector<128x128xf32> to vector<128xf32>
      %broadcast_in_dim3A_129 = vector.shape_cast %reduce_max3A_128 : vector<128xf32> to vector<128x1xf32>
      %sub3A_130 = vector.broadcast %broadcast_in_dim3A_129 : vector<128x1xf32> to vector<128x128xf32>
      %sub3A_131 = arith.subf %mul3A_126, %sub3A_130 : vector<128x128xf32>
      %exp3A_132 = math.exp %sub3A_131 : vector<128x128xf32>
      %reduce_sum3A_133 = arith.constant dense<0.000000e+00> : vector<128xf32>
      %reduce_sum3A_134 = vector.multi_reduction <add>, %exp3A_132, %reduce_sum3A_133 [1] : vector<128x128xf32> to vector<128xf32>
      %broadcast_in_dim3A_135 = vector.shape_cast %reduce_sum3A_134 : vector<128xf32> to vector<128x1xf32>
      %div3A_136 = vector.broadcast %broadcast_in_dim3A_135 : vector<128x1xf32> to vector<128x128xf32>
      %div3A_137 = arith.divf %exp3A_132, %div3A_136 : vector<128x128xf32>
      %add3A_138 = arith.addf %add3A_119, %div3A_137 : vector<128x128xf32>
      %slice3A_139 = vector.extract_strided_slice %add3A_94 {offsets = [0, 32], sizes = [128, 16], strides = [1, 1]} : vector<128x128xf32> to vector<128x16xf32>
      %slice3A_140 = vector.extract_strided_slice %add3A_102 {offsets = [0, 32], sizes = [128, 16], strides = [1, 1]} : vector<128x128xf32> to vector<128x16xf32>
      %dot_general3A_141 = arith.constant dense<0.000000e+00> : vector<128x128xf32>
      %dot_general3A_142 = tpu.matmul %slice3A_139, %slice3A_140, %dot_general3A_141 {dimension_numbers = #tpu.dot_dimension_numbers<[1], [1], [0], [0], [0, 0, 1, 0], [], []>, transpose_lhs_hint = false} : vector<128x16xf32>, vector<128x16xf32>, vector<128x128xf32> -> vector<128x128xf32>
      %mul3A_143 = arith.constant 2.500000e-01 : f32
      %mul3A_144 = vector.broadcast %mul3A_143 : f32 to vector<128x128xf32>
      %mul3A_145 = arith.mulf %dot_general3A_142, %mul3A_144 : vector<128x128xf32>
      %reduce_max3A_146 = arith.constant dense<0xFF800000> : vector<128xf32>
      %reduce_max3A_147 = vector.multi_reduction <maximumf>, %mul3A_145, %reduce_max3A_146 [1] : vector<128x128xf32> to vector<128xf32>
      %broadcast_in_dim3A_148 = vector.shape_cast %reduce_max3A_147 : vector<128xf32> to vector<128x1xf32>
      %sub3A_149 = vector.broadcast %broadcast_in_dim3A_148 : vector<128x1xf32> to vector<128x128xf32>
      %sub3A_150 = arith.subf %mul3A_145, %sub3A_149 : vector<128x128xf32>
      %exp3A_151 = math.exp %sub3A_150 : vector<128x128xf32>
      %reduce_sum3A_152 = arith.constant dense<0.000000e+00> : vector<128xf32>
      %reduce_sum3A_153 = vector.multi_reduction <add>, %exp3A_151, %reduce_sum3A_152 [1] : vector<128x128xf32> to vector<128xf32>
      %broadcast_in_dim3A_154 = vector.shape_cast %reduce_sum3A_153 : vector<128xf32> to vector<128x1xf32>
      %div3A_155 = vector.broadcast %broadcast_in_dim3A_154 : vector<128x1xf32> to vector<128x128xf32>
      %div3A_156 = arith.divf %exp3A_151, %div3A_155 : vector<128x128xf32>
      %add3A_157 = arith.addf %add3A_138, %div3A_156 : vector<128x128xf32>
      %slice3A_158 = vector.extract_strided_slice %add3A_94 {offsets = [0, 48], sizes = [128, 16], strides = [1, 1]} : vector<128x128xf32> to vector<128x16xf32>
      %slice3A_159 = vector.extract_strided_slice %add3A_102 {offsets = [0, 48], sizes = [128, 16], strides = [1, 1]} : vector<128x128xf32> to vector<128x16xf32>
      %dot_general3A_160 = arith.constant dense<0.000000e+00> : vector<128x128xf32>
      %dot_general3A_161 = tpu.matmul %slice3A_158, %slice3A_159, %dot_general3A_160 {dimension_numbers = #tpu.dot_dimension_numbers<[1], [1], [0], [0], [0, 0, 1, 0], [], []>, transpose_lhs_hint = false} : vector<128x16xf32>, vector<128x16xf32>, vector<128x128xf32> -> vector<128x128xf32>
      %mul3A_162 = arith.constant 2.500000e-01 : f32
      %mul3A_163 = vector.broadcast %mul3A_162 : f32 to vector<128x128xf32>
      %mul3A_164 = arith.mulf %dot_general3A_161, %mul3A_163 : vector<128x128xf32>
      %reduce_max3A_165 = arith.constant dense<0xFF800000> : vector<128xf32>
      %reduce_max3A_166 = vector.multi_reduction <maximumf>, %mul3A_164, %reduce_max3A_165 [1] : vector<128x128xf32> to vector<128xf32>
      %broadcast_in_dim3A_167 = vector.shape_cast %reduce_max3A_166 : vector<128xf32> to vector<128x1xf32>
      %sub3A_168 = vector.broadcast %broadcast_in_dim3A_167 : vector<128x1xf32> to vector<128x128xf32>
      %sub3A_169 = arith.subf %mul3A_164, %sub3A_168 : vector<128x128xf32>
      %exp3A_170 = math.exp %sub3A_169 : vector<128x128xf32>
      %reduce_sum3A_171 = arith.constant dense<0.000000e+00> : vector<128xf32>
      %reduce_sum3A_172 = vector.multi_reduction <add>, %exp3A_170, %reduce_sum3A_171 [1] : vector<128x128xf32> to vector<128xf32>
      %broadcast_in_dim3A_173 = vector.shape_cast %reduce_sum3A_172 : vector<128xf32> to vector<128x1xf32>
      %div3A_174 = vector.broadcast %broadcast_in_dim3A_173 : vector<128x1xf32> to vector<128x128xf32>
      %div3A_175 = arith.divf %exp3A_170, %div3A_174 : vector<128x128xf32>
      %add3A_176 = arith.addf %add3A_157, %div3A_175 : vector<128x128xf32>
      %slice3A_177 = vector.extract_strided_slice %add3A_94 {offsets = [0, 64], sizes = [128, 16], strides = [1, 1]} : vector<128x128xf32> to vector<128x16xf32>
      %slice3A_178 = vector.extract_strided_slice %add3A_102 {offsets = [0, 64], sizes = [128, 16], strides = [1, 1]} : vector<128x128xf32> to vector<128x16xf32>
      %dot_general3A_179 = arith.constant dense<0.000000e+00> : vector<128x128xf32>
      %dot_general3A_180 = tpu.matmul %slice3A_177, %slice3A_178, %dot_general3A_179 {dimension_numbers = #tpu.dot_dimension_numbers<[1], [1], [0], [0], [0, 0, 1, 0], [], []>, transpose_lhs_hint = false} : vector<128x16xf32>, vector<128x16xf32>, vector<128x128xf32> -> vector<128x128xf32>
      %mul3A_181 = arith.constant 2.500000e-01 : f32
      %mul3A_182 = vector.broadcast %mul3A_181 : f32 to vector<128x128xf32>
      %mul3A_183 = arith.mulf %dot_general3A_180, %mul3A_182 : vector<128x128xf32>
      %reduce_max3A_184 = arith.constant dense<0xFF800000> : vector<128xf32>
      %reduce_max3A_185 = vector.multi_reduction <maximumf>, %mul3A_183, %reduce_max3A_184 [1] : vector<128x128xf32> to vector<128xf32>
      %broadcast_in_dim3A_186 = vector.shape_cast %reduce_max3A_185 : vector<128xf32> to vector<128x1xf32>
      %sub3A_187 = vector.broadcast %broadcast_in_dim3A_186 : vector<128x1xf32> to vector<128x128xf32>
      %sub3A_188 = arith.subf %mul3A_183, %sub3A_187 : vector<128x128xf32>
      %exp3A_189 = math.exp %sub3A_188 : vector<128x128xf32>
      %reduce_sum3A_190 = arith.constant dense<0.000000e+00> : vector<128xf32>
      %reduce_sum3A_191 = vector.multi_reduction <add>, %exp3A_189, %reduce_sum3A_190 [1] : vector<128x128xf32> to vector<128xf32>
      %broadcast_in_dim3A_192 = vector.shape_cast %reduce_sum3A_191 : vector<128xf32> to vector<128x1xf32>
      %div3A_193 = vector.broadcast %broadcast_in_dim3A_192 : vector<128x1xf32> to vector<128x128xf32>
      %div3A_194 = arith.divf %exp3A_189, %div3A_193 : vector<128x128xf32>
      %add3A_195 = arith.addf %add3A_176, %div3A_194 : vector<128x128xf32>
      %slice3A_196 = vector.extract_strided_slice %add3A_94 {offsets = [0, 80], sizes = [128, 16], strides = [1, 1]} : vector<128x128xf32> to vector<128x16xf32>
      %slice3A_197 = vector.extract_strided_slice %add3A_102 {offsets = [0, 80], sizes = [128, 16], strides = [1, 1]} : vector<128x128xf32> to vector<128x16xf32>
      %dot_general3A_198 = arith.constant dense<0.000000e+00> : vector<128x128xf32>
      %dot_general3A_199 = tpu.matmul %slice3A_196, %slice3A_197, %dot_general3A_198 {dimension_numbers = #tpu.dot_dimension_numbers<[1], [1], [0], [0], [0, 0, 1, 0], [], []>, transpose_lhs_hint = false} : vector<128x16xf32>, vector<128x16xf32>, vector<128x128xf32> -> vector<128x128xf32>
      %mul3A_200 = arith.constant 2.500000e-01 : f32
      %mul3A_201 = vector.broadcast %mul3A_200 : f32 to vector<128x128xf32>
      %mul3A_202 = arith.mulf %dot_general3A_199, %mul3A_201 : vector<128x128xf32>
      %reduce_max3A_203 = arith.constant dense<0xFF800000> : vector<128xf32>
      %reduce_max3A_204 = vector.multi_reduction <maximumf>, %mul3A_202, %reduce_max3A_203 [1] : vector<128x128xf32> to vector<128xf32>
      %broadcast_in_dim3A_205 = vector.shape_cast %reduce_max3A_204 : vector<128xf32> to vector<128x1xf32>
      %sub3A_206 = vector.broadcast %broadcast_in_dim3A_205 : vector<128x1xf32> to vector<128x128xf32>
      %sub3A_207 = arith.subf %mul3A_202, %sub3A_206 : vector<128x128xf32>
      %exp3A_208 = math.exp %sub3A_207 : vector<128x128xf32>
      %reduce_sum3A_209 = arith.constant dense<0.000000e+00> : vector<128xf32>
      %reduce_sum3A_210 = vector.multi_reduction <add>, %exp3A_208, %reduce_sum3A_209 [1] : vector<128x128xf32> to vector<128xf32>
      %broadcast_in_dim3A_211 = vector.shape_cast %reduce_sum3A_210 : vector<128xf32> to vector<128x1xf32>
      %div3A_212 = vector.broadcast %broadcast_in_dim3A_211 : vector<128x1xf32> to vector<128x128xf32>
      %div3A_213 = arith.divf %exp3A_208, %div3A_212 : vector<128x128xf32>
      %add3A_214 = arith.addf %add3A_195, %div3A_213 : vector<128x128xf32>
      %slice3A_215 = vector.extract_strided_slice %add3A_94 {offsets = [0, 96], sizes = [128, 16], strides = [1, 1]} : vector<128x128xf32> to vector<128x16xf32>
      %slice3A_216 = vector.extract_strided_slice %add3A_102 {offsets = [0, 96], sizes = [128, 16], strides = [1, 1]} : vector<128x128xf32> to vector<128x16xf32>
      %dot_general3A_217 = arith.constant dense<0.000000e+00> : vector<128x128xf32>
      %dot_general3A_218 = tpu.matmul %slice3A_215, %slice3A_216, %dot_general3A_217 {dimension_numbers = #tpu.dot_dimension_numbers<[1], [1], [0], [0], [0, 0, 1, 0], [], []>, transpose_lhs_hint = false} : vector<128x16xf32>, vector<128x16xf32>, vector<128x128xf32> -> vector<128x128xf32>
      %mul3A_219 = arith.constant 2.500000e-01 : f32
      %mul3A_220 = vector.broadcast %mul3A_219 : f32 to vector<128x128xf32>
      %mul3A_221 = arith.mulf %dot_general3A_218, %mul3A_220 : vector<128x128xf32>
      %reduce_max3A_222 = arith.constant dense<0xFF800000> : vector<128xf32>
      %reduce_max3A_223 = vector.multi_reduction <maximumf>, %mul3A_221, %reduce_max3A_222 [1] : vector<128x128xf32> to vector<128xf32>
      %broadcast_in_dim3A_224 = vector.shape_cast %reduce_max3A_223 : vector<128xf32> to vector<128x1xf32>
      %sub3A_225 = vector.broadcast %broadcast_in_dim3A_224 : vector<128x1xf32> to vector<128x128xf32>
      %sub3A_226 = arith.subf %mul3A_221, %sub3A_225 : vector<128x128xf32>
      %exp3A_227 = math.exp %sub3A_226 : vector<128x128xf32>
      %reduce_sum3A_228 = arith.constant dense<0.000000e+00> : vector<128xf32>
      %reduce_sum3A_229 = vector.multi_reduction <add>, %exp3A_227, %reduce_sum3A_228 [1] : vector<128x128xf32> to vector<128xf32>
      %broadcast_in_dim3A_230 = vector.shape_cast %reduce_sum3A_229 : vector<128xf32> to vector<128x1xf32>
      %div3A_231 = vector.broadcast %broadcast_in_dim3A_230 : vector<128x1xf32> to vector<128x128xf32>
      %div3A_232 = arith.divf %exp3A_227, %div3A_231 : vector<128x128xf32>
      %add3A_233 = arith.addf %add3A_214, %div3A_232 : vector<128x128xf32>
      %slice3A_234 = vector.extract_strided_slice %add3A_94 {offsets = [0, 112], sizes = [128, 16], strides = [1, 1]} : vector<128x128xf32> to vector<128x16xf32>
      %slice3A_235 = vector.extract_strided_slice %add3A_102 {offsets = [0, 112], sizes = [128, 16], strides = [1, 1]} : vector<128x128xf32> to vector<128x16xf32>
      %dot_general3A_236 = arith.constant dense<0.000000e+00> : vector<128x128xf32>
      %dot_general3A_237 = tpu.matmul %slice3A_234, %slice3A_235, %dot_general3A_236 {dimension_numbers = #tpu.dot_dimension_numbers<[1], [1], [0], [0], [0, 0, 1, 0], [], []>, transpose_lhs_hint = false} : vector<128x16xf32>, vector<128x16xf32>, vector<128x128xf32> -> vector<128x128xf32>
      %mul3A_238 = arith.constant 2.500000e-01 : f32
      %mul3A_239 = vector.broadcast %mul3A_238 : f32 to vector<128x128xf32>
      %mul3A_240 = arith.mulf %dot_general3A_237, %mul3A_239 : vector<128x128xf32>
      %reduce_max3A_241 = arith.constant dense<0xFF800000> : vector<128xf32>
      %reduce_max3A_242 = vector.multi_reduction <maximumf>, %mul3A_240, %reduce_max3A_241 [1] : vector<128x128xf32> to vector<128xf32>
      %broadcast_in_dim3A_243 = vector.shape_cast %reduce_max3A_242 : vector<128xf32> to vector<128x1xf32>
      %sub3A_244 = vector.broadcast %broadcast_in_dim3A_243 : vector<128x1xf32> to vector<128x128xf32>
      %sub3A_245 = arith.subf %mul3A_240, %sub3A_244 : vector<128x128xf32>
      %exp3A_246 = math.exp %sub3A_245 : vector<128x128xf32>
      %reduce_sum3A_247 = arith.constant dense<0.000000e+00> : vector<128xf32>
      %reduce_sum3A_248 = vector.multi_reduction <add>, %exp3A_246, %reduce_sum3A_247 [1] : vector<128x128xf32> to vector<128xf32>
      %broadcast_in_dim3A_249 = vector.shape_cast %reduce_sum3A_248 : vector<128xf32> to vector<128x1xf32>
      %div3A_250 = vector.broadcast %broadcast_in_dim3A_249 : vector<128x1xf32> to vector<128x128xf32>
      %div3A_251 = arith.divf %exp3A_246, %div3A_250 : vector<128x128xf32>
      %add3A_252 = arith.addf %add3A_233, %div3A_251 : vector<128x128xf32>
      %swap3A_253 = arith.constant 0 : index
      %swap3A_254 = arith.constant 0 : index
      %swap3A_255 = vector.load %arg10[%swap3A_253, %swap3A_254] : memref<128x128xf32, #tpu.memory_space<vmem>>, vector<128x128xf32>
      tpu.vector_store %arg10[%swap3A_253, %swap3A_254], %add3A_252 {strides = array<i32>} : memref<128x128xf32, #tpu.memory_space<vmem>>, vector<128x128xf32>,
    } else {
    }
    return
  }
  func.func @transform_0(%arg0: i32) -> (i32, i32, i32) {
    %c0_i32 = arith.constant 0 : i32
    %c0_i32_0 = arith.constant 0 : i32
    %c0_i32_1 = arith.constant 0 : i32
    return %c0_i32, %arg0, %c0_i32_0 : i32, i32, i32
  }
  func.func @transform_1(%arg0: i32) -> (i32, i32, i32) {
    %c1_i32 = arith.constant 1 : i32
    %c0_i32 = arith.constant 0 : i32
    %c0_i32_0 = arith.constant 0 : i32
    return %c1_i32, %arg0, %c0_i32 : i32, i32, i32
  }
  func.func @transform_2(%arg0: i32) -> (i32, i32) {
    %c0_i32 = arith.constant 0 : i32
    %c0_i32_0 = arith.constant 0 : i32
    %c0_i32_1 = arith.constant 0 : i32
    return %c0_i32, %c0_i32_0 : i32, i32
  }
  func.func @transform_3(%arg0: i32) -> (i32, i32) {
    %c0_i32 = arith.constant 0 : i32
    %c0_i32_0 = arith.constant 0 : i32
    %c0_i32_1 = arith.constant 0 : i32
    return %c0_i32, %c0_i32_0 : i32, i32
  }
  func.func @transform_4(%arg0: i32) -> (i32, i32) {
    %c0_i32 = arith.constant 0 : i32
    %c0_i32_0 = arith.constant 0 : i32
    return %arg0, %c0_i32 : i32, i32
  }
  func.func @transform_5(%arg0: i32) -> (i32, i32) {
    %c0_i32 = arith.constant 0 : i32
    %c0_i32_0 = arith.constant 0 : i32
    return %arg0, %c0_i32 : i32, i32
  }
  func.func @transform_6(%arg0: i32) -> (i32, i32) {
    %c0_i32 = arith.constant 0 : i32
    %c0_i32_0 = arith.constant 0 : i32
    %c0_i32_1 = arith.constant 0 : i32
    return %c0_i32, %c0_i32_0 : i32, i32
  }
  func.func @transform_7(%arg0: i32) -> (i32, i32) {
    %c0_i32 = arith.constant 0 : i32
    %c0_i32_0 = arith.constant 0 : i32
    %c0_i32_1 = arith.constant 0 : i32
    return %c0_i32, %c0_i32_0 : i32, i32
  }
  func.func @transform_8(%arg0: i32) -> (i32, i32) {
    %c0_i32 = arith.constant 0 : i32
    %c0_i32_0 = arith.constant 0 : i32
    return %arg0, %c0_i32 : i32, i32
  }
  func.func @transform_9(%arg0: i32) -> (i32, i32) {
    %c0_i32 = arith.constant 0 : i32
    %c0_i32_0 = arith.constant 0 : i32
    %c0_i32_1 = arith.constant 0 : i32
    return %c0_i32, %c0_i32_0 : i32, i32
  }
}

module attributes {stable_mosaic.version = 14 : i64} {
  func.func @_b3_body(%arg0: i32, %arg1: memref<1000x128xf32, #tpu.memory_space<vmem>>, %arg2: memref<128x128xf32, #tpu.memory_space<vmem>>, %arg3: memref<1x128xf32, #tpu.memory_space<vmem>>, %arg4: memref<1x128xf32, #tpu.memory_space<vmem>>, %arg5: memref<1000x128xf32, #tpu.memory_space<vmem>>) attributes {dimension_semantics = [#tpu.dimension_semantics<arbitrary>], iteration_bounds = array<i64: 10>, scalar_prefetch = 0 : i64, scratch_operands = 0 : i64, tpu.core_type = #tpu.core_type<tc>, window_params = [{transform_indices = @transform_0, window_bounds = array<i64: 1000, 128>}, {pipeline_mode = #tpu.pipeline_mode<synchronous>, transform_indices = @transform_1, window_bounds = array<i64: 128, 128>}, {pipeline_mode = #tpu.pipeline_mode<synchronous>, transform_indices = @transform_2, window_bounds = array<i64: 1, 128>}, {pipeline_mode = #tpu.pipeline_mode<synchronous>, transform_indices = @transform_3, window_bounds = array<i64: 1, 128>}, {transform_indices = @transform_4, window_bounds = array<i64: 1000, 128>}]} {
    %get3A = arith.constant 0 : index
    %get3A_0 = arith.constant 0 : index
    %get3A_1 = vector.load %arg1[%get3A, %get3A_0] : memref<1000x128xf32, #tpu.memory_space<vmem>>, vector<1000x128xf32>
    %get3A_2 = arith.constant 0 : index
    %get3A_3 = arith.constant 0 : index
    %get3A_4 = vector.load %arg2[%get3A_2, %get3A_3] : memref<128x128xf32, #tpu.memory_space<vmem>>, vector<128x128xf32>
    %dot_general3A = arith.constant dense<0.000000e+00> : vector<1000x128xf32>
    %dot_general3A_5 = tpu.matmul %get3A_1, %get3A_4, %dot_general3A {dimension_numbers = #tpu.dot_dimension_numbers<[1], [1], [0], [0], [0, 0, 1, 0], [], []>, transpose_lhs_hint = false} : vector<1000x128xf32>, vector<128x128xf32>, vector<1000x128xf32> -> vector<1000x128xf32>
    %add3A = arith.addf %dot_general3A_5, %get3A_1 : vector<1000x128xf32>
    %reduce_sum3A = arith.constant dense<0.000000e+00> : vector<1000xf32>
    %reduce_sum3A_6 = vector.multi_reduction <add>, %add3A, %reduce_sum3A [1] : vector<1000x128xf32> to vector<1000xf32>
    %broadcast_in_dim3A = vector.shape_cast %reduce_sum3A_6 : vector<1000xf32> to vector<1000x1xf32>
    %div3A = arith.constant 1.280000e+02 : f32
    %div3A_7 = vector.broadcast %div3A : f32 to vector<1000x1xf32>
    %div3A_8 = arith.divf %broadcast_in_dim3A, %div3A_7 : vector<1000x1xf32>
    %sub3A = vector.broadcast %div3A_8 : vector<1000x1xf32> to vector<1000x128xf32>
    %sub3A_9 = arith.subf %add3A, %sub3A : vector<1000x128xf32>
    %mul3A = arith.mulf %sub3A_9, %sub3A_9 : vector<1000x128xf32>
    %reduce_sum3A_10 = arith.constant dense<0.000000e+00> : vector<1000xf32>
    %reduce_sum3A_11 = vector.multi_reduction <add>, %mul3A, %reduce_sum3A_10 [1] : vector<1000x128xf32> to vector<1000xf32>
    %broadcast_in_dim3A_12 = vector.shape_cast %reduce_sum3A_11 : vector<1000xf32> to vector<1000x1xf32>
    %div3A_13 = arith.constant 1.280000e+02 : f32
    %div3A_14 = vector.broadcast %div3A_13 : f32 to vector<1000x1xf32>
    %div3A_15 = arith.divf %broadcast_in_dim3A_12, %div3A_14 : vector<1000x1xf32>
    %add3A_16 = arith.constant 9.99999974E-6 : f32
    %add3A_17 = vector.broadcast %add3A_16 : f32 to vector<1000x1xf32>
    %add3A_18 = arith.addf %div3A_15, %add3A_17 : vector<1000x1xf32>
    %sqrt3A = math.sqrt %add3A_18 : vector<1000x1xf32>
    %div3A_19 = vector.broadcast %sqrt3A : vector<1000x1xf32> to vector<1000x128xf32>
    %div3A_20 = arith.divf %sub3A_9, %div3A_19 : vector<1000x128xf32>
    %get3A_21 = arith.constant 0 : index
    %get3A_22 = arith.constant 0 : index
    %get3A_23 = vector.load %arg3[%get3A_21, %get3A_22] : memref<1x128xf32, #tpu.memory_space<vmem>>, vector<1x128xf32>
    %mul3A_24 = vector.broadcast %get3A_23 : vector<1x128xf32> to vector<1000x128xf32>
    %mul3A_25 = arith.mulf %div3A_20, %mul3A_24 : vector<1000x128xf32>
    %get3A_26 = arith.constant 0 : index
    %get3A_27 = arith.constant 0 : index
    %get3A_28 = vector.load %arg4[%get3A_26, %get3A_27] : memref<1x128xf32, #tpu.memory_space<vmem>>, vector<1x128xf32>
    %add3A_29 = vector.broadcast %get3A_28 : vector<1x128xf32> to vector<1000x128xf32>
    %add3A_30 = arith.addf %mul3A_25, %add3A_29 : vector<1000x128xf32>
    %swap3A = arith.constant 0 : index
    %swap3A_31 = arith.constant 0 : index
    %swap3A_32 = vector.load %arg5[%swap3A, %swap3A_31] : memref<1000x128xf32, #tpu.memory_space<vmem>>, vector<1000x128xf32>
    tpu.vector_store %arg5[%swap3A, %swap3A_31], %add3A_30 {strides = array<i32>} : memref<1000x128xf32, #tpu.memory_space<vmem>>, vector<1000x128xf32>,
    return
  }
  func.func @transform_0(%arg0: i32) -> (i32, i32) {
    %c0_i32 = arith.constant 0 : i32
    %c0_i32_0 = arith.constant 0 : i32
    return %arg0, %c0_i32 : i32, i32
  }
  func.func @transform_1(%arg0: i32) -> (i32, i32) {
    %c0_i32 = arith.constant 0 : i32
    %c0_i32_0 = arith.constant 0 : i32
    %c0_i32_1 = arith.constant 0 : i32
    return %c0_i32, %c0_i32_0 : i32, i32
  }
  func.func @transform_2(%arg0: i32) -> (i32, i32) {
    %c0_i32 = arith.constant 0 : i32
    %c0_i32_0 = arith.constant 0 : i32
    %c0_i32_1 = arith.constant 0 : i32
    return %c0_i32, %c0_i32_0 : i32, i32
  }
  func.func @transform_3(%arg0: i32) -> (i32, i32) {
    %c0_i32 = arith.constant 0 : i32
    %c0_i32_0 = arith.constant 0 : i32
    %c0_i32_1 = arith.constant 0 : i32
    return %c0_i32, %c0_i32_0 : i32, i32
  }
  func.func @transform_4(%arg0: i32) -> (i32, i32) {
    %c0_i32 = arith.constant 0 : i32
    %c0_i32_0 = arith.constant 0 : i32
    return %arg0, %c0_i32 : i32, i32
  }
}

</mosaic_0001>

<sc_bundles>
// kernel: kernel.6.cloned.1.call-start
scs
__scs_entry_jumppad:
0x0: {  	(pc) =	sbr.rel $0x88, $3  }
0x1: {  	(tag) =	ssettag $0x0;
	lr =	simm.s32 $0x1  }
0x2: {  	[smem:$0x3F94] =	sst lr;
	_ =	strace $0xD0000000  }
0x3: {  	_ = 	snop  }
0x4: {  	_ = 	snop  }
0x5: {  	_ = 	snop  }
0x6: {  	_ = 	snop  }
0x7: {  	_ = 	snop  }
__scs_overlays_trampoline_lowered:
0x8: {  	[smem:$0x3FA3] =	sst s0  }
0x9: {  	[smem:$0x3FA4] =	sst s1  }
0xa: {  	[smem:$0x3FA5] =	sst s2  }
0xb: {  	[smem:$0x3FA6] =	sst s3  }
0xc: {  	[smem:$0x3FA7] =	sst s4  }
0xd: {  	[smem:$0x3FA8] =	sst s5  }
0xe: {  	[smem:$0x3FA9] =	sst s6  }
0xf: {  	[smem:$0x3FAA] =	sst s7  }
0x10: {  	[smem:$0x3FAB] =	sst s8  }
0x11: {  	[smem:$0x3FAC] =	sst s9;
	s0 =	simm.s32 @!p0 $0x0  }
0x12: {  	s1 =	sld [smem:$0x3F92];
	s0 =	simm.s32 @p0 $0x1  }
0x13: {  	[smem:$0x3FAD] =	sst s0;
	s0 =	simm.s32 @!p1 $0x0  }
0x14: {  	s2 =	sld [smem:$0x3F91];
	s0 =	simm.s32 @p1 $0x1  }
0x15: {  	[smem:$0x3FAE] =	sst s0;
	s0 =	simm.s32 @!p2 $0x0  }
0x16: {  	s3 =	sld [smem:$0x3FDB];
	s0 =	simm.s32 @p2 $0x1  }
0x17: {  	s4 =	simm.s32 $0x1BF5;
	[smem:$0x3FB0] =	sst s0  }
0x18: {  	s0 =	sld [smem:$0x3F93];
	_ =	swait.ge [sflag:s4], $0x0  }
0x19: {  	s7 =	sld [smem:$0x3F94]  }
0x1a: {  	s8 =	sadd.s32 $0xFFFFE003, lr  }
0x1b: {  	s9 =	sadd.s32 $0xFFFFFEF7, lr;
	s5 =	simm.s32 $0xFFFFFFFF;
	p2 =	slt.u32 s8, $0xFFFFF086  }
0x1c: {  	p1 =	slt.u32 s9, $0xF7A;
	s5 =	simm.s32 @!p2 $0x0  }
0x1d: {  	s5 =	simm.s32 @p1 $0x1;
	p0 =	seq.s32 s7, s2  }
0x1e: {  	s7 =	smul.u32 @!p0 $0xF7A, s2;
	p2 =	seq.s32 @!p0 s5, $0x0  }
0x1f: {  	s9 =	smul.u32 $0xF7A, s1;
	s8 =	simm.s32 @!p0 $0x1BF5;
	p2 =	por !p2, p0  }
0x20: {  	[sflag:s8] =	ssyncset.s32 @!p0 $0xFFFFF086;
	s6 =	sadd.s32 @!p0 s3, s7;
	s7 =	simm.s32 @!p0 $0x108  }
0x21: {  	s3 =	sadd.s32 s3, s9;
	s6 =	sadd.s32 @!p0 $0x88, s6;
	s7 =	simm.s32 @p2 $0x1082  }
0x22: {  	[simem:s7], [sflag:s8] =	dma.local @!p0 [hbm:s6], $0xF7A  }
0x23: {  	s9 =	sor.u32 $0xD0000000, s2;
	s6 =	simm.s32 $0x108;
	_ =	swait.ge @!p0 [sflag:s8], $0x0  }
0x24: {  	s3 =	sadd.s32 $0x88, s3;
	s6 =	simm.s32 @!p1 $0x1082;
	[sflag:s4] =	ssyncset.s32 $0xFFFFF086  }
0x25: {  	[simem:s6], [sflag:s4] =	dma.local [hbm:s3], $0xF7A  }
0x26: {  	[smem:$0x3F94] =	sst s1;
	(tag) =	ssettag s2;
	_ =	strace s9  }
0x27: {  	s1 =	sld [smem:$0x3FA4]  }
0x28: {  	s2 =	sld [smem:$0x3FA5]  }
0x29: {  	s4 =	sld [smem:$0x3FA7]  }
0x2a: {  	p0 =	seq.s32 s5, $0x0;
	s5 =	sld [smem:$0x3FA8]  }
0x2b: {  	s6 =	sld [smem:$0x3FA9]  }
0x2c: {  	s7 =	sld [smem:$0x3FAA]  }
0x2d: {  	s3 =	simm.s32 $0x108;
	s8 =	sld [smem:$0x3FAB]  }
0x2e: {  	s3 =	simm.s32 @!p0 $0x1082;
	s9 =	sld [smem:$0x3FAC]  }
0x2f: {  	lr =	sadd.s32 s0, s3;
	s0 =	sld [smem:$0x3FA3]  }
0x30: {  	s3 =	sld [smem:$0x3FA6]  }
0x31: {  	[smem:$0x3FAF] =	sst s10  }
0x32: {  	s10 =	sld [smem:$0x3FAD];
	_ =	sdelay $0x3  }
0x33: {  	p0 =	seq.s32 s10, $0x1;
	s10 =	sld [smem:$0x3FAF];
	_ =	sdelay $0x3  }
0x34: {  	[smem:$0x3FAF] =	sst s10  }
0x35: {  	s10 =	sld [smem:$0x3FAE];
	_ =	sdelay $0x3  }
0x36: {  	p1 =	seq.s32 s10, $0x1;
	s10 =	sld [smem:$0x3FAF];
	_ =	sdelay $0x3  }
0x37: {  	[smem:$0x3FAF] =	sst s10  }
0x38: {  	s10 =	sld [smem:$0x3FB0]  }
0x39: {  	_ = 	snop;
	(pc) =	sbr.ind lr, $3  }
0x3a: {  	_ = 	snop  }
0x3b: {  	_ = 	snop  }
0x3c: {  	p2 =	seq.s32 s10, $0x1;
	s10 =	sld [smem:$0x3FAF]  }
0x3d: {  	_ =	shalt  }
0x3e: {  	_ =	shalt  }
0x3f: {  	_ =	shalt  }
0x40: {  	_ =	shalt  }
0x41: {  	_ =	shalt  }
0x42: {  	_ =	shalt  }
0x43: {  	_ =	shalt  }
0x44: {  	_ =	shalt  }
0x45: {  	_ =	shalt  }
0x46: {  	_ =	shalt  }
0x47: {  	_ =	shalt  }
0x48: {  	_ =	shalt  }
0x49: {  	_ =	shalt  }
0x4a: {  	_ =	shalt  }
0x4b: {  	_ =	shalt  }
0x4c: {  	_ =	shalt  }
0x4d: {  	_ =	shalt  }
0x4e: {  	_ =	shalt  }
0x4f: {  	_ =	shalt  }
0x50: {  	_ =	shalt  }
0x51: {  	_ =	shalt  }
0x52: {  	_ =	shalt  }
0x53: {  	_ =	shalt  }
0x54: {  	_ =	shalt  }
0x55: {  	_ =	shalt  }
0x56: {  	_ =	shalt  }
0x57: {  	_ =	shalt  }
0x58: {  	_ =	shalt  }
0x59: {  	_ =	shalt  }
0x5a: {  	_ =	shalt  }
0x5b: {  	_ =	shalt  }
0x5c: {  	_ =	shalt  }
0x5d: {  	_ =	shalt  }
0x5e: {  	_ =	shalt  }
0x5f: {  	_ =	shalt  }
0x60: {  	_ =	shalt  }
0x61: {  	_ =	shalt  }
0x62: {  	_ =	shalt  }
0x63: {  	_ =	shalt  }
0x64: {  	_ =	shalt  }
0x65: {  	_ =	shalt  }
0x66: {  	_ =	shalt  }
0x67: {  	_ =	shalt  }
0x68: {  	_ =	shalt  }
0x69: {  	_ =	shalt  }
0x6a: {  	_ =	shalt  }
0x6b: {  	_ =	shalt  }
0x6c: {  	_ =	shalt  }
0x6d: {  	_ =	shalt  }
0x6e: {  	_ =	shalt  }
0x6f: {  	_ =	shalt  }
0x70: {  	_ =	shalt  }
0x71: {  	_ =	shalt  }
0x72: {  	_ =	shalt  }
0x73: {  	_ =	shalt  }
0x74: {  	_ =	shalt  }
0x75: {  	_ =	shalt  }
0x76: {  	_ =	shalt  }
0x77: {  	_ =	shalt  }
0x78: {  	_ =	shalt  }
0x79: {  	_ =	shalt  }
0x7a: {  	_ =	shalt  }
0x7b: {  	_ =	shalt  }
0x7c: {  	_ =	shalt  }
0x7d: {  	_ =	shalt  }
0x7e: {  	_ =	shalt  }
0x7f: {  	_ =	shalt  }
0x80: {  	_ =	shalt  }
0x81: {  	_ =	shalt  }
0x82: {  	_ =	shalt  }
0x83: {  	_ =	shalt  }
0x84: {  	_ =	shalt  }
0x85: {  	_ =	shalt  }
0x86: {  	_ =	shalt  }
0x87: {  	_ =	shalt  }
.Lfunc_end0:
.L_simem_size_0:
called_computation_lowered:
.L_overlay_start_0:
0x88: {  	s2 =	sld [smem:$0x3FD9]  }
0x89: {  	s3 =	sld [smem:$0x3FFE];
	_ =	sdelay $0x1  }
0x8a: {  	s1 =	srdreg.scid  }
0x8b: {  	s0 =	sand.u32 $0x1, s1  }
0x8c: {  	s17 =	sshll.u32 s0, $0xA;
	s2 =	sadd.s32 s3, s2  }
0x8d: {  	s2 =	sadd.s32 s2, s17  }
0x8e: {  	[smem:$0x3FBB] =	sst s2  }
0x8f: {  	_ = 	snop  }
0x90: {  	s2 =	sld [smem:$0x3FD0];
	(tm) =	ssettm $0x1  }
0x91: {  	s18 =	sld [smem:$0x3FFB];
	_ =	sdelay $0x3  }
0x92: {  	_ =	strace s18  }
0x93: {  	s3 =	sld [smem:$0x3FFC];
	_ =	sdelay $0x3  }
0x94: {  	_ =	strace s3  }
0x95: {  	s3 =	sld [smem:$0x3FFD];
	_ =	sdelay $0x3  }
0x96: {  	_ =	strace s3  }
0x97: {  	_ =	strace $0x8FFFFFFF  }
0x98: {  	s19 =	sld [smem:$0x3FDB];
	_ =	sdelay $0x1  }
0x99: {  	s4 =	simm.s32 $_scs_section_size  }
0x9a: {  	s5 =	simm.s32 $_size__tile_overlayer_lowered;
	s6 =	simm.s32 $_tile_overlayer_lowered  }
0x9b: {  	s22 =	simm.s32 $0x1BFF;
	s21 =	sshll.u32 s6, $0x1;
	s3 =	sadd.s32 s4, s19  }
0x9c: {  	s7 =	simm.s32 $0x0;
	s20 =	sshll.u32 s5, $0x1;
	s5 =	sadd.s32 s21, s3  }
0x9d: {  	[timem:s7], [sflag:s22] =	dma.local [hbm:s5], s20  }
0x9e: {  	_ =	swait.ge [sflag:s22], s20  }
0x9f: {  	s4 =	ssub.s32 $0x0, s20;
	[sflag:s22] =	ssyncset.done $0x0  }
0xa0: {  	[sflag:s22] =	ssyncadd.s32 s4;
	_ =	sdelay $0x1  }
0xa1: {  	s23 =	simm.s32 $0x1B8B  }
0xa2: {  	_ =	swait.ge [sflag:s23], $0x1  }
0xa3: {  	[sflag:s23] =	ssyncset.done $0x0  }
0xa4: {  	s25 =	simm.s32 $0x1B8E;
	s24 =	sld [smem:$0x3FFE];
	[sflag:s23] =	ssyncadd.s32 $0xFFFFFFFF  }
0xa5: {  	s26 =	simm.s32 $execute0_lowered;
	[smem:$0x3FD2] =	sst s25  }
0xa6: {  	s5 =	sshll.u32 s26, $0x1;
	_ =	strace $0x80000046;
	[dreg:$0x1] =	wrdreg $0xFFFFFFFF  }
0xa7: {  	s28 =	simm.s32 $_size_execute0_lowered;
	s3 =	sadd.s32 s3, s5;
	[dreg:$0x0] =	wrdreg $0x0  }
0xa8: {  	s5 =	sshll.u32 s28, $0x1;
	[dreg:$0x2] =	wrdreg s3  }
0xa9: {  	[dreg:$0x3] =	wrdreg s5  }
0xaa: {  	[dreg:$0x4] =	wrdreg $0xC0  }
0xab: {  	_ =	task [dreg:s7], $0x5FFFF  }
0xac: {  	[dreg:$0x1] =	wrdreg $0xFFFFFFFF  }
0xad: {  	[dreg:$0x0] =	wrdreg $0x60  }
0xae: {  	[dreg:$0x2] =	wrdreg s2  }
0xaf: {  	[dreg:$0x3] =	wrdreg s24  }
0xb0: {  	[dreg:$0x4] =	wrdreg $0x7B000  }
0xb1: {  	[dreg:$0x5] =	wrdreg $0x9  }
0xb2: {  	_ =	task.clear_ibuf [dreg:s7], $0x6FFFF;
	_ =	strace $0x90000046  }
0xb3: {  	s29 =	simm.s32 $0x9;
	_ =	strace $0x80000048  }
0xb4: {  	_ =	swait.ge [sflag:s29], $0x1  }
0xb5: {  	[sflag:s29] =	ssyncadd.s32 $0xFFFFFFFF  }
0xb6: {  	_ =	strace $0x90000048  }
0xb7: {  	_ =	sfence  }
0xb8: {  	s30 =	sld [smem:$0x0];
	_ =	sdelay $0x2  }
0xb9: {  	s31 =	sshll.u32 s1, $0xD;
	s1 =	sshrl.u32 s1, $0x2  }
0xba: {  	s3 =	sand.u32 $0x4000, s31;
	s1 =	sadd.s32 s1, s30  }
0xbb: {  	s0 =	sor.u32 s3, s0;
	s1 =	sshll.u32 s1, $0x11  }
0xbc: {  	s0 =	sor.u32 s1, s0  }
0xbd: {  	s0 =	sadd.s32 $0x8F2B, s0  }
0xbe: {  	[sflag:s0] =	ssyncadd.remote.s32 $0x1  }
0xbf: {  	_ =	sfence.sel $0xFFFF  }
0xc0: {  	[dreg:$0x0] =	wrdreg $0xFFFFFFFF;
	(pc) =	sbr.abs _section_cstart, $3  }
0xc1: {  	[dreg:$0x1] =	wrdreg $0xFFFFFFFF  }
0xc2: {  	_ =	task.clear_ibuf [dreg:s7], $0x2FFFF;
	_ =	strace $0x9FFFFFFF  }
0xc3: {  	(tm) =	ssettm $0x7FFFFFFF  }
tec
execute0_lowered:
.L_overlay_start_1:
0x0: {  	(tag) =	ssettag $0x1  }
0x1: {  	s1 =	rddreg [dreg:$0x0]  }
0x2: {  	s0 =	rddreg [dreg:$0x1]  }
0x3: {  	s3 =	rddreg [dreg:$0x2]  }
0x4: {  	s2 =	srdreg.scid;
	s12 =	stileid.u32  }
0x5: {  	s4 =	simm.s32 $0x0;
	s31 =	simm.s32 $0xF00;
	s8 =	smul.u32 $0x16800, s12  }
0x6: {  	s2 =	sand.u32 $0x1, s2;
	[smem:$0x7FF] =	sst s4;
	s10 =	smul.u32 $0x5A000, s12  }
0x7: {  	s5 =	sadd.s32 $0x2A00, s0;
	s6 =	sadd.s32 $0xCE00, s0;
	s7 =	smul.u32 $0x168000, s2  }
0x8: {  	_ =	strace $0x80000047;
	s11 =	ssub.s32 $0x2, s2;
	s10 =	sshrl.u32 s10, $0x2  }
0x9: {  	s2 =	sshll.u32 s2, $0x4;
	s19 =	sadd.s32 s8, s3;
	s10 =	sadd.s32 s10, s3  }
0xa: {  	s26 =	sshrl.u32 s11, $0x1;
	[dreg:$0x4] =	wrdreg s19;
	s28 =	sadd.s32 $0x2400, s10  }
0xb: {  	s2 =	sor.u32 s12, s2;
	s30 =	sadd.s32 $0x4800, s10;
	[dreg:$0x5] =	wrdreg s28  }
0xc: {  	s9 =	sadd.s32 s8, s7;
	s12 =	sadd.s32 $0x9000, s10;
	[dreg:$0x6] =	wrdreg s30  }
0xd: {  	s7 =	sadd.s32 $0x39E00, s0;
	s13 =	sadd.s32 $0xB400, s10;
	[dreg:$0x8] =	wrdreg s12  }
0xe: {  	s2 =	smul.u32 $0x2900, s2;
	s14 =	sadd.s32 $0xD800, s10;
	[dreg:$0x9] =	wrdreg s13  }
0xf: {  	s9 =	sshrl.u32 s9, $0x3;
	s15 =	sadd.s32 $0xFC00, s10;
	[dreg:$0xa] =	wrdreg s14  }
0x10: {  	s16 =	sadd.s32 $0x12000, s10;
	s0 =	sadd.s32 s9, s0;
	[dreg:$0xb] =	wrdreg s15  }
0x11: {  	s9 =	ssub.s32 s11, s26;
	s11 =	sadd.s32 $0x6C00, s10;
	[dreg:$0xc] =	wrdreg s16  }
0x12: {  	s29 =	simm.s32 $0x6;
	s10 =	sadd.s32 $0x14400, s10;
	[dreg:$0x7] =	wrdreg s11  }
0x13: {  	s17 =	sshrl.u32 s2, $0x3;
	s23 =	sor.u32 $0x80, s2;
	[dreg:$0xd] =	wrdreg s10  }
0x14: {  	s24 =	sor.u32 $0xC0, s2;
	s25 =	sadd.s32 $0x100, s2;
	[dreg:$0x12] =	wrdreg s23  }
0x15: {  	s26 =	sadd.s32 $0x140, s2;
	s28 =	sadd.s32 $0x180, s2;
	[dreg:$0x13] =	wrdreg s24  }
0x16: {  	s2 =	sadd.s32 $0x1C0, s2;
	s13 =	simm.s32 $0x5700;
	[dreg:$0x14] =	wrdreg s25  }
0x17: {  	s15 =	simm.s32 $0x1;
	s16 =	simm.s32 $0x5;
	[dreg:$0x15] =	wrdreg s26  }
0x18: {  	s18 =	sadd.s32 s1, s17;
	s20 =	sor.u32 $0x8, s17;
	[dreg:$0x16] =	wrdreg s28  }
0x19: {  	s8 =	sadd.s32 s5, s17;
	[dreg:$0x17] =	wrdreg s2;
	s0 =	sadd.s32 $0x3EE00, s0  }
0x1a: {  	s30 =	smax.u32 s9, $0x1;
	s10 =	simm.s32 $0xD;
	s9 =	simm.s32 $0x40  }
0x1b: {  	s11 =	simm.s32 $0x7;
	s17 =	simm.s32 $0x8;
	[dreg:$0xe] =	wrdreg s18  }
0x1c: {  	s23 =	simm.s32 $0x3;
	s25 =	simm.s32 $0xA;
	[dreg:$0xf] =	wrdreg s8  }
0x1d: {  	s2 =	simm.s32 $0x0;
	s24 =	simm.s32 $0x2C0;
	[dreg:$0x18] =	wrdreg s0  }
0x1e: {  	s21 =	sadd.s32 s1, s20;
	s22 =	sadd.s32 s5, s20;
	[dreg:$0x19] =	wrdreg s30  }
0x1f: {  	s20 =	simm.s32 $0x1C0;
	s18 =	simm.s32 $0xB;
	[dreg:$0x10] =	wrdreg s21  }
0x20: {  	v0 =	vimm.f32 $0.0e+00;
	s0 =	simm.s32 $0xC;
	[dreg:$0x11] =	wrdreg s22;
	s21 =	simm.s32 $0x2  }
.LBB2_1:
0x21: {  	[dreg:$0x1a] =	wrdreg s2;
	s14 =	simm.s32 $0x80;
	s8 =	simm.s32 $0x440  }
.LBB2_2:
0x22: {  	p0 =	sne.s32 s8, $0x8FC0;
	[tilespmem:s14+$0x5700] =	vst v0  }
0x23: {  	[tilespmem:s14+$0xE80] =	vst v0  }
0x24: {  	[tilespmem:s14+$0xE90] =	vst v0  }
0x25: {  	[tilespmem:s14+$0xEA0] =	vst v0  }
0x26: {  	[tilespmem:s14+$0xEB0] =	vst v0  }
0x27: {  	[tilespmem:s14+$0xEC0] =	vst v0  }
0x28: {  	[tilespmem:s14+$0xED0] =	vst v0  }
0x29: {  	[tilespmem:s14+$0xEE0] =	vst v0  }
0x2a: {  	[tilespmem:s14+$0xEF0] =	vst v0  }
0x2b: {  	[tilespmem:s14+$0xF00] =	vst v0  }
0x2c: {  	[tilespmem:s14+$0x3280] =	vst v0  }
0x2d: {  	[tilespmem:s14+$0x3290] =	vst v0  }
0x2e: {  	[tilespmem:s14+$0x32A0] =	vst v0  }
0x2f: {  	[tilespmem:s14+$0x32B0] =	vst v0  }
0x30: {  	[tilespmem:s14+$0x32C0] =	vst v0  }
0x31: {  	[tilespmem:s14+$0x32D0] =	vst v0  }
0x32: {  	[tilespmem:s14+$0x32E0] =	vst v0  }
0x33: {  	[tilespmem:s14+$0x32F0] =	vst v0  }
0x34: {  	[tilespmem:s14+$0x3300] =	vst v0  }
0x35: {  	[tilespmem:s14+$0x5680] =	vst v0  }
0x36: {  	[tilespmem:s14+$0x5690] =	vst v0  }
0x37: {  	[tilespmem:s14+$0x56A0] =	vst v0  }
.Ltmp0:
0x38: {  	[tilespmem:s14+$0x56B0] =	vst v0;
	(pc) =	sbr.rel @p0 .LBB2_2-.Ltmp0, $4  }
0x39: {  	[tilespmem:s14+$0x56C0] =	vst v0  }
0x3a: {  	[tilespmem:s14+$0x56D0] =	vst v0  }
0x3b: {  	[tilespmem:s14+$0x56E0] =	vst v0  }
0x3c: {  	[tilespmem:s14+$0x56F0] =	vst v0;
	s14 =	sshra.s32 s8, $0x2;
	s8 =	sadd.s32 $0x240, s8  }
0x3d: {  	[tilespmem:s14+$0x5700] =	vst v0  }
0x3e: {  	[tilespmem:s14+$0xE80] =	vst v0  }
0x3f: {  	[tilespmem:s14+$0xE90] =	vst v0  }
0x40: {  	[tilespmem:s14+$0xEA0] =	vst v0  }
0x41: {  	[tilespmem:s14+$0xEB0] =	vst v0  }
0x42: {  	[tilespmem:s14+$0xEC0] =	vst v0  }
0x43: {  	[tilespmem:s14+$0xED0] =	vst v0  }
0x44: {  	[tilespmem:s14+$0xEE0] =	vst v0  }
0x45: {  	[tilespmem:s14+$0xEF0] =	vst v0  }
0x46: {  	[tilespmem:s14+$0xF00] =	vst v0  }
0x47: {  	[tilespmem:s14+$0x3280] =	vst v0  }
0x48: {  	[tilespmem:s14+$0x3290] =	vst v0  }
0x49: {  	[tilespmem:s14+$0x32A0] =	vst v0  }
0x4a: {  	[tilespmem:s14+$0x32B0] =	vst v0  }
0x4b: {  	[tilespmem:s14+$0x32C0] =	vst v0  }
0x4c: {  	[tilespmem:s14+$0x32D0] =	vst v0  }
0x4d: {  	[tilespmem:s14+$0x32E0] =	vst v0  }
0x4e: {  	[tilespmem:s14+$0x32F0] =	vst v0  }
0x4f: {  	[tilespmem:s14+$0x3300] =	vst v0  }
0x50: {  	[tilespmem:s14+$0x5680] =	vst v0  }
0x51: {  	[tilespmem:s14+$0x5690] =	vst v0  }
0x52: {  	[tilespmem:s14+$0x56A0] =	vst v0  }
0x53: {  	[tilespmem:s14+$0x56B0] =	vst v0  }
0x54: {  	[tilespmem:s14+$0x56C0] =	vst v0  }
0x55: {  	[tilespmem:s14+$0x56D0] =	vst v0  }
0x56: {  	[tilespmem:s14+$0x56E0] =	vst v0  }
0x57: {  	[tilespmem:s14+$0x56F0] =	vst v0  }
0x58: {  	[spmem:s19] =	stream.linear.scatter [tilespmem:s31], [sflag:$0xD], $0x2400, $0x38;
	[tilespmem:$0x1E300] =	vst v63  }
0x59: {  	_ =	swait.ge [sflag:s10], $0x2400  }
0x5a: {  	[sflag:s10] =	ssyncset.done $0x0  }
0x5b: {  	s8 =	rddreg [dreg:$0x5];
	[sflag:s10] =	ssyncadd.s32 $0xFFFFDC00  }
0x5c: {  	[spmem:s8] =	stream.linear.scatter [tilespmem:s31], [sflag:$0xD], $0x2400, $0x38;
	[tilespmem:$0x1E300] =	vst v63  }
0x5d: {  	_ =	swait.ge [sflag:s10], $0x2400  }
0x5e: {  	[sflag:s10] =	ssyncset.done $0x0  }
0x5f: {  	s12 =	rddreg [dreg:$0x6];
	[sflag:s10] =	ssyncadd.s32 $0xFFFFDC00  }
0x60: {  	[spmem:s12] =	stream.linear.scatter [tilespmem:s31], [sflag:$0xD], $0x2400, $0x38;
	[tilespmem:$0x1E300] =	vst v63  }
0x61: {  	_ =	swait.ge [sflag:s10], $0x2400  }
0x62: {  	[sflag:s10] =	ssyncset.done $0x0  }
0x63: {  	s14 =	rddreg [dreg:$0x7];
	[sflag:s10] =	ssyncadd.s32 $0xFFFFDC00  }
0x64: {  	[spmem:s14] =	stream.linear.scatter [tilespmem:s31], [sflag:$0xD], $0x2400, $0x38;
	[tilespmem:$0x1E300] =	vst v63  }
0x65: {  	_ =	swait.ge [sflag:s10], $0x2400  }
0x66: {  	[sflag:s10] =	ssyncset.done $0x0  }
0x67: {  	s19 =	rddreg [dreg:$0x8];
	[sflag:s10] =	ssyncadd.s32 $0xFFFFDC00  }
0x68: {  	[spmem:s19] =	stream.linear.scatter [tilespmem:s31], [sflag:$0xD], $0x2400, $0x38;
	[tilespmem:$0x1E300] =	vst v63  }
0x69: {  	_ =	swait.ge [sflag:s10], $0x2400  }
0x6a: {  	[sflag:s10] =	ssyncset.done $0x0  }
0x6b: {  	s22 =	rddreg [dreg:$0x9];
	[sflag:s10] =	ssyncadd.s32 $0xFFFFDC00  }
0x6c: {  	[spmem:s22] =	stream.linear.scatter [tilespmem:s31], [sflag:$0xD], $0x2400, $0x38;
	[tilespmem:$0x1E300] =	vst v63  }
0x6d: {  	_ =	swait.ge [sflag:s10], $0x2400  }
0x6e: {  	[sflag:s10] =	ssyncset.done $0x0  }
0x6f: {  	s26 =	rddreg [dreg:$0xa];
	[sflag:s10] =	ssyncadd.s32 $0xFFFFDC00  }
0x70: {  	[spmem:s26] =	stream.linear.scatter [tilespmem:s31], [sflag:$0xD], $0x2400, $0x38;
	[tilespmem:$0x1E300] =	vst v63  }
0x71: {  	_ =	swait.ge [sflag:s10], $0x2400  }
0x72: {  	[sflag:s10] =	ssyncset.done $0x0  }
0x73: {  	s28 =	rddreg [dreg:$0xb];
	[sflag:s10] =	ssyncadd.s32 $0xFFFFDC00  }
0x74: {  	[spmem:s28] =	stream.linear.scatter [tilespmem:s31], [sflag:$0xD], $0x2400, $0x38;
	[tilespmem:$0x1E300] =	vst v63  }
0x75: {  	_ =	swait.ge [sflag:s10], $0x2400  }
0x76: {  	[sflag:s10] =	ssyncset.done $0x0  }
0x77: {  	s30 =	rddreg [dreg:$0xc];
	[sflag:s10] =	ssyncadd.s32 $0xFFFFDC00  }
0x78: {  	[spmem:s30] =	stream.linear.scatter [tilespmem:s31], [sflag:$0xD], $0x2400, $0x38;
	[tilespmem:$0x1E300] =	vst v63  }
0x79: {  	_ =	swait.ge [sflag:s10], $0x2400  }
0x7a: {  	[sflag:s10] =	ssyncset.done $0x0  }
0x7b: {  	s2 =	rddreg [dreg:$0xd];
	[sflag:s10] =	ssyncadd.s32 $0xFFFFDC00  }
0x7c: {  	[spmem:s2] =	stream.linear.scatter [tilespmem:s31], [sflag:$0xD], $0x2400, $0x38;
	[tilespmem:$0x1E300] =	vst v63  }
0x7d: {  	_ =	swait.ge [sflag:s10], $0x2400  }
0x7e: {  	[sflag:s10] =	ssyncset.done $0x0  }
0x7f: {  	[sflag:s10] =	ssyncadd.s32 $0xFFFFDC00  }
0x80: {  	[bflag:$0x0] =	sbarrier.arrive $0xFFFF  }
0x81: {  	s26 =	simm.s32 $0x0;
	s12 =	rddreg [dreg:$0xe]  }
0x82: {  	[tilespmem:s26], [sflag:$0x7] =	stream.linear.gather [hbm4b:s12+s26], $0x40, $0x38;
	[tilespmem:$0x1E300] =	vst v63  }
0x83: {  	s2 =	simm.s32 $0x180;
	s14 =	rddreg [dreg:$0xf]  }
0x84: {  	[tilespmem:s2], [sflag:$0x7] =	stream.linear.gather [hbm4b:s14+s26], $0x40, $0x38;
	[tilespmem:$0x1E300] =	vst v63  }
0x85: {  	s19 =	rddreg [dreg:$0x10]  }
0x86: {  	[tilespmem:s9], [sflag:$0x8] =	stream.linear.gather [hbm4b:s19+s26], $0x40, $0x38;
	[tilespmem:$0x1E300] =	vst v63  }
0x87: {  	s22 =	rddreg [dreg:$0x11]  }
0x88: {  	[tilespmem:s20], [sflag:$0x8] =	stream.linear.gather [hbm4b:s22+s26], $0x40, $0x38;
	[tilespmem:$0x1E300] =	vst v63  }
0x89: {  	_ =	swait.ge [sflag:s11], $0x40  }
0x8a: {  	[sflag:s11] =	ssyncset.done $0x0  }
0x8b: {  	[sflag:s11] =	ssyncadd.s32 $0xFFFFFFC0  }
0x8c: {  	_ =	swait.ge [sflag:s11], $0x40  }
0x8d: {  	[sflag:s11] =	ssyncset.done $0x0  }
0x8e: {  	s28 =	simm.s32 $0x3300;
	[sflag:s11] =	ssyncadd.s32 $0xFFFFFFC0  }
0x8f: {  	[spmem:s3] =	stream.indirect.scatter.add.f32 [tilespmem:s28], [sflag:$0x5], $0x90, s2, s9, $0xb8;
	[tilespmem:$0x1E300] =	vst v63  }
0x90: {  	_ = 	snop  }
0x91: {  	[spmem:s3] =	stream.indirect.scatter.add.f32 [tilespmem:s13], [sflag:$0x6], $0x90, s2, s9, $0xb8;
	[tilespmem:$0x1E300] =	vst v63  }
0x92: {  	_ = 	snop  }
0x93: {  	[tilespmem:s31], [sflag:$0x1] =	stream.indirect.gather [hbm4b:s6+s9], $0x90, s26, s9, $0xb8;
	[tilespmem:$0x1E300] =	vst v63  }
0x94: {  	s30 =	simm.s32 $0x300;
	s12 =	simm.s32 $0x180  }
0x95: {  	[tilespmem:s30], [sflag:$0x1] =	stream.indirect.gather [hbm4b:s7+s9], $0x10, s2, s9, $0xb8;
	[tilespmem:$0x1E300] =	vst v63  }
.LBB2_4:
0x96: {  	_ =	swait.ge [sflag:s15], $0x2400  }
0x97: {  	[sflag:s15] =	ssyncset.done $0x0  }
0x98: {  	[sflag:s15] =	ssyncadd.s32 $0xFFFFDC00  }
0x99: {  	_ =	swait.ge [sflag:s15], $0x400  }
0x9a: {  	[sflag:s15] =	ssyncset.done $0x0  }
0x9b: {  	[sflag:s15] =	ssyncadd.s32 $0xFFFFFC00  }
0x9c: {  	_ =	swait.ge [sflag:s16], $0x2400  }
0x9d: {  	[sflag:s16] =	ssyncset.done $0x0  }
0x9e: {  	[sflag:s16] =	ssyncadd.s32 $0xFFFFDC00  }
0x9f: {  	_ =	swait.ge [sflag:s17], $0x40  }
0xa0: {  	[sflag:s17] =	ssyncset.done $0x0  }
0xa1: {  	[sflag:s17] =	ssyncadd.s32 $0xFFFFFFC0  }
0xa2: {  	_ =	swait.ge [sflag:s17], $0x40  }
0xa3: {  	[sflag:s17] =	ssyncset.done $0x0  }
0xa4: {  	s2 =	simm.s32 $0x3300;
	[sflag:s17] =	ssyncadd.s32 $0xFFFFFFC0  }
0xa5: {  	[tilespmem:s2], [sflag:$0x2] =	stream.indirect.gather [hbm4b:s6+s9], $0x90, s9, s9, $0xb8;
	[tilespmem:$0x1E300] =	vst v63  }
0xa6: {  	s8 =	simm.s32 $0x700;
	s14 =	simm.s32 $0x10A0  }
0xa7: {  	[tilespmem:s8], [sflag:$0x2] =	stream.indirect.gather [hbm4b:s7+s9], $0x10, s20, s9, $0xb8;
	[tilespmem:$0x1E300] =	vst v63  }
0xa8: {  	s22 =	simm.s32 $0x320;
	v1 =	vld [tilespmem:s14+$0x90]  }
0xa9: {  	v2 =	vld [tilespmem:s22+$0x10]  }
0xaa: {  	v3 =	vld [tilespmem:s22+$0xFFFFFFE0]  }
0xab: {  	v4 =	vld [tilespmem:s14+$0xFFFFFF70]  }
0xac: {  	v5 =	vld [tilespmem:s22+$0xFFFFFFF0]  }
0xad: {  	v6 =	vld [tilespmem:s14+$0x0]  }
0xae: {  	s19 =	simm.s32 $0x12E0;
	v7 =	vld [tilespmem:s22+$0x0];
	v1 =	vadd.f32 v2, v1  }
0xaf: {  	v8 =	vld [tilespmem:s19+$0x90]  }
0xb0: {  	s30 =	simm.s32 $0x360;
	v2 =	vld [tilespmem:s14+$0xFFFFFEE0];
	v9 =	vmul.f32 $2.000000030e-01, v1  }
0xb1: {  	v10 =	vld [tilespmem:s30+$0x10]  }
0xb2: {  	v4 =	vadd.f32 v5, v4;
	v5 =	vld [tilespmem:s19+$0xFFFFFF70];
	v1 =	vmax.f32 v1, v9  }
0xb3: {  	v6 =	vadd.f32 v7, v6;
	v7 =	vld [tilespmem:s30+$0xFFFFFFF0];
	v1 =	vmul.f32 $1.442695020e+00, v1  }
0xb4: {  	v12 =	vld [tilespmem:s19+$0x0]  }
0xb5: {  	v13 =	vld [tilespmem:s30+$0x0];
	v9 =	vmul.f32 $2.000000030e-01, v4;
	v2 =	vadd.f32 v3, v2;
	(erf) = vpow2.f32 v1  }
0xb6: {  	v11 =	vld [tilespmem:s30+$0xFFFFFFE0];
	v1 =	vmul.f32 $2.000000030e-01, v6  }
0xb7: {  	s20 =	simm.s32 $0x1520;
	v3 =	vmax.f32 v4, v9;
	v4 =	vadd.f32 v10, v8;
	v9 =	vld [tilespmem:s19+$0xFFFFFEE0];
	v8 =	vmul.f32 $2.000000030e-01, v2  }
0xb8: {  	v14 =	vld [tilespmem:s20+$0x90];
	s22 =	simm.s32 $0x3A0;
	v5 =	vadd.f32 v7, v5;
	v3 =	vmul.f32 $1.442695020e+00, v3;
	v1 =	vmax.f32 v6, v1  }
0xb9: {  	v6 =	vmul.f32 $2.000000030e-01, v4;
	v2 =	vmax.f32 v2, v8;
	v8 =	vld [tilespmem:s22+$0x10];
	v1 =	vmul.f32 $1.442695020e+00, v1  }
0xba: {  	v12 =	vadd.f32 v13, v12;
	v7 =	vmul.f32 $2.000000030e-01, v5;
	(erf) = vpow2.f32 v3;
	v3 =	vld [tilespmem:s22+$0xFFFFFFE0]  }
0xbb: {  	v2 =	vmul.f32 $1.442695020e+00, v2;
	v4 =	vmax.f32 v4, v6;
	(erf) = vpow2.f32 v1;
	v1 =	vld [tilespmem:s20+$0xFFFFFF70]  }
0xbc: {  	v6 =	vadd.f32 v11, v9;
	v10 =	vmul.f32 $1.442695020e+00, v4;
	v4 =	vld [tilespmem:s22+$0xFFFFFFF0]  }
0xbd: {  	v11 =	vmul.f32 $2.000000030e-01, v12;
	v9 =	vmax.f32 v5, v7;
	v5 =	vld [tilespmem:s22+$0x0];
	(erf) = vpow2.f32 v2  }
0xbe: {  	s10 =	simm.s32 $0x1760;
	s2 =	simm.s32 $0x1C0;
	v2 =	vld [tilespmem:s20+$0x0];
	(erf) = vpow2.f32 v10;
	v7 =	vadd.f32 v8, v14;
	v63 =	vpop (erf)  }
0xbf: {  	s28 =	simm.s32 $0x8;
	v9 =	vmul.f32 $1.442695020e+00, v9;
	v11 =	vmax.f32 v12, v11;
	v10 =	vmul.f32 $2.000000030e-01, v6;
	v8 =	vld [tilespmem:s20+$0xFFFFFEE0];
	[tilespmem:s14+$0x90] =	vst v63  }
.LBB2_5:
0xc0: {  	v13 =	vmul.f32 $2.000000030e-01, v7  }
0xc1: {  	v12 =	vld [tilespmem:s10+$0x90];
	s22 =	sadd.s32 $0x40, s22;
	v17 =	vmax.f32 v6, v10;
	v10 =	vmul.f32 $1.442695020e+00, v11;
	v14 =	vadd.f32 v4, v1  }
0xc2: {  	s28 =	sadd.s32 $0x4, s28;
	v11 =	vld [tilespmem:s22+$0x10];
	v15 =	vmul.f32 $1.442695020e+00, v17;
	(erf) = vpow2.f32 v9  }
0xc3: {  	p0 =	slt.u32 s28, $0x3C;
	v16 =	vld [tilespmem:s22+$0xFFFFFFE0];
	v4 =	vmax.f32 v7, v13;
	(erf) = vpow2.f32 v10;
	v6 =	vpop (erf);
	v7 =	vmul.f32 $2.000000030e-01, v14  }
.Ltmp1:
0xc4: {  	v1 =	vld [tilespmem:s10+$0xFFFFFF70];
	v13 =	vadd.f32 v5, v2;
	v5 =	vmul.f32 $1.442695020e+00, v4;
	[tilespmem:s14+$0xFFFFFF70] =	vst v6;
	v2 =	vpop (erf);
	(pc) =	sbr.rel @p0 .LBB2_5-.Ltmp1, $4  }
0xc5: {  	v4 =	vld [tilespmem:s22+$0xFFFFFFF0];
	v6 =	vadd.f32 v3, v8;
	(erf) = vpow2.f32 v15;
	[tilespmem:s14+$0x0] =	vst v2  }
0xc6: {  	v2 =	vld [tilespmem:s10+$0x0];
	v15 =	vmax.f32 v14, v7;
	v14 =	vmul.f32 $2.000000030e-01, v13;
	(erf) = vpow2.f32 v5;
	v8 =	vpop (erf)  }
0xc7: {  	v5 =	vld [tilespmem:s22+$0x0];
	v7 =	vadd.f32 v11, v12;
	v10 =	vmul.f32 $2.000000030e-01, v6;
	v9 =	vmul.f32 $1.442695020e+00, v15;
	v3 =	vpop (erf);
	[tilespmem:s14+$0xFFFFFEE0] =	vst v8;
	s14 =	smov.u32 s19;
	s19 =	smov.u32 s20;
	s20 =	smov.u32 s10  }
0xc8: {  	s10 =	sadd.s32 $0x240, s10;
	v8 =	vld [tilespmem:s20+$0xFFFFFEE0];
	v11 =	vmax.f32 v13, v14;
	[tilespmem:s14+$0x90] =	vst v3;
	v3 =	vmov v16  }
0xc9: {  	_ = 	snop  }
0xca: {  	v12 =	vmul.f32 $2.000000030e-01, v7;
	v1 =	vadd.f32 v4, v1  }
0xcb: {  	v6 =	vmax.f32 v6, v10;
	(erf) = vpow2.f32 v9;
	v4 =	vmul.f32 $1.442695020e+00, v11  }
0xcc: {  	v6 =	vmul.f32 $1.442695020e+00, v6;
	v2 =	vadd.f32 v5, v2;
	v5 =	vmul.f32 $2.000000030e-01, v1  }
0xcd: {  	v7 =	vmax.f32 v7, v12;
	(erf) = vpow2.f32 v4;
	v3 =	vadd.f32 v3, v8  }
0xce: {  	v7 =	vmul.f32 $1.442695020e+00, v7;
	v4 =	vmul.f32 $2.000000030e-01, v2;
	v1 =	vmax.f32 v1, v5  }
0xcf: {  	v5 =	vmul.f32 $2.000000030e-01, v3;
	v1 =	vmul.f32 $1.442695020e+00, v1  }
0xd0: {  	(erf) = vpow2.f32 v6;
	v2 =	vmax.f32 v2, v4  }
0xd1: {  	(erf) = vpow2.f32 v7;
	v3 =	vmax.f32 v3, v5;
	v2 =	vmul.f32 $1.442695020e+00, v2  }
0xd2: {  	(erf) = vpow2.f32 v1;
	v3 =	vmul.f32 $1.442695020e+00, v3  }
0xd3: {  	v1 =	vpop (erf);
	(erf) = vpow2.f32 v2  }
0xd4: {  	[tilespmem:s14+$0xFFFFFF70] =	vst v1;
	v1 =	vpop (erf);
	(erf) = vpow2.f32 v3  }
0xd5: {  	v2 =	vpop (erf);
	[tilespmem:s14+$0x0] =	vst v1  }
0xd6: {  	v1 =	vpop (erf);
	[tilespmem:s14+$0xFFFFFEE0] =	vst v2  }
0xd7: {  	v2 =	vpop (erf);
	[tilespmem:s19+$0x90] =	vst v1  }
0xd8: {  	[tilespmem:s19+$0xFFFFFF70] =	vst v2;
	v1 =	vpop (erf)  }
0xd9: {  	[tilespmem:s19+$0x0] =	vst v1;
	v1 =	vpop (erf)  }
0xda: {  	v2 =	vpop (erf);
	[tilespmem:s19+$0xFFFFFEE0] =	vst v1  }
0xdb: {  	[tilespmem:s20+$0x90] =	vst v2;
	v1 =	vpop (erf)  }
0xdc: {  	[tilespmem:s20+$0xFFFFFF70] =	vst v1;
	v1 =	vpop (erf)  }
0xdd: {  	[tilespmem:s20+$0x0] =	vst v1;
	v1 =	vpop (erf)  }
0xde: {  	s19 =	simm.s32 $0xF90;
	[tilespmem:s20+$0xFFFFFEE0] =	vst v1  }
0xdf: {  	v2 =	vld [tilespmem:s19+$0x80]  }
0xe0: {  	v1 =	vld [tilespmem:s19+$0xFFFFFFF0]  }
0xe1: {  	v3 =	vld [tilespmem:s19+$0x70]  }
0xe2: {  	v8 =	vld [tilespmem:s19+$0xFFFFFF70]  }
0xe3: {  	v9 =	vld [tilespmem:s19+$0xFFFFFF80]  }
0xe4: {  	v10 =	vld [tilespmem:s19+$0xFFFFFF90];
	v12 =	vbroadcast v2, $0x0;
	v4 =	vbroadcast v2, $0x7  }
0xe5: {  	v14 =	vld [tilespmem:s19+$0xFFFFFFA0];
	v11 =	vbroadcast v1, $0x0;
	v13 =	vbroadcast v1, $0x1  }
0xe6: {  	v16 =	vld [tilespmem:s19+$0xFFFFFFB0];
	v15 =	vbroadcast v1, $0x2;
	v17 =	vbroadcast v1, $0x3  }
0xe7: {  	v20 =	vld [tilespmem:s19+$0xFFFFFFC0];
	v19 =	vbroadcast v1, $0x4;
	v21 =	vbroadcast v1, $0x5  }
0xe8: {  	v22 =	vld [tilespmem:s19+$0xFFFFFFD0];
	v23 =	vbroadcast v1, $0x6;
	v25 =	vbroadcast v1, $0x7  }
0xe9: {  	v24 =	vld [tilespmem:s19+$0xFFFFFFE0];
	v5 =	vbroadcast v2, $0x1;
	v6 =	vbroadcast v2, $0x2  }
0xea: {  	v26 =	vld [tilespmem:s19+$0x0];
	v1 =	vbroadcast v2, $0x5;
	v3 =	vmul.f32 v3, v4  }
0xeb: {  	p0 =	por $0x1, $0x1;
	v7 =	vld [tilespmem:s19+$0x10];
	v4 =	vbroadcast v2, $0x4;
	v11 =	vmul.f32 v11, v8  }
.Ltmp2:
0xec: {  	v8 =	vld [tilespmem:s19+$0x20];
	v13 =	vmul.f32 v9, v13;
	v27 =	vmul.f32 v10, v15;
	(pc) =	sbr.rel @!p0 .LBB2_8-.Ltmp2, $4  }
0xed: {  	v9 =	vld [tilespmem:s19+$0x30];
	v18 =	vmul.f32 v14, v17;
	v14 =	vmul.f32 v16, v19;
	[tilespmem:s19+$0x70] =	vst v3  }
0xee: {  	v10 =	vld [tilespmem:s19+$0x40];
	v17 =	vmul.f32 v20, v21;
	v15 =	vmul.f32 v22, v23;
	[tilespmem:s19+$0xFFFFFF70] =	vst v11  }
0xef: {  	v16 =	vmul.f32 v24, v25;
	v3 =	vbroadcast v2, $0x3;
	[tilespmem:s19+$0xFFFFFF80] =	vst v13;
	v11 =	vld [tilespmem:s19+$0x50]  }
0xf0: {  	s14 =	simm.s32 $0x0;
	s20 =	simm.s32 $0x10B0;
	v2 =	vbroadcast v2, $0x6;
	[tilespmem:s19+$0xFFFFFF90] =	vst v27;
	v13 =	vmul.f32 v12, v26;
	v12 =	vld [tilespmem:s19+$0x60]  }
.LBB2_7:
0xf1: {  	v19 =	vld [tilespmem:s20+$0x80];
	s14 =	sadd.s32 $0x2, s14;
	[tilespmem:s19+$0xFFFFFFA0] =	vst v18;
	v5 =	vmul.f32 v7, v5;
	v6 =	vmul.f32 v8, v6  }
0xf2: {  	v7 =	vld [tilespmem:s20+$0xFFFFFFF0];
	p0 =	slt.u32 s14, $0x3E;
	[tilespmem:s19+$0xFFFFFFB0] =	vst v14;
	v3 =	vmul.f32 v9, v3  }
0xf3: {  	v8 =	vld [tilespmem:s20+$0x70];
	[tilespmem:s19+$0xFFFFFFC0] =	vst v17;
	v4 =	vmul.f32 v10, v4  }
0xf4: {  	v9 =	vld [tilespmem:s20+$0xFFFFFF70];
	[tilespmem:s19+$0xFFFFFFD0] =	vst v15;
	v1 =	vmul.f32 v11, v1  }
0xf5: {  	v10 =	vld [tilespmem:s20+$0xFFFFFF80];
	[tilespmem:s19+$0xFFFFFFE0] =	vst v16;
	v2 =	vmul.f32 v12, v2  }
0xf6: {  	v11 =	vld [tilespmem:s20+$0xFFFFFF90];
	v12 =	vbroadcast v19, $0x0;
	v14 =	vbroadcast v19, $0x7;
	[tilespmem:s19+$0x0] =	vst v13  }
0xf7: {  	v13 =	vbroadcast v7, $0x0;
	v15 =	vbroadcast v7, $0x1;
	v16 =	vld [tilespmem:s20+$0xFFFFFFA0];
	[tilespmem:s19+$0x10] =	vst v5  }
0xf8: {  	v17 =	vbroadcast v7, $0x2;
	v20 =	vld [tilespmem:s20+$0xFFFFFFB0];
	v5 =	vmul.f32 v8, v14;
	[tilespmem:s19+$0x20] =	vst v6  }
0xf9: {  	v21 =	vbroadcast v7, $0x4;
	v14 =	vbroadcast v7, $0x3;
	v22 =	vld [tilespmem:s20+$0xFFFFFFC0];
	[tilespmem:s19+$0x30] =	vst v3  }
0xfa: {  	v23 =	vbroadcast v7, $0x5;
	v25 =	vbroadcast v7, $0x6;
	v24 =	vld [tilespmem:s20+$0xFFFFFFD0];
	[tilespmem:s20+$0x70] =	vst v5  }
0xfb: {  	v27 =	vbroadcast v7, $0x7;
	v5 =	vbroadcast v19, $0x1;
	v26 =	vld [tilespmem:s20+$0xFFFFFFE0];
	[tilespmem:s19+$0x40] =	vst v4  }
0xfc: {  	v6 =	vbroadcast v19, $0x2;
	v3 =	vbroadcast v19, $0x3;
	v28 =	vld [tilespmem:s20+$0x0];
	[tilespmem:s19+$0x50] =	vst v1  }
0xfd: {  	v4 =	vbroadcast v19, $0x4;
	v1 =	vbroadcast v19, $0x5;
	v7 =	vld [tilespmem:s20+$0x10];
	[tilespmem:s19+$0x60] =	vst v2;
	s19 =	smov.u32 s20  }
.Ltmp3:
0xfe: {  	v13 =	vmul.f32 v13, v9;
	v2 =	vbroadcast v19, $0x6;
	v8 =	vld [tilespmem:s20+$0x20];
	(pc) =	sbr.rel @p0 .LBB2_7-.Ltmp3, $4  }
0xff: {  	v15 =	vmul.f32 v10, v15;
	v19 =	vmul.f32 v11, v17;
	v9 =	vld [tilespmem:s20+$0x30]  }
0x100: {  	v18 =	vmul.f32 v16, v14;
	v14 =	vmul.f32 v20, v21;
	[tilespmem:s20+$0xFFFFFF70] =	vst v13;
	v10 =	vld [tilespmem:s20+$0x40]  }
0x101: {  	v17 =	vmul.f32 v22, v23;
	[tilespmem:s20+$0xFFFFFF80] =	vst v15;
	v15 =	vmul.f32 v24, v25;
	v11 =	vld [tilespmem:s20+$0x50]  }
0x102: {  	v16 =	vmul.f32 v26, v27;
	v13 =	vmul.f32 v12, v28;
	s20 =	sadd.s32 $0x120, s20;
	[tilespmem:s19+$0xFFFFFF90] =	vst v19;
	v12 =	vld [tilespmem:s19+$0x60]  }
.LBB2_8:
0x103: {  	[tilespmem:s19+$0xFFFFFFA0] =	vst v18  }
0x104: {  	[tilespmem:s19+$0xFFFFFFB0] =	vst v14  }
0x105: {  	[tilespmem:s19+$0xFFFFFFC0] =	vst v17  }
0x106: {  	[tilespmem:s19+$0xFFFFFFD0] =	vst v15  }
0x107: {  	v5 =	vmul.f32 v7, v5;
	[tilespmem:s19+$0xFFFFFFE0] =	vst v16  }
0x108: {  	v6 =	vmul.f32 v8, v6;
	[tilespmem:s19+$0x0] =	vst v13  }
0x109: {  	v3 =	vmul.f32 v9, v3;
	[tilespmem:s19+$0x10] =	vst v5  }
0x10a: {  	v4 =	vmul.f32 v10, v4;
	[tilespmem:s19+$0x20] =	vst v6  }
0x10b: {  	v1 =	vmul.f32 v11, v1;
	[tilespmem:s19+$0x30] =	vst v3  }
0x10c: {  	v2 =	vmul.f32 v12, v2;
	[tilespmem:s19+$0x40] =	vst v4  }
0x10d: {  	[tilespmem:s19+$0x50] =	vst v1  }
0x10e: {  	[tilespmem:s19+$0x60] =	vst v2;
	s19 =	smul.u32 $0x180, s26  }
0x10f: {  	[spmem:s3] =	stream.indirect.scatter.add.f32 [tilespmem:s31], [sflag:$0x4], $0x90, s12, s9, $0xb8;
	[tilespmem:$0x1E300] =	vst v63  }
0x110: {  	s8 =	rddreg [dreg:$0x12]  }
0x111: {  	s8 =	sadd.s32 s19, s8  }
0x112: {  	s8 =	sshrl.u32 s8, $0x3  }
0x113: {  	s22 =	simm.s32 $0x80;
	s10 =	sadd.s32 s1, s8  }
0x114: {  	[tilespmem:s22], [sflag:$0x9] =	stream.linear.gather [hbm4b:s10+s4], $0x40, $0x38;
	[tilespmem:$0x1E300] =	vst v63  }
0x115: {  	s31 =	simm.s32 $0x200;
	s8 =	sadd.s32 s5, s8  }
0x116: {  	[tilespmem:s31], [sflag:$0x9] =	stream.linear.gather [hbm4b:s8+s4], $0x40, $0x38;
	[tilespmem:$0x1E300] =	vst v63  }
0x117: {  	_ =	swait.ge [sflag:s21], $0x2400  }
0x118: {  	[sflag:s21] =	ssyncset.done $0x0  }
0x119: {  	[sflag:s21] =	ssyncadd.s32 $0xFFFFDC00  }
0x11a: {  	_ =	swait.ge [sflag:s21], $0x400  }
0x11b: {  	[sflag:s21] =	ssyncset.done $0x0  }
0x11c: {  	[sflag:s21] =	ssyncadd.s32 $0xFFFFFC00  }
0x11d: {  	_ =	swait.ge [sflag:s29], $0x2400  }
0x11e: {  	[sflag:s29] =	ssyncset.done $0x0  }
0x11f: {  	s14 =	simm.s32 $0x9;
	[sflag:s29] =	ssyncadd.s32 $0xFFFFDC00  }
0x120: {  	_ =	swait.ge [sflag:s14], $0x40  }
0x121: {  	[sflag:s14] =	ssyncset.done $0x0  }
0x122: {  	[sflag:s14] =	ssyncadd.s32 $0xFFFFFFC0  }
0x123: {  	_ =	swait.ge [sflag:s14], $0x40  }
0x124: {  	[sflag:s14] =	ssyncset.done $0x0  }
0x125: {  	[sflag:s14] =	ssyncadd.s32 $0xFFFFFFC0  }
0x126: {  	[tilespmem:s13], [sflag:$0x3] =	stream.indirect.gather [hbm4b:s6+s9], $0x90, s22, s9, $0xb8;
	[tilespmem:$0x1E300] =	vst v63  }
0x127: {  	s20 =	simm.s32 $0xB00;
	s14 =	simm.s32 $0x34A0  }
0x128: {  	[tilespmem:s20], [sflag:$0x3] =	stream.indirect.gather [hbm4b:s7+s9], $0x10, s31, s9, $0xb8;
	[tilespmem:$0x1E300] =	vst v63  }
0x129: {  	s22 =	simm.s32 $0x720;
	v1 =	vld [tilespmem:s14+$0x90]  }
0x12a: {  	v2 =	vld [tilespmem:s22+$0x10]  }
0x12b: {  	v3 =	vld [tilespmem:s22+$0xFFFFFFE0]  }
0x12c: {  	v4 =	vld [tilespmem:s14+$0xFFFFFF70]  }
0x12d: {  	v5 =	vld [tilespmem:s22+$0xFFFFFFF0]  }
0x12e: {  	v6 =	vld [tilespmem:s14+$0x0]  }
0x12f: {  	s20 =	simm.s32 $0x36E0;
	v7 =	vld [tilespmem:s22+$0x0];
	v1 =	vadd.f32 v2, v1  }
0x130: {  	v8 =	vld [tilespmem:s20+$0x90]  }
0x131: {  	s31 =	simm.s32 $0x760;
	v2 =	vld [tilespmem:s14+$0xFFFFFEE0];
	v9 =	vmul.f32 $2.000000030e-01, v1  }
0x132: {  	v10 =	vld [tilespmem:s31+$0x10]  }
0x133: {  	v4 =	vadd.f32 v5, v4;
	v5 =	vld [tilespmem:s20+$0xFFFFFF70];
	v1 =	vmax.f32 v1, v9  }
0x134: {  	v6 =	vadd.f32 v7, v6;
	v7 =	vld [tilespmem:s31+$0xFFFFFFF0];
	v1 =	vmul.f32 $1.442695020e+00, v1  }
0x135: {  	v60 =	vld [tilespmem:s20+$0x0]  }
0x136: {  	v61 =	vld [tilespmem:s31+$0x0];
	v9 =	vmul.f32 $2.000000030e-01, v4;
	v2 =	vadd.f32 v3, v2;
	(erf) = vpow2.f32 v1  }
0x137: {  	v11 =	vld [tilespmem:s31+$0xFFFFFFE0];
	v1 =	vmul.f32 $2.000000030e-01, v6  }
0x138: {  	s22 =	simm.s32 $0x3920;
	v3 =	vmax.f32 v4, v9;
	v4 =	vadd.f32 v10, v8;
	v9 =	vld [tilespmem:s20+$0xFFFFFEE0];
	v8 =	vmul.f32 $2.000000030e-01, v2  }
0x139: {  	s28 =	simm.s32 $0x7A0;
	v62 =	vld [tilespmem:s22+$0x90];
	v5 =	vadd.f32 v7, v5;
	v3 =	vmul.f32 $1.442695020e+00, v3;
	v1 =	vmax.f32 v6, v1  }
0x13a: {  	v6 =	vmul.f32 $2.000000030e-01, v4;
	v2 =	vmax.f32 v2, v8;
	v8 =	vld [tilespmem:s28+$0x10];
	v1 =	vmul.f32 $1.442695020e+00, v1  }
0x13b: {  	v12 =	vadd.f32 v61, v60;
	v7 =	vmul.f32 $2.000000030e-01, v5;
	(erf) = vpow2.f32 v3;
	v3 =	vld [tilespmem:s28+$0xFFFFFFE0]  }
0x13c: {  	v2 =	vmul.f32 $1.442695020e+00, v2;
	v4 =	vmax.f32 v4, v6;
	(erf) = vpow2.f32 v1;
	v1 =	vld [tilespmem:s22+$0xFFFFFF70]  }
0x13d: {  	v6 =	vadd.f32 v11, v9;
	v10 =	vmul.f32 $1.442695020e+00, v4;
	v4 =	vld [tilespmem:s28+$0xFFFFFFF0]  }
0x13e: {  	v11 =	vmul.f32 $2.000000030e-01, v12;
	v9 =	vmax.f32 v5, v7;
	v5 =	vld [tilespmem:s28+$0x0];
	(erf) = vpow2.f32 v2  }
0x13f: {  	s30 =	simm.s32 $0xF00;
	s12 =	simm.s32 $0x200;
	s8 =	simm.s32 $0x3B60;
	v2 =	vld [tilespmem:s22+$0x0];
	(erf) = vpow2.f32 v10;
	v7 =	vadd.f32 v8, v62;
	v63 =	vpop (erf)  }
0x140: {  	s10 =	simm.s32 $0x8;
	v9 =	vmul.f32 $1.442695020e+00, v9;
	v11 =	vmax.f32 v12, v11;
	v10 =	vmul.f32 $2.000000030e-01, v6;
	v8 =	vld [tilespmem:s22+$0xFFFFFEE0];
	[tilespmem:s14+$0x90] =	vst v63  }
.LBB2_9:
0x141: {  	v13 =	vmul.f32 $2.000000030e-01, v7  }
0x142: {  	v12 =	vld [tilespmem:s8+$0x90];
	s28 =	sadd.s32 $0x40, s28;
	v17 =	vmax.f32 v6, v10;
	v10 =	vmul.f32 $1.442695020e+00, v11;
	v14 =	vadd.f32 v4, v1  }
0x143: {  	s10 =	sadd.s32 $0x4, s10;
	v11 =	vld [tilespmem:s28+$0x10];
	v15 =	vmul.f32 $1.442695020e+00, v17;
	(erf) = vpow2.f32 v9  }
0x144: {  	p0 =	slt.u32 s10, $0x3C;
	v16 =	vld [tilespmem:s28+$0xFFFFFFE0];
	v4 =	vmax.f32 v7, v13;
	(erf) = vpow2.f32 v10;
	v6 =	vpop (erf);
	v7 =	vmul.f32 $2.000000030e-01, v14  }
.Ltmp4:
0x145: {  	v1 =	vld [tilespmem:s8+$0xFFFFFF70];
	v13 =	vadd.f32 v5, v2;
	v5 =	vmul.f32 $1.442695020e+00, v4;
	[tilespmem:s14+$0xFFFFFF70] =	vst v6;
	v2 =	vpop (erf);
	(pc) =	sbr.rel @p0 .LBB2_9-.Ltmp4, $4  }
0x146: {  	v4 =	vld [tilespmem:s28+$0xFFFFFFF0];
	v6 =	vadd.f32 v3, v8;
	(erf) = vpow2.f32 v15;
	[tilespmem:s14+$0x0] =	vst v2  }
0x147: {  	v2 =	vld [tilespmem:s8+$0x0];
	v15 =	vmax.f32 v14, v7;
	v14 =	vmul.f32 $2.000000030e-01, v13;
	(erf) = vpow2.f32 v5;
	v8 =	vpop (erf)  }
0x148: {  	v5 =	vld [tilespmem:s28+$0x0];
	v7 =	vadd.f32 v11, v12;
	v10 =	vmul.f32 $2.000000030e-01, v6;
	v9 =	vmul.f32 $1.442695020e+00, v15;
	v3 =	vpop (erf);
	[tilespmem:s14+$0xFFFFFEE0] =	vst v8;
	s14 =	smov.u32 s20;
	s20 =	smov.u32 s22;
	s22 =	smov.u32 s8  }
0x149: {  	s8 =	sadd.s32 $0x240, s8;
	v8 =	vld [tilespmem:s22+$0xFFFFFEE0];
	v11 =	vmax.f32 v13, v14;
	[tilespmem:s14+$0x90] =	vst v3;
	v3 =	vmov v16  }
0x14a: {  	_ = 	snop  }
0x14b: {  	v12 =	vmul.f32 $2.000000030e-01, v7;
	v1 =	vadd.f32 v4, v1  }
0x14c: {  	v6 =	vmax.f32 v6, v10;
	(erf) = vpow2.f32 v9;
	v4 =	vmul.f32 $1.442695020e+00, v11  }
0x14d: {  	v6 =	vmul.f32 $1.442695020e+00, v6;
	v2 =	vadd.f32 v5, v2;
	v5 =	vmul.f32 $2.000000030e-01, v1  }
0x14e: {  	v7 =	vmax.f32 v7, v12;
	(erf) = vpow2.f32 v4;
	v3 =	vadd.f32 v3, v8  }
0x14f: {  	v7 =	vmul.f32 $1.442695020e+00, v7;
	v4 =	vmul.f32 $2.000000030e-01, v2;
	v1 =	vmax.f32 v1, v5  }
0x150: {  	v5 =	vmul.f32 $2.000000030e-01, v3;
	v1 =	vmul.f32 $1.442695020e+00, v1  }
0x151: {  	(erf) = vpow2.f32 v6;
	v2 =	vmax.f32 v2, v4  }
0x152: {  	(erf) = vpow2.f32 v7;
	v3 =	vmax.f32 v3, v5;
	v2 =	vmul.f32 $1.442695020e+00, v2  }
0x153: {  	(erf) = vpow2.f32 v1;
	v3 =	vmul.f32 $1.442695020e+00, v3  }
0x154: {  	v1 =	vpop (erf);
	(erf) = vpow2.f32 v2  }
0x155: {  	[tilespmem:s14+$0xFFFFFF70] =	vst v1;
	v1 =	vpop (erf);
	(erf) = vpow2.f32 v3  }
0x156: {  	v2 =	vpop (erf);
	[tilespmem:s14+$0x0] =	vst v1  }
0x157: {  	v1 =	vpop (erf);
	[tilespmem:s14+$0xFFFFFEE0] =	vst v2  }
0x158: {  	v2 =	vpop (erf);
	[tilespmem:s20+$0x90] =	vst v1  }
0x159: {  	[tilespmem:s20+$0xFFFFFF70] =	vst v2;
	v1 =	vpop (erf)  }
0x15a: {  	[tilespmem:s20+$0x0] =	vst v1;
	v1 =	vpop (erf)  }
0x15b: {  	v2 =	vpop (erf);
	[tilespmem:s20+$0xFFFFFEE0] =	vst v1  }
0x15c: {  	[tilespmem:s22+$0x90] =	vst v2;
	v1 =	vpop (erf)  }
0x15d: {  	[tilespmem:s22+$0xFFFFFF70] =	vst v1;
	v1 =	vpop (erf)  }
0x15e: {  	[tilespmem:s22+$0x0] =	vst v1;
	v1 =	vpop (erf)  }
0x15f: {  	s14 =	simm.s32 $0x3390;
	[tilespmem:s22+$0xFFFFFEE0] =	vst v1  }
0x160: {  	v2 =	vld [tilespmem:s14+$0x80]  }
0x161: {  	v1 =	vld [tilespmem:s14+$0xFFFFFFF0]  }
0x162: {  	v3 =	vld [tilespmem:s14+$0x70]  }
0x163: {  	v8 =	vld [tilespmem:s14+$0xFFFFFF70]  }
0x164: {  	v9 =	vld [tilespmem:s14+$0xFFFFFF80]  }
0x165: {  	v10 =	vld [tilespmem:s14+$0xFFFFFF90];
	v12 =	vbroadcast v2, $0x0;
	v4 =	vbroadcast v2, $0x7  }
0x166: {  	v14 =	vld [tilespmem:s14+$0xFFFFFFA0];
	v11 =	vbroadcast v1, $0x0;
	v13 =	vbroadcast v1, $0x1  }
0x167: {  	v16 =	vld [tilespmem:s14+$0xFFFFFFB0];
	v15 =	vbroadcast v1, $0x2;
	v17 =	vbroadcast v1, $0x3  }
0x168: {  	v20 =	vld [tilespmem:s14+$0xFFFFFFC0];
	v19 =	vbroadcast v1, $0x4;
	v21 =	vbroadcast v1, $0x5  }
0x169: {  	v22 =	vld [tilespmem:s14+$0xFFFFFFD0];
	v23 =	vbroadcast v1, $0x6;
	v25 =	vbroadcast v1, $0x7  }
0x16a: {  	v24 =	vld [tilespmem:s14+$0xFFFFFFE0];
	v5 =	vbroadcast v2, $0x1;
	v6 =	vbroadcast v2, $0x2  }
0x16b: {  	v26 =	vld [tilespmem:s14+$0x0];
	v1 =	vbroadcast v2, $0x5;
	v3 =	vmul.f32 v3, v4  }
0x16c: {  	p0 =	por $0x1, $0x1;
	v7 =	vld [tilespmem:s14+$0x10];
	v4 =	vbroadcast v2, $0x4;
	v11 =	vmul.f32 v11, v8  }
.Ltmp5:
0x16d: {  	v8 =	vld [tilespmem:s14+$0x20];
	v13 =	vmul.f32 v9, v13;
	v27 =	vmul.f32 v10, v15;
	(pc) =	sbr.rel @!p0 .LBB2_12-.Ltmp5, $4  }
0x16e: {  	v9 =	vld [tilespmem:s14+$0x30];
	v18 =	vmul.f32 v14, v17;
	v14 =	vmul.f32 v16, v19;
	[tilespmem:s14+$0x70] =	vst v3  }
0x16f: {  	v10 =	vld [tilespmem:s14+$0x40];
	v17 =	vmul.f32 v20, v21;
	v15 =	vmul.f32 v22, v23;
	[tilespmem:s14+$0xFFFFFF70] =	vst v11  }
0x170: {  	v16 =	vmul.f32 v24, v25;
	v3 =	vbroadcast v2, $0x3;
	[tilespmem:s14+$0xFFFFFF80] =	vst v13;
	v11 =	vld [tilespmem:s14+$0x50]  }
0x171: {  	s31 =	simm.s32 $0x5700;
	s20 =	simm.s32 $0x0;
	s22 =	simm.s32 $0x34B0;
	v2 =	vbroadcast v2, $0x6;
	[tilespmem:s14+$0xFFFFFF90] =	vst v27;
	v13 =	vmul.f32 v12, v26;
	v12 =	vld [tilespmem:s14+$0x60]  }
.LBB2_11:
0x172: {  	v19 =	vld [tilespmem:s22+$0x80];
	s20 =	sadd.s32 $0x2, s20;
	[tilespmem:s14+$0xFFFFFFA0] =	vst v18;
	v5 =	vmul.f32 v7, v5;
	v6 =	vmul.f32 v8, v6  }
0x173: {  	v7 =	vld [tilespmem:s22+$0xFFFFFFF0];
	p0 =	slt.u32 s20, $0x3E;
	[tilespmem:s14+$0xFFFFFFB0] =	vst v14;
	v3 =	vmul.f32 v9, v3  }
0x174: {  	v8 =	vld [tilespmem:s22+$0x70];
	[tilespmem:s14+$0xFFFFFFC0] =	vst v17;
	v4 =	vmul.f32 v10, v4  }
0x175: {  	v9 =	vld [tilespmem:s22+$0xFFFFFF70];
	[tilespmem:s14+$0xFFFFFFD0] =	vst v15;
	v1 =	vmul.f32 v11, v1  }
0x176: {  	v10 =	vld [tilespmem:s22+$0xFFFFFF80];
	[tilespmem:s14+$0xFFFFFFE0] =	vst v16;
	v2 =	vmul.f32 v12, v2  }
0x177: {  	v11 =	vld [tilespmem:s22+$0xFFFFFF90];
	v12 =	vbroadcast v19, $0x0;
	v14 =	vbroadcast v19, $0x7;
	[tilespmem:s14+$0x0] =	vst v13  }
0x178: {  	v13 =	vbroadcast v7, $0x0;
	v15 =	vbroadcast v7, $0x1;
	v16 =	vld [tilespmem:s22+$0xFFFFFFA0];
	[tilespmem:s14+$0x10] =	vst v5  }
0x179: {  	v17 =	vbroadcast v7, $0x2;
	v20 =	vld [tilespmem:s22+$0xFFFFFFB0];
	v5 =	vmul.f32 v8, v14;
	[tilespmem:s14+$0x20] =	vst v6  }
0x17a: {  	v21 =	vbroadcast v7, $0x4;
	v14 =	vbroadcast v7, $0x3;
	v22 =	vld [tilespmem:s22+$0xFFFFFFC0];
	[tilespmem:s14+$0x30] =	vst v3  }
0x17b: {  	v23 =	vbroadcast v7, $0x5;
	v25 =	vbroadcast v7, $0x6;
	v24 =	vld [tilespmem:s22+$0xFFFFFFD0];
	[tilespmem:s22+$0x70] =	vst v5  }
0x17c: {  	v27 =	vbroadcast v7, $0x7;
	v5 =	vbroadcast v19, $0x1;
	v26 =	vld [tilespmem:s22+$0xFFFFFFE0];
	[tilespmem:s14+$0x40] =	vst v4  }
0x17d: {  	v6 =	vbroadcast v19, $0x2;
	v3 =	vbroadcast v19, $0x3;
	v28 =	vld [tilespmem:s22+$0x0];
	[tilespmem:s14+$0x50] =	vst v1  }
0x17e: {  	v4 =	vbroadcast v19, $0x4;
	v1 =	vbroadcast v19, $0x5;
	v7 =	vld [tilespmem:s22+$0x10];
	[tilespmem:s14+$0x60] =	vst v2;
	s14 =	smov.u32 s22  }
.Ltmp6:
0x17f: {  	v13 =	vmul.f32 v13, v9;
	v2 =	vbroadcast v19, $0x6;
	v8 =	vld [tilespmem:s22+$0x20];
	(pc) =	sbr.rel @p0 .LBB2_11-.Ltmp6, $4  }
0x180: {  	v15 =	vmul.f32 v10, v15;
	v19 =	vmul.f32 v11, v17;
	v9 =	vld [tilespmem:s22+$0x30]  }
0x181: {  	v18 =	vmul.f32 v16, v14;
	v14 =	vmul.f32 v20, v21;
	[tilespmem:s22+$0xFFFFFF70] =	vst v13;
	v10 =	vld [tilespmem:s22+$0x40]  }
0x182: {  	v17 =	vmul.f32 v22, v23;
	[tilespmem:s22+$0xFFFFFF80] =	vst v15;
	v15 =	vmul.f32 v24, v25;
	v11 =	vld [tilespmem:s22+$0x50]  }
0x183: {  	v16 =	vmul.f32 v26, v27;
	v13 =	vmul.f32 v12, v28;
	s22 =	sadd.s32 $0x120, s22;
	[tilespmem:s14+$0xFFFFFF90] =	vst v19;
	v12 =	vld [tilespmem:s14+$0x60]  }
.LBB2_12:
0x184: {  	[tilespmem:s14+$0xFFFFFFA0] =	vst v18  }
0x185: {  	[tilespmem:s14+$0xFFFFFFB0] =	vst v14  }
0x186: {  	[tilespmem:s14+$0xFFFFFFC0] =	vst v17  }
0x187: {  	[tilespmem:s14+$0xFFFFFFD0] =	vst v15  }
0x188: {  	v5 =	vmul.f32 v7, v5;
	[tilespmem:s14+$0xFFFFFFE0] =	vst v16  }
0x189: {  	v6 =	vmul.f32 v8, v6;
	[tilespmem:s14+$0x0] =	vst v13  }
0x18a: {  	v3 =	vmul.f32 v9, v3;
	[tilespmem:s14+$0x10] =	vst v5  }
0x18b: {  	v4 =	vmul.f32 v10, v4;
	[tilespmem:s14+$0x20] =	vst v6  }
0x18c: {  	v1 =	vmul.f32 v11, v1;
	[tilespmem:s14+$0x30] =	vst v3  }
0x18d: {  	v2 =	vmul.f32 v12, v2;
	[tilespmem:s14+$0x40] =	vst v4  }
0x18e: {  	[tilespmem:s14+$0x50] =	vst v1  }
0x18f: {  	s8 =	simm.s32 $0x3300;
	[tilespmem:s14+$0x60] =	vst v2  }
0x190: {  	[spmem:s3] =	stream.indirect.scatter.add.f32 [tilespmem:s8], [sflag:$0x5], $0x90, s2, s9, $0xb8;
	[tilespmem:$0x1E300] =	vst v63  }
0x191: {  	s14 =	rddreg [dreg:$0x13]  }
0x192: {  	s8 =	sadd.s32 s19, s14  }
0x193: {  	s8 =	sshrl.u32 s8, $0x3  }
0x194: {  	s20 =	simm.s32 $0xC0;
	s10 =	sadd.s32 s1, s8  }
0x195: {  	[tilespmem:s20], [sflag:$0xA] =	stream.linear.gather [hbm4b:s10+s4], $0x40, $0x38;
	[tilespmem:$0x1E300] =	vst v63  }
0x196: {  	s22 =	simm.s32 $0x240;
	s8 =	sadd.s32 s5, s8  }
0x197: {  	[tilespmem:s22], [sflag:$0xA] =	stream.linear.gather [hbm4b:s8+s4], $0x40, $0x38;
	[tilespmem:$0x1E300] =	vst v63  }
0x198: {  	_ =	swait.ge [sflag:s23], $0x2400  }
0x199: {  	[sflag:s23] =	ssyncset.done $0x0  }
0x19a: {  	[sflag:s23] =	ssyncadd.s32 $0xFFFFDC00  }
0x19b: {  	_ =	swait.ge [sflag:s23], $0x400  }
0x19c: {  	[sflag:s23] =	ssyncset.done $0x0  }
0x19d: {  	s14 =	simm.s32 $0x4;
	[sflag:s23] =	ssyncadd.s32 $0xFFFFFC00  }
0x19e: {  	_ =	swait.ge [sflag:s14], $0x2400  }
0x19f: {  	[sflag:s14] =	ssyncset.done $0x0  }
0x1a0: {  	[sflag:s14] =	ssyncadd.s32 $0xFFFFDC00  }
0x1a1: {  	_ =	swait.ge [sflag:s25], $0x40  }
0x1a2: {  	[sflag:s25] =	ssyncset.done $0x0  }
0x1a3: {  	[sflag:s25] =	ssyncadd.s32 $0xFFFFFFC0  }
0x1a4: {  	_ =	swait.ge [sflag:s25], $0x40  }
0x1a5: {  	[sflag:s25] =	ssyncset.done $0x0  }
0x1a6: {  	[sflag:s25] =	ssyncadd.s32 $0xFFFFFFC0  }
0x1a7: {  	[tilespmem:s30], [sflag:$0x1] =	stream.indirect.gather [hbm4b:s6+s9], $0x90, s20, s9, $0xb8;
	[tilespmem:$0x1E300] =	vst v63  }
0x1a8: {  	s14 =	simm.s32 $0x58A0;
	s20 =	simm.s32 $0x300  }
0x1a9: {  	[tilespmem:s20], [sflag:$0x1] =	stream.indirect.gather [hbm4b:s7+s9], $0x10, s22, s9, $0xb8;
	[tilespmem:$0x1E300] =	vst v63  }
0x1aa: {  	s22 =	simm.s32 $0xB20;
	v1 =	vld [tilespmem:s14+$0x90]  }
0x1ab: {  	v2 =	vld [tilespmem:s22+$0x10]  }
0x1ac: {  	v3 =	vld [tilespmem:s22+$0xFFFFFFE0]  }
0x1ad: {  	v4 =	vld [tilespmem:s14+$0xFFFFFF70]  }
0x1ae: {  	v5 =	vld [tilespmem:s22+$0xFFFFFFF0]  }
0x1af: {  	v6 =	vld [tilespmem:s14+$0x0]  }
0x1b0: {  	s20 =	simm.s32 $0x5AE0;
	v7 =	vld [tilespmem:s22+$0x0];
	v1 =	vadd.f32 v2, v1  }
0x1b1: {  	v8 =	vld [tilespmem:s20+$0x90]  }
0x1b2: {  	s30 =	simm.s32 $0xB60;
	v2 =	vld [tilespmem:s14+$0xFFFFFEE0];
	v9 =	vmul.f32 $2.000000030e-01, v1  }
0x1b3: {  	v10 =	vld [tilespmem:s30+$0x10]  }
0x1b4: {  	v4 =	vadd.f32 v5, v4;
	v5 =	vld [tilespmem:s20+$0xFFFFFF70];
	v1 =	vmax.f32 v1, v9  }
0x1b5: {  	v6 =	vadd.f32 v7, v6;
	v7 =	vld [tilespmem:s30+$0xFFFFFFF0];
	v1 =	vmul.f32 $1.442695020e+00, v1  }
0x1b6: {  	v60 =	vld [tilespmem:s20+$0x0]  }
0x1b7: {  	v61 =	vld [tilespmem:s30+$0x0];
	v9 =	vmul.f32 $2.000000030e-01, v4;
	v2 =	vadd.f32 v3, v2;
	(erf) = vpow2.f32 v1  }
0x1b8: {  	v11 =	vld [tilespmem:s30+$0xFFFFFFE0];
	v1 =	vmul.f32 $2.000000030e-01, v6  }
0x1b9: {  	s22 =	simm.s32 $0x5D20;
	v3 =	vmax.f32 v4, v9;
	v4 =	vadd.f32 v10, v8;
	v9 =	vld [tilespmem:s20+$0xFFFFFEE0];
	v8 =	vmul.f32 $2.000000030e-01, v2  }
0x1ba: {  	s28 =	simm.s32 $0xBA0;
	v62 =	vld [tilespmem:s22+$0x90];
	v5 =	vadd.f32 v7, v5;
	v3 =	vmul.f32 $1.442695020e+00, v3;
	v1 =	vmax.f32 v6, v1  }
0x1bb: {  	v6 =	vmul.f32 $2.000000030e-01, v4;
	v2 =	vmax.f32 v2, v8;
	v8 =	vld [tilespmem:s28+$0x10];
	v1 =	vmul.f32 $1.442695020e+00, v1  }
0x1bc: {  	v12 =	vadd.f32 v61, v60;
	v7 =	vmul.f32 $2.000000030e-01, v5;
	(erf) = vpow2.f32 v3;
	v3 =	vld [tilespmem:s28+$0xFFFFFFE0]  }
0x1bd: {  	v2 =	vmul.f32 $1.442695020e+00, v2;
	v4 =	vmax.f32 v4, v6;
	(erf) = vpow2.f32 v1;
	v1 =	vld [tilespmem:s22+$0xFFFFFF70]  }
0x1be: {  	v6 =	vadd.f32 v11, v9;
	v10 =	vmul.f32 $1.442695020e+00, v4;
	v4 =	vld [tilespmem:s28+$0xFFFFFFF0]  }
0x1bf: {  	v11 =	vmul.f32 $2.000000030e-01, v12;
	v9 =	vmax.f32 v5, v7;
	v5 =	vld [tilespmem:s28+$0x0];
	(erf) = vpow2.f32 v2  }
0x1c0: {  	s13 =	simm.s32 $0x240;
	s8 =	simm.s32 $0x5F60;
	v2 =	vld [tilespmem:s22+$0x0];
	(erf) = vpow2.f32 v10;
	v7 =	vadd.f32 v8, v62;
	v63 =	vpop (erf)  }
0x1c1: {  	s10 =	simm.s32 $0x8;
	v9 =	vmul.f32 $1.442695020e+00, v9;
	v11 =	vmax.f32 v12, v11;
	v10 =	vmul.f32 $2.000000030e-01, v6;
	v8 =	vld [tilespmem:s22+$0xFFFFFEE0];
	[tilespmem:s14+$0x90] =	vst v63  }
.LBB2_13:
0x1c2: {  	v13 =	vmul.f32 $2.000000030e-01, v7  }
0x1c3: {  	v12 =	vld [tilespmem:s8+$0x90];
	s28 =	sadd.s32 $0x40, s28;
	v17 =	vmax.f32 v6, v10;
	v10 =	vmul.f32 $1.442695020e+00, v11;
	v14 =	vadd.f32 v4, v1  }
0x1c4: {  	s10 =	sadd.s32 $0x4, s10;
	v11 =	vld [tilespmem:s28+$0x10];
	v15 =	vmul.f32 $1.442695020e+00, v17;
	(erf) = vpow2.f32 v9  }
0x1c5: {  	p0 =	slt.u32 s10, $0x3C;
	v16 =	vld [tilespmem:s28+$0xFFFFFFE0];
	v4 =	vmax.f32 v7, v13;
	(erf) = vpow2.f32 v10;
	v6 =	vpop (erf);
	v7 =	vmul.f32 $2.000000030e-01, v14  }
.Ltmp7:
0x1c6: {  	v1 =	vld [tilespmem:s8+$0xFFFFFF70];
	v13 =	vadd.f32 v5, v2;
	v5 =	vmul.f32 $1.442695020e+00, v4;
	[tilespmem:s14+$0xFFFFFF70] =	vst v6;
	v2 =	vpop (erf);
	(pc) =	sbr.rel @p0 .LBB2_13-.Ltmp7, $4  }
0x1c7: {  	v4 =	vld [tilespmem:s28+$0xFFFFFFF0];
	v6 =	vadd.f32 v3, v8;
	(erf) = vpow2.f32 v15;
	[tilespmem:s14+$0x0] =	vst v2  }
0x1c8: {  	v2 =	vld [tilespmem:s8+$0x0];
	v15 =	vmax.f32 v14, v7;
	v14 =	vmul.f32 $2.000000030e-01, v13;
	(erf) = vpow2.f32 v5;
	v8 =	vpop (erf)  }
0x1c9: {  	v5 =	vld [tilespmem:s28+$0x0];
	v7 =	vadd.f32 v11, v12;
	v10 =	vmul.f32 $2.000000030e-01, v6;
	v9 =	vmul.f32 $1.442695020e+00, v15;
	v3 =	vpop (erf);
	[tilespmem:s14+$0xFFFFFEE0] =	vst v8;
	s14 =	smov.u32 s20;
	s20 =	smov.u32 s22;
	s22 =	smov.u32 s8  }
0x1ca: {  	s8 =	sadd.s32 $0x240, s8;
	v8 =	vld [tilespmem:s22+$0xFFFFFEE0];
	v11 =	vmax.f32 v13, v14;
	[tilespmem:s14+$0x90] =	vst v3;
	v3 =	vmov v16  }
0x1cb: {  	_ = 	snop  }
0x1cc: {  	v12 =	vmul.f32 $2.000000030e-01, v7;
	v1 =	vadd.f32 v4, v1  }
0x1cd: {  	v6 =	vmax.f32 v6, v10;
	(erf) = vpow2.f32 v9;
	v4 =	vmul.f32 $1.442695020e+00, v11  }
0x1ce: {  	v6 =	vmul.f32 $1.442695020e+00, v6;
	v2 =	vadd.f32 v5, v2;
	v5 =	vmul.f32 $2.000000030e-01, v1  }
0x1cf: {  	v7 =	vmax.f32 v7, v12;
	(erf) = vpow2.f32 v4;
	v3 =	vadd.f32 v3, v8  }
0x1d0: {  	v7 =	vmul.f32 $1.442695020e+00, v7;
	v4 =	vmul.f32 $2.000000030e-01, v2;
	v1 =	vmax.f32 v1, v5  }
0x1d1: {  	v5 =	vmul.f32 $2.000000030e-01, v3;
	v1 =	vmul.f32 $1.442695020e+00, v1  }
0x1d2: {  	(erf) = vpow2.f32 v6;
	v2 =	vmax.f32 v2, v4  }
0x1d3: {  	(erf) = vpow2.f32 v7;
	v3 =	vmax.f32 v3, v5;
	v2 =	vmul.f32 $1.442695020e+00, v2  }
0x1d4: {  	(erf) = vpow2.f32 v1;
	v3 =	vmul.f32 $1.442695020e+00, v3  }
0x1d5: {  	v1 =	vpop (erf);
	(erf) = vpow2.f32 v2  }
0x1d6: {  	[tilespmem:s14+$0xFFFFFF70] =	vst v1;
	v1 =	vpop (erf);
	(erf) = vpow2.f32 v3  }
0x1d7: {  	v2 =	vpop (erf);
	[tilespmem:s14+$0x0] =	vst v1  }
0x1d8: {  	v1 =	vpop (erf);
	[tilespmem:s14+$0xFFFFFEE0] =	vst v2  }
0x1d9: {  	v2 =	vpop (erf);
	[tilespmem:s20+$0x90] =	vst v1  }
0x1da: {  	[tilespmem:s20+$0xFFFFFF70] =	vst v2;
	v1 =	vpop (erf)  }
0x1db: {  	[tilespmem:s20+$0x0] =	vst v1;
	v1 =	vpop (erf)  }
0x1dc: {  	v2 =	vpop (erf);
	[tilespmem:s20+$0xFFFFFEE0] =	vst v1  }
0x1dd: {  	[tilespmem:s22+$0x90] =	vst v2;
	v1 =	vpop (erf)  }
0x1de: {  	[tilespmem:s22+$0xFFFFFF70] =	vst v1;
	v1 =	vpop (erf)  }
0x1df: {  	[tilespmem:s22+$0x0] =	vst v1;
	v1 =	vpop (erf)  }
0x1e0: {  	s14 =	simm.s32 $0x5790;
	[tilespmem:s22+$0xFFFFFEE0] =	vst v1  }
0x1e1: {  	v2 =	vld [tilespmem:s14+$0x80]  }
0x1e2: {  	v1 =	vld [tilespmem:s14+$0xFFFFFFF0]  }
0x1e3: {  	v3 =	vld [tilespmem:s14+$0x70]  }
0x1e4: {  	v8 =	vld [tilespmem:s14+$0xFFFFFF70]  }
0x1e5: {  	v9 =	vld [tilespmem:s14+$0xFFFFFF80]  }
0x1e6: {  	v10 =	vld [tilespmem:s14+$0xFFFFFF90];
	v12 =	vbroadcast v2, $0x0;
	v4 =	vbroadcast v2, $0x7  }
0x1e7: {  	v14 =	vld [tilespmem:s14+$0xFFFFFFA0];
	v11 =	vbroadcast v1, $0x0;
	v13 =	vbroadcast v1, $0x1  }
0x1e8: {  	v16 =	vld [tilespmem:s14+$0xFFFFFFB0];
	v15 =	vbroadcast v1, $0x2;
	v17 =	vbroadcast v1, $0x3  }
0x1e9: {  	v20 =	vld [tilespmem:s14+$0xFFFFFFC0];
	v19 =	vbroadcast v1, $0x4;
	v21 =	vbroadcast v1, $0x5  }
0x1ea: {  	v22 =	vld [tilespmem:s14+$0xFFFFFFD0];
	v23 =	vbroadcast v1, $0x6;
	v25 =	vbroadcast v1, $0x7  }
0x1eb: {  	v24 =	vld [tilespmem:s14+$0xFFFFFFE0];
	v5 =	vbroadcast v2, $0x1;
	v6 =	vbroadcast v2, $0x2  }
0x1ec: {  	v26 =	vld [tilespmem:s14+$0x0];
	v1 =	vbroadcast v2, $0x5;
	v3 =	vmul.f32 v3, v4  }
0x1ed: {  	p0 =	por $0x1, $0x1;
	v7 =	vld [tilespmem:s14+$0x10];
	v4 =	vbroadcast v2, $0x4;
	v11 =	vmul.f32 v11, v8  }
.Ltmp8:
0x1ee: {  	v8 =	vld [tilespmem:s14+$0x20];
	v13 =	vmul.f32 v9, v13;
	v27 =	vmul.f32 v10, v15;
	(pc) =	sbr.rel @!p0 .LBB2_16-.Ltmp8, $4  }
0x1ef: {  	v9 =	vld [tilespmem:s14+$0x30];
	v18 =	vmul.f32 v14, v17;
	v14 =	vmul.f32 v16, v19;
	[tilespmem:s14+$0x70] =	vst v3  }
0x1f0: {  	v10 =	vld [tilespmem:s14+$0x40];
	v17 =	vmul.f32 v20, v21;
	v15 =	vmul.f32 v22, v23;
	[tilespmem:s14+$0xFFFFFF70] =	vst v11  }
0x1f1: {  	v16 =	vmul.f32 v24, v25;
	v3 =	vbroadcast v2, $0x3;
	[tilespmem:s14+$0xFFFFFF80] =	vst v13;
	v11 =	vld [tilespmem:s14+$0x50]  }
0x1f2: {  	s30 =	simm.s32 $0x280;
	s20 =	simm.s32 $0x0;
	s22 =	simm.s32 $0x58B0;
	v2 =	vbroadcast v2, $0x6;
	[tilespmem:s14+$0xFFFFFF90] =	vst v27;
	v13 =	vmul.f32 v12, v26;
	v12 =	vld [tilespmem:s14+$0x60]  }
.LBB2_15:
0x1f3: {  	v19 =	vld [tilespmem:s22+$0x80];
	s20 =	sadd.s32 $0x2, s20;
	[tilespmem:s14+$0xFFFFFFA0] =	vst v18;
	v5 =	vmul.f32 v7, v5;
	v6 =	vmul.f32 v8, v6  }
0x1f4: {  	v7 =	vld [tilespmem:s22+$0xFFFFFFF0];
	p0 =	slt.u32 s20, $0x3E;
	[tilespmem:s14+$0xFFFFFFB0] =	vst v14;
	v3 =	vmul.f32 v9, v3  }
0x1f5: {  	v8 =	vld [tilespmem:s22+$0x70];
	[tilespmem:s14+$0xFFFFFFC0] =	vst v17;
	v4 =	vmul.f32 v10, v4  }
0x1f6: {  	v9 =	vld [tilespmem:s22+$0xFFFFFF70];
	[tilespmem:s14+$0xFFFFFFD0] =	vst v15;
	v1 =	vmul.f32 v11, v1  }
0x1f7: {  	v10 =	vld [tilespmem:s22+$0xFFFFFF80];
	[tilespmem:s14+$0xFFFFFFE0] =	vst v16;
	v2 =	vmul.f32 v12, v2  }
0x1f8: {  	v11 =	vld [tilespmem:s22+$0xFFFFFF90];
	v12 =	vbroadcast v19, $0x0;
	v14 =	vbroadcast v19, $0x7;
	[tilespmem:s14+$0x0] =	vst v13  }
0x1f9: {  	v13 =	vbroadcast v7, $0x0;
	v15 =	vbroadcast v7, $0x1;
	v16 =	vld [tilespmem:s22+$0xFFFFFFA0];
	[tilespmem:s14+$0x10] =	vst v5  }
0x1fa: {  	v17 =	vbroadcast v7, $0x2;
	v20 =	vld [tilespmem:s22+$0xFFFFFFB0];
	v5 =	vmul.f32 v8, v14;
	[tilespmem:s14+$0x20] =	vst v6  }
0x1fb: {  	v21 =	vbroadcast v7, $0x4;
	v14 =	vbroadcast v7, $0x3;
	v22 =	vld [tilespmem:s22+$0xFFFFFFC0];
	[tilespmem:s14+$0x30] =	vst v3  }
0x1fc: {  	v23 =	vbroadcast v7, $0x5;
	v25 =	vbroadcast v7, $0x6;
	v24 =	vld [tilespmem:s22+$0xFFFFFFD0];
	[tilespmem:s22+$0x70] =	vst v5  }
0x1fd: {  	v27 =	vbroadcast v7, $0x7;
	v5 =	vbroadcast v19, $0x1;
	v26 =	vld [tilespmem:s22+$0xFFFFFFE0];
	[tilespmem:s14+$0x40] =	vst v4  }
0x1fe: {  	v6 =	vbroadcast v19, $0x2;
	v3 =	vbroadcast v19, $0x3;
	v28 =	vld [tilespmem:s22+$0x0];
	[tilespmem:s14+$0x50] =	vst v1  }
0x1ff: {  	v4 =	vbroadcast v19, $0x4;
	v1 =	vbroadcast v19, $0x5;
	v7 =	vld [tilespmem:s22+$0x10];
	[tilespmem:s14+$0x60] =	vst v2;
	s14 =	smov.u32 s22  }
.Ltmp9:
0x200: {  	v13 =	vmul.f32 v13, v9;
	v2 =	vbroadcast v19, $0x6;
	v8 =	vld [tilespmem:s22+$0x20];
	(pc) =	sbr.rel @p0 .LBB2_15-.Ltmp9, $4  }
0x201: {  	v15 =	vmul.f32 v10, v15;
	v19 =	vmul.f32 v11, v17;
	v9 =	vld [tilespmem:s22+$0x30]  }
0x202: {  	v18 =	vmul.f32 v16, v14;
	v14 =	vmul.f32 v20, v21;
	[tilespmem:s22+$0xFFFFFF70] =	vst v13;
	v10 =	vld [tilespmem:s22+$0x40]  }
0x203: {  	v17 =	vmul.f32 v22, v23;
	[tilespmem:s22+$0xFFFFFF80] =	vst v15;
	v15 =	vmul.f32 v24, v25;
	v11 =	vld [tilespmem:s22+$0x50]  }
0x204: {  	v16 =	vmul.f32 v26, v27;
	v13 =	vmul.f32 v12, v28;
	s22 =	sadd.s32 $0x120, s22;
	[tilespmem:s14+$0xFFFFFF90] =	vst v19;
	v12 =	vld [tilespmem:s14+$0x60]  }
.LBB2_16:
0x205: {  	[tilespmem:s14+$0xFFFFFFA0] =	vst v18  }
0x206: {  	[tilespmem:s14+$0xFFFFFFB0] =	vst v14  }
0x207: {  	[tilespmem:s14+$0xFFFFFFC0] =	vst v17  }
0x208: {  	[tilespmem:s14+$0xFFFFFFD0] =	vst v15  }
0x209: {  	v5 =	vmul.f32 v7, v5;
	[tilespmem:s14+$0xFFFFFFE0] =	vst v16  }
0x20a: {  	v6 =	vmul.f32 v8, v6;
	[tilespmem:s14+$0x0] =	vst v13  }
0x20b: {  	v3 =	vmul.f32 v9, v3;
	[tilespmem:s14+$0x10] =	vst v5  }
0x20c: {  	v4 =	vmul.f32 v10, v4;
	[tilespmem:s14+$0x20] =	vst v6  }
0x20d: {  	v1 =	vmul.f32 v11, v1;
	[tilespmem:s14+$0x30] =	vst v3  }
0x20e: {  	v2 =	vmul.f32 v12, v2;
	[tilespmem:s14+$0x40] =	vst v4  }
0x20f: {  	[tilespmem:s14+$0x50] =	vst v1  }
0x210: {  	[tilespmem:s14+$0x60] =	vst v2  }
0x211: {  	[spmem:s3] =	stream.indirect.scatter.add.f32 [tilespmem:s31], [sflag:$0x6], $0x90, s12, s9, $0xb8;
	[tilespmem:$0x1E300] =	vst v63  }
0x212: {  	s8 =	rddreg [dreg:$0x14]  }
0x213: {  	s8 =	sadd.s32 s19, s8  }
0x214: {  	s8 =	sshrl.u32 s8, $0x3  }
0x215: {  	s14 =	simm.s32 $0x100;
	s10 =	sadd.s32 s1, s8  }
0x216: {  	[tilespmem:s14], [sflag:$0xB] =	stream.linear.gather [hbm4b:s10+s4], $0x40, $0x38;
	[tilespmem:$0x1E300] =	vst v63  }
0x217: {  	s8 =	sadd.s32 s5, s8  }
0x218: {  	[tilespmem:s30], [sflag:$0xB] =	stream.linear.gather [hbm4b:s8+s4], $0x40, $0x38;
	[tilespmem:$0x1E300] =	vst v63  }
0x219: {  	_ =	swait.ge [sflag:s15], $0x2400  }
0x21a: {  	[sflag:s15] =	ssyncset.done $0x0  }
0x21b: {  	[sflag:s15] =	ssyncadd.s32 $0xFFFFDC00  }
0x21c: {  	_ =	swait.ge [sflag:s15], $0x400  }
0x21d: {  	[sflag:s15] =	ssyncset.done $0x0  }
0x21e: {  	[sflag:s15] =	ssyncadd.s32 $0xFFFFFC00  }
0x21f: {  	_ =	swait.ge [sflag:s16], $0x2400  }
0x220: {  	[sflag:s16] =	ssyncset.done $0x0  }
0x221: {  	[sflag:s16] =	ssyncadd.s32 $0xFFFFDC00  }
0x222: {  	_ =	swait.ge [sflag:s18], $0x40  }
0x223: {  	[sflag:s18] =	ssyncset.done $0x0  }
0x224: {  	[sflag:s18] =	ssyncadd.s32 $0xFFFFFFC0  }
0x225: {  	_ =	swait.ge [sflag:s18], $0x40  }
0x226: {  	[sflag:s18] =	ssyncset.done $0x0  }
0x227: {  	s2 =	simm.s32 $0x3300;
	[sflag:s18] =	ssyncadd.s32 $0xFFFFFFC0  }
0x228: {  	[tilespmem:s2], [sflag:$0x2] =	stream.indirect.gather [hbm4b:s6+s9], $0x90, s14, s9, $0xb8;
	[tilespmem:$0x1E300] =	vst v63  }
0x229: {  	s20 =	simm.s32 $0x700;
	s14 =	simm.s32 $0x10A0  }
0x22a: {  	[tilespmem:s20], [sflag:$0x2] =	stream.indirect.gather [hbm4b:s7+s9], $0x10, s30, s9, $0xb8;
	[tilespmem:$0x1E300] =	vst v63  }
0x22b: {  	s22 =	simm.s32 $0x320;
	v1 =	vld [tilespmem:s14+$0x90]  }
0x22c: {  	v2 =	vld [tilespmem:s22+$0x10]  }
0x22d: {  	v3 =	vld [tilespmem:s22+$0xFFFFFFE0]  }
0x22e: {  	v4 =	vld [tilespmem:s14+$0xFFFFFF70]  }
0x22f: {  	v5 =	vld [tilespmem:s22+$0xFFFFFFF0]  }
0x230: {  	v6 =	vld [tilespmem:s14+$0x0]  }
0x231: {  	s20 =	simm.s32 $0x12E0;
	v7 =	vld [tilespmem:s22+$0x0];
	v1 =	vadd.f32 v2, v1  }
0x232: {  	v8 =	vld [tilespmem:s20+$0x90]  }
0x233: {  	s31 =	simm.s32 $0x360;
	v2 =	vld [tilespmem:s14+$0xFFFFFEE0];
	v9 =	vmul.f32 $2.000000030e-01, v1  }
0x234: {  	v10 =	vld [tilespmem:s31+$0x10]  }
0x235: {  	v4 =	vadd.f32 v5, v4;
	v5 =	vld [tilespmem:s20+$0xFFFFFF70];
	v1 =	vmax.f32 v1, v9  }
0x236: {  	v6 =	vadd.f32 v7, v6;
	v7 =	vld [tilespmem:s31+$0xFFFFFFF0];
	v1 =	vmul.f32 $1.442695020e+00, v1  }
0x237: {  	v60 =	vld [tilespmem:s20+$0x0]  }
0x238: {  	v61 =	vld [tilespmem:s31+$0x0];
	v9 =	vmul.f32 $2.000000030e-01, v4;
	v2 =	vadd.f32 v3, v2;
	(erf) = vpow2.f32 v1  }
0x239: {  	v11 =	vld [tilespmem:s31+$0xFFFFFFE0];
	v1 =	vmul.f32 $2.000000030e-01, v6  }
0x23a: {  	s22 =	simm.s32 $0x1520;
	v3 =	vmax.f32 v4, v9;
	v4 =	vadd.f32 v10, v8;
	v9 =	vld [tilespmem:s20+$0xFFFFFEE0];
	v8 =	vmul.f32 $2.000000030e-01, v2  }
0x23b: {  	s28 =	simm.s32 $0x3A0;
	v62 =	vld [tilespmem:s22+$0x90];
	v5 =	vadd.f32 v7, v5;
	v3 =	vmul.f32 $1.442695020e+00, v3;
	v1 =	vmax.f32 v6, v1  }
0x23c: {  	v6 =	vmul.f32 $2.000000030e-01, v4;
	v2 =	vmax.f32 v2, v8;
	v8 =	vld [tilespmem:s28+$0x10];
	v1 =	vmul.f32 $1.442695020e+00, v1  }
0x23d: {  	v12 =	vadd.f32 v61, v60;
	v7 =	vmul.f32 $2.000000030e-01, v5;
	(erf) = vpow2.f32 v3;
	v3 =	vld [tilespmem:s28+$0xFFFFFFE0]  }
0x23e: {  	v2 =	vmul.f32 $1.442695020e+00, v2;
	v4 =	vmax.f32 v4, v6;
	(erf) = vpow2.f32 v1;
	v1 =	vld [tilespmem:s22+$0xFFFFFF70]  }
0x23f: {  	v6 =	vadd.f32 v11, v9;
	v10 =	vmul.f32 $1.442695020e+00, v4;
	v4 =	vld [tilespmem:s28+$0xFFFFFFF0]  }
0x240: {  	v11 =	vmul.f32 $2.000000030e-01, v12;
	v9 =	vmax.f32 v5, v7;
	v5 =	vld [tilespmem:s28+$0x0];
	(erf) = vpow2.f32 v2  }
0x241: {  	s8 =	simm.s32 $0x1760;
	v2 =	vld [tilespmem:s22+$0x0];
	(erf) = vpow2.f32 v10;
	v7 =	vadd.f32 v8, v62;
	v63 =	vpop (erf)  }
0x242: {  	s10 =	simm.s32 $0x8;
	v9 =	vmul.f32 $1.442695020e+00, v9;
	v11 =	vmax.f32 v12, v11;
	v10 =	vmul.f32 $2.000000030e-01, v6;
	v8 =	vld [tilespmem:s22+$0xFFFFFEE0];
	[tilespmem:s14+$0x90] =	vst v63  }
.LBB2_17:
0x243: {  	v13 =	vmul.f32 $2.000000030e-01, v7  }
0x244: {  	v12 =	vld [tilespmem:s8+$0x90];
	s28 =	sadd.s32 $0x40, s28;
	v17 =	vmax.f32 v6, v10;
	v10 =	vmul.f32 $1.442695020e+00, v11;
	v14 =	vadd.f32 v4, v1  }
0x245: {  	s10 =	sadd.s32 $0x4, s10;
	v11 =	vld [tilespmem:s28+$0x10];
	v15 =	vmul.f32 $1.442695020e+00, v17;
	(erf) = vpow2.f32 v9  }
0x246: {  	p0 =	slt.u32 s10, $0x3C;
	v16 =	vld [tilespmem:s28+$0xFFFFFFE0];
	v4 =	vmax.f32 v7, v13;
	(erf) = vpow2.f32 v10;
	v6 =	vpop (erf);
	v7 =	vmul.f32 $2.000000030e-01, v14  }
.Ltmp10:
0x247: {  	v1 =	vld [tilespmem:s8+$0xFFFFFF70];
	v13 =	vadd.f32 v5, v2;
	v5 =	vmul.f32 $1.442695020e+00, v4;
	[tilespmem:s14+$0xFFFFFF70] =	vst v6;
	v2 =	vpop (erf);
	(pc) =	sbr.rel @p0 .LBB2_17-.Ltmp10, $4  }
0x248: {  	v4 =	vld [tilespmem:s28+$0xFFFFFFF0];
	v6 =	vadd.f32 v3, v8;
	(erf) = vpow2.f32 v15;
	[tilespmem:s14+$0x0] =	vst v2  }
0x249: {  	v2 =	vld [tilespmem:s8+$0x0];
	v15 =	vmax.f32 v14, v7;
	v14 =	vmul.f32 $2.000000030e-01, v13;
	(erf) = vpow2.f32 v5;
	v8 =	vpop (erf)  }
0x24a: {  	v5 =	vld [tilespmem:s28+$0x0];
	v7 =	vadd.f32 v11, v12;
	v10 =	vmul.f32 $2.000000030e-01, v6;
	v9 =	vmul.f32 $1.442695020e+00, v15;
	v3 =	vpop (erf);
	[tilespmem:s14+$0xFFFFFEE0] =	vst v8;
	s14 =	smov.u32 s20;
	s20 =	smov.u32 s22;
	s22 =	smov.u32 s8  }
0x24b: {  	s8 =	sadd.s32 $0x240, s8;
	v8 =	vld [tilespmem:s22+$0xFFFFFEE0];
	v11 =	vmax.f32 v13, v14;
	[tilespmem:s14+$0x90] =	vst v3;
	v3 =	vmov v16  }
0x24c: {  	_ = 	snop  }
0x24d: {  	v12 =	vmul.f32 $2.000000030e-01, v7;
	v1 =	vadd.f32 v4, v1  }
0x24e: {  	v6 =	vmax.f32 v6, v10;
	(erf) = vpow2.f32 v9;
	v4 =	vmul.f32 $1.442695020e+00, v11  }
0x24f: {  	v6 =	vmul.f32 $1.442695020e+00, v6;
	v2 =	vadd.f32 v5, v2;
	v5 =	vmul.f32 $2.000000030e-01, v1  }
0x250: {  	v7 =	vmax.f32 v7, v12;
	(erf) = vpow2.f32 v4;
	v3 =	vadd.f32 v3, v8  }
0x251: {  	v7 =	vmul.f32 $1.442695020e+00, v7;
	v4 =	vmul.f32 $2.000000030e-01, v2;
	v1 =	vmax.f32 v1, v5  }
0x252: {  	v5 =	vmul.f32 $2.000000030e-01, v3;
	v1 =	vmul.f32 $1.442695020e+00, v1  }
0x253: {  	(erf) = vpow2.f32 v6;
	v2 =	vmax.f32 v2, v4  }
0x254: {  	(erf) = vpow2.f32 v7;
	v3 =	vmax.f32 v3, v5;
	v2 =	vmul.f32 $1.442695020e+00, v2  }
0x255: {  	(erf) = vpow2.f32 v1;
	v3 =	vmul.f32 $1.442695020e+00, v3  }
0x256: {  	v1 =	vpop (erf);
	(erf) = vpow2.f32 v2  }
0x257: {  	[tilespmem:s14+$0xFFFFFF70] =	vst v1;
	v1 =	vpop (erf);
	(erf) = vpow2.f32 v3  }
0x258: {  	v2 =	vpop (erf);
	[tilespmem:s14+$0x0] =	vst v1  }
0x259: {  	v1 =	vpop (erf);
	[tilespmem:s14+$0xFFFFFEE0] =	vst v2  }
0x25a: {  	v2 =	vpop (erf);
	[tilespmem:s20+$0x90] =	vst v1  }
0x25b: {  	[tilespmem:s20+$0xFFFFFF70] =	vst v2;
	v1 =	vpop (erf)  }
0x25c: {  	[tilespmem:s20+$0x0] =	vst v1;
	v1 =	vpop (erf)  }
0x25d: {  	v2 =	vpop (erf);
	[tilespmem:s20+$0xFFFFFEE0] =	vst v1  }
0x25e: {  	[tilespmem:s22+$0x90] =	vst v2;
	v1 =	vpop (erf)  }
0x25f: {  	[tilespmem:s22+$0xFFFFFF70] =	vst v1;
	v1 =	vpop (erf)  }
0x260: {  	[tilespmem:s22+$0x0] =	vst v1;
	v1 =	vpop (erf)  }
0x261: {  	s14 =	simm.s32 $0xF90;
	[tilespmem:s22+$0xFFFFFEE0] =	vst v1  }
0x262: {  	v2 =	vld [tilespmem:s14+$0x80]  }
0x263: {  	v1 =	vld [tilespmem:s14+$0xFFFFFFF0]  }
0x264: {  	v3 =	vld [tilespmem:s14+$0x70]  }
0x265: {  	v8 =	vld [tilespmem:s14+$0xFFFFFF70]  }
0x266: {  	v9 =	vld [tilespmem:s14+$0xFFFFFF80]  }
0x267: {  	v10 =	vld [tilespmem:s14+$0xFFFFFF90];
	v12 =	vbroadcast v2, $0x0;
	v4 =	vbroadcast v2, $0x7  }
0x268: {  	v14 =	vld [tilespmem:s14+$0xFFFFFFA0];
	v11 =	vbroadcast v1, $0x0;
	v13 =	vbroadcast v1, $0x1  }
0x269: {  	v16 =	vld [tilespmem:s14+$0xFFFFFFB0];
	v15 =	vbroadcast v1, $0x2;
	v17 =	vbroadcast v1, $0x3  }
0x26a: {  	v20 =	vld [tilespmem:s14+$0xFFFFFFC0];
	v19 =	vbroadcast v1, $0x4;
	v21 =	vbroadcast v1, $0x5  }
0x26b: {  	v22 =	vld [tilespmem:s14+$0xFFFFFFD0];
	v23 =	vbroadcast v1, $0x6;
	v25 =	vbroadcast v1, $0x7  }
0x26c: {  	v24 =	vld [tilespmem:s14+$0xFFFFFFE0];
	v5 =	vbroadcast v2, $0x1;
	v6 =	vbroadcast v2, $0x2  }
0x26d: {  	v26 =	vld [tilespmem:s14+$0x0];
	v1 =	vbroadcast v2, $0x5;
	v3 =	vmul.f32 v3, v4  }
0x26e: {  	p0 =	por $0x1, $0x1;
	v7 =	vld [tilespmem:s14+$0x10];
	v4 =	vbroadcast v2, $0x4;
	v11 =	vmul.f32 v11, v8  }
.Ltmp11:
0x26f: {  	v8 =	vld [tilespmem:s14+$0x20];
	v13 =	vmul.f32 v9, v13;
	v27 =	vmul.f32 v10, v15;
	(pc) =	sbr.rel @!p0 .LBB2_20-.Ltmp11, $4  }
0x270: {  	v9 =	vld [tilespmem:s14+$0x30];
	v18 =	vmul.f32 v14, v17;
	v14 =	vmul.f32 v16, v19;
	[tilespmem:s14+$0x70] =	vst v3  }
0x271: {  	v10 =	vld [tilespmem:s14+$0x40];
	v17 =	vmul.f32 v20, v21;
	v15 =	vmul.f32 v22, v23;
	[tilespmem:s14+$0xFFFFFF70] =	vst v11  }
0x272: {  	v16 =	vmul.f32 v24, v25;
	v3 =	vbroadcast v2, $0x3;
	[tilespmem:s14+$0xFFFFFF80] =	vst v13;
	v11 =	vld [tilespmem:s14+$0x50]  }
0x273: {  	s31 =	simm.s32 $0xF00;
	s20 =	simm.s32 $0x0;
	s22 =	simm.s32 $0x10B0;
	v2 =	vbroadcast v2, $0x6;
	[tilespmem:s14+$0xFFFFFF90] =	vst v27;
	v13 =	vmul.f32 v12, v26;
	v12 =	vld [tilespmem:s14+$0x60]  }
.LBB2_19:
0x274: {  	v19 =	vld [tilespmem:s22+$0x80];
	s20 =	sadd.s32 $0x2, s20;
	[tilespmem:s14+$0xFFFFFFA0] =	vst v18;
	v5 =	vmul.f32 v7, v5;
	v6 =	vmul.f32 v8, v6  }
0x275: {  	v7 =	vld [tilespmem:s22+$0xFFFFFFF0];
	p0 =	slt.u32 s20, $0x3E;
	[tilespmem:s14+$0xFFFFFFB0] =	vst v14;
	v3 =	vmul.f32 v9, v3  }
0x276: {  	v8 =	vld [tilespmem:s22+$0x70];
	[tilespmem:s14+$0xFFFFFFC0] =	vst v17;
	v4 =	vmul.f32 v10, v4  }
0x277: {  	v9 =	vld [tilespmem:s22+$0xFFFFFF70];
	[tilespmem:s14+$0xFFFFFFD0] =	vst v15;
	v1 =	vmul.f32 v11, v1  }
0x278: {  	v10 =	vld [tilespmem:s22+$0xFFFFFF80];
	[tilespmem:s14+$0xFFFFFFE0] =	vst v16;
	v2 =	vmul.f32 v12, v2  }
0x279: {  	v11 =	vld [tilespmem:s22+$0xFFFFFF90];
	v12 =	vbroadcast v19, $0x0;
	v14 =	vbroadcast v19, $0x7;
	[tilespmem:s14+$0x0] =	vst v13  }
0x27a: {  	v13 =	vbroadcast v7, $0x0;
	v15 =	vbroadcast v7, $0x1;
	v16 =	vld [tilespmem:s22+$0xFFFFFFA0];
	[tilespmem:s14+$0x10] =	vst v5  }
0x27b: {  	v17 =	vbroadcast v7, $0x2;
	v20 =	vld [tilespmem:s22+$0xFFFFFFB0];
	v5 =	vmul.f32 v8, v14;
	[tilespmem:s14+$0x20] =	vst v6  }
0x27c: {  	v21 =	vbroadcast v7, $0x4;
	v14 =	vbroadcast v7, $0x3;
	v22 =	vld [tilespmem:s22+$0xFFFFFFC0];
	[tilespmem:s14+$0x30] =	vst v3  }
0x27d: {  	v23 =	vbroadcast v7, $0x5;
	v25 =	vbroadcast v7, $0x6;
	v24 =	vld [tilespmem:s22+$0xFFFFFFD0];
	[tilespmem:s22+$0x70] =	vst v5  }
0x27e: {  	v27 =	vbroadcast v7, $0x7;
	v5 =	vbroadcast v19, $0x1;
	v26 =	vld [tilespmem:s22+$0xFFFFFFE0];
	[tilespmem:s14+$0x40] =	vst v4  }
0x27f: {  	v6 =	vbroadcast v19, $0x2;
	v3 =	vbroadcast v19, $0x3;
	v28 =	vld [tilespmem:s22+$0x0];
	[tilespmem:s14+$0x50] =	vst v1  }
0x280: {  	v4 =	vbroadcast v19, $0x4;
	v1 =	vbroadcast v19, $0x5;
	v7 =	vld [tilespmem:s22+$0x10];
	[tilespmem:s14+$0x60] =	vst v2;
	s14 =	smov.u32 s22  }
.Ltmp12:
0x281: {  	v13 =	vmul.f32 v13, v9;
	v2 =	vbroadcast v19, $0x6;
	v8 =	vld [tilespmem:s22+$0x20];
	(pc) =	sbr.rel @p0 .LBB2_19-.Ltmp12, $4  }
0x282: {  	v15 =	vmul.f32 v10, v15;
	v19 =	vmul.f32 v11, v17;
	v9 =	vld [tilespmem:s22+$0x30]  }
0x283: {  	v18 =	vmul.f32 v16, v14;
	v14 =	vmul.f32 v20, v21;
	[tilespmem:s22+$0xFFFFFF70] =	vst v13;
	v10 =	vld [tilespmem:s22+$0x40]  }
0x284: {  	v17 =	vmul.f32 v22, v23;
	[tilespmem:s22+$0xFFFFFF80] =	vst v15;
	v15 =	vmul.f32 v24, v25;
	v11 =	vld [tilespmem:s22+$0x50]  }
0x285: {  	v16 =	vmul.f32 v26, v27;
	v13 =	vmul.f32 v12, v28;
	s22 =	sadd.s32 $0x120, s22;
	[tilespmem:s14+$0xFFFFFF90] =	vst v19;
	v12 =	vld [tilespmem:s14+$0x60]  }
.LBB2_20:
0x286: {  	[tilespmem:s14+$0xFFFFFFA0] =	vst v18  }
0x287: {  	[tilespmem:s14+$0xFFFFFFB0] =	vst v14  }
0x288: {  	[tilespmem:s14+$0xFFFFFFC0] =	vst v17  }
0x289: {  	[tilespmem:s14+$0xFFFFFFD0] =	vst v15  }
0x28a: {  	v5 =	vmul.f32 v7, v5;
	[tilespmem:s14+$0xFFFFFFE0] =	vst v16  }
0x28b: {  	v6 =	vmul.f32 v8, v6;
	[tilespmem:s14+$0x0] =	vst v13  }
0x28c: {  	v3 =	vmul.f32 v9, v3;
	[tilespmem:s14+$0x10] =	vst v5  }
0x28d: {  	v4 =	vmul.f32 v10, v4;
	[tilespmem:s14+$0x20] =	vst v6  }
0x28e: {  	v1 =	vmul.f32 v11, v1;
	[tilespmem:s14+$0x30] =	vst v3  }
0x28f: {  	v2 =	vmul.f32 v12, v2;
	[tilespmem:s14+$0x40] =	vst v4  }
0x290: {  	[tilespmem:s14+$0x50] =	vst v1  }
0x291: {  	[tilespmem:s14+$0x60] =	vst v2  }
0x292: {  	[spmem:s3] =	stream.indirect.scatter.add.f32 [tilespmem:s31], [sflag:$0x4], $0x90, s13, s9, $0xb8;
	[tilespmem:$0x1E300] =	vst v63  }
0x293: {  	s8 =	rddreg [dreg:$0x15]  }
0x294: {  	s8 =	sadd.s32 s19, s8  }
0x295: {  	s8 =	sshrl.u32 s8, $0x3  }
0x296: {  	s2 =	simm.s32 $0x140;
	s10 =	sadd.s32 s1, s8  }
0x297: {  	[tilespmem:s2], [sflag:$0xC] =	stream.linear.gather [hbm4b:s10+s4], $0x40, $0x38;
	[tilespmem:$0x1E300] =	vst v63  }
0x298: {  	s12 =	simm.s32 $0x2C0;
	s8 =	sadd.s32 s5, s8  }
0x299: {  	[tilespmem:s12], [sflag:$0xC] =	stream.linear.gather [hbm4b:s8+s4], $0x40, $0x38;
	[tilespmem:$0x1E300] =	vst v63  }
0x29a: {  	_ =	swait.ge [sflag:s21], $0x2400  }
0x29b: {  	[sflag:s21] =	ssyncset.done $0x0  }
0x29c: {  	[sflag:s21] =	ssyncadd.s32 $0xFFFFDC00  }
0x29d: {  	_ =	swait.ge [sflag:s21], $0x400  }
0x29e: {  	[sflag:s21] =	ssyncset.done $0x0  }
0x29f: {  	[sflag:s21] =	ssyncadd.s32 $0xFFFFFC00  }
0x2a0: {  	_ =	swait.ge [sflag:s29], $0x2400  }
0x2a1: {  	[sflag:s29] =	ssyncset.done $0x0  }
0x2a2: {  	[sflag:s29] =	ssyncadd.s32 $0xFFFFDC00  }
0x2a3: {  	_ =	swait.ge [sflag:s0], $0x40  }
0x2a4: {  	[sflag:s0] =	ssyncset.done $0x0  }
0x2a5: {  	[sflag:s0] =	ssyncadd.s32 $0xFFFFFFC0  }
0x2a6: {  	_ =	swait.ge [sflag:s0], $0x40  }
0x2a7: {  	[sflag:s0] =	ssyncset.done $0x0  }
0x2a8: {  	s13 =	simm.s32 $0x5700;
	[sflag:s0] =	ssyncadd.s32 $0xFFFFFFC0  }
0x2a9: {  	[tilespmem:s13], [sflag:$0x3] =	stream.indirect.gather [hbm4b:s6+s9], $0x90, s2, s9, $0xb8;
	[tilespmem:$0x1E300] =	vst v63  }
0x2aa: {  	s14 =	simm.s32 $0xB00  }
0x2ab: {  	[tilespmem:s14], [sflag:$0x3] =	stream.indirect.gather [hbm4b:s7+s9], $0x10, s12, s9, $0xb8;
	[tilespmem:$0x1E300] =	vst v63  }
0x2ac: {  	s14 =	simm.s32 $0x34A0  }
0x2ad: {  	s20 =	simm.s32 $0x720;
	v1 =	vld [tilespmem:s14+$0x90]  }
0x2ae: {  	v2 =	vld [tilespmem:s20+$0x10]  }
0x2af: {  	v3 =	vld [tilespmem:s20+$0xFFFFFFE0]  }
0x2b0: {  	v4 =	vld [tilespmem:s14+$0xFFFFFF70]  }
0x2b1: {  	v5 =	vld [tilespmem:s20+$0xFFFFFFF0]  }
0x2b2: {  	v6 =	vld [tilespmem:s14+$0x0]  }
0x2b3: {  	s22 =	simm.s32 $0x760;
	v7 =	vld [tilespmem:s20+$0x0];
	v1 =	vadd.f32 v2, v1  }
0x2b4: {  	v10 =	vld [tilespmem:s22+$0x10]  }
0x2b5: {  	s20 =	simm.s32 $0x36E0;
	v2 =	vld [tilespmem:s14+$0xFFFFFEE0];
	v9 =	vmul.f32 $2.000000030e-01, v1  }
0x2b6: {  	v8 =	vld [tilespmem:s20+$0x90]  }
0x2b7: {  	v4 =	vadd.f32 v5, v4;
	v5 =	vld [tilespmem:s20+$0xFFFFFF70];
	v1 =	vmax.f32 v1, v9  }
0x2b8: {  	v6 =	vadd.f32 v7, v6;
	v7 =	vld [tilespmem:s22+$0xFFFFFFF0];
	v1 =	vmul.f32 $1.442695020e+00, v1  }
0x2b9: {  	v61 =	vld [tilespmem:s22+$0x0]  }
0x2ba: {  	v60 =	vld [tilespmem:s20+$0x0];
	v9 =	vmul.f32 $2.000000030e-01, v4;
	v2 =	vadd.f32 v3, v2;
	(erf) = vpow2.f32 v1  }
0x2bb: {  	v11 =	vld [tilespmem:s22+$0xFFFFFFE0];
	v1 =	vmul.f32 $2.000000030e-01, v6  }
0x2bc: {  	s22 =	simm.s32 $0x3920;
	v3 =	vmax.f32 v4, v9;
	v4 =	vadd.f32 v10, v8;
	v9 =	vld [tilespmem:s20+$0xFFFFFEE0];
	v8 =	vmul.f32 $2.000000030e-01, v2  }
0x2bd: {  	s28 =	simm.s32 $0x7A0;
	v62 =	vld [tilespmem:s22+$0x90];
	v5 =	vadd.f32 v7, v5;
	v3 =	vmul.f32 $1.442695020e+00, v3;
	v1 =	vmax.f32 v6, v1  }
0x2be: {  	v6 =	vmul.f32 $2.000000030e-01, v4;
	v2 =	vmax.f32 v2, v8;
	v8 =	vld [tilespmem:s28+$0x10];
	v1 =	vmul.f32 $1.442695020e+00, v1  }
0x2bf: {  	v12 =	vadd.f32 v61, v60;
	v7 =	vmul.f32 $2.000000030e-01, v5;
	(erf) = vpow2.f32 v3;
	v3 =	vld [tilespmem:s28+$0xFFFFFFE0]  }
0x2c0: {  	v2 =	vmul.f32 $1.442695020e+00, v2;
	v4 =	vmax.f32 v4, v6;
	(erf) = vpow2.f32 v1;
	v1 =	vld [tilespmem:s22+$0xFFFFFF70]  }
0x2c1: {  	v6 =	vadd.f32 v11, v9;
	v10 =	vmul.f32 $1.442695020e+00, v4;
	v4 =	vld [tilespmem:s28+$0xFFFFFFF0]  }
0x2c2: {  	v11 =	vmul.f32 $2.000000030e-01, v12;
	v9 =	vmax.f32 v5, v7;
	v5 =	vld [tilespmem:s28+$0x0];
	(erf) = vpow2.f32 v2  }
0x2c3: {  	s8 =	simm.s32 $0x3B60;
	v2 =	vld [tilespmem:s22+$0x0];
	(erf) = vpow2.f32 v10;
	v7 =	vadd.f32 v8, v62;
	v63 =	vpop (erf)  }
0x2c4: {  	s10 =	simm.s32 $0x8;
	v9 =	vmul.f32 $1.442695020e+00, v9;
	v11 =	vmax.f32 v12, v11;
	v10 =	vmul.f32 $2.000000030e-01, v6;
	v8 =	vld [tilespmem:s22+$0xFFFFFEE0];
	[tilespmem:s14+$0x90] =	vst v63  }
.LBB2_21:
0x2c5: {  	v13 =	vmul.f32 $2.000000030e-01, v7  }
0x2c6: {  	v12 =	vld [tilespmem:s8+$0x90];
	s28 =	sadd.s32 $0x40, s28;
	v17 =	vmax.f32 v6, v10;
	v10 =	vmul.f32 $1.442695020e+00, v11;
	v14 =	vadd.f32 v4, v1  }
0x2c7: {  	s10 =	sadd.s32 $0x4, s10;
	v11 =	vld [tilespmem:s28+$0x10];
	v15 =	vmul.f32 $1.442695020e+00, v17;
	(erf) = vpow2.f32 v9  }
0x2c8: {  	p0 =	slt.u32 s10, $0x3C;
	v16 =	vld [tilespmem:s28+$0xFFFFFFE0];
	v4 =	vmax.f32 v7, v13;
	(erf) = vpow2.f32 v10;
	v6 =	vpop (erf);
	v7 =	vmul.f32 $2.000000030e-01, v14  }
.Ltmp13:
0x2c9: {  	v1 =	vld [tilespmem:s8+$0xFFFFFF70];
	v13 =	vadd.f32 v5, v2;
	v5 =	vmul.f32 $1.442695020e+00, v4;
	[tilespmem:s14+$0xFFFFFF70] =	vst v6;
	v2 =	vpop (erf);
	(pc) =	sbr.rel @p0 .LBB2_21-.Ltmp13, $4  }
0x2ca: {  	v4 =	vld [tilespmem:s28+$0xFFFFFFF0];
	v6 =	vadd.f32 v3, v8;
	(erf) = vpow2.f32 v15;
	[tilespmem:s14+$0x0] =	vst v2  }
0x2cb: {  	v2 =	vld [tilespmem:s8+$0x0];
	v15 =	vmax.f32 v14, v7;
	v14 =	vmul.f32 $2.000000030e-01, v13;
	(erf) = vpow2.f32 v5;
	v8 =	vpop (erf)  }
0x2cc: {  	v5 =	vld [tilespmem:s28+$0x0];
	v7 =	vadd.f32 v11, v12;
	v10 =	vmul.f32 $2.000000030e-01, v6;
	v9 =	vmul.f32 $1.442695020e+00, v15;
	v3 =	vpop (erf);
	[tilespmem:s14+$0xFFFFFEE0] =	vst v8;
	s14 =	smov.u32 s20;
	s20 =	smov.u32 s22;
	s22 =	smov.u32 s8  }
0x2cd: {  	s8 =	sadd.s32 $0x240, s8;
	v8 =	vld [tilespmem:s22+$0xFFFFFEE0];
	v11 =	vmax.f32 v13, v14;
	[tilespmem:s14+$0x90] =	vst v3;
	v3 =	vmov v16  }
0x2ce: {  	_ = 	snop  }
0x2cf: {  	v12 =	vmul.f32 $2.000000030e-01, v7;
	v1 =	vadd.f32 v4, v1  }
0x2d0: {  	v6 =	vmax.f32 v6, v10;
	(erf) = vpow2.f32 v9;
	v4 =	vmul.f32 $1.442695020e+00, v11  }
0x2d1: {  	v6 =	vmul.f32 $1.442695020e+00, v6;
	v2 =	vadd.f32 v5, v2;
	v5 =	vmul.f32 $2.000000030e-01, v1  }
0x2d2: {  	v7 =	vmax.f32 v7, v12;
	(erf) = vpow2.f32 v4;
	v3 =	vadd.f32 v3, v8  }
0x2d3: {  	v7 =	vmul.f32 $1.442695020e+00, v7;
	v4 =	vmul.f32 $2.000000030e-01, v2;
	v1 =	vmax.f32 v1, v5  }
0x2d4: {  	v5 =	vmul.f32 $2.000000030e-01, v3;
	v1 =	vmul.f32 $1.442695020e+00, v1  }
0x2d5: {  	(erf) = vpow2.f32 v6;
	v2 =	vmax.f32 v2, v4  }
0x2d6: {  	(erf) = vpow2.f32 v7;
	v3 =	vmax.f32 v3, v5;
	v2 =	vmul.f32 $1.442695020e+00, v2  }
0x2d7: {  	(erf) = vpow2.f32 v1;
	v3 =	vmul.f32 $1.442695020e+00, v3  }
0x2d8: {  	v1 =	vpop (erf);
	(erf) = vpow2.f32 v2  }
0x2d9: {  	[tilespmem:s14+$0xFFFFFF70] =	vst v1;
	v1 =	vpop (erf);
	(erf) = vpow2.f32 v3  }
0x2da: {  	v2 =	vpop (erf);
	[tilespmem:s14+$0x0] =	vst v1  }
0x2db: {  	v1 =	vpop (erf);
	[tilespmem:s14+$0xFFFFFEE0] =	vst v2  }
0x2dc: {  	v2 =	vpop (erf);
	[tilespmem:s20+$0x90] =	vst v1  }
0x2dd: {  	[tilespmem:s20+$0xFFFFFF70] =	vst v2;
	v1 =	vpop (erf)  }
0x2de: {  	[tilespmem:s20+$0x0] =	vst v1;
	v1 =	vpop (erf)  }
0x2df: {  	v2 =	vpop (erf);
	[tilespmem:s20+$0xFFFFFEE0] =	vst v1  }
0x2e0: {  	[tilespmem:s22+$0x90] =	vst v2;
	v1 =	vpop (erf)  }
0x2e1: {  	[tilespmem:s22+$0xFFFFFF70] =	vst v1;
	v1 =	vpop (erf)  }
0x2e2: {  	[tilespmem:s22+$0x0] =	vst v1;
	v1 =	vpop (erf)  }
0x2e3: {  	s14 =	simm.s32 $0x3390;
	[tilespmem:s22+$0xFFFFFEE0] =	vst v1  }
0x2e4: {  	v2 =	vld [tilespmem:s14+$0x80]  }
0x2e5: {  	v1 =	vld [tilespmem:s14+$0xFFFFFFF0]  }
0x2e6: {  	v3 =	vld [tilespmem:s14+$0x70]  }
0x2e7: {  	v8 =	vld [tilespmem:s14+$0xFFFFFF70]  }
0x2e8: {  	v9 =	vld [tilespmem:s14+$0xFFFFFF80]  }
0x2e9: {  	v10 =	vld [tilespmem:s14+$0xFFFFFF90];
	v12 =	vbroadcast v2, $0x0;
	v4 =	vbroadcast v2, $0x7  }
0x2ea: {  	v14 =	vld [tilespmem:s14+$0xFFFFFFA0];
	v11 =	vbroadcast v1, $0x0;
	v13 =	vbroadcast v1, $0x1  }
0x2eb: {  	v16 =	vld [tilespmem:s14+$0xFFFFFFB0];
	v15 =	vbroadcast v1, $0x2;
	v17 =	vbroadcast v1, $0x3  }
0x2ec: {  	v20 =	vld [tilespmem:s14+$0xFFFFFFC0];
	v19 =	vbroadcast v1, $0x4;
	v21 =	vbroadcast v1, $0x5  }
0x2ed: {  	v22 =	vld [tilespmem:s14+$0xFFFFFFD0];
	v23 =	vbroadcast v1, $0x6;
	v25 =	vbroadcast v1, $0x7  }
0x2ee: {  	v24 =	vld [tilespmem:s14+$0xFFFFFFE0];
	v5 =	vbroadcast v2, $0x1;
	v6 =	vbroadcast v2, $0x2  }
0x2ef: {  	v26 =	vld [tilespmem:s14+$0x0];
	v1 =	vbroadcast v2, $0x5;
	v3 =	vmul.f32 v3, v4  }
0x2f0: {  	p0 =	por $0x1, $0x1;
	v7 =	vld [tilespmem:s14+$0x10];
	v4 =	vbroadcast v2, $0x4;
	v11 =	vmul.f32 v11, v8  }
.Ltmp14:
0x2f1: {  	v8 =	vld [tilespmem:s14+$0x20];
	v13 =	vmul.f32 v9, v13;
	v27 =	vmul.f32 v10, v15;
	(pc) =	sbr.rel @!p0 .LBB2_24-.Ltmp14, $4  }
0x2f2: {  	v9 =	vld [tilespmem:s14+$0x30];
	v18 =	vmul.f32 v14, v17;
	v14 =	vmul.f32 v16, v19;
	[tilespmem:s14+$0x70] =	vst v3  }
0x2f3: {  	v10 =	vld [tilespmem:s14+$0x40];
	v17 =	vmul.f32 v20, v21;
	v15 =	vmul.f32 v22, v23;
	[tilespmem:s14+$0xFFFFFF70] =	vst v11  }
0x2f4: {  	v16 =	vmul.f32 v24, v25;
	v3 =	vbroadcast v2, $0x3;
	[tilespmem:s14+$0xFFFFFF80] =	vst v13;
	v11 =	vld [tilespmem:s14+$0x50]  }
0x2f5: {  	s20 =	simm.s32 $0x0;
	s22 =	simm.s32 $0x34B0;
	v2 =	vbroadcast v2, $0x6;
	[tilespmem:s14+$0xFFFFFF90] =	vst v27;
	v13 =	vmul.f32 v12, v26;
	v12 =	vld [tilespmem:s14+$0x60]  }
.LBB2_23:
0x2f6: {  	v19 =	vld [tilespmem:s22+$0x80];
	s20 =	sadd.s32 $0x2, s20;
	[tilespmem:s14+$0xFFFFFFA0] =	vst v18;
	v5 =	vmul.f32 v7, v5;
	v6 =	vmul.f32 v8, v6  }
0x2f7: {  	v7 =	vld [tilespmem:s22+$0xFFFFFFF0];
	p0 =	slt.u32 s20, $0x3E;
	[tilespmem:s14+$0xFFFFFFB0] =	vst v14;
	v3 =	vmul.f32 v9, v3  }
0x2f8: {  	v8 =	vld [tilespmem:s22+$0x70];
	[tilespmem:s14+$0xFFFFFFC0] =	vst v17;
	v4 =	vmul.f32 v10, v4  }
0x2f9: {  	v9 =	vld [tilespmem:s22+$0xFFFFFF70];
	[tilespmem:s14+$0xFFFFFFD0] =	vst v15;
	v1 =	vmul.f32 v11, v1  }
0x2fa: {  	v10 =	vld [tilespmem:s22+$0xFFFFFF80];
	[tilespmem:s14+$0xFFFFFFE0] =	vst v16;
	v2 =	vmul.f32 v12, v2  }
0x2fb: {  	v11 =	vld [tilespmem:s22+$0xFFFFFF90];
	v12 =	vbroadcast v19, $0x0;
	v14 =	vbroadcast v19, $0x7;
	[tilespmem:s14+$0x0] =	vst v13  }
0x2fc: {  	v13 =	vbroadcast v7, $0x0;
	v15 =	vbroadcast v7, $0x1;
	v16 =	vld [tilespmem:s22+$0xFFFFFFA0];
	[tilespmem:s14+$0x10] =	vst v5  }
0x2fd: {  	v17 =	vbroadcast v7, $0x2;
	v20 =	vld [tilespmem:s22+$0xFFFFFFB0];
	v5 =	vmul.f32 v8, v14;
	[tilespmem:s14+$0x20] =	vst v6  }
0x2fe: {  	v21 =	vbroadcast v7, $0x4;
	v14 =	vbroadcast v7, $0x3;
	v22 =	vld [tilespmem:s22+$0xFFFFFFC0];
	[tilespmem:s14+$0x30] =	vst v3  }
0x2ff: {  	v23 =	vbroadcast v7, $0x5;
	v25 =	vbroadcast v7, $0x6;
	v24 =	vld [tilespmem:s22+$0xFFFFFFD0];
	[tilespmem:s22+$0x70] =	vst v5  }
0x300: {  	v27 =	vbroadcast v7, $0x7;
	v5 =	vbroadcast v19, $0x1;
	v26 =	vld [tilespmem:s22+$0xFFFFFFE0];
	[tilespmem:s14+$0x40] =	vst v4  }
0x301: {  	v6 =	vbroadcast v19, $0x2;
	v3 =	vbroadcast v19, $0x3;
	v28 =	vld [tilespmem:s22+$0x0];
	[tilespmem:s14+$0x50] =	vst v1  }
0x302: {  	v4 =	vbroadcast v19, $0x4;
	v1 =	vbroadcast v19, $0x5;
	v7 =	vld [tilespmem:s22+$0x10];
	[tilespmem:s14+$0x60] =	vst v2;
	s14 =	smov.u32 s22  }
.Ltmp15:
0x303: {  	v13 =	vmul.f32 v13, v9;
	v2 =	vbroadcast v19, $0x6;
	v8 =	vld [tilespmem:s22+$0x20];
	(pc) =	sbr.rel @p0 .LBB2_23-.Ltmp15, $4  }
0x304: {  	v15 =	vmul.f32 v10, v15;
	v19 =	vmul.f32 v11, v17;
	v9 =	vld [tilespmem:s22+$0x30]  }
0x305: {  	v18 =	vmul.f32 v16, v14;
	v14 =	vmul.f32 v20, v21;
	[tilespmem:s22+$0xFFFFFF70] =	vst v13;
	v10 =	vld [tilespmem:s22+$0x40]  }
0x306: {  	v17 =	vmul.f32 v22, v23;
	[tilespmem:s22+$0xFFFFFF80] =	vst v15;
	v15 =	vmul.f32 v24, v25;
	v11 =	vld [tilespmem:s22+$0x50]  }
0x307: {  	v16 =	vmul.f32 v26, v27;
	v13 =	vmul.f32 v12, v28;
	s22 =	sadd.s32 $0x120, s22;
	[tilespmem:s14+$0xFFFFFF90] =	vst v19;
	v12 =	vld [tilespmem:s14+$0x60]  }
.LBB2_24:
0x308: {  	[tilespmem:s14+$0xFFFFFFA0] =	vst v18  }
0x309: {  	[tilespmem:s14+$0xFFFFFFB0] =	vst v14  }
0x30a: {  	[tilespmem:s14+$0xFFFFFFC0] =	vst v17  }
0x30b: {  	[tilespmem:s14+$0xFFFFFFD0] =	vst v15  }
0x30c: {  	v5 =	vmul.f32 v7, v5;
	[tilespmem:s14+$0xFFFFFFE0] =	vst v16  }
0x30d: {  	v6 =	vmul.f32 v8, v6;
	[tilespmem:s14+$0x0] =	vst v13  }
0x30e: {  	v3 =	vmul.f32 v9, v3;
	[tilespmem:s14+$0x10] =	vst v5  }
0x30f: {  	v4 =	vmul.f32 v10, v4;
	[tilespmem:s14+$0x20] =	vst v6  }
0x310: {  	v1 =	vmul.f32 v11, v1;
	[tilespmem:s14+$0x30] =	vst v3  }
0x311: {  	v2 =	vmul.f32 v12, v2;
	[tilespmem:s14+$0x40] =	vst v4  }
0x312: {  	[tilespmem:s14+$0x50] =	vst v1  }
0x313: {  	s2 =	simm.s32 $0x3300;
	[tilespmem:s14+$0x60] =	vst v2  }
0x314: {  	[spmem:s3] =	stream.indirect.scatter.add.f32 [tilespmem:s2], [sflag:$0x5], $0x90, s30, s9, $0xb8;
	[tilespmem:$0x1E300] =	vst v63  }
0x315: {  	s8 =	rddreg [dreg:$0x16]  }
0x316: {  	s8 =	sadd.s32 s19, s8  }
0x317: {  	s8 =	sshrl.u32 s8, $0x3  }
0x318: {  	s10 =	sadd.s32 s1, s8  }
0x319: {  	[tilespmem:s4], [sflag:$0x7] =	stream.linear.gather [hbm4b:s10+s4], $0x40, $0x38;
	[tilespmem:$0x1E300] =	vst v63  }
0x31a: {  	s8 =	sadd.s32 s5, s8;
	s10 =	simm.s32 $0x180  }
0x31b: {  	[tilespmem:s10], [sflag:$0x7] =	stream.linear.gather [hbm4b:s8+s4], $0x40, $0x38;
	[tilespmem:$0x1E300] =	vst v63  }
0x31c: {  	_ =	swait.ge [sflag:s23], $0x2400  }
0x31d: {  	[sflag:s23] =	ssyncset.done $0x0  }
0x31e: {  	[sflag:s23] =	ssyncadd.s32 $0xFFFFDC00  }
0x31f: {  	_ =	swait.ge [sflag:s23], $0x400  }
0x320: {  	[sflag:s23] =	ssyncset.done $0x0  }
0x321: {  	s14 =	simm.s32 $0x4;
	[sflag:s23] =	ssyncadd.s32 $0xFFFFFC00  }
0x322: {  	_ =	swait.ge [sflag:s14], $0x2400  }
0x323: {  	[sflag:s14] =	ssyncset.done $0x0  }
0x324: {  	[sflag:s14] =	ssyncadd.s32 $0xFFFFDC00  }
0x325: {  	_ =	swait.ge [sflag:s11], $0x40  }
0x326: {  	[sflag:s11] =	ssyncset.done $0x0  }
0x327: {  	[sflag:s11] =	ssyncadd.s32 $0xFFFFFFC0  }
0x328: {  	_ =	swait.ge [sflag:s11], $0x40  }
0x329: {  	[sflag:s11] =	ssyncset.done $0x0  }
0x32a: {  	[sflag:s11] =	ssyncadd.s32 $0xFFFFFFC0  }
0x32b: {  	[tilespmem:s31], [sflag:$0x1] =	stream.indirect.gather [hbm4b:s6+s9], $0x90, s4, s9, $0xb8;
	[tilespmem:$0x1E300] =	vst v63  }
0x32c: {  	s20 =	simm.s32 $0x300;
	s14 =	simm.s32 $0x58A0  }
0x32d: {  	[tilespmem:s20], [sflag:$0x1] =	stream.indirect.gather [hbm4b:s7+s9], $0x10, s10, s9, $0xb8;
	[tilespmem:$0x1E300] =	vst v63  }
0x32e: {  	s22 =	simm.s32 $0xB20;
	v1 =	vld [tilespmem:s14+$0x90]  }
0x32f: {  	v2 =	vld [tilespmem:s22+$0x10]  }
0x330: {  	v3 =	vld [tilespmem:s22+$0xFFFFFFE0]  }
0x331: {  	v4 =	vld [tilespmem:s14+$0xFFFFFF70]  }
0x332: {  	v5 =	vld [tilespmem:s22+$0xFFFFFFF0]  }
0x333: {  	v6 =	vld [tilespmem:s14+$0x0]  }
0x334: {  	s20 =	simm.s32 $0x5AE0;
	v7 =	vld [tilespmem:s22+$0x0];
	v1 =	vadd.f32 v2, v1  }
0x335: {  	v8 =	vld [tilespmem:s20+$0x90]  }
0x336: {  	s30 =	simm.s32 $0xB60;
	v2 =	vld [tilespmem:s14+$0xFFFFFEE0];
	v9 =	vmul.f32 $2.000000030e-01, v1  }
0x337: {  	v10 =	vld [tilespmem:s30+$0x10]  }
0x338: {  	v4 =	vadd.f32 v5, v4;
	v5 =	vld [tilespmem:s20+$0xFFFFFF70];
	v1 =	vmax.f32 v1, v9  }
0x339: {  	v6 =	vadd.f32 v7, v6;
	v7 =	vld [tilespmem:s30+$0xFFFFFFF0];
	v1 =	vmul.f32 $1.442695020e+00, v1  }
0x33a: {  	v60 =	vld [tilespmem:s20+$0x0]  }
0x33b: {  	v61 =	vld [tilespmem:s30+$0x0];
	v9 =	vmul.f32 $2.000000030e-01, v4;
	v2 =	vadd.f32 v3, v2;
	(erf) = vpow2.f32 v1  }
0x33c: {  	v11 =	vld [tilespmem:s30+$0xFFFFFFE0];
	v1 =	vmul.f32 $2.000000030e-01, v6  }
0x33d: {  	s22 =	simm.s32 $0x5D20;
	v3 =	vmax.f32 v4, v9;
	v4 =	vadd.f32 v10, v8;
	v9 =	vld [tilespmem:s20+$0xFFFFFEE0];
	v8 =	vmul.f32 $2.000000030e-01, v2  }
0x33e: {  	s28 =	simm.s32 $0xBA0;
	v62 =	vld [tilespmem:s22+$0x90];
	v5 =	vadd.f32 v7, v5;
	v3 =	vmul.f32 $1.442695020e+00, v3;
	v1 =	vmax.f32 v6, v1  }
0x33f: {  	v6 =	vmul.f32 $2.000000030e-01, v4;
	v2 =	vmax.f32 v2, v8;
	v8 =	vld [tilespmem:s28+$0x10];
	v1 =	vmul.f32 $1.442695020e+00, v1  }
0x340: {  	v12 =	vadd.f32 v61, v60;
	v7 =	vmul.f32 $2.000000030e-01, v5;
	(erf) = vpow2.f32 v3;
	v3 =	vld [tilespmem:s28+$0xFFFFFFE0]  }
0x341: {  	v2 =	vmul.f32 $1.442695020e+00, v2;
	v4 =	vmax.f32 v4, v6;
	(erf) = vpow2.f32 v1;
	v1 =	vld [tilespmem:s22+$0xFFFFFF70]  }
0x342: {  	v6 =	vadd.f32 v11, v9;
	v10 =	vmul.f32 $1.442695020e+00, v4;
	v4 =	vld [tilespmem:s28+$0xFFFFFFF0]  }
0x343: {  	v11 =	vmul.f32 $2.000000030e-01, v12;
	v9 =	vmax.f32 v5, v7;
	v5 =	vld [tilespmem:s28+$0x0];
	(erf) = vpow2.f32 v2  }
0x344: {  	s12 =	simm.s32 $0x180;
	s8 =	simm.s32 $0x5F60;
	v2 =	vld [tilespmem:s22+$0x0];
	(erf) = vpow2.f32 v10;
	v7 =	vadd.f32 v8, v62;
	v63 =	vpop (erf)  }
0x345: {  	s10 =	simm.s32 $0x8;
	v9 =	vmul.f32 $1.442695020e+00, v9;
	v11 =	vmax.f32 v12, v11;
	v10 =	vmul.f32 $2.000000030e-01, v6;
	v8 =	vld [tilespmem:s22+$0xFFFFFEE0];
	[tilespmem:s14+$0x90] =	vst v63  }
.LBB2_25:
0x346: {  	v13 =	vmul.f32 $2.000000030e-01, v7  }
0x347: {  	v12 =	vld [tilespmem:s8+$0x90];
	s28 =	sadd.s32 $0x40, s28;
	v17 =	vmax.f32 v6, v10;
	v10 =	vmul.f32 $1.442695020e+00, v11;
	v14 =	vadd.f32 v4, v1  }
0x348: {  	s10 =	sadd.s32 $0x4, s10;
	v11 =	vld [tilespmem:s28+$0x10];
	v15 =	vmul.f32 $1.442695020e+00, v17;
	(erf) = vpow2.f32 v9  }
0x349: {  	p0 =	slt.u32 s10, $0x3C;
	v16 =	vld [tilespmem:s28+$0xFFFFFFE0];
	v4 =	vmax.f32 v7, v13;
	(erf) = vpow2.f32 v10;
	v6 =	vpop (erf);
	v7 =	vmul.f32 $2.000000030e-01, v14  }
.Ltmp16:
0x34a: {  	v1 =	vld [tilespmem:s8+$0xFFFFFF70];
	v13 =	vadd.f32 v5, v2;
	v5 =	vmul.f32 $1.442695020e+00, v4;
	[tilespmem:s14+$0xFFFFFF70] =	vst v6;
	v2 =	vpop (erf);
	(pc) =	sbr.rel @p0 .LBB2_25-.Ltmp16, $4  }
0x34b: {  	v4 =	vld [tilespmem:s28+$0xFFFFFFF0];
	v6 =	vadd.f32 v3, v8;
	(erf) = vpow2.f32 v15;
	[tilespmem:s14+$0x0] =	vst v2  }
0x34c: {  	v2 =	vld [tilespmem:s8+$0x0];
	v15 =	vmax.f32 v14, v7;
	v14 =	vmul.f32 $2.000000030e-01, v13;
	(erf) = vpow2.f32 v5;
	v8 =	vpop (erf)  }
0x34d: {  	v5 =	vld [tilespmem:s28+$0x0];
	v7 =	vadd.f32 v11, v12;
	v10 =	vmul.f32 $2.000000030e-01, v6;
	v9 =	vmul.f32 $1.442695020e+00, v15;
	v3 =	vpop (erf);
	[tilespmem:s14+$0xFFFFFEE0] =	vst v8;
	s14 =	smov.u32 s20;
	s20 =	smov.u32 s22;
	s22 =	smov.u32 s8  }
0x34e: {  	s8 =	sadd.s32 $0x240, s8;
	v8 =	vld [tilespmem:s22+$0xFFFFFEE0];
	v11 =	vmax.f32 v13, v14;
	[tilespmem:s14+$0x90] =	vst v3;
	v3 =	vmov v16  }
0x34f: {  	_ = 	snop  }
0x350: {  	v12 =	vmul.f32 $2.000000030e-01, v7;
	v1 =	vadd.f32 v4, v1  }
0x351: {  	v6 =	vmax.f32 v6, v10;
	(erf) = vpow2.f32 v9;
	v4 =	vmul.f32 $1.442695020e+00, v11  }
0x352: {  	v6 =	vmul.f32 $1.442695020e+00, v6;
	v2 =	vadd.f32 v5, v2;
	v5 =	vmul.f32 $2.000000030e-01, v1  }
0x353: {  	v7 =	vmax.f32 v7, v12;
	(erf) = vpow2.f32 v4;
	v3 =	vadd.f32 v3, v8  }
0x354: {  	v7 =	vmul.f32 $1.442695020e+00, v7;
	v4 =	vmul.f32 $2.000000030e-01, v2;
	v1 =	vmax.f32 v1, v5  }
0x355: {  	v5 =	vmul.f32 $2.000000030e-01, v3;
	v1 =	vmul.f32 $1.442695020e+00, v1  }
0x356: {  	(erf) = vpow2.f32 v6;
	v2 =	vmax.f32 v2, v4  }
0x357: {  	(erf) = vpow2.f32 v7;
	v3 =	vmax.f32 v3, v5;
	v2 =	vmul.f32 $1.442695020e+00, v2  }
0x358: {  	(erf) = vpow2.f32 v1;
	v3 =	vmul.f32 $1.442695020e+00, v3  }
0x359: {  	v1 =	vpop (erf);
	(erf) = vpow2.f32 v2  }
0x35a: {  	[tilespmem:s14+$0xFFFFFF70] =	vst v1;
	v1 =	vpop (erf);
	(erf) = vpow2.f32 v3  }
0x35b: {  	v2 =	vpop (erf);
	[tilespmem:s14+$0x0] =	vst v1  }
0x35c: {  	v1 =	vpop (erf);
	[tilespmem:s14+$0xFFFFFEE0] =	vst v2  }
0x35d: {  	v2 =	vpop (erf);
	[tilespmem:s20+$0x90] =	vst v1  }
0x35e: {  	[tilespmem:s20+$0xFFFFFF70] =	vst v2;
	v1 =	vpop (erf)  }
0x35f: {  	[tilespmem:s20+$0x0] =	vst v1;
	v1 =	vpop (erf)  }
0x360: {  	v2 =	vpop (erf);
	[tilespmem:s20+$0xFFFFFEE0] =	vst v1  }
0x361: {  	[tilespmem:s22+$0x90] =	vst v2;
	v1 =	vpop (erf)  }
0x362: {  	[tilespmem:s22+$0xFFFFFF70] =	vst v1;
	v1 =	vpop (erf)  }
0x363: {  	[tilespmem:s22+$0x0] =	vst v1;
	v1 =	vpop (erf)  }
0x364: {  	s14 =	simm.s32 $0x5790;
	[tilespmem:s22+$0xFFFFFEE0] =	vst v1  }
0x365: {  	v2 =	vld [tilespmem:s14+$0x80]  }
0x366: {  	v1 =	vld [tilespmem:s14+$0xFFFFFFF0]  }
0x367: {  	v3 =	vld [tilespmem:s14+$0x70]  }
0x368: {  	v8 =	vld [tilespmem:s14+$0xFFFFFF70]  }
0x369: {  	v9 =	vld [tilespmem:s14+$0xFFFFFF80]  }
0x36a: {  	v10 =	vld [tilespmem:s14+$0xFFFFFF90];
	v12 =	vbroadcast v2, $0x0;
	v4 =	vbroadcast v2, $0x7  }
0x36b: {  	v14 =	vld [tilespmem:s14+$0xFFFFFFA0];
	v11 =	vbroadcast v1, $0x0;
	v13 =	vbroadcast v1, $0x1  }
0x36c: {  	v16 =	vld [tilespmem:s14+$0xFFFFFFB0];
	v15 =	vbroadcast v1, $0x2;
	v17 =	vbroadcast v1, $0x3  }
0x36d: {  	v20 =	vld [tilespmem:s14+$0xFFFFFFC0];
	v19 =	vbroadcast v1, $0x4;
	v21 =	vbroadcast v1, $0x5  }
0x36e: {  	v22 =	vld [tilespmem:s14+$0xFFFFFFD0];
	v23 =	vbroadcast v1, $0x6;
	v25 =	vbroadcast v1, $0x7  }
0x36f: {  	v24 =	vld [tilespmem:s14+$0xFFFFFFE0];
	v5 =	vbroadcast v2, $0x1;
	v6 =	vbroadcast v2, $0x2  }
0x370: {  	v26 =	vld [tilespmem:s14+$0x0];
	v1 =	vbroadcast v2, $0x5;
	v3 =	vmul.f32 v3, v4  }
0x371: {  	p0 =	por $0x1, $0x1;
	v7 =	vld [tilespmem:s14+$0x10];
	v4 =	vbroadcast v2, $0x4;
	v11 =	vmul.f32 v11, v8  }
.Ltmp17:
0x372: {  	v8 =	vld [tilespmem:s14+$0x20];
	v13 =	vmul.f32 v9, v13;
	v27 =	vmul.f32 v10, v15;
	(pc) =	sbr.rel @!p0 .LBB2_28-.Ltmp17, $4  }
0x373: {  	v9 =	vld [tilespmem:s14+$0x30];
	v18 =	vmul.f32 v14, v17;
	v14 =	vmul.f32 v16, v19;
	[tilespmem:s14+$0x70] =	vst v3  }
0x374: {  	v10 =	vld [tilespmem:s14+$0x40];
	v17 =	vmul.f32 v20, v21;
	v15 =	vmul.f32 v22, v23;
	[tilespmem:s14+$0xFFFFFF70] =	vst v11  }
0x375: {  	v16 =	vmul.f32 v24, v25;
	v3 =	vbroadcast v2, $0x3;
	[tilespmem:s14+$0xFFFFFF80] =	vst v13;
	v11 =	vld [tilespmem:s14+$0x50]  }
0x376: {  	s20 =	simm.s32 $0x0;
	s22 =	simm.s32 $0x58B0;
	v2 =	vbroadcast v2, $0x6;
	[tilespmem:s14+$0xFFFFFF90] =	vst v27;
	v13 =	vmul.f32 v12, v26;
	v12 =	vld [tilespmem:s14+$0x60]  }
.LBB2_27:
0x377: {  	v19 =	vld [tilespmem:s22+$0x80];
	s20 =	sadd.s32 $0x2, s20;
	[tilespmem:s14+$0xFFFFFFA0] =	vst v18;
	v5 =	vmul.f32 v7, v5;
	v6 =	vmul.f32 v8, v6  }
0x378: {  	v7 =	vld [tilespmem:s22+$0xFFFFFFF0];
	p0 =	slt.u32 s20, $0x3E;
	[tilespmem:s14+$0xFFFFFFB0] =	vst v14;
	v3 =	vmul.f32 v9, v3  }
0x379: {  	v8 =	vld [tilespmem:s22+$0x70];
	[tilespmem:s14+$0xFFFFFFC0] =	vst v17;
	v4 =	vmul.f32 v10, v4  }
0x37a: {  	v9 =	vld [tilespmem:s22+$0xFFFFFF70];
	[tilespmem:s14+$0xFFFFFFD0] =	vst v15;
	v1 =	vmul.f32 v11, v1  }
0x37b: {  	v10 =	vld [tilespmem:s22+$0xFFFFFF80];
	[tilespmem:s14+$0xFFFFFFE0] =	vst v16;
	v2 =	vmul.f32 v12, v2  }
0x37c: {  	v11 =	vld [tilespmem:s22+$0xFFFFFF90];
	v12 =	vbroadcast v19, $0x0;
	v14 =	vbroadcast v19, $0x7;
	[tilespmem:s14+$0x0] =	vst v13  }
0x37d: {  	v13 =	vbroadcast v7, $0x0;
	v15 =	vbroadcast v7, $0x1;
	v16 =	vld [tilespmem:s22+$0xFFFFFFA0];
	[tilespmem:s14+$0x10] =	vst v5  }
0x37e: {  	v17 =	vbroadcast v7, $0x2;
	v20 =	vld [tilespmem:s22+$0xFFFFFFB0];
	v5 =	vmul.f32 v8, v14;
	[tilespmem:s14+$0x20] =	vst v6  }
0x37f: {  	v21 =	vbroadcast v7, $0x4;
	v14 =	vbroadcast v7, $0x3;
	v22 =	vld [tilespmem:s22+$0xFFFFFFC0];
	[tilespmem:s14+$0x30] =	vst v3  }
0x380: {  	v23 =	vbroadcast v7, $0x5;
	v25 =	vbroadcast v7, $0x6;
	v24 =	vld [tilespmem:s22+$0xFFFFFFD0];
	[tilespmem:s22+$0x70] =	vst v5  }
0x381: {  	v27 =	vbroadcast v7, $0x7;
	v5 =	vbroadcast v19, $0x1;
	v26 =	vld [tilespmem:s22+$0xFFFFFFE0];
	[tilespmem:s14+$0x40] =	vst v4  }
0x382: {  	v6 =	vbroadcast v19, $0x2;
	v3 =	vbroadcast v19, $0x3;
	v28 =	vld [tilespmem:s22+$0x0];
	[tilespmem:s14+$0x50] =	vst v1  }
0x383: {  	v4 =	vbroadcast v19, $0x4;
	v1 =	vbroadcast v19, $0x5;
	v7 =	vld [tilespmem:s22+$0x10];
	[tilespmem:s14+$0x60] =	vst v2;
	s14 =	smov.u32 s22  }
.Ltmp18:
0x384: {  	v13 =	vmul.f32 v13, v9;
	v2 =	vbroadcast v19, $0x6;
	v8 =	vld [tilespmem:s22+$0x20];
	(pc) =	sbr.rel @p0 .LBB2_27-.Ltmp18, $4  }
0x385: {  	v15 =	vmul.f32 v10, v15;
	v19 =	vmul.f32 v11, v17;
	v9 =	vld [tilespmem:s22+$0x30]  }
0x386: {  	v18 =	vmul.f32 v16, v14;
	v14 =	vmul.f32 v20, v21;
	[tilespmem:s22+$0xFFFFFF70] =	vst v13;
	v10 =	vld [tilespmem:s22+$0x40]  }
0x387: {  	v17 =	vmul.f32 v22, v23;
	[tilespmem:s22+$0xFFFFFF80] =	vst v15;
	v15 =	vmul.f32 v24, v25;
	v11 =	vld [tilespmem:s22+$0x50]  }
0x388: {  	v16 =	vmul.f32 v26, v27;
	v13 =	vmul.f32 v12, v28;
	s22 =	sadd.s32 $0x120, s22;
	[tilespmem:s14+$0xFFFFFF90] =	vst v19;
	v12 =	vld [tilespmem:s14+$0x60]  }
.LBB2_28:
0x389: {  	[tilespmem:s14+$0xFFFFFFA0] =	vst v18  }
0x38a: {  	[tilespmem:s14+$0xFFFFFFB0] =	vst v14  }
0x38b: {  	[tilespmem:s14+$0xFFFFFFC0] =	vst v17  }
0x38c: {  	[tilespmem:s14+$0xFFFFFFD0] =	vst v15  }
0x38d: {  	v5 =	vmul.f32 v7, v5;
	[tilespmem:s14+$0xFFFFFFE0] =	vst v16  }
0x38e: {  	v6 =	vmul.f32 v8, v6;
	[tilespmem:s14+$0x0] =	vst v13  }
0x38f: {  	v3 =	vmul.f32 v9, v3;
	[tilespmem:s14+$0x10] =	vst v5  }
0x390: {  	v4 =	vmul.f32 v10, v4;
	[tilespmem:s14+$0x20] =	vst v6  }
0x391: {  	v1 =	vmul.f32 v11, v1;
	[tilespmem:s14+$0x30] =	vst v3  }
0x392: {  	v2 =	vmul.f32 v12, v2;
	[tilespmem:s14+$0x40] =	vst v4  }
0x393: {  	[tilespmem:s14+$0x50] =	vst v1  }
0x394: {  	[tilespmem:s14+$0x60] =	vst v2  }
0x395: {  	[spmem:s3] =	stream.indirect.scatter.add.f32 [tilespmem:s13], [sflag:$0x6], $0x90, s24, s9, $0xb8;
	[tilespmem:$0x1E300] =	vst v63  }
0x396: {  	s26 =	sadd.s32 $0x1, s26;
	s8 =	rddreg [dreg:$0x17]  }
0x397: {  	p0 =	sne.s32 s26, $0x1B;
	s8 =	sadd.s32 s19, s8  }
.Ltmp19:
0x398: {  	s8 =	sshrl.u32 s8, $0x3;
	(pc) =	sbr.rel @p0 .LBB2_4-.Ltmp19, $4  }
0x399: {  	s10 =	sadd.s32 s1, s8  }
0x39a: {  	[tilespmem:s9], [sflag:$0x8] =	stream.linear.gather [hbm4b:s10+s4], $0x40, $0x38;
	[tilespmem:$0x1E300] =	vst v63  }
0x39b: {  	s20 =	simm.s32 $0x1C0;
	s8 =	sadd.s32 s5, s8  }
0x39c: {  	[tilespmem:s20], [sflag:$0x8] =	stream.linear.gather [hbm4b:s8+s4], $0x40, $0x38;
	[tilespmem:$0x1E300] =	vst v63  }
0x39d: {  	_ =	swait.ge [sflag:s16], $0x2400  }
0x39e: {  	[sflag:s16] =	ssyncset.done $0x0  }
0x39f: {  	[sflag:s16] =	ssyncadd.s32 $0xFFFFDC00  }
0x3a0: {  	_ =	swait.ge [sflag:s29], $0x2400  }
0x3a1: {  	[sflag:s29] =	ssyncset.done $0x0  }
0x3a2: {  	[sflag:s29] =	ssyncadd.s32 $0xFFFFDC00  }
0x3a3: {  	_ =	swait.ge [sflag:s15], $0x2400  }
0x3a4: {  	[sflag:s15] =	ssyncset.done $0x0  }
0x3a5: {  	[sflag:s15] =	ssyncadd.s32 $0xFFFFDC00  }
0x3a6: {  	_ =	swait.ge [sflag:s15], $0x400  }
0x3a7: {  	[sflag:s15] =	ssyncset.done $0x0  }
0x3a8: {  	[sflag:s15] =	ssyncadd.s32 $0xFFFFFC00  }
0x3a9: {  	_ =	swait.ge [sflag:s17], $0x40  }
0x3aa: {  	[sflag:s17] =	ssyncset.done $0x0  }
0x3ab: {  	[sflag:s17] =	ssyncadd.s32 $0xFFFFFFC0  }
0x3ac: {  	_ =	swait.ge [sflag:s17], $0x40  }
0x3ad: {  	[sflag:s17] =	ssyncset.done $0x0  }
0x3ae: {  	[sflag:s17] =	ssyncadd.s32 $0xFFFFFFC0  }
0x3af: {  	s8 =	stileid.u32;
	[bflag:$0x0] =	sbarrier.arrive $0xFFFF  }
0x3b0: {  	s8 =	sshll.u32 s8, $0x6;
	s19 =	rddreg [dreg:$0x4]  }
0x3b1: {  	s8 =	sor.u32 $0x1C0D, s8;
	s14 =	rddreg [dreg:$0x18];
	s10 =	sshrl.u32 s19, $0x3  }
0x3b2: {  	[hbm:s14], [sflag:s8] =	dma.local [spmem:s10], $0x2D00  }
0x3b3: {  	s10 =	simm.s32 $0xD  }
0x3b4: {  	_ =	swait.ge [sflag:s10], $0x2D00  }
0x3b5: {  	s2 =	rddreg [dreg:$0x1a]  }
0x3b6: {  	s30 =	rddreg [dreg:$0x19];
	s2 =	sadd.s32 $0x1, s2  }
0x3b7: {  	p0 =	sne.s32 s2, s30  }
.Ltmp20:
0x3b8: {  	_ = 	snop;
	(pc) =	sbr.rel @p0 .LBB2_1-.Ltmp20, $3  }
0x3b9: {  	_ =	sdelay $0x1  }
0x3ba: {  	[sflag:s10] =	ssyncset.done $0x0  }
0x3bb: {  	[sflag:s10] =	ssyncadd.s32 $0xFFFFD300  }
0x3bc: {  	_ =	sfence.sel $0x180000  }
0x3bd: {  	[bflag:$0x0] =	sbarrier.arrive $0xFFFF  }
0x3be: {  	_ =	strace $0x90000047  }
0x3bf: {  	s0 =	stileid.u32;
	[bflag:$0x2] =	sbarrier.arrive $0xFFFF  }
0x3c0: {  	p0 =	sne.s32 s0, $0x0;
	s0 =	rddreg [dreg:$0x3]  }
0x3c1: {  	s0 =	sadd.s32 @!p0 $0x100000, s0  }
0x3c2: {  	[sflag:s0] =	ssyncadd.tile.s32 @!p0 $0x1;
	_ =	shalt  }
.Lfunc_end2:
_tile_overlayer_lowered:
.L_overlay_start_2:
0x3c3: {  	(tag) =	ssettag $0x2  }
0x3c4: {  	s0 =	rddreg [dreg:$0x0];
	s2 =	stileid.u32  }
0x3c5: {  	s1 =	rddreg [dreg:$0x1];
	p0 =	sne.s32 s2, $0x0  }
0x3c6: {  	s3 =	rddreg [dreg:$0x2];
	[bflag:$0x3] =	sbarrier.arrive $0xFFFF;
	s2 =	simm.s32 @!p0 $0x1C0D  }
0x3c7: {  	[timem:s3], [sflag:s2] =	dma.local @!p0 [hbm:s0], s1  }
0x3c8: {  	s0 =	simm.s32 @!p0 $0xD  }
0x3c9: {  	_ =	swait.ge @!p0 [sflag:s0], s1  }
0x3ca: {  	s1 =	ssub.s32 @!p0 $0x0, s1;
	[sflag:s0] =	ssyncset.done @!p0 $0x0  }
0x3cb: {  	[sflag:s0] =	ssyncadd.s32 @!p0 s1  }
0x3cc: {  	[bflag:$0x3] =	sbarrier.arrive $0xFFFF  }
0x3cd: {  	_ =	shalt  }

</sc_bundles>
